<compile_context>
chip_gen: v7x
topology: tpu7x:2x2x1
jax: 0.10.2.dev20260603
libtpu: 0.0.44.dev20260713+nightly
codegen_flags: <defaults>
</compile_context>

<pallas_src>
import functools

import jax
import jax.numpy as jnp
from jax import lax
from jax.experimental import pallas as pl
from jax.experimental.pallas import tpu as pltpu
from jax.experimental.pallas import tpu_sc as plsc

N = 10000
E = 320000
D = 128
DE = 16
H = 128
G = 256
NUM_EDGE_LAYERS = 3
LN_EPS = 1e-5

NC = 2
NS = 16
NW = NC * NS
CH = 128
NCH = E // CH
FULL = NCH // NW
TAIL = NCH - FULL * NW
HALF = FULL // 2
NPS = 624
NTAIL = N - NPS * NS


@functools.lru_cache(maxsize=None)
def _mesh():
    return plsc.VectorSubcoreMesh(
        core_axis_name="c", subcore_axis_name="s",
        num_cores=NC, num_subcores=NS)


@functools.lru_cache(maxsize=None)
def _make_sc_gather():
    @functools.partial(
        pl.kernel,
        out_type=jax.ShapeDtypeStruct((E, H), jnp.float32),
        mesh=_mesh(),
        scratch_types=[
            pltpu.VMEM_SHARED((N, H), jnp.float32),
            pltpu.VMEM((CH,), jnp.int32),
            pltpu.VMEM((CH,), jnp.int32),
            pltpu.VMEM((CH, H), jnp.float32),
            pltpu.VMEM((CH, H), jnp.float32),
            pltpu.SemaphoreType.DMA,
            pltpu.SemaphoreType.DMA,
            pltpu.SemaphoreType.DMA,
            pltpu.SemaphoreType.DMA,
            pltpu.SemaphoreType.DMA,
        ],
    )
    def _sc_gather(table_hbm, idx_hbm, out_hbm, tab, idx0, idx1,
                   rows0, rows1, i0, i1, g, w0, w1):
        cid = lax.axis_index("c")
        sid = lax.axis_index("s")
        wid = sid * NC + cid

        def stage_chunk(o, n):
            pltpu.sync_copy(table_hbm.at[pl.ds(o, n)], rows0.at[pl.ds(0, n)])
            pltpu.sync_copy(rows0.at[pl.ds(0, n)], tab.at[pl.ds(o, n)])

        _stripe_chunks(sid, stage_chunk)

        def idx_load(k, idx_v, sem):
            pltpu.async_copy(idx_hbm.at[pl.ds(k * CH, CH)], idx_v, sem)

        def idx_wait(k, idx_v, sem):
            pltpu.make_async_copy(
                idx_hbm.at[pl.ds(k * CH, CH)], idx_v, sem).wait()

        def store_wait(k, rows_v, sem):
            pltpu.make_async_copy(
                rows_v, out_hbm.at[pl.ds(k * CH, CH)], sem).wait()

        idx_load(wid, idx0, i0)
        idx_load(wid + NW, idx1, i1)
        plsc.subcore_barrier()

        def half(j, k, idx_v, rows_v, isem, wsem):
            idx_wait(k, idx_v, isem)
            @pl.when(j > 0)
            def _():
                store_wait(k - 2 * NW, rows_v, wsem)
            pltpu.async_copy(tab.at[idx_v], rows_v, g).wait()
            pltpu.async_copy(rows_v, out_hbm.at[pl.ds(k * CH, CH)], wsem)
            @pl.when(j < HALF - 1)
            def _():
                idx_load(k + 2 * NW, idx_v, isem)

        def body(j, carry):
            k0 = wid + (2 * j) * NW
            half(j, k0, idx0, rows0, i0, w0)
            half(j, k0 + NW, idx1, rows1, i1, w1)
            return carry

        lax.fori_loop(0, HALF, body, 0)
        store_wait(wid + (FULL - 2) * NW, rows0, w0)
        store_wait(wid + (FULL - 1) * NW, rows1, w1)

        @pl.when(wid < TAIL)
        def _():
            k = FULL * NW + wid
            pltpu.sync_copy(idx_hbm.at[pl.ds(k * CH, CH)], idx0)
            pltpu.async_copy(tab.at[idx0], rows0, g).wait()
            pltpu.sync_copy(rows0, out_hbm.at[pl.ds(k * CH, CH)])

    return _sc_gather


def _stripe_chunks(sid, fn):
    base = sid * NPS
    for off, n in ((0, CH), (CH, CH), (2 * CH, CH), (3 * CH, CH),
                   (4 * CH, NPS - 4 * CH)):
        fn(base + off, n)

    @pl.when(sid == NS - 1)
    def _():
        fn(NPS * NS, NTAIL)


@functools.lru_cache(maxsize=None)
def _make_sc_scatter():
    @functools.partial(
        pl.kernel,
        out_type=jax.ShapeDtypeStruct((NC * N, H), jnp.float32),
        mesh=_mesh(),
        scratch_types=[
            pltpu.VMEM_SHARED((N, H), jnp.float32),
            pltpu.VMEM((CH,), jnp.int32),
            pltpu.VMEM((CH,), jnp.int32),
            pltpu.VMEM((CH, H), jnp.float32),
            pltpu.VMEM((CH, H), jnp.float32),
            pltpu.SemaphoreType.DMA,
            pltpu.SemaphoreType.DMA,
        ],
    )
    def body_fn(rows_hbm, idx_hbm, zrow_hbm, acc_out, acc,
                idx0, idx1, rows0, rows1, s0, s1):
        cid = lax.axis_index("c")
        sid = lax.axis_index("s")
        wid = sid * NC + cid

        pltpu.sync_copy(zrow_hbm, rows0)
        _stripe_chunks(sid, lambda o, n: pltpu.sync_copy(
            rows0.at[pl.ds(0, n)], acc.at[pl.ds(o, n)]))

        def load(k, idx_v, rows_v, sem):
            pltpu.async_copy(idx_hbm.at[pl.ds(k * CH, CH)], idx_v, sem)
            pltpu.async_copy(rows_hbm.at[pl.ds(k * CH, CH)], rows_v, sem)

        def load_wait(k, idx_v, rows_v, sem):
            pltpu.make_async_copy(
                idx_hbm.at[pl.ds(k * CH, CH)], idx_v, sem).wait()
            pltpu.make_async_copy(
                rows_hbm.at[pl.ds(k * CH, CH)], rows_v, sem).wait()

        load(wid, idx0, rows0, s0)
        load(wid + NW, idx1, rows1, s1)
        plsc.subcore_barrier()

        def half(j, k, idx_v, rows_v, sem):
            load_wait(k, idx_v, rows_v, sem)
            pltpu.sync_copy(rows_v, acc.at[idx_v], add=True)
            @pl.when(j < HALF - 1)
            def _():
                load(k + 2 * NW, idx_v, rows_v, sem)

        def body(j, carry):
            k0 = wid + (2 * j) * NW
            half(j, k0, idx0, rows0, s0)
            half(j, k0 + NW, idx1, rows1, s1)
            return carry

        lax.fori_loop(0, HALF, body, 0)

        @pl.when(wid < TAIL)
        def _():
            k = FULL * NW + wid
            pltpu.sync_copy(idx_hbm.at[pl.ds(k * CH, CH)], idx0)
            pltpu.sync_copy(rows_hbm.at[pl.ds(k * CH, CH)], rows0)
            pltpu.sync_copy(rows0, acc.at[idx0], add=True)

        plsc.subcore_barrier()

        def read_chunk(o, n):
            pltpu.sync_copy(acc.at[pl.ds(o, n)], rows0.at[pl.ds(0, n)])
            pltpu.sync_copy(rows0.at[pl.ds(0, n)],
                            acc_out.at[pl.ds(cid * N + o, n)])

        _stripe_chunks(sid, read_chunk)

    return body_fn


def _sc_gather(table, idx2d):
    return _make_sc_gather()(table, idx2d)


def _sc_scatter(rows, dst, zrow):
    return _make_sc_scatter()(rows, dst, zrow)



def _ln(h, g, b):
    mu = jnp.mean(h, axis=-1, keepdims=True)
    c = h - mu
    v = jnp.mean(c * c, axis=-1, keepdims=True)
    return c * lax.rsqrt(v + LN_EPS) * g + b


def _tc_pre_body(x_ref, w_ref, b_ref, o_ref):
    o_ref[...] = jnp.dot(x_ref[...], w_ref[...],
                         preferred_element_type=jnp.float32) + b_ref[...]


def _tc_pre(x, w1, b_i):
    return pl.pallas_call(
        _tc_pre_body,
        out_shape=jax.ShapeDtypeStruct((N, H), jnp.float32),
    )(x, w1, b_i.reshape(1, H))


RA = 5000


def _tc_inp_body(xg_ref, ea_ref, w2_ref, g_ref, bb_ref, o_ref):
    h = xg_ref[...] + jnp.dot(ea_ref[...], w2_ref[...],
                              preferred_element_type=jnp.float32)
    o_ref[...] = _ln(jax.nn.relu(h), g_ref[...], bb_ref[...])


def _tc_inp(xg, edge_attr, w2, g, b):
    grid = (E // RA,)
    return pl.pallas_call(
        _tc_inp_body,
        grid=grid,
        in_specs=[
            pl.BlockSpec((RA, H), lambda i: (i, 0)),
            pl.BlockSpec((RA, DE), lambda i: (i, 0)),
            pl.BlockSpec((DE, H), lambda i: (0, 0)),
            pl.BlockSpec((1, H), lambda i: (0, 0)),
            pl.BlockSpec((1, H), lambda i: (0, 0)),
        ],
        out_specs=pl.BlockSpec((RA, H), lambda i: (i, 0)),
        out_shape=jax.ShapeDtypeStruct((E, H), jnp.float32),
    )(xg, edge_attr, w2, g.reshape(1, H), b.reshape(1, H))


RB = 5000
NSEG = N // RB


def _tc_upd_body(s_ref, a0_ref, a1_ref, w_ref, g_ref, b_ref, o_ref):
    i = pl.program_id(0)

    @pl.when(i < NSEG)
    def _():
        a = a0_ref[...] + a1_ref[...]
        seg = jnp.dot(a, w_ref[...], preferred_element_type=jnp.float32)
        u = jax.nn.relu(s_ref[...] + seg)
        o_ref[...] = _ln(u, g_ref[...], b_ref[...])

    @pl.when(i >= NSEG)
    def _():
        o_ref[...] = _ln(jax.nn.relu(s_ref[...]), g_ref[...], b_ref[...])


def _tc_upd(s, acc, w_h, g, b):
    grid = (E // RB,)
    clamp = lambda i: (jnp.minimum(i, NSEG - 1), 0)
    return pl.pallas_call(
        _tc_upd_body,
        grid=grid,
        in_specs=[
            pl.BlockSpec((RB, H), lambda i: (i, 0)),
            pl.BlockSpec((RB, H), clamp),
            pl.BlockSpec((RB, H), clamp),
            pl.BlockSpec((H, H), lambda i: (0, 0)),
            pl.BlockSpec((1, H), lambda i: (0, 0)),
            pl.BlockSpec((1, H), lambda i: (0, 0)),
        ],
        out_specs=pl.BlockSpec((RB, H), lambda i: (i, 0)),
        out_shape=jax.ShapeDtypeStruct((E, H), jnp.float32),
    )(s, acc[0:N, :], acc[N:, :], w_h, g.reshape(1, H), b.reshape(1, H))


def _tc_head_body(x_ref, agg_ref, batch_ref, wo1_ref, wo2_ref, bo_ref,
                  g_ref, b_ref, wm1_ref, bm1_ref, wm2_ref, bm2_ref,
                  wm3_ref, bm3_ref, o_ref):
    agg = agg_ref[0:N, :] + agg_ref[N:2 * N, :]
    nh = jnp.dot(x_ref[...], wo1_ref[...], preferred_element_type=jnp.float32)
    nh += jnp.dot(agg, wo2_ref[...], preferred_element_type=jnp.float32)
    nh = _ln(jax.nn.relu(nh + bo_ref[...]), g_ref[...], b_ref[...])
    oh = (batch_ref[...] ==
          lax.broadcasted_iota(jnp.int32, (N, G), 1)).astype(jnp.float32)
    sums = lax.dot_general(oh, nh, (((0,), (0,)), ((), ())),
                           preferred_element_type=jnp.float32)
    cnts = jnp.sum(oh, axis=0)
    rep = sums / jnp.clip(cnts, 1.0, None)[:, None]
    g1 = jax.nn.relu(jnp.dot(rep, wm1_ref[...],
                             preferred_element_type=jnp.float32) + bm1_ref[...])
    g2 = jax.nn.relu(jnp.dot(g1, wm2_ref[...],
                             preferred_element_type=jnp.float32) + bm2_ref[...])
    val = jnp.sum(g2 * wm3_ref[...].reshape(1, H), axis=1) + bm3_ref[0, 0]
    o_ref[...] = val[None, :]


def _tc_head(x, agg, batch2, w_o, b_o, g, b, wm1, bm1, wm2, bm2, wm3, bm3):
    return pl.pallas_call(
        _tc_head_body,
        out_shape=jax.ShapeDtypeStruct((1, G), jnp.float32),
    )(x, agg, batch2, w_o[:D, :], w_o[D:, :], b_o.reshape(1, H),
      g.reshape(1, H), b.reshape(1, H), wm1, bm1.reshape(1, 256),
      wm2, bm2.reshape(1, H), wm3.reshape(1, H), bm3.reshape(1, 1))



def kernel(x, edge_index, edge_attr, batch, W_i, b_i, W_h, b_h, W_o, b_o,
           edge_ln_g, edge_ln_b, node_ln_g, node_ln_b,
           W_m1, b_m1, W_m2, b_m2, W_m3, b_m3):
    src = edge_index[0].astype(jnp.int32)
    dst = edge_index[1].astype(jnp.int32)
    batch2 = batch.astype(jnp.int32).reshape(N, 1)

    zrow = jnp.zeros((CH, H), jnp.float32)

    xa = _tc_pre(x, W_i[:D, :], b_i)
    xg = _sc_gather(xa, src)
    s = _tc_inp(xg, edge_attr, W_i[D:, :], edge_ln_g, edge_ln_b)

    for layer in range(NUM_EDGE_LAYERS):
        acc = _sc_scatter(s, dst, zrow)
        s = _tc_upd(s, acc, W_h, edge_ln_g, edge_ln_b)

    agg = _sc_scatter(s, dst, zrow)
    out = _tc_head(x, agg, batch2, W_o, b_o, node_ln_g, node_ln_b,
                   W_m1, b_m1, W_m2, b_m2, W_m3, b_m3)
    return out.reshape(G)

# --- scband reference (transcript-rebuilt; emitter-appended) ---
"""Pipeline reference for scband-wdmpnnmodel-67602785239485 (READ-ONLY COPY).

The authoritative reference and input builder live on the scoring server;
editing this copy changes nothing except your own understanding.
"""

import jax, jax.numpy as jnp
import numpy as np

N = 10000
E = 320000
D = 128
DE = 16
H = 128
G = 256
NUM_EDGE_LAYERS = 3
LN_EPS = 1e-5


def layer_norm(h, gamma, beta):
    mean = jnp.mean(h, axis=-1, keepdims=True)
    var = jnp.mean((h - mean) ** 2, axis=-1, keepdims=True)
    return (h - mean) / jnp.sqrt(var + LN_EPS) * gamma + beta


def setup_inputs(seed: int = 0) -> dict:
    key = jax.random.key(seed)
    ks = jax.random.split(key, 24)
    x = jax.random.normal(ks[0], (N, D), dtype=jnp.float32)
    edge_index = jax.random.randint(ks[1], (2, E), 0, N, dtype=jnp.int64)
    edge_attr = jax.random.normal(ks[2], (E, DE), dtype=jnp.float32)
    batch = jnp.sort(jax.random.randint(ks[3], (N,), 0, G, dtype=jnp.int64))
    s = lambda fan_in: 1.0 / np.sqrt(fan_in)
    W_i = jax.random.uniform(ks[4], (D + DE, H), jnp.float32, -s(D + DE), s(D + DE))
    b_i = jnp.zeros((H,), jnp.float32)
    W_h = jax.random.uniform(ks[5], (H, H), jnp.float32, -s(H), s(H))
    b_h = jnp.zeros((H,), jnp.float32)
    W_o = jax.random.uniform(ks[6], (D + H, H), jnp.float32, -s(D + H), s(D + H))
    b_o = jnp.zeros((H,), jnp.float32)
    edge_ln_g = jnp.ones((H,), jnp.float32)
    edge_ln_b = jnp.zeros((H,), jnp.float32)
    node_ln_g = jnp.ones((H,), jnp.float32)
    node_ln_b = jnp.zeros((H,), jnp.float32)
    W_m1 = jax.random.uniform(ks[7], (H, 256), jnp.float32, -s(H), s(H))
    b_m1 = jnp.zeros((256,), jnp.float32)
    W_m2 = jax.random.uniform(ks[8], (256, 128), jnp.float32, -s(256), s(256))
    b_m2 = jnp.zeros((128,), jnp.float32)
    W_m3 = jax.random.uniform(ks[9], (128, 1), jnp.float32, -s(128), s(128))
    b_m3 = jnp.zeros((1,), jnp.float32)
    return {
        'x': x, 'edge_index': edge_index, 'edge_attr': edge_attr, 'batch': batch,
        'W_i': W_i, 'b_i': b_i, 'W_h': W_h, 'b_h': b_h, 'W_o': W_o, 'b_o': b_o,
        'edge_ln_g': edge_ln_g, 'edge_ln_b': edge_ln_b,
        'node_ln_g': node_ln_g, 'node_ln_b': node_ln_b,
        'W_m1': W_m1, 'b_m1': b_m1, 'W_m2': W_m2, 'b_m2': b_m2, 'W_m3': W_m3, 'b_m3': b_m3,
    }


def reference(x, edge_index, edge_attr, batch, W_i, b_i, W_h, b_h, W_o, b_o,
              edge_ln_g, edge_ln_b, node_ln_g, node_ln_b,
              W_m1, b_m1, W_m2, b_m2, W_m3, b_m3):
    src = edge_index[0]
    dst = edge_index[1]
    edge_weight = jnp.ones((edge_attr.shape[0],), dtype=x.dtype)
    # edge-centered message passing
    h = jnp.concatenate([x[src], edge_attr], axis=-1)
    h = jax.nn.relu(h @ W_i + b_i)
    h = layer_norm(h, edge_ln_g, edge_ln_b)
    for _ in range(NUM_EDGE_LAYERS):
        msg = edge_weight[:, None] * (h @ W_h + b_h)
        m = jnp.zeros_like(h).at[dst].add(msg)
        h = jax.nn.relu(h + m)
        h = layer_norm(h, edge_ln_g, edge_ln_b)
    # aggregate edge states onto destination nodes
    agg = jnp.zeros((x.shape[0], H), dtype=x.dtype).at[dst].add(edge_weight[:, None] * h)
    node_input = jnp.concatenate([x, agg], axis=-1)
    node_hidden = jax.nn.relu(node_input @ W_o + b_o)
    node_hidden = layer_norm(node_hidden, node_ln_g, node_ln_b)
    # global mean pool per graph
    sums = jax.ops.segment_sum(node_hidden, batch, num_segments=G)
    counts = jax.ops.segment_sum(jnp.ones((x.shape[0],), dtype=x.dtype), batch, num_segments=G)
    graph_repr = sums / jnp.clip(counts, 1.0)[:, None]
    # multi-task head (single-task path), dropout in eval mode = identity
    g1 = jax.nn.relu(graph_repr @ W_m1 + b_m1)
    g2 = jax.nn.relu(g1 @ W_m2 + b_m2)
    out = (g2 @ W_m3 + b_m3).squeeze(-1)
    return out

if __name__ == "__main__":
    import jax
    _d = setup_inputs()
    print(jax.jit(kernel)(*tuple(_d.values())))

</pallas_src>

<mosaic_0001>
#map = affine_map<(d0, d1) -> (0, 0)>
#map1 = affine_map<(d0, d1) -> (0)>
module attributes {stable_mosaic.version = 14 : i64} {
  func.func @_sc_gather(%arg0: i32, %arg1: i32, %arg2: memref<10000x128xf32, #tpu.memory_space<hbm>>, %arg3: memref<320000xi32, #tpu.memory_space<hbm>>, %arg4: memref<320000x128xf32, #tpu.memory_space<hbm>>, %arg5: memref<10000x128xf32, #tpu.memory_space<vmem_shared>>, %arg6: memref<128xi32, #tpu.memory_space<vmem>>, %arg7: memref<128xi32, #tpu.memory_space<vmem>>, %arg8: memref<128x128xf32, #tpu.memory_space<vmem>>, %arg9: memref<128x128xf32, #tpu.memory_space<vmem>>, %arg10: memref<!tpu.dma_semaphore, #tpu.memory_space<semaphore_mem>>, %arg11: memref<!tpu.dma_semaphore, #tpu.memory_space<semaphore_mem>>, %arg12: memref<!tpu.dma_semaphore, #tpu.memory_space<semaphore_mem>>, %arg13: memref<!tpu.dma_semaphore, #tpu.memory_space<semaphore_mem>>, %arg14: memref<!tpu.dma_semaphore, #tpu.memory_space<semaphore_mem>>) attributes {dimension_semantics = [#tpu.dimension_semantics<core_parallel>, #tpu.dimension_semantics<subcore_parallel>], iteration_bounds = array<i64: 2, 16>, scalar_prefetch = 0 : i64, scratch_operands = 10 : i64, tpu.core_type = #tpu.core_type<sc_vector_subcore>, window_params = [{transform_indices = #map}, {transform_indices = #map1}, {transform_indices = #map}]} {
    %mul3A = arith.constant 2 : i32
    %mul3A_0 = arith.muli %arg1, %mul3A : i32
    %add3A = arith.addi %mul3A_0, %arg0 : i32
    %mul3A_1 = arith.constant 624 : i32
    %mul3A_2 = arith.muli %arg1, %mul3A_1 : i32
    %add3A_3 = arith.constant 0 : i32
    %add3A_4 = arith.addi %mul3A_2, %add3A_3 : i32
    "tpu.region"() ({
      %run_scoped3A = tpu.sem_alloc : memref<!tpu.dma_semaphore, #tpu.memory_space<semaphore_mem>>
      %dma_start3A_48 = arith.constant 0 : i32
      %dma_start3A_49 = arith.constant 0 : i32
      %dma_start3A_50 = tpu.memref_slice %arg8[%dma_start3A_48, %dma_start3A_49] : memref<128x128xf32, #tpu.memory_space<vmem>> -> memref<128x128xf32, #tpu.memory_space<vmem>>
      %dma_start3A_51 = arith.constant 0 : i32
      %dma_start3A_52 = tpu.memref_slice %arg2[%add3A_4, %dma_start3A_51] : memref<10000x128xf32, #tpu.memory_space<hbm>> -> memref<128x128xf32, #tpu.memory_space<hbm>>
      %dma_start3A_53 = arith.constant 0 : i32
      %dma_start3A_54 = arith.constant 0 : i32
      %dma_start3A_55 = tpu.memref_slice %arg8[%dma_start3A_53, %dma_start3A_54] : memref<128x128xf32, #tpu.memory_space<vmem>> -> memref<128x128xf32, #tpu.memory_space<vmem>>
      %dma_start3A_56 = arith.constant 0 : i32
      %dma_start3A_57 = tpu.memref_slice %arg2[%add3A_4, %dma_start3A_56] : memref<10000x128xf32, #tpu.memory_space<hbm>> -> memref<128x128xf32, #tpu.memory_space<hbm>>
      tpu.enqueue_dma source(%dma_start3A_57 : memref<128x128xf32, #tpu.memory_space<hbm>>) target(%dma_start3A_55 : memref<128x128xf32, #tpu.memory_space<vmem>>) target_semaphore(%run_scoped3A : memref<!tpu.dma_semaphore, #tpu.memory_space<semaphore_mem>>)
      %dma_wait3A_58 = arith.constant 0 : i32
      %dma_wait3A_59 = arith.constant 0 : i32
      %dma_wait3A_60 = tpu.memref_slice %arg8[%dma_wait3A_58, %dma_wait3A_59] : memref<128x128xf32, #tpu.memory_space<vmem>> -> memref<128x128xf32, #tpu.memory_space<vmem>>
      %dma_wait3A_61 = arith.constant 0 : i32
      %dma_wait3A_62 = tpu.memref_slice %arg2[%add3A_4, %dma_wait3A_61] : memref<10000x128xf32, #tpu.memory_space<hbm>> -> memref<128x128xf32, #tpu.memory_space<hbm>>
      %dma_wait3A_63 = arith.constant 0 : i32
      %dma_wait3A_64 = arith.constant 0 : i32
      %dma_wait3A_65 = tpu.memref_slice %arg8[%dma_wait3A_63, %dma_wait3A_64] : memref<128x128xf32, #tpu.memory_space<vmem>> -> memref<128x128xf32, #tpu.memory_space<vmem>>
      %dma_wait3A_66 = arith.constant 0 : i32
      %dma_wait3A_67 = tpu.memref_slice %arg2[%add3A_4, %dma_wait3A_66] : memref<10000x128xf32, #tpu.memory_space<hbm>> -> memref<128x128xf32, #tpu.memory_space<hbm>>
      tpu.wait_dma2 semaphore(%run_scoped3A : memref<!tpu.dma_semaphore, #tpu.memory_space<semaphore_mem>>) src(%dma_wait3A_67 : memref<128x128xf32, #tpu.memory_space<hbm>>) dst(%dma_wait3A_65 : memref<128x128xf32, #tpu.memory_space<vmem>>)
      tpu.yield
    }) : () -> ()
    "tpu.region"() ({
      %run_scoped3A = tpu.sem_alloc : memref<!tpu.dma_semaphore, #tpu.memory_space<semaphore_mem>>
      %dma_start3A_48 = arith.constant 0 : i32
      %dma_start3A_49 = arith.constant 0 : i32
      %dma_start3A_50 = tpu.memref_slice %arg8[%dma_start3A_48, %dma_start3A_49] : memref<128x128xf32, #tpu.memory_space<vmem>> -> memref<128x128xf32, #tpu.memory_space<vmem>>
      %dma_start3A_51 = arith.constant 0 : i32
      %dma_start3A_52 = tpu.memref_slice %arg5[%add3A_4, %dma_start3A_51] : memref<10000x128xf32, #tpu.memory_space<vmem_shared>> -> memref<128x128xf32, #tpu.memory_space<vmem_shared>>
      %dma_start3A_53 = arith.constant 0 : i32
      %dma_start3A_54 = tpu.memref_slice %arg5[%add3A_4, %dma_start3A_53] : memref<10000x128xf32, #tpu.memory_space<vmem_shared>> -> memref<128x128xf32, #tpu.memory_space<vmem_shared>>
      %dma_start3A_55 = arith.constant 0 : i32
      %dma_start3A_56 = arith.constant 0 : i32
      %dma_start3A_57 = tpu.memref_slice %arg8[%dma_start3A_55, %dma_start3A_56] : memref<128x128xf32, #tpu.memory_space<vmem>> -> memref<128x128xf32, #tpu.memory_space<vmem>>
      tpu.enqueue_dma source(%dma_start3A_57 : memref<128x128xf32, #tpu.memory_space<vmem>>) target(%dma_start3A_54 : memref<128x128xf32, #tpu.memory_space<vmem_shared>>) target_semaphore(%run_scoped3A : memref<!tpu.dma_semaphore, #tpu.memory_space<semaphore_mem>>)
      %dma_wait3A_58 = arith.constant 0 : i32
      %dma_wait3A_59 = arith.constant 0 : i32
      %dma_wait3A_60 = tpu.memref_slice %arg8[%dma_wait3A_58, %dma_wait3A_59] : memref<128x128xf32, #tpu.memory_space<vmem>> -> memref<128x128xf32, #tpu.memory_space<vmem>>
      %dma_wait3A_61 = arith.constant 0 : i32
      %dma_wait3A_62 = tpu.memref_slice %arg5[%add3A_4, %dma_wait3A_61] : memref<10000x128xf32, #tpu.memory_space<vmem_shared>> -> memref<128x128xf32, #tpu.memory_space<vmem_shared>>
      %dma_wait3A_63 = arith.constant 0 : i32
      %dma_wait3A_64 = tpu.memref_slice %arg5[%add3A_4, %dma_wait3A_63] : memref<10000x128xf32, #tpu.memory_space<vmem_shared>> -> memref<128x128xf32, #tpu.memory_space<vmem_shared>>
      %dma_wait3A_65 = arith.constant 0 : i32
      %dma_wait3A_66 = arith.constant 0 : i32
      %dma_wait3A_67 = tpu.memref_slice %arg8[%dma_wait3A_65, %dma_wait3A_66] : memref<128x128xf32, #tpu.memory_space<vmem>> -> memref<128x128xf32, #tpu.memory_space<vmem>>
      tpu.wait_dma2 semaphore(%run_scoped3A : memref<!tpu.dma_semaphore, #tpu.memory_space<semaphore_mem>>) src(%dma_wait3A_67 : memref<128x128xf32, #tpu.memory_space<vmem>>) dst(%dma_wait3A_64 : memref<128x128xf32, #tpu.memory_space<vmem_shared>>)
      tpu.yield
    }) : () -> ()
    %add3A_5 = arith.constant 128 : i32
    %add3A_6 = arith.addi %mul3A_2, %add3A_5 : i32
    "tpu.region"() ({
      %run_scoped3A = tpu.sem_alloc : memref<!tpu.dma_semaphore, #tpu.memory_space<semaphore_mem>>
      %dma_start3A_48 = arith.constant 0 : i32
      %dma_start3A_49 = arith.constant 0 : i32
      %dma_start3A_50 = tpu.memref_slice %arg8[%dma_start3A_48, %dma_start3A_49] : memref<128x128xf32, #tpu.memory_space<vmem>> -> memref<128x128xf32, #tpu.memory_space<vmem>>
      %dma_start3A_51 = arith.constant 0 : i32
      %dma_start3A_52 = tpu.memref_slice %arg2[%add3A_6, %dma_start3A_51] : memref<10000x128xf32, #tpu.memory_space<hbm>> -> memref<128x128xf32, #tpu.memory_space<hbm>>
      %dma_start3A_53 = arith.constant 0 : i32
      %dma_start3A_54 = arith.constant 0 : i32
      %dma_start3A_55 = tpu.memref_slice %arg8[%dma_start3A_53, %dma_start3A_54] : memref<128x128xf32, #tpu.memory_space<vmem>> -> memref<128x128xf32, #tpu.memory_space<vmem>>
      %dma_start3A_56 = arith.constant 0 : i32
      %dma_start3A_57 = tpu.memref_slice %arg2[%add3A_6, %dma_start3A_56] : memref<10000x128xf32, #tpu.memory_space<hbm>> -> memref<128x128xf32, #tpu.memory_space<hbm>>
      tpu.enqueue_dma source(%dma_start3A_57 : memref<128x128xf32, #tpu.memory_space<hbm>>) target(%dma_start3A_55 : memref<128x128xf32, #tpu.memory_space<vmem>>) target_semaphore(%run_scoped3A : memref<!tpu.dma_semaphore, #tpu.memory_space<semaphore_mem>>)
      %dma_wait3A_58 = arith.constant 0 : i32
      %dma_wait3A_59 = arith.constant 0 : i32
      %dma_wait3A_60 = tpu.memref_slice %arg8[%dma_wait3A_58, %dma_wait3A_59] : memref<128x128xf32, #tpu.memory_space<vmem>> -> memref<128x128xf32, #tpu.memory_space<vmem>>
      %dma_wait3A_61 = arith.constant 0 : i32
      %dma_wait3A_62 = tpu.memref_slice %arg2[%add3A_6, %dma_wait3A_61] : memref<10000x128xf32, #tpu.memory_space<hbm>> -> memref<128x128xf32, #tpu.memory_space<hbm>>
      %dma_wait3A_63 = arith.constant 0 : i32
      %dma_wait3A_64 = arith.constant 0 : i32
      %dma_wait3A_65 = tpu.memref_slice %arg8[%dma_wait3A_63, %dma_wait3A_64] : memref<128x128xf32, #tpu.memory_space<vmem>> -> memref<128x128xf32, #tpu.memory_space<vmem>>
      %dma_wait3A_66 = arith.constant 0 : i32
      %dma_wait3A_67 = tpu.memref_slice %arg2[%add3A_6, %dma_wait3A_66] : memref<10000x128xf32, #tpu.memory_space<hbm>> -> memref<128x128xf32, #tpu.memory_space<hbm>>
      tpu.wait_dma2 semaphore(%run_scoped3A : memref<!tpu.dma_semaphore, #tpu.memory_space<semaphore_mem>>) src(%dma_wait3A_67 : memref<128x128xf32, #tpu.memory_space<hbm>>) dst(%dma_wait3A_65 : memref<128x128xf32, #tpu.memory_space<vmem>>)
      tpu.yield
    }) : () -> ()
    "tpu.region"() ({
      %run_scoped3A = tpu.sem_alloc : memref<!tpu.dma_semaphore, #tpu.memory_space<semaphore_mem>>
      %dma_start3A_48 = arith.constant 0 : i32
      %dma_start3A_49 = arith.constant 0 : i32
      %dma_start3A_50 = tpu.memref_slice %arg8[%dma_start3A_48, %dma_start3A_49] : memref<128x128xf32, #tpu.memory_space<vmem>> -> memref<128x128xf32, #tpu.memory_space<vmem>>
      %dma_start3A_51 = arith.constant 0 : i32
      %dma_start3A_52 = tpu.memref_slice %arg5[%add3A_6, %dma_start3A_51] : memref<10000x128xf32, #tpu.memory_space<vmem_shared>> -> memref<128x128xf32, #tpu.memory_space<vmem_shared>>
      %dma_start3A_53 = arith.constant 0 : i32
      %dma_start3A_54 = tpu.memref_slice %arg5[%add3A_6, %dma_start3A_53] : memref<10000x128xf32, #tpu.memory_space<vmem_shared>> -> memref<128x128xf32, #tpu.memory_space<vmem_shared>>
      %dma_start3A_55 = arith.constant 0 : i32
      %dma_start3A_56 = arith.constant 0 : i32
      %dma_start3A_57 = tpu.memref_slice %arg8[%dma_start3A_55, %dma_start3A_56] : memref<128x128xf32, #tpu.memory_space<vmem>> -> memref<128x128xf32, #tpu.memory_space<vmem>>
      tpu.enqueue_dma source(%dma_start3A_57 : memref<128x128xf32, #tpu.memory_space<vmem>>) target(%dma_start3A_54 : memref<128x128xf32, #tpu.memory_space<vmem_shared>>) target_semaphore(%run_scoped3A : memref<!tpu.dma_semaphore, #tpu.memory_space<semaphore_mem>>)
      %dma_wait3A_58 = arith.constant 0 : i32
      %dma_wait3A_59 = arith.constant 0 : i32
      %dma_wait3A_60 = tpu.memref_slice %arg8[%dma_wait3A_58, %dma_wait3A_59] : memref<128x128xf32, #tpu.memory_space<vmem>> -> memref<128x128xf32, #tpu.memory_space<vmem>>
      %dma_wait3A_61 = arith.constant 0 : i32
      %dma_wait3A_62 = tpu.memref_slice %arg5[%add3A_6, %dma_wait3A_61] : memref<10000x128xf32, #tpu.memory_space<vmem_shared>> -> memref<128x128xf32, #tpu.memory_space<vmem_shared>>
      %dma_wait3A_63 = arith.constant 0 : i32
      %dma_wait3A_64 = tpu.memref_slice %arg5[%add3A_6, %dma_wait3A_63] : memref<10000x128xf32, #tpu.memory_space<vmem_shared>> -> memref<128x128xf32, #tpu.memory_space<vmem_shared>>
      %dma_wait3A_65 = arith.constant 0 : i32
      %dma_wait3A_66 = arith.constant 0 : i32
      %dma_wait3A_67 = tpu.memref_slice %arg8[%dma_wait3A_65, %dma_wait3A_66] : memref<128x128xf32, #tpu.memory_space<vmem>> -> memref<128x128xf32, #tpu.memory_space<vmem>>
      tpu.wait_dma2 semaphore(%run_scoped3A : memref<!tpu.dma_semaphore, #tpu.memory_space<semaphore_mem>>) src(%dma_wait3A_67 : memref<128x128xf32, #tpu.memory_space<vmem>>) dst(%dma_wait3A_64 : memref<128x128xf32, #tpu.memory_space<vmem_shared>>)
      tpu.yield
    }) : () -> ()
    %add3A_7 = arith.constant 256 : i32
    %add3A_8 = arith.addi %mul3A_2, %add3A_7 : i32
    "tpu.region"() ({
      %run_scoped3A = tpu.sem_alloc : memref<!tpu.dma_semaphore, #tpu.memory_space<semaphore_mem>>
      %dma_start3A_48 = arith.constant 0 : i32
      %dma_start3A_49 = arith.constant 0 : i32
      %dma_start3A_50 = tpu.memref_slice %arg8[%dma_start3A_48, %dma_start3A_49] : memref<128x128xf32, #tpu.memory_space<vmem>> -> memref<128x128xf32, #tpu.memory_space<vmem>>
      %dma_start3A_51 = arith.constant 0 : i32
      %dma_start3A_52 = tpu.memref_slice %arg2[%add3A_8, %dma_start3A_51] : memref<10000x128xf32, #tpu.memory_space<hbm>> -> memref<128x128xf32, #tpu.memory_space<hbm>>
      %dma_start3A_53 = arith.constant 0 : i32
      %dma_start3A_54 = arith.constant 0 : i32
      %dma_start3A_55 = tpu.memref_slice %arg8[%dma_start3A_53, %dma_start3A_54] : memref<128x128xf32, #tpu.memory_space<vmem>> -> memref<128x128xf32, #tpu.memory_space<vmem>>
      %dma_start3A_56 = arith.constant 0 : i32
      %dma_start3A_57 = tpu.memref_slice %arg2[%add3A_8, %dma_start3A_56] : memref<10000x128xf32, #tpu.memory_space<hbm>> -> memref<128x128xf32, #tpu.memory_space<hbm>>
      tpu.enqueue_dma source(%dma_start3A_57 : memref<128x128xf32, #tpu.memory_space<hbm>>) target(%dma_start3A_55 : memref<128x128xf32, #tpu.memory_space<vmem>>) target_semaphore(%run_scoped3A : memref<!tpu.dma_semaphore, #tpu.memory_space<semaphore_mem>>)
      %dma_wait3A_58 = arith.constant 0 : i32
      %dma_wait3A_59 = arith.constant 0 : i32
      %dma_wait3A_60 = tpu.memref_slice %arg8[%dma_wait3A_58, %dma_wait3A_59] : memref<128x128xf32, #tpu.memory_space<vmem>> -> memref<128x128xf32, #tpu.memory_space<vmem>>
      %dma_wait3A_61 = arith.constant 0 : i32
      %dma_wait3A_62 = tpu.memref_slice %arg2[%add3A_8, %dma_wait3A_61] : memref<10000x128xf32, #tpu.memory_space<hbm>> -> memref<128x128xf32, #tpu.memory_space<hbm>>
      %dma_wait3A_63 = arith.constant 0 : i32
      %dma_wait3A_64 = arith.constant 0 : i32
      %dma_wait3A_65 = tpu.memref_slice %arg8[%dma_wait3A_63, %dma_wait3A_64] : memref<128x128xf32, #tpu.memory_space<vmem>> -> memref<128x128xf32, #tpu.memory_space<vmem>>
      %dma_wait3A_66 = arith.constant 0 : i32
      %dma_wait3A_67 = tpu.memref_slice %arg2[%add3A_8, %dma_wait3A_66] : memref<10000x128xf32, #tpu.memory_space<hbm>> -> memref<128x128xf32, #tpu.memory_space<hbm>>
      tpu.wait_dma2 semaphore(%run_scoped3A : memref<!tpu.dma_semaphore, #tpu.memory_space<semaphore_mem>>) src(%dma_wait3A_67 : memref<128x128xf32, #tpu.memory_space<hbm>>) dst(%dma_wait3A_65 : memref<128x128xf32, #tpu.memory_space<vmem>>)
      tpu.yield
    }) : () -> ()
    "tpu.region"() ({
      %run_scoped3A = tpu.sem_alloc : memref<!tpu.dma_semaphore, #tpu.memory_space<semaphore_mem>>
      %dma_start3A_48 = arith.constant 0 : i32
      %dma_start3A_49 = arith.constant 0 : i32
      %dma_start3A_50 = tpu.memref_slice %arg8[%dma_start3A_48, %dma_start3A_49] : memref<128x128xf32, #tpu.memory_space<vmem>> -> memref<128x128xf32, #tpu.memory_space<vmem>>
      %dma_start3A_51 = arith.constant 0 : i32
      %dma_start3A_52 = tpu.memref_slice %arg5[%add3A_8, %dma_start3A_51] : memref<10000x128xf32, #tpu.memory_space<vmem_shared>> -> memref<128x128xf32, #tpu.memory_space<vmem_shared>>
      %dma_start3A_53 = arith.constant 0 : i32
      %dma_start3A_54 = tpu.memref_slice %arg5[%add3A_8, %dma_start3A_53] : memref<10000x128xf32, #tpu.memory_space<vmem_shared>> -> memref<128x128xf32, #tpu.memory_space<vmem_shared>>
      %dma_start3A_55 = arith.constant 0 : i32
      %dma_start3A_56 = arith.constant 0 : i32
      %dma_start3A_57 = tpu.memref_slice %arg8[%dma_start3A_55, %dma_start3A_56] : memref<128x128xf32, #tpu.memory_space<vmem>> -> memref<128x128xf32, #tpu.memory_space<vmem>>
      tpu.enqueue_dma source(%dma_start3A_57 : memref<128x128xf32, #tpu.memory_space<vmem>>) target(%dma_start3A_54 : memref<128x128xf32, #tpu.memory_space<vmem_shared>>) target_semaphore(%run_scoped3A : memref<!tpu.dma_semaphore, #tpu.memory_space<semaphore_mem>>)
      %dma_wait3A_58 = arith.constant 0 : i32
      %dma_wait3A_59 = arith.constant 0 : i32
      %dma_wait3A_60 = tpu.memref_slice %arg8[%dma_wait3A_58, %dma_wait3A_59] : memref<128x128xf32, #tpu.memory_space<vmem>> -> memref<128x128xf32, #tpu.memory_space<vmem>>
      %dma_wait3A_61 = arith.constant 0 : i32
      %dma_wait3A_62 = tpu.memref_slice %arg5[%add3A_8, %dma_wait3A_61] : memref<10000x128xf32, #tpu.memory_space<vmem_shared>> -> memref<128x128xf32, #tpu.memory_space<vmem_shared>>
      %dma_wait3A_63 = arith.constant 0 : i32
      %dma_wait3A_64 = tpu.memref_slice %arg5[%add3A_8, %dma_wait3A_63] : memref<10000x128xf32, #tpu.memory_space<vmem_shared>> -> memref<128x128xf32, #tpu.memory_space<vmem_shared>>
      %dma_wait3A_65 = arith.constant 0 : i32
      %dma_wait3A_66 = arith.constant 0 : i32
      %dma_wait3A_67 = tpu.memref_slice %arg8[%dma_wait3A_65, %dma_wait3A_66] : memref<128x128xf32, #tpu.memory_space<vmem>> -> memref<128x128xf32, #tpu.memory_space<vmem>>
      tpu.wait_dma2 semaphore(%run_scoped3A : memref<!tpu.dma_semaphore, #tpu.memory_space<semaphore_mem>>) src(%dma_wait3A_67 : memref<128x128xf32, #tpu.memory_space<vmem>>) dst(%dma_wait3A_64 : memref<128x128xf32, #tpu.memory_space<vmem_shared>>)
      tpu.yield
    }) : () -> ()
    %add3A_9 = arith.constant 384 : i32
    %add3A_10 = arith.addi %mul3A_2, %add3A_9 : i32
    "tpu.region"() ({
      %run_scoped3A = tpu.sem_alloc : memref<!tpu.dma_semaphore, #tpu.memory_space<semaphore_mem>>
      %dma_start3A_48 = arith.constant 0 : i32
      %dma_start3A_49 = arith.constant 0 : i32
      %dma_start3A_50 = tpu.memref_slice %arg8[%dma_start3A_48, %dma_start3A_49] : memref<128x128xf32, #tpu.memory_space<vmem>> -> memref<128x128xf32, #tpu.memory_space<vmem>>
      %dma_start3A_51 = arith.constant 0 : i32
      %dma_start3A_52 = tpu.memref_slice %arg2[%add3A_10, %dma_start3A_51] : memref<10000x128xf32, #tpu.memory_space<hbm>> -> memref<128x128xf32, #tpu.memory_space<hbm>>
      %dma_start3A_53 = arith.constant 0 : i32
      %dma_start3A_54 = arith.constant 0 : i32
      %dma_start3A_55 = tpu.memref_slice %arg8[%dma_start3A_53, %dma_start3A_54] : memref<128x128xf32, #tpu.memory_space<vmem>> -> memref<128x128xf32, #tpu.memory_space<vmem>>
      %dma_start3A_56 = arith.constant 0 : i32
      %dma_start3A_57 = tpu.memref_slice %arg2[%add3A_10, %dma_start3A_56] : memref<10000x128xf32, #tpu.memory_space<hbm>> -> memref<128x128xf32, #tpu.memory_space<hbm>>
      tpu.enqueue_dma source(%dma_start3A_57 : memref<128x128xf32, #tpu.memory_space<hbm>>) target(%dma_start3A_55 : memref<128x128xf32, #tpu.memory_space<vmem>>) target_semaphore(%run_scoped3A : memref<!tpu.dma_semaphore, #tpu.memory_space<semaphore_mem>>)
      %dma_wait3A_58 = arith.constant 0 : i32
      %dma_wait3A_59 = arith.constant 0 : i32
      %dma_wait3A_60 = tpu.memref_slice %arg8[%dma_wait3A_58, %dma_wait3A_59] : memref<128x128xf32, #tpu.memory_space<vmem>> -> memref<128x128xf32, #tpu.memory_space<vmem>>
      %dma_wait3A_61 = arith.constant 0 : i32
      %dma_wait3A_62 = tpu.memref_slice %arg2[%add3A_10, %dma_wait3A_61] : memref<10000x128xf32, #tpu.memory_space<hbm>> -> memref<128x128xf32, #tpu.memory_space<hbm>>
      %dma_wait3A_63 = arith.constant 0 : i32
      %dma_wait3A_64 = arith.constant 0 : i32
      %dma_wait3A_65 = tpu.memref_slice %arg8[%dma_wait3A_63, %dma_wait3A_64] : memref<128x128xf32, #tpu.memory_space<vmem>> -> memref<128x128xf32, #tpu.memory_space<vmem>>
      %dma_wait3A_66 = arith.constant 0 : i32
      %dma_wait3A_67 = tpu.memref_slice %arg2[%add3A_10, %dma_wait3A_66] : memref<10000x128xf32, #tpu.memory_space<hbm>> -> memref<128x128xf32, #tpu.memory_space<hbm>>
      tpu.wait_dma2 semaphore(%run_scoped3A : memref<!tpu.dma_semaphore, #tpu.memory_space<semaphore_mem>>) src(%dma_wait3A_67 : memref<128x128xf32, #tpu.memory_space<hbm>>) dst(%dma_wait3A_65 : memref<128x128xf32, #tpu.memory_space<vmem>>)
      tpu.yield
    }) : () -> ()
    "tpu.region"() ({
      %run_scoped3A = tpu.sem_alloc : memref<!tpu.dma_semaphore, #tpu.memory_space<semaphore_mem>>
      %dma_start3A_48 = arith.constant 0 : i32
      %dma_start3A_49 = arith.constant 0 : i32
      %dma_start3A_50 = tpu.memref_slice %arg8[%dma_start3A_48, %dma_start3A_49] : memref<128x128xf32, #tpu.memory_space<vmem>> -> memref<128x128xf32, #tpu.memory_space<vmem>>
      %dma_start3A_51 = arith.constant 0 : i32
      %dma_start3A_52 = tpu.memref_slice %arg5[%add3A_10, %dma_start3A_51] : memref<10000x128xf32, #tpu.memory_space<vmem_shared>> -> memref<128x128xf32, #tpu.memory_space<vmem_shared>>
      %dma_start3A_53 = arith.constant 0 : i32
      %dma_start3A_54 = tpu.memref_slice %arg5[%add3A_10, %dma_start3A_53] : memref<10000x128xf32, #tpu.memory_space<vmem_shared>> -> memref<128x128xf32, #tpu.memory_space<vmem_shared>>
      %dma_start3A_55 = arith.constant 0 : i32
      %dma_start3A_56 = arith.constant 0 : i32
      %dma_start3A_57 = tpu.memref_slice %arg8[%dma_start3A_55, %dma_start3A_56] : memref<128x128xf32, #tpu.memory_space<vmem>> -> memref<128x128xf32, #tpu.memory_space<vmem>>
      tpu.enqueue_dma source(%dma_start3A_57 : memref<128x128xf32, #tpu.memory_space<vmem>>) target(%dma_start3A_54 : memref<128x128xf32, #tpu.memory_space<vmem_shared>>) target_semaphore(%run_scoped3A : memref<!tpu.dma_semaphore, #tpu.memory_space<semaphore_mem>>)
      %dma_wait3A_58 = arith.constant 0 : i32
      %dma_wait3A_59 = arith.constant 0 : i32
      %dma_wait3A_60 = tpu.memref_slice %arg8[%dma_wait3A_58, %dma_wait3A_59] : memref<128x128xf32, #tpu.memory_space<vmem>> -> memref<128x128xf32, #tpu.memory_space<vmem>>
      %dma_wait3A_61 = arith.constant 0 : i32
      %dma_wait3A_62 = tpu.memref_slice %arg5[%add3A_10, %dma_wait3A_61] : memref<10000x128xf32, #tpu.memory_space<vmem_shared>> -> memref<128x128xf32, #tpu.memory_space<vmem_shared>>
      %dma_wait3A_63 = arith.constant 0 : i32
      %dma_wait3A_64 = tpu.memref_slice %arg5[%add3A_10, %dma_wait3A_63] : memref<10000x128xf32, #tpu.memory_space<vmem_shared>> -> memref<128x128xf32, #tpu.memory_space<vmem_shared>>
      %dma_wait3A_65 = arith.constant 0 : i32
      %dma_wait3A_66 = arith.constant 0 : i32
      %dma_wait3A_67 = tpu.memref_slice %arg8[%dma_wait3A_65, %dma_wait3A_66] : memref<128x128xf32, #tpu.memory_space<vmem>> -> memref<128x128xf32, #tpu.memory_space<vmem>>
      tpu.wait_dma2 semaphore(%run_scoped3A : memref<!tpu.dma_semaphore, #tpu.memory_space<semaphore_mem>>) src(%dma_wait3A_67 : memref<128x128xf32, #tpu.memory_space<vmem>>) dst(%dma_wait3A_64 : memref<128x128xf32, #tpu.memory_space<vmem_shared>>)
      tpu.yield
    }) : () -> ()
    %add3A_11 = arith.constant 512 : i32
    %add3A_12 = arith.addi %mul3A_2, %add3A_11 : i32
    "tpu.region"() ({
      %run_scoped3A = tpu.sem_alloc : memref<!tpu.dma_semaphore, #tpu.memory_space<semaphore_mem>>
      %dma_start3A_48 = arith.constant 0 : i32
      %dma_start3A_49 = arith.constant 0 : i32
      %dma_start3A_50 = tpu.memref_slice %arg8[%dma_start3A_48, %dma_start3A_49] : memref<128x128xf32, #tpu.memory_space<vmem>> -> memref<112x128xf32, #tpu.memory_space<vmem>>
      %dma_start3A_51 = arith.constant 0 : i32
      %dma_start3A_52 = tpu.memref_slice %arg2[%add3A_12, %dma_start3A_51] : memref<10000x128xf32, #tpu.memory_space<hbm>> -> memref<112x128xf32, #tpu.memory_space<hbm>>
      %dma_start3A_53 = arith.constant 0 : i32
      %dma_start3A_54 = arith.constant 0 : i32
      %dma_start3A_55 = tpu.memref_slice %arg8[%dma_start3A_53, %dma_start3A_54] : memref<128x128xf32, #tpu.memory_space<vmem>> -> memref<112x128xf32, #tpu.memory_space<vmem>>
      %dma_start3A_56 = arith.constant 0 : i32
      %dma_start3A_57 = tpu.memref_slice %arg2[%add3A_12, %dma_start3A_56] : memref<10000x128xf32, #tpu.memory_space<hbm>> -> memref<112x128xf32, #tpu.memory_space<hbm>>
      tpu.enqueue_dma source(%dma_start3A_57 : memref<112x128xf32, #tpu.memory_space<hbm>>) target(%dma_start3A_55 : memref<112x128xf32, #tpu.memory_space<vmem>>) target_semaphore(%run_scoped3A : memref<!tpu.dma_semaphore, #tpu.memory_space<semaphore_mem>>)
      %dma_wait3A_58 = arith.constant 0 : i32
      %dma_wait3A_59 = arith.constant 0 : i32
      %dma_wait3A_60 = tpu.memref_slice %arg8[%dma_wait3A_58, %dma_wait3A_59] : memref<128x128xf32, #tpu.memory_space<vmem>> -> memref<112x128xf32, #tpu.memory_space<vmem>>
      %dma_wait3A_61 = arith.constant 0 : i32
      %dma_wait3A_62 = tpu.memref_slice %arg2[%add3A_12, %dma_wait3A_61] : memref<10000x128xf32, #tpu.memory_space<hbm>> -> memref<112x128xf32, #tpu.memory_space<hbm>>
      %dma_wait3A_63 = arith.constant 0 : i32
      %dma_wait3A_64 = arith.constant 0 : i32
      %dma_wait3A_65 = tpu.memref_slice %arg8[%dma_wait3A_63, %dma_wait3A_64] : memref<128x128xf32, #tpu.memory_space<vmem>> -> memref<112x128xf32, #tpu.memory_space<vmem>>
      %dma_wait3A_66 = arith.constant 0 : i32
      %dma_wait3A_67 = tpu.memref_slice %arg2[%add3A_12, %dma_wait3A_66] : memref<10000x128xf32, #tpu.memory_space<hbm>> -> memref<112x128xf32, #tpu.memory_space<hbm>>
      tpu.wait_dma2 semaphore(%run_scoped3A : memref<!tpu.dma_semaphore, #tpu.memory_space<semaphore_mem>>) src(%dma_wait3A_67 : memref<112x128xf32, #tpu.memory_space<hbm>>) dst(%dma_wait3A_65 : memref<112x128xf32, #tpu.memory_space<vmem>>)
      tpu.yield
    }) : () -> ()
    "tpu.region"() ({
      %run_scoped3A = tpu.sem_alloc : memref<!tpu.dma_semaphore, #tpu.memory_space<semaphore_mem>>
      %dma_start3A_48 = arith.constant 0 : i32
      %dma_start3A_49 = arith.constant 0 : i32
      %dma_start3A_50 = tpu.memref_slice %arg8[%dma_start3A_48, %dma_start3A_49] : memref<128x128xf32, #tpu.memory_space<vmem>> -> memref<112x128xf32, #tpu.memory_space<vmem>>
      %dma_start3A_51 = arith.constant 0 : i32
      %dma_start3A_52 = tpu.memref_slice %arg5[%add3A_12, %dma_start3A_51] : memref<10000x128xf32, #tpu.memory_space<vmem_shared>> -> memref<112x128xf32, #tpu.memory_space<vmem_shared>>
      %dma_start3A_53 = arith.constant 0 : i32
      %dma_start3A_54 = tpu.memref_slice %arg5[%add3A_12, %dma_start3A_53] : memref<10000x128xf32, #tpu.memory_space<vmem_shared>> -> memref<112x128xf32, #tpu.memory_space<vmem_shared>>
      %dma_start3A_55 = arith.constant 0 : i32
      %dma_start3A_56 = arith.constant 0 : i32
      %dma_start3A_57 = tpu.memref_slice %arg8[%dma_start3A_55, %dma_start3A_56] : memref<128x128xf32, #tpu.memory_space<vmem>> -> memref<112x128xf32, #tpu.memory_space<vmem>>
      tpu.enqueue_dma source(%dma_start3A_57 : memref<112x128xf32, #tpu.memory_space<vmem>>) target(%dma_start3A_54 : memref<112x128xf32, #tpu.memory_space<vmem_shared>>) target_semaphore(%run_scoped3A : memref<!tpu.dma_semaphore, #tpu.memory_space<semaphore_mem>>)
      %dma_wait3A_58 = arith.constant 0 : i32
      %dma_wait3A_59 = arith.constant 0 : i32
      %dma_wait3A_60 = tpu.memref_slice %arg8[%dma_wait3A_58, %dma_wait3A_59] : memref<128x128xf32, #tpu.memory_space<vmem>> -> memref<112x128xf32, #tpu.memory_space<vmem>>
      %dma_wait3A_61 = arith.constant 0 : i32
      %dma_wait3A_62 = tpu.memref_slice %arg5[%add3A_12, %dma_wait3A_61] : memref<10000x128xf32, #tpu.memory_space<vmem_shared>> -> memref<112x128xf32, #tpu.memory_space<vmem_shared>>
      %dma_wait3A_63 = arith.constant 0 : i32
      %dma_wait3A_64 = tpu.memref_slice %arg5[%add3A_12, %dma_wait3A_63] : memref<10000x128xf32, #tpu.memory_space<vmem_shared>> -> memref<112x128xf32, #tpu.memory_space<vmem_shared>>
      %dma_wait3A_65 = arith.constant 0 : i32
      %dma_wait3A_66 = arith.constant 0 : i32
      %dma_wait3A_67 = tpu.memref_slice %arg8[%dma_wait3A_65, %dma_wait3A_66] : memref<128x128xf32, #tpu.memory_space<vmem>> -> memref<112x128xf32, #tpu.memory_space<vmem>>
      tpu.wait_dma2 semaphore(%run_scoped3A : memref<!tpu.dma_semaphore, #tpu.memory_space<semaphore_mem>>) src(%dma_wait3A_67 : memref<112x128xf32, #tpu.memory_space<vmem>>) dst(%dma_wait3A_64 : memref<112x128xf32, #tpu.memory_space<vmem_shared>>)
      tpu.yield
    }) : () -> ()
    %eq3A = arith.constant 15 : i32
    %eq3A_13 = arith.cmpi eq, %arg1, %eq3A : i32
    %convert_element_type3A = arith.extui %eq3A_13 : i1 to i32
    %cond3A = arith.constant 0 : i32
    %cond3A_14 = arith.cmpi ne, %convert_element_type3A, %cond3A : i32
    scf.if %cond3A_14 {
      "tpu.region"() ({
        %run_scoped3A = tpu.sem_alloc : memref<!tpu.dma_semaphore, #tpu.memory_space<semaphore_mem>>
        %dma_start3A_48 = arith.constant 0 : i32
        %dma_start3A_49 = arith.constant 0 : i32
        %dma_start3A_50 = tpu.memref_slice %arg8[%dma_start3A_48, %dma_start3A_49] : memref<128x128xf32, #tpu.memory_space<vmem>> -> memref<16x128xf32, #tpu.memory_space<vmem>>
        %dma_start3A_51 = arith.constant 9984 : i32
        %dma_start3A_52 = arith.constant 0 : i32
        %dma_start3A_53 = tpu.memref_slice %arg2[%dma_start3A_51, %dma_start3A_52] : memref<10000x128xf32, #tpu.memory_space<hbm>> -> memref<16x128xf32, #tpu.memory_space<hbm>>
        %dma_start3A_54 = arith.constant 0 : i32
        %dma_start3A_55 = arith.constant 0 : i32
        %dma_start3A_56 = tpu.memref_slice %arg8[%dma_start3A_54, %dma_start3A_55] : memref<128x128xf32, #tpu.memory_space<vmem>> -> memref<16x128xf32, #tpu.memory_space<vmem>>
        %dma_start3A_57 = arith.constant 9984 : i32
        %dma_start3A_58 = arith.constant 0 : i32
        %dma_start3A_59 = tpu.memref_slice %arg2[%dma_start3A_57, %dma_start3A_58] : memref<10000x128xf32, #tpu.memory_space<hbm>> -> memref<16x128xf32, #tpu.memory_space<hbm>>
        tpu.enqueue_dma source(%dma_start3A_59 : memref<16x128xf32, #tpu.memory_space<hbm>>) target(%dma_start3A_56 : memref<16x128xf32, #tpu.memory_space<vmem>>) target_semaphore(%run_scoped3A : memref<!tpu.dma_semaphore, #tpu.memory_space<semaphore_mem>>)
        %dma_wait3A_60 = arith.constant 0 : i32
        %dma_wait3A_61 = arith.constant 0 : i32
        %dma_wait3A_62 = tpu.memref_slice %arg8[%dma_wait3A_60, %dma_wait3A_61] : memref<128x128xf32, #tpu.memory_space<vmem>> -> memref<16x128xf32, #tpu.memory_space<vmem>>
        %dma_wait3A_63 = arith.constant 9984 : i32
        %dma_wait3A_64 = arith.constant 0 : i32
        %dma_wait3A_65 = tpu.memref_slice %arg2[%dma_wait3A_63, %dma_wait3A_64] : memref<10000x128xf32, #tpu.memory_space<hbm>> -> memref<16x128xf32, #tpu.memory_space<hbm>>
        %dma_wait3A_66 = arith.constant 0 : i32
        %dma_wait3A_67 = arith.constant 0 : i32
        %dma_wait3A_68 = tpu.memref_slice %arg8[%dma_wait3A_66, %dma_wait3A_67] : memref<128x128xf32, #tpu.memory_space<vmem>> -> memref<16x128xf32, #tpu.memory_space<vmem>>
        %dma_wait3A_69 = arith.constant 9984 : i32
        %dma_wait3A_70 = arith.constant 0 : i32
        %dma_wait3A_71 = tpu.memref_slice %arg2[%dma_wait3A_69, %dma_wait3A_70] : memref<10000x128xf32, #tpu.memory_space<hbm>> -> memref<16x128xf32, #tpu.memory_space<hbm>>
        tpu.wait_dma2 semaphore(%run_scoped3A : memref<!tpu.dma_semaphore, #tpu.memory_space<semaphore_mem>>) src(%dma_wait3A_71 : memref<16x128xf32, #tpu.memory_space<hbm>>) dst(%dma_wait3A_68 : memref<16x128xf32, #tpu.memory_space<vmem>>)
        tpu.yield
      }) : () -> ()
      "tpu.region"() ({
        %run_scoped3A = tpu.sem_alloc : memref<!tpu.dma_semaphore, #tpu.memory_space<semaphore_mem>>
        %dma_start3A_48 = arith.constant 0 : i32
        %dma_start3A_49 = arith.constant 0 : i32
        %dma_start3A_50 = tpu.memref_slice %arg8[%dma_start3A_48, %dma_start3A_49] : memref<128x128xf32, #tpu.memory_space<vmem>> -> memref<16x128xf32, #tpu.memory_space<vmem>>
        %dma_start3A_51 = arith.constant 9984 : i32
        %dma_start3A_52 = arith.constant 0 : i32
        %dma_start3A_53 = tpu.memref_slice %arg5[%dma_start3A_51, %dma_start3A_52] : memref<10000x128xf32, #tpu.memory_space<vmem_shared>> -> memref<16x128xf32, #tpu.memory_space<vmem_shared>>
        %dma_start3A_54 = arith.constant 9984 : i32
        %dma_start3A_55 = arith.constant 0 : i32
        %dma_start3A_56 = tpu.memref_slice %arg5[%dma_start3A_54, %dma_start3A_55] : memref<10000x128xf32, #tpu.memory_space<vmem_shared>> -> memref<16x128xf32, #tpu.memory_space<vmem_shared>>
        %dma_start3A_57 = arith.constant 0 : i32
        %dma_start3A_58 = arith.constant 0 : i32
        %dma_start3A_59 = tpu.memref_slice %arg8[%dma_start3A_57, %dma_start3A_58] : memref<128x128xf32, #tpu.memory_space<vmem>> -> memref<16x128xf32, #tpu.memory_space<vmem>>
        tpu.enqueue_dma source(%dma_start3A_59 : memref<16x128xf32, #tpu.memory_space<vmem>>) target(%dma_start3A_56 : memref<16x128xf32, #tpu.memory_space<vmem_shared>>) target_semaphore(%run_scoped3A : memref<!tpu.dma_semaphore, #tpu.memory_space<semaphore_mem>>)
        %dma_wait3A_60 = arith.constant 0 : i32
        %dma_wait3A_61 = arith.constant 0 : i32
        %dma_wait3A_62 = tpu.memref_slice %arg8[%dma_wait3A_60, %dma_wait3A_61] : memref<128x128xf32, #tpu.memory_space<vmem>> -> memref<16x128xf32, #tpu.memory_space<vmem>>
        %dma_wait3A_63 = arith.constant 9984 : i32
        %dma_wait3A_64 = arith.constant 0 : i32
        %dma_wait3A_65 = tpu.memref_slice %arg5[%dma_wait3A_63, %dma_wait3A_64] : memref<10000x128xf32, #tpu.memory_space<vmem_shared>> -> memref<16x128xf32, #tpu.memory_space<vmem_shared>>
        %dma_wait3A_66 = arith.constant 9984 : i32
        %dma_wait3A_67 = arith.constant 0 : i32
        %dma_wait3A_68 = tpu.memref_slice %arg5[%dma_wait3A_66, %dma_wait3A_67] : memref<10000x128xf32, #tpu.memory_space<vmem_shared>> -> memref<16x128xf32, #tpu.memory_space<vmem_shared>>
        %dma_wait3A_69 = arith.constant 0 : i32
        %dma_wait3A_70 = arith.constant 0 : i32
        %dma_wait3A_71 = tpu.memref_slice %arg8[%dma_wait3A_69, %dma_wait3A_70] : memref<128x128xf32, #tpu.memory_space<vmem>> -> memref<16x128xf32, #tpu.memory_space<vmem>>
        tpu.wait_dma2 semaphore(%run_scoped3A : memref<!tpu.dma_semaphore, #tpu.memory_space<semaphore_mem>>) src(%dma_wait3A_71 : memref<16x128xf32, #tpu.memory_space<vmem>>) dst(%dma_wait3A_68 : memref<16x128xf32, #tpu.memory_space<vmem_shared>>)
        tpu.yield
      }) : () -> ()
    } else {
    }
    %mul3A_15 = arith.constant 128 : i32
    %mul3A_16 = arith.muli %add3A, %mul3A_15 : i32
    %dma_start3A = tpu.memref_slice %arg3[%mul3A_16] : memref<320000xi32, #tpu.memory_space<hbm>> -> memref<128xi32, #tpu.memory_space<hbm>>
    %dma_start3A_17 = tpu.memref_slice %arg3[%mul3A_16] : memref<320000xi32, #tpu.memory_space<hbm>> -> memref<128xi32, #tpu.memory_space<hbm>>
    tpu.enqueue_dma source(%dma_start3A_17 : memref<128xi32, #tpu.memory_space<hbm>>) target(%arg6 : memref<128xi32, #tpu.memory_space<vmem>>) target_semaphore(%arg10 : memref<!tpu.dma_semaphore, #tpu.memory_space<semaphore_mem>>)
    %add3A_18 = arith.constant 32 : i32
    %add3A_19 = arith.addi %add3A, %add3A_18 : i32
    %mul3A_20 = arith.constant 128 : i32
    %mul3A_21 = arith.muli %add3A_19, %mul3A_20 : i32
    %dma_start3A_22 = tpu.memref_slice %arg3[%mul3A_21] : memref<320000xi32, #tpu.memory_space<hbm>> -> memref<128xi32, #tpu.memory_space<hbm>>
    %dma_start3A_23 = tpu.memref_slice %arg3[%mul3A_21] : memref<320000xi32, #tpu.memory_space<hbm>> -> memref<128xi32, #tpu.memory_space<hbm>>
    tpu.enqueue_dma source(%dma_start3A_23 : memref<128xi32, #tpu.memory_space<hbm>>) target(%arg7 : memref<128xi32, #tpu.memory_space<vmem>>) target_semaphore(%arg11 : memref<!tpu.dma_semaphore, #tpu.memory_space<semaphore_mem>>)
    %barrier3A = arith.constant 0 : index
    tpu.barrier barrier_id(%barrier3A)
    %scan3A = arith.constant 0 : i32
    %scan3A_24 = arith.constant 0 : i32
    %scan3A_25 = arith.constant 39 : i32
    %scan3A_26 = arith.addi %scan3A_24, %scan3A_25 : i32
    %scan3A_27 = arith.constant 1 : i32
    scf.for %scan3A_48 = %scan3A_24 to %scan3A_26 step %scan3A_27  : i32 {
      %mul3A_49 = arith.constant 2 : i32
      %mul3A_50 = arith.muli %mul3A_49, %scan3A_48 : i32
      %mul3A_51 = arith.constant 32 : i32
      %mul3A_52 = arith.muli %mul3A_50, %mul3A_51 : i32
      %add3A_53 = arith.addi %add3A, %mul3A_52 : i32
      %mul3A_54 = arith.constant 128 : i32
      %mul3A_55 = arith.muli %add3A_53, %mul3A_54 : i32
      %dma_wait3A_56 = tpu.memref_slice %arg3[%mul3A_55] : memref<320000xi32, #tpu.memory_space<hbm>> -> memref<128xi32, #tpu.memory_space<hbm>>
      %dma_wait3A_57 = tpu.memref_slice %arg3[%mul3A_55] : memref<320000xi32, #tpu.memory_space<hbm>> -> memref<128xi32, #tpu.memory_space<hbm>>
      tpu.wait_dma2 semaphore(%arg10 : memref<!tpu.dma_semaphore, #tpu.memory_space<semaphore_mem>>) src(%dma_wait3A_57 : memref<128xi32, #tpu.memory_space<hbm>>) dst(%arg6 : memref<128xi32, #tpu.memory_space<vmem>>)
      %gt3A = arith.constant 0 : i32
      %gt3A_58 = arith.cmpi sgt, %scan3A_48, %gt3A : i32
      %convert_element_type3A_59 = arith.extui %gt3A_58 : i1 to i32
      %cond3A_60 = arith.constant 0 : i32
      %cond3A_61 = arith.cmpi ne, %convert_element_type3A_59, %cond3A_60 : i32
      scf.if %cond3A_61 {
        %sub3A = arith.constant 64 : i32
        %sub3A_107 = arith.subi %add3A_53, %sub3A : i32
        %mul3A_108 = arith.constant 128 : i32
        %mul3A_109 = arith.muli %sub3A_107, %mul3A_108 : i32
        %dma_wait3A_110 = arith.constant 0 : i32
        %dma_wait3A_111 = tpu.memref_slice %arg4[%mul3A_109, %dma_wait3A_110] : memref<320000x128xf32, #tpu.memory_space<hbm>> -> memref<128x128xf32, #tpu.memory_space<hbm>>
        %dma_wait3A_112 = arith.constant 0 : i32
        %dma_wait3A_113 = tpu.memref_slice %arg4[%mul3A_109, %dma_wait3A_112] : memref<320000x128xf32, #tpu.memory_space<hbm>> -> memref<128x128xf32, #tpu.memory_space<hbm>>
        tpu.wait_dma2 semaphore(%arg13 : memref<!tpu.dma_semaphore, #tpu.memory_space<semaphore_mem>>) src(%arg8 : memref<128x128xf32, #tpu.memory_space<vmem>>) dst(%dma_wait3A_113 : memref<128x128xf32, #tpu.memory_space<hbm>>)
      } else {
      }
      %dma_start3A_62 = arith.constant 0 : i32
      %dma_start3A_63 = arith.constant 0 : i32
      %dma_start3A_64 = tpu.memref_slice %arg5[%dma_start3A_62, %dma_start3A_63] : memref<10000x128xf32, #tpu.memory_space<vmem_shared>> -> memref<10000x128xf32, #tpu.memory_space<vmem_shared>>
      tpu.enqueue_indirect_dma source(%dma_start3A_64 : memref<10000x128xf32, #tpu.memory_space<vmem_shared>>) target(%arg8 : memref<128x128xf32, #tpu.memory_space<vmem>>) offsets(%arg6 : memref<128xi32, #tpu.memory_space<vmem>>) semaphore(%arg12 : memref<!tpu.dma_semaphore, #tpu.memory_space<semaphore_mem>>)
      %dma_wait3A_65 = arith.constant 0 : i32
      %dma_wait3A_66 = arith.constant 0 : i32
      %dma_wait3A_67 = tpu.memref_slice %arg5[%dma_wait3A_65, %dma_wait3A_66] : memref<10000x128xf32, #tpu.memory_space<vmem_shared>> -> memref<10000x128xf32, #tpu.memory_space<vmem_shared>>
      tpu.wait_indirect_dma semaphore(%arg12 : memref<!tpu.dma_semaphore, #tpu.memory_space<semaphore_mem>>) src(%dma_wait3A_67 : memref<10000x128xf32, #tpu.memory_space<vmem_shared>>) dst(%arg8 : memref<128x128xf32, #tpu.memory_space<vmem>>)
      %mul3A_68 = arith.constant 128 : i32
      %mul3A_69 = arith.muli %add3A_53, %mul3A_68 : i32
      %dma_start3A_70 = arith.constant 0 : i32
      %dma_start3A_71 = tpu.memref_slice %arg4[%mul3A_69, %dma_start3A_70] : memref<320000x128xf32, #tpu.memory_space<hbm>> -> memref<128x128xf32, #tpu.memory_space<hbm>>
      %dma_start3A_72 = arith.constant 0 : i32
      %dma_start3A_73 = tpu.memref_slice %arg4[%mul3A_69, %dma_start3A_72] : memref<320000x128xf32, #tpu.memory_space<hbm>> -> memref<128x128xf32, #tpu.memory_space<hbm>>
      tpu.enqueue_dma source(%arg8 : memref<128x128xf32, #tpu.memory_space<vmem>>) target(%dma_start3A_73 : memref<128x128xf32, #tpu.memory_space<hbm>>) target_semaphore(%arg13 : memref<!tpu.dma_semaphore, #tpu.memory_space<semaphore_mem>>)
      %lt3A_74 = arith.constant 38 : i32
      %lt3A_75 = arith.cmpi slt, %scan3A_48, %lt3A_74 : i32
      %convert_element_type3A_76 = arith.extui %lt3A_75 : i1 to i32
      %cond3A_77 = arith.constant 0 : i32
      %cond3A_78 = arith.cmpi ne, %convert_element_type3A_76, %cond3A_77 : i32
      scf.if %cond3A_78 {
        %add3A_107 = arith.constant 64 : i32
        %add3A_108 = arith.addi %add3A_53, %add3A_107 : i32
        %mul3A_109 = arith.constant 128 : i32
        %mul3A_110 = arith.muli %add3A_108, %mul3A_109 : i32
        %dma_start3A_111 = tpu.memref_slice %arg3[%mul3A_110] : memref<320000xi32, #tpu.memory_space<hbm>> -> memref<128xi32, #tpu.memory_space<hbm>>
        %dma_start3A_112 = tpu.memref_slice %arg3[%mul3A_110] : memref<320000xi32, #tpu.memory_space<hbm>> -> memref<128xi32, #tpu.memory_space<hbm>>
        tpu.enqueue_dma source(%dma_start3A_112 : memref<128xi32, #tpu.memory_space<hbm>>) target(%arg6 : memref<128xi32, #tpu.memory_space<vmem>>) target_semaphore(%arg10 : memref<!tpu.dma_semaphore, #tpu.memory_space<semaphore_mem>>)
      } else {
      }
      %add3A_79 = arith.constant 32 : i32
      %add3A_80 = arith.addi %add3A_53, %add3A_79 : i32
      %mul3A_81 = arith.constant 128 : i32
      %mul3A_82 = arith.muli %add3A_80, %mul3A_81 : i32
      %dma_wait3A_83 = tpu.memref_slice %arg3[%mul3A_82] : memref<320000xi32, #tpu.memory_space<hbm>> -> memref<128xi32, #tpu.memory_space<hbm>>
      %dma_wait3A_84 = tpu.memref_slice %arg3[%mul3A_82] : memref<320000xi32, #tpu.memory_space<hbm>> -> memref<128xi32, #tpu.memory_space<hbm>>
      tpu.wait_dma2 semaphore(%arg11 : memref<!tpu.dma_semaphore, #tpu.memory_space<semaphore_mem>>) src(%dma_wait3A_84 : memref<128xi32, #tpu.memory_space<hbm>>) dst(%arg7 : memref<128xi32, #tpu.memory_space<vmem>>)
      %gt3A_85 = arith.constant 0 : i32
      %gt3A_86 = arith.cmpi sgt, %scan3A_48, %gt3A_85 : i32
      %convert_element_type3A_87 = arith.extui %gt3A_86 : i1 to i32
      %cond3A_88 = arith.constant 0 : i32
      %cond3A_89 = arith.cmpi ne, %convert_element_type3A_87, %cond3A_88 : i32
      scf.if %cond3A_89 {
        %sub3A = arith.constant 64 : i32
        %sub3A_107 = arith.subi %add3A_80, %sub3A : i32
        %mul3A_108 = arith.constant 128 : i32
        %mul3A_109 = arith.muli %sub3A_107, %mul3A_108 : i32
        %dma_wait3A_110 = arith.constant 0 : i32
        %dma_wait3A_111 = tpu.memref_slice %arg4[%mul3A_109, %dma_wait3A_110] : memref<320000x128xf32, #tpu.memory_space<hbm>> -> memref<128x128xf32, #tpu.memory_space<hbm>>
        %dma_wait3A_112 = arith.constant 0 : i32
        %dma_wait3A_113 = tpu.memref_slice %arg4[%mul3A_109, %dma_wait3A_112] : memref<320000x128xf32, #tpu.memory_space<hbm>> -> memref<128x128xf32, #tpu.memory_space<hbm>>
        tpu.wait_dma2 semaphore(%arg14 : memref<!tpu.dma_semaphore, #tpu.memory_space<semaphore_mem>>) src(%arg9 : memref<128x128xf32, #tpu.memory_space<vmem>>) dst(%dma_wait3A_113 : memref<128x128xf32, #tpu.memory_space<hbm>>)
      } else {
      }
      %dma_start3A_90 = arith.constant 0 : i32
      %dma_start3A_91 = arith.constant 0 : i32
      %dma_start3A_92 = tpu.memref_slice %arg5[%dma_start3A_90, %dma_start3A_91] : memref<10000x128xf32, #tpu.memory_space<vmem_shared>> -> memref<10000x128xf32, #tpu.memory_space<vmem_shared>>
      tpu.enqueue_indirect_dma source(%dma_start3A_92 : memref<10000x128xf32, #tpu.memory_space<vmem_shared>>) target(%arg9 : memref<128x128xf32, #tpu.memory_space<vmem>>) offsets(%arg7 : memref<128xi32, #tpu.memory_space<vmem>>) semaphore(%arg12 : memref<!tpu.dma_semaphore, #tpu.memory_space<semaphore_mem>>)
      %dma_wait3A_93 = arith.constant 0 : i32
      %dma_wait3A_94 = arith.constant 0 : i32
      %dma_wait3A_95 = tpu.memref_slice %arg5[%dma_wait3A_93, %dma_wait3A_94] : memref<10000x128xf32, #tpu.memory_space<vmem_shared>> -> memref<10000x128xf32, #tpu.memory_space<vmem_shared>>
      tpu.wait_indirect_dma semaphore(%arg12 : memref<!tpu.dma_semaphore, #tpu.memory_space<semaphore_mem>>) src(%dma_wait3A_95 : memref<10000x128xf32, #tpu.memory_space<vmem_shared>>) dst(%arg9 : memref<128x128xf32, #tpu.memory_space<vmem>>)
      %mul3A_96 = arith.constant 128 : i32
      %mul3A_97 = arith.muli %add3A_80, %mul3A_96 : i32
      %dma_start3A_98 = arith.constant 0 : i32
      %dma_start3A_99 = tpu.memref_slice %arg4[%mul3A_97, %dma_start3A_98] : memref<320000x128xf32, #tpu.memory_space<hbm>> -> memref<128x128xf32, #tpu.memory_space<hbm>>
      %dma_start3A_100 = arith.constant 0 : i32
      %dma_start3A_101 = tpu.memref_slice %arg4[%mul3A_97, %dma_start3A_100] : memref<320000x128xf32, #tpu.memory_space<hbm>> -> memref<128x128xf32, #tpu.memory_space<hbm>>
      tpu.enqueue_dma source(%arg9 : memref<128x128xf32, #tpu.memory_space<vmem>>) target(%dma_start3A_101 : memref<128x128xf32, #tpu.memory_space<hbm>>) target_semaphore(%arg14 : memref<!tpu.dma_semaphore, #tpu.memory_space<semaphore_mem>>)
      %lt3A_102 = arith.constant 38 : i32
      %lt3A_103 = arith.cmpi slt, %scan3A_48, %lt3A_102 : i32
      %convert_element_type3A_104 = arith.extui %lt3A_103 : i1 to i32
      %cond3A_105 = arith.constant 0 : i32
      %cond3A_106 = arith.cmpi ne, %convert_element_type3A_104, %cond3A_105 : i32
      scf.if %cond3A_106 {
        %add3A_107 = arith.constant 64 : i32
        %add3A_108 = arith.addi %add3A_80, %add3A_107 : i32
        %mul3A_109 = arith.constant 128 : i32
        %mul3A_110 = arith.muli %add3A_108, %mul3A_109 : i32
        %dma_start3A_111 = tpu.memref_slice %arg3[%mul3A_110] : memref<320000xi32, #tpu.memory_space<hbm>> -> memref<128xi32, #tpu.memory_space<hbm>>
        %dma_start3A_112 = tpu.memref_slice %arg3[%mul3A_110] : memref<320000xi32, #tpu.memory_space<hbm>> -> memref<128xi32, #tpu.memory_space<hbm>>
        tpu.enqueue_dma source(%dma_start3A_112 : memref<128xi32, #tpu.memory_space<hbm>>) target(%arg7 : memref<128xi32, #tpu.memory_space<vmem>>) target_semaphore(%arg11 : memref<!tpu.dma_semaphore, #tpu.memory_space<semaphore_mem>>)
      } else {
      }
    }
    %scan3A_28 = arith.constant 39 : i32
    %add3A_29 = arith.constant 2432 : i32
    %add3A_30 = arith.addi %add3A, %add3A_29 : i32
    %mul3A_31 = arith.constant 128 : i32
    %mul3A_32 = arith.muli %add3A_30, %mul3A_31 : i32
    %dma_wait3A = arith.constant 0 : i32
    %dma_wait3A_33 = tpu.memref_slice %arg4[%mul3A_32, %dma_wait3A] : memref<320000x128xf32, #tpu.memory_space<hbm>> -> memref<128x128xf32, #tpu.memory_space<hbm>>
    %dma_wait3A_34 = arith.constant 0 : i32
    %dma_wait3A_35 = tpu.memref_slice %arg4[%mul3A_32, %dma_wait3A_34] : memref<320000x128xf32, #tpu.memory_space<hbm>> -> memref<128x128xf32, #tpu.memory_space<hbm>>
    tpu.wait_dma2 semaphore(%arg13 : memref<!tpu.dma_semaphore, #tpu.memory_space<semaphore_mem>>) src(%arg8 : memref<128x128xf32, #tpu.memory_space<vmem>>) dst(%dma_wait3A_35 : memref<128x128xf32, #tpu.memory_space<hbm>>)
    %add3A_36 = arith.constant 2464 : i32
    %add3A_37 = arith.addi %add3A, %add3A_36 : i32
    %mul3A_38 = arith.constant 128 : i32
    %mul3A_39 = arith.muli %add3A_37, %mul3A_38 : i32
    %dma_wait3A_40 = arith.constant 0 : i32
    %dma_wait3A_41 = tpu.memref_slice %arg4[%mul3A_39, %dma_wait3A_40] : memref<320000x128xf32, #tpu.memory_space<hbm>> -> memref<128x128xf32, #tpu.memory_space<hbm>>
    %dma_wait3A_42 = arith.constant 0 : i32
    %dma_wait3A_43 = tpu.memref_slice %arg4[%mul3A_39, %dma_wait3A_42] : memref<320000x128xf32, #tpu.memory_space<hbm>> -> memref<128x128xf32, #tpu.memory_space<hbm>>
    tpu.wait_dma2 semaphore(%arg14 : memref<!tpu.dma_semaphore, #tpu.memory_space<semaphore_mem>>) src(%arg9 : memref<128x128xf32, #tpu.memory_space<vmem>>) dst(%dma_wait3A_43 : memref<128x128xf32, #tpu.memory_space<hbm>>)
    %lt3A = arith.constant 4 : i32
    %lt3A_44 = arith.cmpi slt, %add3A, %lt3A : i32
    %convert_element_type3A_45 = arith.extui %lt3A_44 : i1 to i32
    %cond3A_46 = arith.constant 0 : i32
    %cond3A_47 = arith.cmpi ne, %convert_element_type3A_45, %cond3A_46 : i32
    scf.if %cond3A_47 {
      %add3A_48 = arith.constant 2496 : i32
      %add3A_49 = arith.addi %add3A_48, %add3A : i32
      %mul3A_50 = arith.constant 128 : i32
      %mul3A_51 = arith.muli %add3A_49, %mul3A_50 : i32
      "tpu.region"() ({
        %run_scoped3A = tpu.sem_alloc : memref<!tpu.dma_semaphore, #tpu.memory_space<semaphore_mem>>
        %dma_start3A_60 = tpu.memref_slice %arg3[%mul3A_51] : memref<320000xi32, #tpu.memory_space<hbm>> -> memref<128xi32, #tpu.memory_space<hbm>>
        %dma_start3A_61 = tpu.memref_slice %arg3[%mul3A_51] : memref<320000xi32, #tpu.memory_space<hbm>> -> memref<128xi32, #tpu.memory_space<hbm>>
        tpu.enqueue_dma source(%dma_start3A_61 : memref<128xi32, #tpu.memory_space<hbm>>) target(%arg6 : memref<128xi32, #tpu.memory_space<vmem>>) target_semaphore(%run_scoped3A : memref<!tpu.dma_semaphore, #tpu.memory_space<semaphore_mem>>)
        %dma_wait3A_62 = tpu.memref_slice %arg3[%mul3A_51] : memref<320000xi32, #tpu.memory_space<hbm>> -> memref<128xi32, #tpu.memory_space<hbm>>
        %dma_wait3A_63 = tpu.memref_slice %arg3[%mul3A_51] : memref<320000xi32, #tpu.memory_space<hbm>> -> memref<128xi32, #tpu.memory_space<hbm>>
        tpu.wait_dma2 semaphore(%run_scoped3A : memref<!tpu.dma_semaphore, #tpu.memory_space<semaphore_mem>>) src(%dma_wait3A_63 : memref<128xi32, #tpu.memory_space<hbm>>) dst(%arg6 : memref<128xi32, #tpu.memory_space<vmem>>)
        tpu.yield
      }) : () -> ()
      %dma_start3A_52 = arith.constant 0 : i32
      %dma_start3A_53 = arith.constant 0 : i32
      %dma_start3A_54 = tpu.memref_slice %arg5[%dma_start3A_52, %dma_start3A_53] : memref<10000x128xf32, #tpu.memory_space<vmem_shared>> -> memref<10000x128xf32, #tpu.memory_space<vmem_shared>>
      tpu.enqueue_indirect_dma source(%dma_start3A_54 : memref<10000x128xf32, #tpu.memory_space<vmem_shared>>) target(%arg8 : memref<128x128xf32, #tpu.memory_space<vmem>>) offsets(%arg6 : memref<128xi32, #tpu.memory_space<vmem>>) semaphore(%arg12 : memref<!tpu.dma_semaphore, #tpu.memory_space<semaphore_mem>>)
      %dma_wait3A_55 = arith.constant 0 : i32
      %dma_wait3A_56 = arith.constant 0 : i32
      %dma_wait3A_57 = tpu.memref_slice %arg5[%dma_wait3A_55, %dma_wait3A_56] : memref<10000x128xf32, #tpu.memory_space<vmem_shared>> -> memref<10000x128xf32, #tpu.memory_space<vmem_shared>>
      tpu.wait_indirect_dma semaphore(%arg12 : memref<!tpu.dma_semaphore, #tpu.memory_space<semaphore_mem>>) src(%dma_wait3A_57 : memref<10000x128xf32, #tpu.memory_space<vmem_shared>>) dst(%arg8 : memref<128x128xf32, #tpu.memory_space<vmem>>)
      %mul3A_58 = arith.constant 128 : i32
      %mul3A_59 = arith.muli %add3A_49, %mul3A_58 : i32
      "tpu.region"() ({
        %run_scoped3A = tpu.sem_alloc : memref<!tpu.dma_semaphore, #tpu.memory_space<semaphore_mem>>
        %dma_start3A_60 = arith.constant 0 : i32
        %dma_start3A_61 = tpu.memref_slice %arg4[%mul3A_59, %dma_start3A_60] : memref<320000x128xf32, #tpu.memory_space<hbm>> -> memref<128x128xf32, #tpu.memory_space<hbm>>
        %dma_start3A_62 = arith.constant 0 : i32
        %dma_start3A_63 = tpu.memref_slice %arg4[%mul3A_59, %dma_start3A_62] : memref<320000x128xf32, #tpu.memory_space<hbm>> -> memref<128x128xf32, #tpu.memory_space<hbm>>
        tpu.enqueue_dma source(%arg8 : memref<128x128xf32, #tpu.memory_space<vmem>>) target(%dma_start3A_63 : memref<128x128xf32, #tpu.memory_space<hbm>>) target_semaphore(%run_scoped3A : memref<!tpu.dma_semaphore, #tpu.memory_space<semaphore_mem>>)
        %dma_wait3A_64 = arith.constant 0 : i32
        %dma_wait3A_65 = tpu.memref_slice %arg4[%mul3A_59, %dma_wait3A_64] : memref<320000x128xf32, #tpu.memory_space<hbm>> -> memref<128x128xf32, #tpu.memory_space<hbm>>
        %dma_wait3A_66 = arith.constant 0 : i32
        %dma_wait3A_67 = tpu.memref_slice %arg4[%mul3A_59, %dma_wait3A_66] : memref<320000x128xf32, #tpu.memory_space<hbm>> -> memref<128x128xf32, #tpu.memory_space<hbm>>
        tpu.wait_dma2 semaphore(%run_scoped3A : memref<!tpu.dma_semaphore, #tpu.memory_space<semaphore_mem>>) src(%arg8 : memref<128x128xf32, #tpu.memory_space<vmem>>) dst(%dma_wait3A_67 : memref<128x128xf32, #tpu.memory_space<hbm>>)
        tpu.yield
      }) : () -> ()
    } else {
    }
    return
  }
}

#map = affine_map<(d0, d1) -> (0, 0)>
#map1 = affine_map<(d0, d1) -> (0)>
module attributes {stable_mosaic.version = 14 : i64} {
  func.func @body_fn(%arg0: i32, %arg1: i32, %arg2: memref<320000x128xf32, #tpu.memory_space<hbm>>, %arg3: memref<320000xi32, #tpu.memory_space<hbm>>, %arg4: memref<128x128xf32, #tpu.memory_space<hbm>>, %arg5: memref<20000x128xf32, #tpu.memory_space<hbm>>, %arg6: memref<10000x128xf32, #tpu.memory_space<vmem_shared>>, %arg7: memref<128xi32, #tpu.memory_space<vmem>>, %arg8: memref<128xi32, #tpu.memory_space<vmem>>, %arg9: memref<128x128xf32, #tpu.memory_space<vmem>>, %arg10: memref<128x128xf32, #tpu.memory_space<vmem>>, %arg11: memref<!tpu.dma_semaphore, #tpu.memory_space<semaphore_mem>>, %arg12: memref<!tpu.dma_semaphore, #tpu.memory_space<semaphore_mem>>) attributes {dimension_semantics = [#tpu.dimension_semantics<core_parallel>, #tpu.dimension_semantics<subcore_parallel>], iteration_bounds = array<i64: 2, 16>, scalar_prefetch = 0 : i64, scratch_operands = 7 : i64, tpu.core_type = #tpu.core_type<sc_vector_subcore>, window_params = [{transform_indices = #map}, {transform_indices = #map1}, {transform_indices = #map}, {transform_indices = #map}]} {
    %mul3A = arith.constant 2 : i32
    %mul3A_0 = arith.muli %arg1, %mul3A : i32
    %add3A = arith.addi %mul3A_0, %arg0 : i32
    "tpu.region"() ({
      %run_scoped3A = tpu.sem_alloc : memref<!tpu.dma_semaphore, #tpu.memory_space<semaphore_mem>>
      tpu.enqueue_dma source(%arg4 : memref<128x128xf32, #tpu.memory_space<hbm>>) target(%arg9 : memref<128x128xf32, #tpu.memory_space<vmem>>) target_semaphore(%run_scoped3A : memref<!tpu.dma_semaphore, #tpu.memory_space<semaphore_mem>>)
      tpu.wait_dma2 semaphore(%run_scoped3A : memref<!tpu.dma_semaphore, #tpu.memory_space<semaphore_mem>>) src(%arg4 : memref<128x128xf32, #tpu.memory_space<hbm>>) dst(%arg9 : memref<128x128xf32, #tpu.memory_space<vmem>>)
      tpu.yield
    }) : () -> ()
    %mul3A_1 = arith.constant 624 : i32
    %mul3A_2 = arith.muli %arg1, %mul3A_1 : i32
    %add3A_3 = arith.constant 0 : i32
    %add3A_4 = arith.addi %mul3A_2, %add3A_3 : i32
    "tpu.region"() ({
      %run_scoped3A = tpu.sem_alloc : memref<!tpu.dma_semaphore, #tpu.memory_space<semaphore_mem>>
      %dma_start3A_78 = arith.constant 0 : i32
      %dma_start3A_79 = arith.constant 0 : i32
      %dma_start3A_80 = tpu.memref_slice %arg9[%dma_start3A_78, %dma_start3A_79] : memref<128x128xf32, #tpu.memory_space<vmem>> -> memref<128x128xf32, #tpu.memory_space<vmem>>
      %dma_start3A_81 = arith.constant 0 : i32
      %dma_start3A_82 = tpu.memref_slice %arg6[%add3A_4, %dma_start3A_81] : memref<10000x128xf32, #tpu.memory_space<vmem_shared>> -> memref<128x128xf32, #tpu.memory_space<vmem_shared>>
      %dma_start3A_83 = arith.constant 0 : i32
      %dma_start3A_84 = tpu.memref_slice %arg6[%add3A_4, %dma_start3A_83] : memref<10000x128xf32, #tpu.memory_space<vmem_shared>> -> memref<128x128xf32, #tpu.memory_space<vmem_shared>>
      %dma_start3A_85 = arith.constant 0 : i32
      %dma_start3A_86 = arith.constant 0 : i32
      %dma_start3A_87 = tpu.memref_slice %arg9[%dma_start3A_85, %dma_start3A_86] : memref<128x128xf32, #tpu.memory_space<vmem>> -> memref<128x128xf32, #tpu.memory_space<vmem>>
      tpu.enqueue_dma source(%dma_start3A_87 : memref<128x128xf32, #tpu.memory_space<vmem>>) target(%dma_start3A_84 : memref<128x128xf32, #tpu.memory_space<vmem_shared>>) target_semaphore(%run_scoped3A : memref<!tpu.dma_semaphore, #tpu.memory_space<semaphore_mem>>)
      %dma_wait3A = arith.constant 0 : i32
      %dma_wait3A_88 = arith.constant 0 : i32
      %dma_wait3A_89 = tpu.memref_slice %arg9[%dma_wait3A, %dma_wait3A_88] : memref<128x128xf32, #tpu.memory_space<vmem>> -> memref<128x128xf32, #tpu.memory_space<vmem>>
      %dma_wait3A_90 = arith.constant 0 : i32
      %dma_wait3A_91 = tpu.memref_slice %arg6[%add3A_4, %dma_wait3A_90] : memref<10000x128xf32, #tpu.memory_space<vmem_shared>> -> memref<128x128xf32, #tpu.memory_space<vmem_shared>>
      %dma_wait3A_92 = arith.constant 0 : i32
      %dma_wait3A_93 = tpu.memref_slice %arg6[%add3A_4, %dma_wait3A_92] : memref<10000x128xf32, #tpu.memory_space<vmem_shared>> -> memref<128x128xf32, #tpu.memory_space<vmem_shared>>
      %dma_wait3A_94 = arith.constant 0 : i32
      %dma_wait3A_95 = arith.constant 0 : i32
      %dma_wait3A_96 = tpu.memref_slice %arg9[%dma_wait3A_94, %dma_wait3A_95] : memref<128x128xf32, #tpu.memory_space<vmem>> -> memref<128x128xf32, #tpu.memory_space<vmem>>
      tpu.wait_dma2 semaphore(%run_scoped3A : memref<!tpu.dma_semaphore, #tpu.memory_space<semaphore_mem>>) src(%dma_wait3A_96 : memref<128x128xf32, #tpu.memory_space<vmem>>) dst(%dma_wait3A_93 : memref<128x128xf32, #tpu.memory_space<vmem_shared>>)
      tpu.yield
    }) : () -> ()
    %add3A_5 = arith.constant 128 : i32
    %add3A_6 = arith.addi %mul3A_2, %add3A_5 : i32
    "tpu.region"() ({
      %run_scoped3A = tpu.sem_alloc : memref<!tpu.dma_semaphore, #tpu.memory_space<semaphore_mem>>
      %dma_start3A_78 = arith.constant 0 : i32
      %dma_start3A_79 = arith.constant 0 : i32
      %dma_start3A_80 = tpu.memref_slice %arg9[%dma_start3A_78, %dma_start3A_79] : memref<128x128xf32, #tpu.memory_space<vmem>> -> memref<128x128xf32, #tpu.memory_space<vmem>>
      %dma_start3A_81 = arith.constant 0 : i32
      %dma_start3A_82 = tpu.memref_slice %arg6[%add3A_6, %dma_start3A_81] : memref<10000x128xf32, #tpu.memory_space<vmem_shared>> -> memref<128x128xf32, #tpu.memory_space<vmem_shared>>
      %dma_start3A_83 = arith.constant 0 : i32
      %dma_start3A_84 = tpu.memref_slice %arg6[%add3A_6, %dma_start3A_83] : memref<10000x128xf32, #tpu.memory_space<vmem_shared>> -> memref<128x128xf32, #tpu.memory_space<vmem_shared>>
      %dma_start3A_85 = arith.constant 0 : i32
      %dma_start3A_86 = arith.constant 0 : i32
      %dma_start3A_87 = tpu.memref_slice %arg9[%dma_start3A_85, %dma_start3A_86] : memref<128x128xf32, #tpu.memory_space<vmem>> -> memref<128x128xf32, #tpu.memory_space<vmem>>
      tpu.enqueue_dma source(%dma_start3A_87 : memref<128x128xf32, #tpu.memory_space<vmem>>) target(%dma_start3A_84 : memref<128x128xf32, #tpu.memory_space<vmem_shared>>) target_semaphore(%run_scoped3A : memref<!tpu.dma_semaphore, #tpu.memory_space<semaphore_mem>>)
      %dma_wait3A = arith.constant 0 : i32
      %dma_wait3A_88 = arith.constant 0 : i32
      %dma_wait3A_89 = tpu.memref_slice %arg9[%dma_wait3A, %dma_wait3A_88] : memref<128x128xf32, #tpu.memory_space<vmem>> -> memref<128x128xf32, #tpu.memory_space<vmem>>
      %dma_wait3A_90 = arith.constant 0 : i32
      %dma_wait3A_91 = tpu.memref_slice %arg6[%add3A_6, %dma_wait3A_90] : memref<10000x128xf32, #tpu.memory_space<vmem_shared>> -> memref<128x128xf32, #tpu.memory_space<vmem_shared>>
      %dma_wait3A_92 = arith.constant 0 : i32
      %dma_wait3A_93 = tpu.memref_slice %arg6[%add3A_6, %dma_wait3A_92] : memref<10000x128xf32, #tpu.memory_space<vmem_shared>> -> memref<128x128xf32, #tpu.memory_space<vmem_shared>>
      %dma_wait3A_94 = arith.constant 0 : i32
      %dma_wait3A_95 = arith.constant 0 : i32
      %dma_wait3A_96 = tpu.memref_slice %arg9[%dma_wait3A_94, %dma_wait3A_95] : memref<128x128xf32, #tpu.memory_space<vmem>> -> memref<128x128xf32, #tpu.memory_space<vmem>>
      tpu.wait_dma2 semaphore(%run_scoped3A : memref<!tpu.dma_semaphore, #tpu.memory_space<semaphore_mem>>) src(%dma_wait3A_96 : memref<128x128xf32, #tpu.memory_space<vmem>>) dst(%dma_wait3A_93 : memref<128x128xf32, #tpu.memory_space<vmem_shared>>)
      tpu.yield
    }) : () -> ()
    %add3A_7 = arith.constant 256 : i32
    %add3A_8 = arith.addi %mul3A_2, %add3A_7 : i32
    "tpu.region"() ({
      %run_scoped3A = tpu.sem_alloc : memref<!tpu.dma_semaphore, #tpu.memory_space<semaphore_mem>>
      %dma_start3A_78 = arith.constant 0 : i32
      %dma_start3A_79 = arith.constant 0 : i32
      %dma_start3A_80 = tpu.memref_slice %arg9[%dma_start3A_78, %dma_start3A_79] : memref<128x128xf32, #tpu.memory_space<vmem>> -> memref<128x128xf32, #tpu.memory_space<vmem>>
      %dma_start3A_81 = arith.constant 0 : i32
      %dma_start3A_82 = tpu.memref_slice %arg6[%add3A_8, %dma_start3A_81] : memref<10000x128xf32, #tpu.memory_space<vmem_shared>> -> memref<128x128xf32, #tpu.memory_space<vmem_shared>>
      %dma_start3A_83 = arith.constant 0 : i32
      %dma_start3A_84 = tpu.memref_slice %arg6[%add3A_8, %dma_start3A_83] : memref<10000x128xf32, #tpu.memory_space<vmem_shared>> -> memref<128x128xf32, #tpu.memory_space<vmem_shared>>
      %dma_start3A_85 = arith.constant 0 : i32
      %dma_start3A_86 = arith.constant 0 : i32
      %dma_start3A_87 = tpu.memref_slice %arg9[%dma_start3A_85, %dma_start3A_86] : memref<128x128xf32, #tpu.memory_space<vmem>> -> memref<128x128xf32, #tpu.memory_space<vmem>>
      tpu.enqueue_dma source(%dma_start3A_87 : memref<128x128xf32, #tpu.memory_space<vmem>>) target(%dma_start3A_84 : memref<128x128xf32, #tpu.memory_space<vmem_shared>>) target_semaphore(%run_scoped3A : memref<!tpu.dma_semaphore, #tpu.memory_space<semaphore_mem>>)
      %dma_wait3A = arith.constant 0 : i32
      %dma_wait3A_88 = arith.constant 0 : i32
      %dma_wait3A_89 = tpu.memref_slice %arg9[%dma_wait3A, %dma_wait3A_88] : memref<128x128xf32, #tpu.memory_space<vmem>> -> memref<128x128xf32, #tpu.memory_space<vmem>>
      %dma_wait3A_90 = arith.constant 0 : i32
      %dma_wait3A_91 = tpu.memref_slice %arg6[%add3A_8, %dma_wait3A_90] : memref<10000x128xf32, #tpu.memory_space<vmem_shared>> -> memref<128x128xf32, #tpu.memory_space<vmem_shared>>
      %dma_wait3A_92 = arith.constant 0 : i32
      %dma_wait3A_93 = tpu.memref_slice %arg6[%add3A_8, %dma_wait3A_92] : memref<10000x128xf32, #tpu.memory_space<vmem_shared>> -> memref<128x128xf32, #tpu.memory_space<vmem_shared>>
      %dma_wait3A_94 = arith.constant 0 : i32
      %dma_wait3A_95 = arith.constant 0 : i32
      %dma_wait3A_96 = tpu.memref_slice %arg9[%dma_wait3A_94, %dma_wait3A_95] : memref<128x128xf32, #tpu.memory_space<vmem>> -> memref<128x128xf32, #tpu.memory_space<vmem>>
      tpu.wait_dma2 semaphore(%run_scoped3A : memref<!tpu.dma_semaphore, #tpu.memory_space<semaphore_mem>>) src(%dma_wait3A_96 : memref<128x128xf32, #tpu.memory_space<vmem>>) dst(%dma_wait3A_93 : memref<128x128xf32, #tpu.memory_space<vmem_shared>>)
      tpu.yield
    }) : () -> ()
    %add3A_9 = arith.constant 384 : i32
    %add3A_10 = arith.addi %mul3A_2, %add3A_9 : i32
    "tpu.region"() ({
      %run_scoped3A = tpu.sem_alloc : memref<!tpu.dma_semaphore, #tpu.memory_space<semaphore_mem>>
      %dma_start3A_78 = arith.constant 0 : i32
      %dma_start3A_79 = arith.constant 0 : i32
      %dma_start3A_80 = tpu.memref_slice %arg9[%dma_start3A_78, %dma_start3A_79] : memref<128x128xf32, #tpu.memory_space<vmem>> -> memref<128x128xf32, #tpu.memory_space<vmem>>
      %dma_start3A_81 = arith.constant 0 : i32
      %dma_start3A_82 = tpu.memref_slice %arg6[%add3A_10, %dma_start3A_81] : memref<10000x128xf32, #tpu.memory_space<vmem_shared>> -> memref<128x128xf32, #tpu.memory_space<vmem_shared>>
      %dma_start3A_83 = arith.constant 0 : i32
      %dma_start3A_84 = tpu.memref_slice %arg6[%add3A_10, %dma_start3A_83] : memref<10000x128xf32, #tpu.memory_space<vmem_shared>> -> memref<128x128xf32, #tpu.memory_space<vmem_shared>>
      %dma_start3A_85 = arith.constant 0 : i32
      %dma_start3A_86 = arith.constant 0 : i32
      %dma_start3A_87 = tpu.memref_slice %arg9[%dma_start3A_85, %dma_start3A_86] : memref<128x128xf32, #tpu.memory_space<vmem>> -> memref<128x128xf32, #tpu.memory_space<vmem>>
      tpu.enqueue_dma source(%dma_start3A_87 : memref<128x128xf32, #tpu.memory_space<vmem>>) target(%dma_start3A_84 : memref<128x128xf32, #tpu.memory_space<vmem_shared>>) target_semaphore(%run_scoped3A : memref<!tpu.dma_semaphore, #tpu.memory_space<semaphore_mem>>)
      %dma_wait3A = arith.constant 0 : i32
      %dma_wait3A_88 = arith.constant 0 : i32
      %dma_wait3A_89 = tpu.memref_slice %arg9[%dma_wait3A, %dma_wait3A_88] : memref<128x128xf32, #tpu.memory_space<vmem>> -> memref<128x128xf32, #tpu.memory_space<vmem>>
      %dma_wait3A_90 = arith.constant 0 : i32
      %dma_wait3A_91 = tpu.memref_slice %arg6[%add3A_10, %dma_wait3A_90] : memref<10000x128xf32, #tpu.memory_space<vmem_shared>> -> memref<128x128xf32, #tpu.memory_space<vmem_shared>>
      %dma_wait3A_92 = arith.constant 0 : i32
      %dma_wait3A_93 = tpu.memref_slice %arg6[%add3A_10, %dma_wait3A_92] : memref<10000x128xf32, #tpu.memory_space<vmem_shared>> -> memref<128x128xf32, #tpu.memory_space<vmem_shared>>
      %dma_wait3A_94 = arith.constant 0 : i32
      %dma_wait3A_95 = arith.constant 0 : i32
      %dma_wait3A_96 = tpu.memref_slice %arg9[%dma_wait3A_94, %dma_wait3A_95] : memref<128x128xf32, #tpu.memory_space<vmem>> -> memref<128x128xf32, #tpu.memory_space<vmem>>
      tpu.wait_dma2 semaphore(%run_scoped3A : memref<!tpu.dma_semaphore, #tpu.memory_space<semaphore_mem>>) src(%dma_wait3A_96 : memref<128x128xf32, #tpu.memory_space<vmem>>) dst(%dma_wait3A_93 : memref<128x128xf32, #tpu.memory_space<vmem_shared>>)
      tpu.yield
    }) : () -> ()
    %add3A_11 = arith.constant 512 : i32
    %add3A_12 = arith.addi %mul3A_2, %add3A_11 : i32
    "tpu.region"() ({
      %run_scoped3A = tpu.sem_alloc : memref<!tpu.dma_semaphore, #tpu.memory_space<semaphore_mem>>
      %dma_start3A_78 = arith.constant 0 : i32
      %dma_start3A_79 = arith.constant 0 : i32
      %dma_start3A_80 = tpu.memref_slice %arg9[%dma_start3A_78, %dma_start3A_79] : memref<128x128xf32, #tpu.memory_space<vmem>> -> memref<112x128xf32, #tpu.memory_space<vmem>>
      %dma_start3A_81 = arith.constant 0 : i32
      %dma_start3A_82 = tpu.memref_slice %arg6[%add3A_12, %dma_start3A_81] : memref<10000x128xf32, #tpu.memory_space<vmem_shared>> -> memref<112x128xf32, #tpu.memory_space<vmem_shared>>
      %dma_start3A_83 = arith.constant 0 : i32
      %dma_start3A_84 = tpu.memref_slice %arg6[%add3A_12, %dma_start3A_83] : memref<10000x128xf32, #tpu.memory_space<vmem_shared>> -> memref<112x128xf32, #tpu.memory_space<vmem_shared>>
      %dma_start3A_85 = arith.constant 0 : i32
      %dma_start3A_86 = arith.constant 0 : i32
      %dma_start3A_87 = tpu.memref_slice %arg9[%dma_start3A_85, %dma_start3A_86] : memref<128x128xf32, #tpu.memory_space<vmem>> -> memref<112x128xf32, #tpu.memory_space<vmem>>
      tpu.enqueue_dma source(%dma_start3A_87 : memref<112x128xf32, #tpu.memory_space<vmem>>) target(%dma_start3A_84 : memref<112x128xf32, #tpu.memory_space<vmem_shared>>) target_semaphore(%run_scoped3A : memref<!tpu.dma_semaphore, #tpu.memory_space<semaphore_mem>>)
      %dma_wait3A = arith.constant 0 : i32
      %dma_wait3A_88 = arith.constant 0 : i32
      %dma_wait3A_89 = tpu.memref_slice %arg9[%dma_wait3A, %dma_wait3A_88] : memref<128x128xf32, #tpu.memory_space<vmem>> -> memref<112x128xf32, #tpu.memory_space<vmem>>
      %dma_wait3A_90 = arith.constant 0 : i32
      %dma_wait3A_91 = tpu.memref_slice %arg6[%add3A_12, %dma_wait3A_90] : memref<10000x128xf32, #tpu.memory_space<vmem_shared>> -> memref<112x128xf32, #tpu.memory_space<vmem_shared>>
      %dma_wait3A_92 = arith.constant 0 : i32
      %dma_wait3A_93 = tpu.memref_slice %arg6[%add3A_12, %dma_wait3A_92] : memref<10000x128xf32, #tpu.memory_space<vmem_shared>> -> memref<112x128xf32, #tpu.memory_space<vmem_shared>>
      %dma_wait3A_94 = arith.constant 0 : i32
      %dma_wait3A_95 = arith.constant 0 : i32
      %dma_wait3A_96 = tpu.memref_slice %arg9[%dma_wait3A_94, %dma_wait3A_95] : memref<128x128xf32, #tpu.memory_space<vmem>> -> memref<112x128xf32, #tpu.memory_space<vmem>>
      tpu.wait_dma2 semaphore(%run_scoped3A : memref<!tpu.dma_semaphore, #tpu.memory_space<semaphore_mem>>) src(%dma_wait3A_96 : memref<112x128xf32, #tpu.memory_space<vmem>>) dst(%dma_wait3A_93 : memref<112x128xf32, #tpu.memory_space<vmem_shared>>)
      tpu.yield
    }) : () -> ()
    %eq3A = arith.constant 15 : i32
    %eq3A_13 = arith.cmpi eq, %arg1, %eq3A : i32
    %convert_element_type3A = arith.extui %eq3A_13 : i1 to i32
    %cond3A = arith.constant 0 : i32
    %cond3A_14 = arith.cmpi ne, %convert_element_type3A, %cond3A : i32
    scf.if %cond3A_14 {
      "tpu.region"() ({
        %run_scoped3A = tpu.sem_alloc : memref<!tpu.dma_semaphore, #tpu.memory_space<semaphore_mem>>
        %dma_start3A_78 = arith.constant 0 : i32
        %dma_start3A_79 = arith.constant 0 : i32
        %dma_start3A_80 = tpu.memref_slice %arg9[%dma_start3A_78, %dma_start3A_79] : memref<128x128xf32, #tpu.memory_space<vmem>> -> memref<16x128xf32, #tpu.memory_space<vmem>>
        %dma_start3A_81 = arith.constant 9984 : i32
        %dma_start3A_82 = arith.constant 0 : i32
        %dma_start3A_83 = tpu.memref_slice %arg6[%dma_start3A_81, %dma_start3A_82] : memref<10000x128xf32, #tpu.memory_space<vmem_shared>> -> memref<16x128xf32, #tpu.memory_space<vmem_shared>>
        %dma_start3A_84 = arith.constant 9984 : i32
        %dma_start3A_85 = arith.constant 0 : i32
        %dma_start3A_86 = tpu.memref_slice %arg6[%dma_start3A_84, %dma_start3A_85] : memref<10000x128xf32, #tpu.memory_space<vmem_shared>> -> memref<16x128xf32, #tpu.memory_space<vmem_shared>>
        %dma_start3A_87 = arith.constant 0 : i32
        %dma_start3A_88 = arith.constant 0 : i32
        %dma_start3A_89 = tpu.memref_slice %arg9[%dma_start3A_87, %dma_start3A_88] : memref<128x128xf32, #tpu.memory_space<vmem>> -> memref<16x128xf32, #tpu.memory_space<vmem>>
        tpu.enqueue_dma source(%dma_start3A_89 : memref<16x128xf32, #tpu.memory_space<vmem>>) target(%dma_start3A_86 : memref<16x128xf32, #tpu.memory_space<vmem_shared>>) target_semaphore(%run_scoped3A : memref<!tpu.dma_semaphore, #tpu.memory_space<semaphore_mem>>)
        %dma_wait3A = arith.constant 0 : i32
        %dma_wait3A_90 = arith.constant 0 : i32
        %dma_wait3A_91 = tpu.memref_slice %arg9[%dma_wait3A, %dma_wait3A_90] : memref<128x128xf32, #tpu.memory_space<vmem>> -> memref<16x128xf32, #tpu.memory_space<vmem>>
        %dma_wait3A_92 = arith.constant 9984 : i32
        %dma_wait3A_93 = arith.constant 0 : i32
        %dma_wait3A_94 = tpu.memref_slice %arg6[%dma_wait3A_92, %dma_wait3A_93] : memref<10000x128xf32, #tpu.memory_space<vmem_shared>> -> memref<16x128xf32, #tpu.memory_space<vmem_shared>>
        %dma_wait3A_95 = arith.constant 9984 : i32
        %dma_wait3A_96 = arith.constant 0 : i32
        %dma_wait3A_97 = tpu.memref_slice %arg6[%dma_wait3A_95, %dma_wait3A_96] : memref<10000x128xf32, #tpu.memory_space<vmem_shared>> -> memref<16x128xf32, #tpu.memory_space<vmem_shared>>
        %dma_wait3A_98 = arith.constant 0 : i32
        %dma_wait3A_99 = arith.constant 0 : i32
        %dma_wait3A_100 = tpu.memref_slice %arg9[%dma_wait3A_98, %dma_wait3A_99] : memref<128x128xf32, #tpu.memory_space<vmem>> -> memref<16x128xf32, #tpu.memory_space<vmem>>
        tpu.wait_dma2 semaphore(%run_scoped3A : memref<!tpu.dma_semaphore, #tpu.memory_space<semaphore_mem>>) src(%dma_wait3A_100 : memref<16x128xf32, #tpu.memory_space<vmem>>) dst(%dma_wait3A_97 : memref<16x128xf32, #tpu.memory_space<vmem_shared>>)
        tpu.yield
      }) : () -> ()
    } else {
    }
    %mul3A_15 = arith.constant 128 : i32
    %mul3A_16 = arith.muli %add3A, %mul3A_15 : i32
    %dma_start3A = tpu.memref_slice %arg3[%mul3A_16] : memref<320000xi32, #tpu.memory_space<hbm>> -> memref<128xi32, #tpu.memory_space<hbm>>
    %dma_start3A_17 = tpu.memref_slice %arg3[%mul3A_16] : memref<320000xi32, #tpu.memory_space<hbm>> -> memref<128xi32, #tpu.memory_space<hbm>>
    tpu.enqueue_dma source(%dma_start3A_17 : memref<128xi32, #tpu.memory_space<hbm>>) target(%arg7 : memref<128xi32, #tpu.memory_space<vmem>>) target_semaphore(%arg11 : memref<!tpu.dma_semaphore, #tpu.memory_space<semaphore_mem>>)
    %mul3A_18 = arith.constant 128 : i32
    %mul3A_19 = arith.muli %add3A, %mul3A_18 : i32
    %dma_start3A_20 = arith.constant 0 : i32
    %dma_start3A_21 = tpu.memref_slice %arg2[%mul3A_19, %dma_start3A_20] : memref<320000x128xf32, #tpu.memory_space<hbm>> -> memref<128x128xf32, #tpu.memory_space<hbm>>
    %dma_start3A_22 = arith.constant 0 : i32
    %dma_start3A_23 = tpu.memref_slice %arg2[%mul3A_19, %dma_start3A_22] : memref<320000x128xf32, #tpu.memory_space<hbm>> -> memref<128x128xf32, #tpu.memory_space<hbm>>
    tpu.enqueue_dma source(%dma_start3A_23 : memref<128x128xf32, #tpu.memory_space<hbm>>) target(%arg9 : memref<128x128xf32, #tpu.memory_space<vmem>>) target_semaphore(%arg11 : memref<!tpu.dma_semaphore, #tpu.memory_space<semaphore_mem>>)
    %add3A_24 = arith.constant 32 : i32
    %add3A_25 = arith.addi %add3A, %add3A_24 : i32
    %mul3A_26 = arith.constant 128 : i32
    %mul3A_27 = arith.muli %add3A_25, %mul3A_26 : i32
    %dma_start3A_28 = tpu.memref_slice %arg3[%mul3A_27] : memref<320000xi32, #tpu.memory_space<hbm>> -> memref<128xi32, #tpu.memory_space<hbm>>
    %dma_start3A_29 = tpu.memref_slice %arg3[%mul3A_27] : memref<320000xi32, #tpu.memory_space<hbm>> -> memref<128xi32, #tpu.memory_space<hbm>>
    tpu.enqueue_dma source(%dma_start3A_29 : memref<128xi32, #tpu.memory_space<hbm>>) target(%arg8 : memref<128xi32, #tpu.memory_space<vmem>>) target_semaphore(%arg12 : memref<!tpu.dma_semaphore, #tpu.memory_space<semaphore_mem>>)
    %mul3A_30 = arith.constant 128 : i32
    %mul3A_31 = arith.muli %add3A_25, %mul3A_30 : i32
    %dma_start3A_32 = arith.constant 0 : i32
    %dma_start3A_33 = tpu.memref_slice %arg2[%mul3A_31, %dma_start3A_32] : memref<320000x128xf32, #tpu.memory_space<hbm>> -> memref<128x128xf32, #tpu.memory_space<hbm>>
    %dma_start3A_34 = arith.constant 0 : i32
    %dma_start3A_35 = tpu.memref_slice %arg2[%mul3A_31, %dma_start3A_34] : memref<320000x128xf32, #tpu.memory_space<hbm>> -> memref<128x128xf32, #tpu.memory_space<hbm>>
    tpu.enqueue_dma source(%dma_start3A_35 : memref<128x128xf32, #tpu.memory_space<hbm>>) target(%arg10 : memref<128x128xf32, #tpu.memory_space<vmem>>) target_semaphore(%arg12 : memref<!tpu.dma_semaphore, #tpu.memory_space<semaphore_mem>>)
    %barrier3A = arith.constant 0 : index
    tpu.barrier barrier_id(%barrier3A)
    %scan3A = arith.constant 0 : i32
    %scan3A_36 = arith.constant 0 : i32
    %scan3A_37 = arith.constant 39 : i32
    %scan3A_38 = arith.addi %scan3A_36, %scan3A_37 : i32
    %scan3A_39 = arith.constant 1 : i32
    scf.for %scan3A_78 = %scan3A_36 to %scan3A_38 step %scan3A_39  : i32 {
      %mul3A_79 = arith.constant 2 : i32
      %mul3A_80 = arith.muli %mul3A_79, %scan3A_78 : i32
      %mul3A_81 = arith.constant 32 : i32
      %mul3A_82 = arith.muli %mul3A_80, %mul3A_81 : i32
      %add3A_83 = arith.addi %add3A, %mul3A_82 : i32
      %mul3A_84 = arith.constant 128 : i32
      %mul3A_85 = arith.muli %add3A_83, %mul3A_84 : i32
      %dma_wait3A = tpu.memref_slice %arg3[%mul3A_85] : memref<320000xi32, #tpu.memory_space<hbm>> -> memref<128xi32, #tpu.memory_space<hbm>>
      %dma_wait3A_86 = tpu.memref_slice %arg3[%mul3A_85] : memref<320000xi32, #tpu.memory_space<hbm>> -> memref<128xi32, #tpu.memory_space<hbm>>
      tpu.wait_dma2 semaphore(%arg11 : memref<!tpu.dma_semaphore, #tpu.memory_space<semaphore_mem>>) src(%dma_wait3A_86 : memref<128xi32, #tpu.memory_space<hbm>>) dst(%arg7 : memref<128xi32, #tpu.memory_space<vmem>>)
      %mul3A_87 = arith.constant 128 : i32
      %mul3A_88 = arith.muli %add3A_83, %mul3A_87 : i32
      %dma_wait3A_89 = arith.constant 0 : i32
      %dma_wait3A_90 = tpu.memref_slice %arg2[%mul3A_88, %dma_wait3A_89] : memref<320000x128xf32, #tpu.memory_space<hbm>> -> memref<128x128xf32, #tpu.memory_space<hbm>>
      %dma_wait3A_91 = arith.constant 0 : i32
      %dma_wait3A_92 = tpu.memref_slice %arg2[%mul3A_88, %dma_wait3A_91] : memref<320000x128xf32, #tpu.memory_space<hbm>> -> memref<128x128xf32, #tpu.memory_space<hbm>>
      tpu.wait_dma2 semaphore(%arg11 : memref<!tpu.dma_semaphore, #tpu.memory_space<semaphore_mem>>) src(%dma_wait3A_92 : memref<128x128xf32, #tpu.memory_space<hbm>>) dst(%arg9 : memref<128x128xf32, #tpu.memory_space<vmem>>)
      "tpu.region"() ({
        %run_scoped3A = tpu.sem_alloc : memref<!tpu.dma_semaphore, #tpu.memory_space<semaphore_mem>>
        %dma_start3A_115 = arith.constant 0 : i32
        %dma_start3A_116 = arith.constant 0 : i32
        %dma_start3A_117 = tpu.memref_slice %arg6[%dma_start3A_115, %dma_start3A_116] : memref<10000x128xf32, #tpu.memory_space<vmem_shared>> -> memref<10000x128xf32, #tpu.memory_space<vmem_shared>>
        tpu.enqueue_indirect_dma source(%arg9 : memref<128x128xf32, #tpu.memory_space<vmem>>) target(%dma_start3A_117 : memref<10000x128xf32, #tpu.memory_space<vmem_shared>>) offsets(%arg7 : memref<128xi32, #tpu.memory_space<vmem>>) semaphore(%run_scoped3A : memref<!tpu.dma_semaphore, #tpu.memory_space<semaphore_mem>>) {add = true}
        %dma_wait3A_118 = arith.constant 0 : i32
        %dma_wait3A_119 = arith.constant 0 : i32
        %dma_wait3A_120 = tpu.memref_slice %arg6[%dma_wait3A_118, %dma_wait3A_119] : memref<10000x128xf32, #tpu.memory_space<vmem_shared>> -> memref<10000x128xf32, #tpu.memory_space<vmem_shared>>
        tpu.wait_indirect_dma semaphore(%run_scoped3A : memref<!tpu.dma_semaphore, #tpu.memory_space<semaphore_mem>>) src(%arg9 : memref<128x128xf32, #tpu.memory_space<vmem>>) dst(%dma_wait3A_120 : memref<10000x128xf32, #tpu.memory_space<vmem_shared>>)
        tpu.yield
      }) : () -> ()
      %lt3A_93 = arith.constant 38 : i32
      %lt3A_94 = arith.cmpi slt, %scan3A_78, %lt3A_93 : i32
      %convert_element_type3A_95 = arith.extui %lt3A_94 : i1 to i32
      %cond3A_96 = arith.constant 0 : i32
      %cond3A_97 = arith.cmpi ne, %convert_element_type3A_95, %cond3A_96 : i32
      scf.if %cond3A_97 {
        %add3A_115 = arith.constant 64 : i32
        %add3A_116 = arith.addi %add3A_83, %add3A_115 : i32
        %mul3A_117 = arith.constant 128 : i32
        %mul3A_118 = arith.muli %add3A_116, %mul3A_117 : i32
        %dma_start3A_119 = tpu.memref_slice %arg3[%mul3A_118] : memref<320000xi32, #tpu.memory_space<hbm>> -> memref<128xi32, #tpu.memory_space<hbm>>
        %dma_start3A_120 = tpu.memref_slice %arg3[%mul3A_118] : memref<320000xi32, #tpu.memory_space<hbm>> -> memref<128xi32, #tpu.memory_space<hbm>>
        tpu.enqueue_dma source(%dma_start3A_120 : memref<128xi32, #tpu.memory_space<hbm>>) target(%arg7 : memref<128xi32, #tpu.memory_space<vmem>>) target_semaphore(%arg11 : memref<!tpu.dma_semaphore, #tpu.memory_space<semaphore_mem>>)
        %mul3A_121 = arith.constant 128 : i32
        %mul3A_122 = arith.muli %add3A_116, %mul3A_121 : i32
        %dma_start3A_123 = arith.constant 0 : i32
        %dma_start3A_124 = tpu.memref_slice %arg2[%mul3A_122, %dma_start3A_123] : memref<320000x128xf32, #tpu.memory_space<hbm>> -> memref<128x128xf32, #tpu.memory_space<hbm>>
        %dma_start3A_125 = arith.constant 0 : i32
        %dma_start3A_126 = tpu.memref_slice %arg2[%mul3A_122, %dma_start3A_125] : memref<320000x128xf32, #tpu.memory_space<hbm>> -> memref<128x128xf32, #tpu.memory_space<hbm>>
        tpu.enqueue_dma source(%dma_start3A_126 : memref<128x128xf32, #tpu.memory_space<hbm>>) target(%arg9 : memref<128x128xf32, #tpu.memory_space<vmem>>) target_semaphore(%arg11 : memref<!tpu.dma_semaphore, #tpu.memory_space<semaphore_mem>>)
      } else {
      }
      %add3A_98 = arith.constant 32 : i32
      %add3A_99 = arith.addi %add3A_83, %add3A_98 : i32
      %mul3A_100 = arith.constant 128 : i32
      %mul3A_101 = arith.muli %add3A_99, %mul3A_100 : i32
      %dma_wait3A_102 = tpu.memref_slice %arg3[%mul3A_101] : memref<320000xi32, #tpu.memory_space<hbm>> -> memref<128xi32, #tpu.memory_space<hbm>>
      %dma_wait3A_103 = tpu.memref_slice %arg3[%mul3A_101] : memref<320000xi32, #tpu.memory_space<hbm>> -> memref<128xi32, #tpu.memory_space<hbm>>
      tpu.wait_dma2 semaphore(%arg12 : memref<!tpu.dma_semaphore, #tpu.memory_space<semaphore_mem>>) src(%dma_wait3A_103 : memref<128xi32, #tpu.memory_space<hbm>>) dst(%arg8 : memref<128xi32, #tpu.memory_space<vmem>>)
      %mul3A_104 = arith.constant 128 : i32
      %mul3A_105 = arith.muli %add3A_99, %mul3A_104 : i32
      %dma_wait3A_106 = arith.constant 0 : i32
      %dma_wait3A_107 = tpu.memref_slice %arg2[%mul3A_105, %dma_wait3A_106] : memref<320000x128xf32, #tpu.memory_space<hbm>> -> memref<128x128xf32, #tpu.memory_space<hbm>>
      %dma_wait3A_108 = arith.constant 0 : i32
      %dma_wait3A_109 = tpu.memref_slice %arg2[%mul3A_105, %dma_wait3A_108] : memref<320000x128xf32, #tpu.memory_space<hbm>> -> memref<128x128xf32, #tpu.memory_space<hbm>>
      tpu.wait_dma2 semaphore(%arg12 : memref<!tpu.dma_semaphore, #tpu.memory_space<semaphore_mem>>) src(%dma_wait3A_109 : memref<128x128xf32, #tpu.memory_space<hbm>>) dst(%arg10 : memref<128x128xf32, #tpu.memory_space<vmem>>)
      "tpu.region"() ({
        %run_scoped3A = tpu.sem_alloc : memref<!tpu.dma_semaphore, #tpu.memory_space<semaphore_mem>>
        %dma_start3A_115 = arith.constant 0 : i32
        %dma_start3A_116 = arith.constant 0 : i32
        %dma_start3A_117 = tpu.memref_slice %arg6[%dma_start3A_115, %dma_start3A_116] : memref<10000x128xf32, #tpu.memory_space<vmem_shared>> -> memref<10000x128xf32, #tpu.memory_space<vmem_shared>>
        tpu.enqueue_indirect_dma source(%arg10 : memref<128x128xf32, #tpu.memory_space<vmem>>) target(%dma_start3A_117 : memref<10000x128xf32, #tpu.memory_space<vmem_shared>>) offsets(%arg8 : memref<128xi32, #tpu.memory_space<vmem>>) semaphore(%run_scoped3A : memref<!tpu.dma_semaphore, #tpu.memory_space<semaphore_mem>>) {add = true}
        %dma_wait3A_118 = arith.constant 0 : i32
        %dma_wait3A_119 = arith.constant 0 : i32
        %dma_wait3A_120 = tpu.memref_slice %arg6[%dma_wait3A_118, %dma_wait3A_119] : memref<10000x128xf32, #tpu.memory_space<vmem_shared>> -> memref<10000x128xf32, #tpu.memory_space<vmem_shared>>
        tpu.wait_indirect_dma semaphore(%run_scoped3A : memref<!tpu.dma_semaphore, #tpu.memory_space<semaphore_mem>>) src(%arg10 : memref<128x128xf32, #tpu.memory_space<vmem>>) dst(%dma_wait3A_120 : memref<10000x128xf32, #tpu.memory_space<vmem_shared>>)
        tpu.yield
      }) : () -> ()
      %lt3A_110 = arith.constant 38 : i32
      %lt3A_111 = arith.cmpi slt, %scan3A_78, %lt3A_110 : i32
      %convert_element_type3A_112 = arith.extui %lt3A_111 : i1 to i32
      %cond3A_113 = arith.constant 0 : i32
      %cond3A_114 = arith.cmpi ne, %convert_element_type3A_112, %cond3A_113 : i32
      scf.if %cond3A_114 {
        %add3A_115 = arith.constant 64 : i32
        %add3A_116 = arith.addi %add3A_99, %add3A_115 : i32
        %mul3A_117 = arith.constant 128 : i32
        %mul3A_118 = arith.muli %add3A_116, %mul3A_117 : i32
        %dma_start3A_119 = tpu.memref_slice %arg3[%mul3A_118] : memref<320000xi32, #tpu.memory_space<hbm>> -> memref<128xi32, #tpu.memory_space<hbm>>
        %dma_start3A_120 = tpu.memref_slice %arg3[%mul3A_118] : memref<320000xi32, #tpu.memory_space<hbm>> -> memref<128xi32, #tpu.memory_space<hbm>>
        tpu.enqueue_dma source(%dma_start3A_120 : memref<128xi32, #tpu.memory_space<hbm>>) target(%arg8 : memref<128xi32, #tpu.memory_space<vmem>>) target_semaphore(%arg12 : memref<!tpu.dma_semaphore, #tpu.memory_space<semaphore_mem>>)
        %mul3A_121 = arith.constant 128 : i32
        %mul3A_122 = arith.muli %add3A_116, %mul3A_121 : i32
        %dma_start3A_123 = arith.constant 0 : i32
        %dma_start3A_124 = tpu.memref_slice %arg2[%mul3A_122, %dma_start3A_123] : memref<320000x128xf32, #tpu.memory_space<hbm>> -> memref<128x128xf32, #tpu.memory_space<hbm>>
        %dma_start3A_125 = arith.constant 0 : i32
        %dma_start3A_126 = tpu.memref_slice %arg2[%mul3A_122, %dma_start3A_125] : memref<320000x128xf32, #tpu.memory_space<hbm>> -> memref<128x128xf32, #tpu.memory_space<hbm>>
        tpu.enqueue_dma source(%dma_start3A_126 : memref<128x128xf32, #tpu.memory_space<hbm>>) target(%arg10 : memref<128x128xf32, #tpu.memory_space<vmem>>) target_semaphore(%arg12 : memref<!tpu.dma_semaphore, #tpu.memory_space<semaphore_mem>>)
      } else {
      }
    }
    %scan3A_40 = arith.constant 39 : i32
    %lt3A = arith.constant 4 : i32
    %lt3A_41 = arith.cmpi slt, %add3A, %lt3A : i32
    %convert_element_type3A_42 = arith.extui %lt3A_41 : i1 to i32
    %cond3A_43 = arith.constant 0 : i32
    %cond3A_44 = arith.cmpi ne, %convert_element_type3A_42, %cond3A_43 : i32
    scf.if %cond3A_44 {
      %add3A_78 = arith.constant 2496 : i32
      %add3A_79 = arith.addi %add3A_78, %add3A : i32
      %mul3A_80 = arith.constant 128 : i32
      %mul3A_81 = arith.muli %add3A_79, %mul3A_80 : i32
      "tpu.region"() ({
        %run_scoped3A = tpu.sem_alloc : memref<!tpu.dma_semaphore, #tpu.memory_space<semaphore_mem>>
        %dma_start3A_84 = tpu.memref_slice %arg3[%mul3A_81] : memref<320000xi32, #tpu.memory_space<hbm>> -> memref<128xi32, #tpu.memory_space<hbm>>
        %dma_start3A_85 = tpu.memref_slice %arg3[%mul3A_81] : memref<320000xi32, #tpu.memory_space<hbm>> -> memref<128xi32, #tpu.memory_space<hbm>>
        tpu.enqueue_dma source(%dma_start3A_85 : memref<128xi32, #tpu.memory_space<hbm>>) target(%arg7 : memref<128xi32, #tpu.memory_space<vmem>>) target_semaphore(%run_scoped3A : memref<!tpu.dma_semaphore, #tpu.memory_space<semaphore_mem>>)
        %dma_wait3A = tpu.memref_slice %arg3[%mul3A_81] : memref<320000xi32, #tpu.memory_space<hbm>> -> memref<128xi32, #tpu.memory_space<hbm>>
        %dma_wait3A_86 = tpu.memref_slice %arg3[%mul3A_81] : memref<320000xi32, #tpu.memory_space<hbm>> -> memref<128xi32, #tpu.memory_space<hbm>>
        tpu.wait_dma2 semaphore(%run_scoped3A : memref<!tpu.dma_semaphore, #tpu.memory_space<semaphore_mem>>) src(%dma_wait3A_86 : memref<128xi32, #tpu.memory_space<hbm>>) dst(%arg7 : memref<128xi32, #tpu.memory_space<vmem>>)
        tpu.yield
      }) : () -> ()
      %mul3A_82 = arith.constant 128 : i32
      %mul3A_83 = arith.muli %add3A_79, %mul3A_82 : i32
      "tpu.region"() ({
        %run_scoped3A = tpu.sem_alloc : memref<!tpu.dma_semaphore, #tpu.memory_space<semaphore_mem>>
        %dma_start3A_84 = arith.constant 0 : i32
        %dma_start3A_85 = tpu.memref_slice %arg2[%mul3A_83, %dma_start3A_84] : memref<320000x128xf32, #tpu.memory_space<hbm>> -> memref<128x128xf32, #tpu.memory_space<hbm>>
        %dma_start3A_86 = arith.constant 0 : i32
        %dma_start3A_87 = tpu.memref_slice %arg2[%mul3A_83, %dma_start3A_86] : memref<320000x128xf32, #tpu.memory_space<hbm>> -> memref<128x128xf32, #tpu.memory_space<hbm>>
        tpu.enqueue_dma source(%dma_start3A_87 : memref<128x128xf32, #tpu.memory_space<hbm>>) target(%arg9 : memref<128x128xf32, #tpu.memory_space<vmem>>) target_semaphore(%run_scoped3A : memref<!tpu.dma_semaphore, #tpu.memory_space<semaphore_mem>>)
        %dma_wait3A = arith.constant 0 : i32
        %dma_wait3A_88 = tpu.memref_slice %arg2[%mul3A_83, %dma_wait3A] : memref<320000x128xf32, #tpu.memory_space<hbm>> -> memref<128x128xf32, #tpu.memory_space<hbm>>
        %dma_wait3A_89 = arith.constant 0 : i32
        %dma_wait3A_90 = tpu.memref_slice %arg2[%mul3A_83, %dma_wait3A_89] : memref<320000x128xf32, #tpu.memory_space<hbm>> -> memref<128x128xf32, #tpu.memory_space<hbm>>
        tpu.wait_dma2 semaphore(%run_scoped3A : memref<!tpu.dma_semaphore, #tpu.memory_space<semaphore_mem>>) src(%dma_wait3A_90 : memref<128x128xf32, #tpu.memory_space<hbm>>) dst(%arg9 : memref<128x128xf32, #tpu.memory_space<vmem>>)
        tpu.yield
      }) : () -> ()
      "tpu.region"() ({
        %run_scoped3A = tpu.sem_alloc : memref<!tpu.dma_semaphore, #tpu.memory_space<semaphore_mem>>
        %dma_start3A_84 = arith.constant 0 : i32
        %dma_start3A_85 = arith.constant 0 : i32
        %dma_start3A_86 = tpu.memref_slice %arg6[%dma_start3A_84, %dma_start3A_85] : memref<10000x128xf32, #tpu.memory_space<vmem_shared>> -> memref<10000x128xf32, #tpu.memory_space<vmem_shared>>
        tpu.enqueue_indirect_dma source(%arg9 : memref<128x128xf32, #tpu.memory_space<vmem>>) target(%dma_start3A_86 : memref<10000x128xf32, #tpu.memory_space<vmem_shared>>) offsets(%arg7 : memref<128xi32, #tpu.memory_space<vmem>>) semaphore(%run_scoped3A : memref<!tpu.dma_semaphore, #tpu.memory_space<semaphore_mem>>) {add = true}
        %dma_wait3A = arith.constant 0 : i32
        %dma_wait3A_87 = arith.constant 0 : i32
        %dma_wait3A_88 = tpu.memref_slice %arg6[%dma_wait3A, %dma_wait3A_87] : memref<10000x128xf32, #tpu.memory_space<vmem_shared>> -> memref<10000x128xf32, #tpu.memory_space<vmem_shared>>
        tpu.wait_indirect_dma semaphore(%run_scoped3A : memref<!tpu.dma_semaphore, #tpu.memory_space<semaphore_mem>>) src(%arg9 : memref<128x128xf32, #tpu.memory_space<vmem>>) dst(%dma_wait3A_88 : memref<10000x128xf32, #tpu.memory_space<vmem_shared>>)
        tpu.yield
      }) : () -> ()
    } else {
    }
    %barrier3A_45 = arith.constant 0 : index
    tpu.barrier barrier_id(%barrier3A_45)
    %mul3A_46 = arith.constant 624 : i32
    %mul3A_47 = arith.muli %arg1, %mul3A_46 : i32
    %add3A_48 = arith.constant 0 : i32
    %add3A_49 = arith.addi %mul3A_47, %add3A_48 : i32
    "tpu.region"() ({
      %run_scoped3A = tpu.sem_alloc : memref<!tpu.dma_semaphore, #tpu.memory_space<semaphore_mem>>
      %dma_start3A_78 = arith.constant 0 : i32
      %dma_start3A_79 = arith.constant 0 : i32
      %dma_start3A_80 = tpu.memref_slice %arg9[%dma_start3A_78, %dma_start3A_79] : memref<128x128xf32, #tpu.memory_space<vmem>> -> memref<128x128xf32, #tpu.memory_space<vmem>>
      %dma_start3A_81 = arith.constant 0 : i32
      %dma_start3A_82 = tpu.memref_slice %arg6[%add3A_49, %dma_start3A_81] : memref<10000x128xf32, #tpu.memory_space<vmem_shared>> -> memref<128x128xf32, #tpu.memory_space<vmem_shared>>
      %dma_start3A_83 = arith.constant 0 : i32
      %dma_start3A_84 = arith.constant 0 : i32
      %dma_start3A_85 = tpu.memref_slice %arg9[%dma_start3A_83, %dma_start3A_84] : memref<128x128xf32, #tpu.memory_space<vmem>> -> memref<128x128xf32, #tpu.memory_space<vmem>>
      %dma_start3A_86 = arith.constant 0 : i32
      %dma_start3A_87 = tpu.memref_slice %arg6[%add3A_49, %dma_start3A_86] : memref<10000x128xf32, #tpu.memory_space<vmem_shared>> -> memref<128x128xf32, #tpu.memory_space<vmem_shared>>
      tpu.enqueue_dma source(%dma_start3A_87 : memref<128x128xf32, #tpu.memory_space<vmem_shared>>) target(%dma_start3A_85 : memref<128x128xf32, #tpu.memory_space<vmem>>) target_semaphore(%run_scoped3A : memref<!tpu.dma_semaphore, #tpu.memory_space<semaphore_mem>>)
      %dma_wait3A = arith.constant 0 : i32
      %dma_wait3A_88 = arith.constant 0 : i32
      %dma_wait3A_89 = tpu.memref_slice %arg9[%dma_wait3A, %dma_wait3A_88] : memref<128x128xf32, #tpu.memory_space<vmem>> -> memref<128x128xf32, #tpu.memory_space<vmem>>
      %dma_wait3A_90 = arith.constant 0 : i32
      %dma_wait3A_91 = tpu.memref_slice %arg6[%add3A_49, %dma_wait3A_90] : memref<10000x128xf32, #tpu.memory_space<vmem_shared>> -> memref<128x128xf32, #tpu.memory_space<vmem_shared>>
      %dma_wait3A_92 = arith.constant 0 : i32
      %dma_wait3A_93 = arith.constant 0 : i32
      %dma_wait3A_94 = tpu.memref_slice %arg9[%dma_wait3A_92, %dma_wait3A_93] : memref<128x128xf32, #tpu.memory_space<vmem>> -> memref<128x128xf32, #tpu.memory_space<vmem>>
      %dma_wait3A_95 = arith.constant 0 : i32
      %dma_wait3A_96 = tpu.memref_slice %arg6[%add3A_49, %dma_wait3A_95] : memref<10000x128xf32, #tpu.memory_space<vmem_shared>> -> memref<128x128xf32, #tpu.memory_space<vmem_shared>>
      tpu.wait_dma2 semaphore(%run_scoped3A : memref<!tpu.dma_semaphore, #tpu.memory_space<semaphore_mem>>) src(%dma_wait3A_96 : memref<128x128xf32, #tpu.memory_space<vmem_shared>>) dst(%dma_wait3A_94 : memref<128x128xf32, #tpu.memory_space<vmem>>)
      tpu.yield
    }) : () -> ()
    %mul3A_50 = arith.constant 10000 : i32
    %mul3A_51 = arith.muli %arg0, %mul3A_50 : i32
    %add3A_52 = arith.addi %mul3A_51, %add3A_49 : i32
    "tpu.region"() ({
      %run_scoped3A = tpu.sem_alloc : memref<!tpu.dma_semaphore, #tpu.memory_space<semaphore_mem>>
      %dma_start3A_78 = arith.constant 0 : i32
      %dma_start3A_79 = arith.constant 0 : i32
      %dma_start3A_80 = tpu.memref_slice %arg9[%dma_start3A_78, %dma_start3A_79] : memref<128x128xf32, #tpu.memory_space<vmem>> -> memref<128x128xf32, #tpu.memory_space<vmem>>
      %dma_start3A_81 = arith.constant 0 : i32
      %dma_start3A_82 = tpu.memref_slice %arg5[%add3A_52, %dma_start3A_81] : memref<20000x128xf32, #tpu.memory_space<hbm>> -> memref<128x128xf32, #tpu.memory_space<hbm>>
      %dma_start3A_83 = arith.constant 0 : i32
      %dma_start3A_84 = tpu.memref_slice %arg5[%add3A_52, %dma_start3A_83] : memref<20000x128xf32, #tpu.memory_space<hbm>> -> memref<128x128xf32, #tpu.memory_space<hbm>>
      %dma_start3A_85 = arith.constant 0 : i32
      %dma_start3A_86 = arith.constant 0 : i32
      %dma_start3A_87 = tpu.memref_slice %arg9[%dma_start3A_85, %dma_start3A_86] : memref<128x128xf32, #tpu.memory_space<vmem>> -> memref<128x128xf32, #tpu.memory_space<vmem>>
      tpu.enqueue_dma source(%dma_start3A_87 : memref<128x128xf32, #tpu.memory_space<vmem>>) target(%dma_start3A_84 : memref<128x128xf32, #tpu.memory_space<hbm>>) target_semaphore(%run_scoped3A : memref<!tpu.dma_semaphore, #tpu.memory_space<semaphore_mem>>)
      %dma_wait3A = arith.constant 0 : i32
      %dma_wait3A_88 = arith.constant 0 : i32
      %dma_wait3A_89 = tpu.memref_slice %arg9[%dma_wait3A, %dma_wait3A_88] : memref<128x128xf32, #tpu.memory_space<vmem>> -> memref<128x128xf32, #tpu.memory_space<vmem>>
      %dma_wait3A_90 = arith.constant 0 : i32
      %dma_wait3A_91 = tpu.memref_slice %arg5[%add3A_52, %dma_wait3A_90] : memref<20000x128xf32, #tpu.memory_space<hbm>> -> memref<128x128xf32, #tpu.memory_space<hbm>>
      %dma_wait3A_92 = arith.constant 0 : i32
      %dma_wait3A_93 = tpu.memref_slice %arg5[%add3A_52, %dma_wait3A_92] : memref<20000x128xf32, #tpu.memory_space<hbm>> -> memref<128x128xf32, #tpu.memory_space<hbm>>
      %dma_wait3A_94 = arith.constant 0 : i32
      %dma_wait3A_95 = arith.constant 0 : i32
      %dma_wait3A_96 = tpu.memref_slice %arg9[%dma_wait3A_94, %dma_wait3A_95] : memref<128x128xf32, #tpu.memory_space<vmem>> -> memref<128x128xf32, #tpu.memory_space<vmem>>
      tpu.wait_dma2 semaphore(%run_scoped3A : memref<!tpu.dma_semaphore, #tpu.memory_space<semaphore_mem>>) src(%dma_wait3A_96 : memref<128x128xf32, #tpu.memory_space<vmem>>) dst(%dma_wait3A_93 : memref<128x128xf32, #tpu.memory_space<hbm>>)
      tpu.yield
    }) : () -> ()
    %add3A_53 = arith.constant 128 : i32
    %add3A_54 = arith.addi %mul3A_47, %add3A_53 : i32
    "tpu.region"() ({
      %run_scoped3A = tpu.sem_alloc : memref<!tpu.dma_semaphore, #tpu.memory_space<semaphore_mem>>
      %dma_start3A_78 = arith.constant 0 : i32
      %dma_start3A_79 = arith.constant 0 : i32
      %dma_start3A_80 = tpu.memref_slice %arg9[%dma_start3A_78, %dma_start3A_79] : memref<128x128xf32, #tpu.memory_space<vmem>> -> memref<128x128xf32, #tpu.memory_space<vmem>>
      %dma_start3A_81 = arith.constant 0 : i32
      %dma_start3A_82 = tpu.memref_slice %arg6[%add3A_54, %dma_start3A_81] : memref<10000x128xf32, #tpu.memory_space<vmem_shared>> -> memref<128x128xf32, #tpu.memory_space<vmem_shared>>
      %dma_start3A_83 = arith.constant 0 : i32
      %dma_start3A_84 = arith.constant 0 : i32
      %dma_start3A_85 = tpu.memref_slice %arg9[%dma_start3A_83, %dma_start3A_84] : memref<128x128xf32, #tpu.memory_space<vmem>> -> memref<128x128xf32, #tpu.memory_space<vmem>>
      %dma_start3A_86 = arith.constant 0 : i32
      %dma_start3A_87 = tpu.memref_slice %arg6[%add3A_54, %dma_start3A_86] : memref<10000x128xf32, #tpu.memory_space<vmem_shared>> -> memref<128x128xf32, #tpu.memory_space<vmem_shared>>
      tpu.enqueue_dma source(%dma_start3A_87 : memref<128x128xf32, #tpu.memory_space<vmem_shared>>) target(%dma_start3A_85 : memref<128x128xf32, #tpu.memory_space<vmem>>) target_semaphore(%run_scoped3A : memref<!tpu.dma_semaphore, #tpu.memory_space<semaphore_mem>>)
      %dma_wait3A = arith.constant 0 : i32
      %dma_wait3A_88 = arith.constant 0 : i32
      %dma_wait3A_89 = tpu.memref_slice %arg9[%dma_wait3A, %dma_wait3A_88] : memref<128x128xf32, #tpu.memory_space<vmem>> -> memref<128x128xf32, #tpu.memory_space<vmem>>
      %dma_wait3A_90 = arith.constant 0 : i32
      %dma_wait3A_91 = tpu.memref_slice %arg6[%add3A_54, %dma_wait3A_90] : memref<10000x128xf32, #tpu.memory_space<vmem_shared>> -> memref<128x128xf32, #tpu.memory_space<vmem_shared>>
      %dma_wait3A_92 = arith.constant 0 : i32
      %dma_wait3A_93 = arith.constant 0 : i32
      %dma_wait3A_94 = tpu.memref_slice %arg9[%dma_wait3A_92, %dma_wait3A_93] : memref<128x128xf32, #tpu.memory_space<vmem>> -> memref<128x128xf32, #tpu.memory_space<vmem>>
      %dma_wait3A_95 = arith.constant 0 : i32
      %dma_wait3A_96 = tpu.memref_slice %arg6[%add3A_54, %dma_wait3A_95] : memref<10000x128xf32, #tpu.memory_space<vmem_shared>> -> memref<128x128xf32, #tpu.memory_space<vmem_shared>>
      tpu.wait_dma2 semaphore(%run_scoped3A : memref<!tpu.dma_semaphore, #tpu.memory_space<semaphore_mem>>) src(%dma_wait3A_96 : memref<128x128xf32, #tpu.memory_space<vmem_shared>>) dst(%dma_wait3A_94 : memref<128x128xf32, #tpu.memory_space<vmem>>)
      tpu.yield
    }) : () -> ()
    %mul3A_55 = arith.constant 10000 : i32
    %mul3A_56 = arith.muli %arg0, %mul3A_55 : i32
    %add3A_57 = arith.addi %mul3A_56, %add3A_54 : i32
    "tpu.region"() ({
      %run_scoped3A = tpu.sem_alloc : memref<!tpu.dma_semaphore, #tpu.memory_space<semaphore_mem>>
      %dma_start3A_78 = arith.constant 0 : i32
      %dma_start3A_79 = arith.constant 0 : i32
      %dma_start3A_80 = tpu.memref_slice %arg9[%dma_start3A_78, %dma_start3A_79] : memref<128x128xf32, #tpu.memory_space<vmem>> -> memref<128x128xf32, #tpu.memory_space<vmem>>
      %dma_start3A_81 = arith.constant 0 : i32
      %dma_start3A_82 = tpu.memref_slice %arg5[%add3A_57, %dma_start3A_81] : memref<20000x128xf32, #tpu.memory_space<hbm>> -> memref<128x128xf32, #tpu.memory_space<hbm>>
      %dma_start3A_83 = arith.constant 0 : i32
      %dma_start3A_84 = tpu.memref_slice %arg5[%add3A_57, %dma_start3A_83] : memref<20000x128xf32, #tpu.memory_space<hbm>> -> memref<128x128xf32, #tpu.memory_space<hbm>>
      %dma_start3A_85 = arith.constant 0 : i32
      %dma_start3A_86 = arith.constant 0 : i32
      %dma_start3A_87 = tpu.memref_slice %arg9[%dma_start3A_85, %dma_start3A_86] : memref<128x128xf32, #tpu.memory_space<vmem>> -> memref<128x128xf32, #tpu.memory_space<vmem>>
      tpu.enqueue_dma source(%dma_start3A_87 : memref<128x128xf32, #tpu.memory_space<vmem>>) target(%dma_start3A_84 : memref<128x128xf32, #tpu.memory_space<hbm>>) target_semaphore(%run_scoped3A : memref<!tpu.dma_semaphore, #tpu.memory_space<semaphore_mem>>)
      %dma_wait3A = arith.constant 0 : i32
      %dma_wait3A_88 = arith.constant 0 : i32
      %dma_wait3A_89 = tpu.memref_slice %arg9[%dma_wait3A, %dma_wait3A_88] : memref<128x128xf32, #tpu.memory_space<vmem>> -> memref<128x128xf32, #tpu.memory_space<vmem>>
      %dma_wait3A_90 = arith.constant 0 : i32
      %dma_wait3A_91 = tpu.memref_slice %arg5[%add3A_57, %dma_wait3A_90] : memref<20000x128xf32, #tpu.memory_space<hbm>> -> memref<128x128xf32, #tpu.memory_space<hbm>>
      %dma_wait3A_92 = arith.constant 0 : i32
      %dma_wait3A_93 = tpu.memref_slice %arg5[%add3A_57, %dma_wait3A_92] : memref<20000x128xf32, #tpu.memory_space<hbm>> -> memref<128x128xf32, #tpu.memory_space<hbm>>
      %dma_wait3A_94 = arith.constant 0 : i32
      %dma_wait3A_95 = arith.constant 0 : i32
      %dma_wait3A_96 = tpu.memref_slice %arg9[%dma_wait3A_94, %dma_wait3A_95] : memref<128x128xf32, #tpu.memory_space<vmem>> -> memref<128x128xf32, #tpu.memory_space<vmem>>
      tpu.wait_dma2 semaphore(%run_scoped3A : memref<!tpu.dma_semaphore, #tpu.memory_space<semaphore_mem>>) src(%dma_wait3A_96 : memref<128x128xf32, #tpu.memory_space<vmem>>) dst(%dma_wait3A_93 : memref<128x128xf32, #tpu.memory_space<hbm>>)
      tpu.yield
    }) : () -> ()
    %add3A_58 = arith.constant 256 : i32
    %add3A_59 = arith.addi %mul3A_47, %add3A_58 : i32
    "tpu.region"() ({
      %run_scoped3A = tpu.sem_alloc : memref<!tpu.dma_semaphore, #tpu.memory_space<semaphore_mem>>
      %dma_start3A_78 = arith.constant 0 : i32
      %dma_start3A_79 = arith.constant 0 : i32
      %dma_start3A_80 = tpu.memref_slice %arg9[%dma_start3A_78, %dma_start3A_79] : memref<128x128xf32, #tpu.memory_space<vmem>> -> memref<128x128xf32, #tpu.memory_space<vmem>>
      %dma_start3A_81 = arith.constant 0 : i32
      %dma_start3A_82 = tpu.memref_slice %arg6[%add3A_59, %dma_start3A_81] : memref<10000x128xf32, #tpu.memory_space<vmem_shared>> -> memref<128x128xf32, #tpu.memory_space<vmem_shared>>
      %dma_start3A_83 = arith.constant 0 : i32
      %dma_start3A_84 = arith.constant 0 : i32
      %dma_start3A_85 = tpu.memref_slice %arg9[%dma_start3A_83, %dma_start3A_84] : memref<128x128xf32, #tpu.memory_space<vmem>> -> memref<128x128xf32, #tpu.memory_space<vmem>>
      %dma_start3A_86 = arith.constant 0 : i32
      %dma_start3A_87 = tpu.memref_slice %arg6[%add3A_59, %dma_start3A_86] : memref<10000x128xf32, #tpu.memory_space<vmem_shared>> -> memref<128x128xf32, #tpu.memory_space<vmem_shared>>
      tpu.enqueue_dma source(%dma_start3A_87 : memref<128x128xf32, #tpu.memory_space<vmem_shared>>) target(%dma_start3A_85 : memref<128x128xf32, #tpu.memory_space<vmem>>) target_semaphore(%run_scoped3A : memref<!tpu.dma_semaphore, #tpu.memory_space<semaphore_mem>>)
      %dma_wait3A = arith.constant 0 : i32
      %dma_wait3A_88 = arith.constant 0 : i32
      %dma_wait3A_89 = tpu.memref_slice %arg9[%dma_wait3A, %dma_wait3A_88] : memref<128x128xf32, #tpu.memory_space<vmem>> -> memref<128x128xf32, #tpu.memory_space<vmem>>
      %dma_wait3A_90 = arith.constant 0 : i32
      %dma_wait3A_91 = tpu.memref_slice %arg6[%add3A_59, %dma_wait3A_90] : memref<10000x128xf32, #tpu.memory_space<vmem_shared>> -> memref<128x128xf32, #tpu.memory_space<vmem_shared>>
      %dma_wait3A_92 = arith.constant 0 : i32
      %dma_wait3A_93 = arith.constant 0 : i32
      %dma_wait3A_94 = tpu.memref_slice %arg9[%dma_wait3A_92, %dma_wait3A_93] : memref<128x128xf32, #tpu.memory_space<vmem>> -> memref<128x128xf32, #tpu.memory_space<vmem>>
      %dma_wait3A_95 = arith.constant 0 : i32
      %dma_wait3A_96 = tpu.memref_slice %arg6[%add3A_59, %dma_wait3A_95] : memref<10000x128xf32, #tpu.memory_space<vmem_shared>> -> memref<128x128xf32, #tpu.memory_space<vmem_shared>>
      tpu.wait_dma2 semaphore(%run_scoped3A : memref<!tpu.dma_semaphore, #tpu.memory_space<semaphore_mem>>) src(%dma_wait3A_96 : memref<128x128xf32, #tpu.memory_space<vmem_shared>>) dst(%dma_wait3A_94 : memref<128x128xf32, #tpu.memory_space<vmem>>)
      tpu.yield
    }) : () -> ()
    %mul3A_60 = arith.constant 10000 : i32
    %mul3A_61 = arith.muli %arg0, %mul3A_60 : i32
    %add3A_62 = arith.addi %mul3A_61, %add3A_59 : i32
    "tpu.region"() ({
      %run_scoped3A = tpu.sem_alloc : memref<!tpu.dma_semaphore, #tpu.memory_space<semaphore_mem>>
      %dma_start3A_78 = arith.constant 0 : i32
      %dma_start3A_79 = arith.constant 0 : i32
      %dma_start3A_80 = tpu.memref_slice %arg9[%dma_start3A_78, %dma_start3A_79] : memref<128x128xf32, #tpu.memory_space<vmem>> -> memref<128x128xf32, #tpu.memory_space<vmem>>
      %dma_start3A_81 = arith.constant 0 : i32
      %dma_start3A_82 = tpu.memref_slice %arg5[%add3A_62, %dma_start3A_81] : memref<20000x128xf32, #tpu.memory_space<hbm>> -> memref<128x128xf32, #tpu.memory_space<hbm>>
      %dma_start3A_83 = arith.constant 0 : i32
      %dma_start3A_84 = tpu.memref_slice %arg5[%add3A_62, %dma_start3A_83] : memref<20000x128xf32, #tpu.memory_space<hbm>> -> memref<128x128xf32, #tpu.memory_space<hbm>>
      %dma_start3A_85 = arith.constant 0 : i32
      %dma_start3A_86 = arith.constant 0 : i32
      %dma_start3A_87 = tpu.memref_slice %arg9[%dma_start3A_85, %dma_start3A_86] : memref<128x128xf32, #tpu.memory_space<vmem>> -> memref<128x128xf32, #tpu.memory_space<vmem>>
      tpu.enqueue_dma source(%dma_start3A_87 : memref<128x128xf32, #tpu.memory_space<vmem>>) target(%dma_start3A_84 : memref<128x128xf32, #tpu.memory_space<hbm>>) target_semaphore(%run_scoped3A : memref<!tpu.dma_semaphore, #tpu.memory_space<semaphore_mem>>)
      %dma_wait3A = arith.constant 0 : i32
      %dma_wait3A_88 = arith.constant 0 : i32
      %dma_wait3A_89 = tpu.memref_slice %arg9[%dma_wait3A, %dma_wait3A_88] : memref<128x128xf32, #tpu.memory_space<vmem>> -> memref<128x128xf32, #tpu.memory_space<vmem>>
      %dma_wait3A_90 = arith.constant 0 : i32
      %dma_wait3A_91 = tpu.memref_slice %arg5[%add3A_62, %dma_wait3A_90] : memref<20000x128xf32, #tpu.memory_space<hbm>> -> memref<128x128xf32, #tpu.memory_space<hbm>>
      %dma_wait3A_92 = arith.constant 0 : i32
      %dma_wait3A_93 = tpu.memref_slice %arg5[%add3A_62, %dma_wait3A_92] : memref<20000x128xf32, #tpu.memory_space<hbm>> -> memref<128x128xf32, #tpu.memory_space<hbm>>
      %dma_wait3A_94 = arith.constant 0 : i32
      %dma_wait3A_95 = arith.constant 0 : i32
      %dma_wait3A_96 = tpu.memref_slice %arg9[%dma_wait3A_94, %dma_wait3A_95] : memref<128x128xf32, #tpu.memory_space<vmem>> -> memref<128x128xf32, #tpu.memory_space<vmem>>
      tpu.wait_dma2 semaphore(%run_scoped3A : memref<!tpu.dma_semaphore, #tpu.memory_space<semaphore_mem>>) src(%dma_wait3A_96 : memref<128x128xf32, #tpu.memory_space<vmem>>) dst(%dma_wait3A_93 : memref<128x128xf32, #tpu.memory_space<hbm>>)
      tpu.yield
    }) : () -> ()
    %add3A_63 = arith.constant 384 : i32
    %add3A_64 = arith.addi %mul3A_47, %add3A_63 : i32
    "tpu.region"() ({
      %run_scoped3A = tpu.sem_alloc : memref<!tpu.dma_semaphore, #tpu.memory_space<semaphore_mem>>
      %dma_start3A_78 = arith.constant 0 : i32
      %dma_start3A_79 = arith.constant 0 : i32
      %dma_start3A_80 = tpu.memref_slice %arg9[%dma_start3A_78, %dma_start3A_79] : memref<128x128xf32, #tpu.memory_space<vmem>> -> memref<128x128xf32, #tpu.memory_space<vmem>>
      %dma_start3A_81 = arith.constant 0 : i32
      %dma_start3A_82 = tpu.memref_slice %arg6[%add3A_64, %dma_start3A_81] : memref<10000x128xf32, #tpu.memory_space<vmem_shared>> -> memref<128x128xf32, #tpu.memory_space<vmem_shared>>
      %dma_start3A_83 = arith.constant 0 : i32
      %dma_start3A_84 = arith.constant 0 : i32
      %dma_start3A_85 = tpu.memref_slice %arg9[%dma_start3A_83, %dma_start3A_84] : memref<128x128xf32, #tpu.memory_space<vmem>> -> memref<128x128xf32, #tpu.memory_space<vmem>>
      %dma_start3A_86 = arith.constant 0 : i32
      %dma_start3A_87 = tpu.memref_slice %arg6[%add3A_64, %dma_start3A_86] : memref<10000x128xf32, #tpu.memory_space<vmem_shared>> -> memref<128x128xf32, #tpu.memory_space<vmem_shared>>
      tpu.enqueue_dma source(%dma_start3A_87 : memref<128x128xf32, #tpu.memory_space<vmem_shared>>) target(%dma_start3A_85 : memref<128x128xf32, #tpu.memory_space<vmem>>) target_semaphore(%run_scoped3A : memref<!tpu.dma_semaphore, #tpu.memory_space<semaphore_mem>>)
      %dma_wait3A = arith.constant 0 : i32
      %dma_wait3A_88 = arith.constant 0 : i32
      %dma_wait3A_89 = tpu.memref_slice %arg9[%dma_wait3A, %dma_wait3A_88] : memref<128x128xf32, #tpu.memory_space<vmem>> -> memref<128x128xf32, #tpu.memory_space<vmem>>
      %dma_wait3A_90 = arith.constant 0 : i32
      %dma_wait3A_91 = tpu.memref_slice %arg6[%add3A_64, %dma_wait3A_90] : memref<10000x128xf32, #tpu.memory_space<vmem_shared>> -> memref<128x128xf32, #tpu.memory_space<vmem_shared>>
      %dma_wait3A_92 = arith.constant 0 : i32
      %dma_wait3A_93 = arith.constant 0 : i32
      %dma_wait3A_94 = tpu.memref_slice %arg9[%dma_wait3A_92, %dma_wait3A_93] : memref<128x128xf32, #tpu.memory_space<vmem>> -> memref<128x128xf32, #tpu.memory_space<vmem>>
      %dma_wait3A_95 = arith.constant 0 : i32
      %dma_wait3A_96 = tpu.memref_slice %arg6[%add3A_64, %dma_wait3A_95] : memref<10000x128xf32, #tpu.memory_space<vmem_shared>> -> memref<128x128xf32, #tpu.memory_space<vmem_shared>>
      tpu.wait_dma2 semaphore(%run_scoped3A : memref<!tpu.dma_semaphore, #tpu.memory_space<semaphore_mem>>) src(%dma_wait3A_96 : memref<128x128xf32, #tpu.memory_space<vmem_shared>>) dst(%dma_wait3A_94 : memref<128x128xf32, #tpu.memory_space<vmem>>)
      tpu.yield
    }) : () -> ()
    %mul3A_65 = arith.constant 10000 : i32
    %mul3A_66 = arith.muli %arg0, %mul3A_65 : i32
    %add3A_67 = arith.addi %mul3A_66, %add3A_64 : i32
    "tpu.region"() ({
      %run_scoped3A = tpu.sem_alloc : memref<!tpu.dma_semaphore, #tpu.memory_space<semaphore_mem>>
      %dma_start3A_78 = arith.constant 0 : i32
      %dma_start3A_79 = arith.constant 0 : i32
      %dma_start3A_80 = tpu.memref_slice %arg9[%dma_start3A_78, %dma_start3A_79] : memref<128x128xf32, #tpu.memory_space<vmem>> -> memref<128x128xf32, #tpu.memory_space<vmem>>
      %dma_start3A_81 = arith.constant 0 : i32
      %dma_start3A_82 = tpu.memref_slice %arg5[%add3A_67, %dma_start3A_81] : memref<20000x128xf32, #tpu.memory_space<hbm>> -> memref<128x128xf32, #tpu.memory_space<hbm>>
      %dma_start3A_83 = arith.constant 0 : i32
      %dma_start3A_84 = tpu.memref_slice %arg5[%add3A_67, %dma_start3A_83] : memref<20000x128xf32, #tpu.memory_space<hbm>> -> memref<128x128xf32, #tpu.memory_space<hbm>>
      %dma_start3A_85 = arith.constant 0 : i32
      %dma_start3A_86 = arith.constant 0 : i32
      %dma_start3A_87 = tpu.memref_slice %arg9[%dma_start3A_85, %dma_start3A_86] : memref<128x128xf32, #tpu.memory_space<vmem>> -> memref<128x128xf32, #tpu.memory_space<vmem>>
      tpu.enqueue_dma source(%dma_start3A_87 : memref<128x128xf32, #tpu.memory_space<vmem>>) target(%dma_start3A_84 : memref<128x128xf32, #tpu.memory_space<hbm>>) target_semaphore(%run_scoped3A : memref<!tpu.dma_semaphore, #tpu.memory_space<semaphore_mem>>)
      %dma_wait3A = arith.constant 0 : i32
      %dma_wait3A_88 = arith.constant 0 : i32
      %dma_wait3A_89 = tpu.memref_slice %arg9[%dma_wait3A, %dma_wait3A_88] : memref<128x128xf32, #tpu.memory_space<vmem>> -> memref<128x128xf32, #tpu.memory_space<vmem>>
      %dma_wait3A_90 = arith.constant 0 : i32
      %dma_wait3A_91 = tpu.memref_slice %arg5[%add3A_67, %dma_wait3A_90] : memref<20000x128xf32, #tpu.memory_space<hbm>> -> memref<128x128xf32, #tpu.memory_space<hbm>>
      %dma_wait3A_92 = arith.constant 0 : i32
      %dma_wait3A_93 = tpu.memref_slice %arg5[%add3A_67, %dma_wait3A_92] : memref<20000x128xf32, #tpu.memory_space<hbm>> -> memref<128x128xf32, #tpu.memory_space<hbm>>
      %dma_wait3A_94 = arith.constant 0 : i32
      %dma_wait3A_95 = arith.constant 0 : i32
      %dma_wait3A_96 = tpu.memref_slice %arg9[%dma_wait3A_94, %dma_wait3A_95] : memref<128x128xf32, #tpu.memory_space<vmem>> -> memref<128x128xf32, #tpu.memory_space<vmem>>
      tpu.wait_dma2 semaphore(%run_scoped3A : memref<!tpu.dma_semaphore, #tpu.memory_space<semaphore_mem>>) src(%dma_wait3A_96 : memref<128x128xf32, #tpu.memory_space<vmem>>) dst(%dma_wait3A_93 : memref<128x128xf32, #tpu.memory_space<hbm>>)
      tpu.yield
    }) : () -> ()
    %add3A_68 = arith.constant 512 : i32
    %add3A_69 = arith.addi %mul3A_47, %add3A_68 : i32
    "tpu.region"() ({
      %run_scoped3A = tpu.sem_alloc : memref<!tpu.dma_semaphore, #tpu.memory_space<semaphore_mem>>
      %dma_start3A_78 = arith.constant 0 : i32
      %dma_start3A_79 = arith.constant 0 : i32
      %dma_start3A_80 = tpu.memref_slice %arg9[%dma_start3A_78, %dma_start3A_79] : memref<128x128xf32, #tpu.memory_space<vmem>> -> memref<112x128xf32, #tpu.memory_space<vmem>>
      %dma_start3A_81 = arith.constant 0 : i32
      %dma_start3A_82 = tpu.memref_slice %arg6[%add3A_69, %dma_start3A_81] : memref<10000x128xf32, #tpu.memory_space<vmem_shared>> -> memref<112x128xf32, #tpu.memory_space<vmem_shared>>
      %dma_start3A_83 = arith.constant 0 : i32
      %dma_start3A_84 = arith.constant 0 : i32
      %dma_start3A_85 = tpu.memref_slice %arg9[%dma_start3A_83, %dma_start3A_84] : memref<128x128xf32, #tpu.memory_space<vmem>> -> memref<112x128xf32, #tpu.memory_space<vmem>>
      %dma_start3A_86 = arith.constant 0 : i32
      %dma_start3A_87 = tpu.memref_slice %arg6[%add3A_69, %dma_start3A_86] : memref<10000x128xf32, #tpu.memory_space<vmem_shared>> -> memref<112x128xf32, #tpu.memory_space<vmem_shared>>
      tpu.enqueue_dma source(%dma_start3A_87 : memref<112x128xf32, #tpu.memory_space<vmem_shared>>) target(%dma_start3A_85 : memref<112x128xf32, #tpu.memory_space<vmem>>) target_semaphore(%run_scoped3A : memref<!tpu.dma_semaphore, #tpu.memory_space<semaphore_mem>>)
      %dma_wait3A = arith.constant 0 : i32
      %dma_wait3A_88 = arith.constant 0 : i32
      %dma_wait3A_89 = tpu.memref_slice %arg9[%dma_wait3A, %dma_wait3A_88] : memref<128x128xf32, #tpu.memory_space<vmem>> -> memref<112x128xf32, #tpu.memory_space<vmem>>
      %dma_wait3A_90 = arith.constant 0 : i32
      %dma_wait3A_91 = tpu.memref_slice %arg6[%add3A_69, %dma_wait3A_90] : memref<10000x128xf32, #tpu.memory_space<vmem_shared>> -> memref<112x128xf32, #tpu.memory_space<vmem_shared>>
      %dma_wait3A_92 = arith.constant 0 : i32
      %dma_wait3A_93 = arith.constant 0 : i32
      %dma_wait3A_94 = tpu.memref_slice %arg9[%dma_wait3A_92, %dma_wait3A_93] : memref<128x128xf32, #tpu.memory_space<vmem>> -> memref<112x128xf32, #tpu.memory_space<vmem>>
      %dma_wait3A_95 = arith.constant 0 : i32
      %dma_wait3A_96 = tpu.memref_slice %arg6[%add3A_69, %dma_wait3A_95] : memref<10000x128xf32, #tpu.memory_space<vmem_shared>> -> memref<112x128xf32, #tpu.memory_space<vmem_shared>>
      tpu.wait_dma2 semaphore(%run_scoped3A : memref<!tpu.dma_semaphore, #tpu.memory_space<semaphore_mem>>) src(%dma_wait3A_96 : memref<112x128xf32, #tpu.memory_space<vmem_shared>>) dst(%dma_wait3A_94 : memref<112x128xf32, #tpu.memory_space<vmem>>)
      tpu.yield
    }) : () -> ()
    %mul3A_70 = arith.constant 10000 : i32
    %mul3A_71 = arith.muli %arg0, %mul3A_70 : i32
    %add3A_72 = arith.addi %mul3A_71, %add3A_69 : i32
    "tpu.region"() ({
      %run_scoped3A = tpu.sem_alloc : memref<!tpu.dma_semaphore, #tpu.memory_space<semaphore_mem>>
      %dma_start3A_78 = arith.constant 0 : i32
      %dma_start3A_79 = arith.constant 0 : i32
      %dma_start3A_80 = tpu.memref_slice %arg9[%dma_start3A_78, %dma_start3A_79] : memref<128x128xf32, #tpu.memory_space<vmem>> -> memref<112x128xf32, #tpu.memory_space<vmem>>
      %dma_start3A_81 = arith.constant 0 : i32
      %dma_start3A_82 = tpu.memref_slice %arg5[%add3A_72, %dma_start3A_81] : memref<20000x128xf32, #tpu.memory_space<hbm>> -> memref<112x128xf32, #tpu.memory_space<hbm>>
      %dma_start3A_83 = arith.constant 0 : i32
      %dma_start3A_84 = tpu.memref_slice %arg5[%add3A_72, %dma_start3A_83] : memref<20000x128xf32, #tpu.memory_space<hbm>> -> memref<112x128xf32, #tpu.memory_space<hbm>>
      %dma_start3A_85 = arith.constant 0 : i32
      %dma_start3A_86 = arith.constant 0 : i32
      %dma_start3A_87 = tpu.memref_slice %arg9[%dma_start3A_85, %dma_start3A_86] : memref<128x128xf32, #tpu.memory_space<vmem>> -> memref<112x128xf32, #tpu.memory_space<vmem>>
      tpu.enqueue_dma source(%dma_start3A_87 : memref<112x128xf32, #tpu.memory_space<vmem>>) target(%dma_start3A_84 : memref<112x128xf32, #tpu.memory_space<hbm>>) target_semaphore(%run_scoped3A : memref<!tpu.dma_semaphore, #tpu.memory_space<semaphore_mem>>)
      %dma_wait3A = arith.constant 0 : i32
      %dma_wait3A_88 = arith.constant 0 : i32
      %dma_wait3A_89 = tpu.memref_slice %arg9[%dma_wait3A, %dma_wait3A_88] : memref<128x128xf32, #tpu.memory_space<vmem>> -> memref<112x128xf32, #tpu.memory_space<vmem>>
      %dma_wait3A_90 = arith.constant 0 : i32
      %dma_wait3A_91 = tpu.memref_slice %arg5[%add3A_72, %dma_wait3A_90] : memref<20000x128xf32, #tpu.memory_space<hbm>> -> memref<112x128xf32, #tpu.memory_space<hbm>>
      %dma_wait3A_92 = arith.constant 0 : i32
      %dma_wait3A_93 = tpu.memref_slice %arg5[%add3A_72, %dma_wait3A_92] : memref<20000x128xf32, #tpu.memory_space<hbm>> -> memref<112x128xf32, #tpu.memory_space<hbm>>
      %dma_wait3A_94 = arith.constant 0 : i32
      %dma_wait3A_95 = arith.constant 0 : i32
      %dma_wait3A_96 = tpu.memref_slice %arg9[%dma_wait3A_94, %dma_wait3A_95] : memref<128x128xf32, #tpu.memory_space<vmem>> -> memref<112x128xf32, #tpu.memory_space<vmem>>
      tpu.wait_dma2 semaphore(%run_scoped3A : memref<!tpu.dma_semaphore, #tpu.memory_space<semaphore_mem>>) src(%dma_wait3A_96 : memref<112x128xf32, #tpu.memory_space<vmem>>) dst(%dma_wait3A_93 : memref<112x128xf32, #tpu.memory_space<hbm>>)
      tpu.yield
    }) : () -> ()
    %eq3A_73 = arith.constant 15 : i32
    %eq3A_74 = arith.cmpi eq, %arg1, %eq3A_73 : i32
    %convert_element_type3A_75 = arith.extui %eq3A_74 : i1 to i32
    %cond3A_76 = arith.constant 0 : i32
    %cond3A_77 = arith.cmpi ne, %convert_element_type3A_75, %cond3A_76 : i32
    scf.if %cond3A_77 {
      "tpu.region"() ({
        %run_scoped3A = tpu.sem_alloc : memref<!tpu.dma_semaphore, #tpu.memory_space<semaphore_mem>>
        %dma_start3A_82 = arith.constant 0 : i32
        %dma_start3A_83 = arith.constant 0 : i32
        %dma_start3A_84 = tpu.memref_slice %arg9[%dma_start3A_82, %dma_start3A_83] : memref<128x128xf32, #tpu.memory_space<vmem>> -> memref<16x128xf32, #tpu.memory_space<vmem>>
        %dma_start3A_85 = arith.constant 9984 : i32
        %dma_start3A_86 = arith.constant 0 : i32
        %dma_start3A_87 = tpu.memref_slice %arg6[%dma_start3A_85, %dma_start3A_86] : memref<10000x128xf32, #tpu.memory_space<vmem_shared>> -> memref<16x128xf32, #tpu.memory_space<vmem_shared>>
        %dma_start3A_88 = arith.constant 0 : i32
        %dma_start3A_89 = arith.constant 0 : i32
        %dma_start3A_90 = tpu.memref_slice %arg9[%dma_start3A_88, %dma_start3A_89] : memref<128x128xf32, #tpu.memory_space<vmem>> -> memref<16x128xf32, #tpu.memory_space<vmem>>
        %dma_start3A_91 = arith.constant 9984 : i32
        %dma_start3A_92 = arith.constant 0 : i32
        %dma_start3A_93 = tpu.memref_slice %arg6[%dma_start3A_91, %dma_start3A_92] : memref<10000x128xf32, #tpu.memory_space<vmem_shared>> -> memref<16x128xf32, #tpu.memory_space<vmem_shared>>
        tpu.enqueue_dma source(%dma_start3A_93 : memref<16x128xf32, #tpu.memory_space<vmem_shared>>) target(%dma_start3A_90 : memref<16x128xf32, #tpu.memory_space<vmem>>) target_semaphore(%run_scoped3A : memref<!tpu.dma_semaphore, #tpu.memory_space<semaphore_mem>>)
        %dma_wait3A = arith.constant 0 : i32
        %dma_wait3A_94 = arith.constant 0 : i32
        %dma_wait3A_95 = tpu.memref_slice %arg9[%dma_wait3A, %dma_wait3A_94] : memref<128x128xf32, #tpu.memory_space<vmem>> -> memref<16x128xf32, #tpu.memory_space<vmem>>
        %dma_wait3A_96 = arith.constant 9984 : i32
        %dma_wait3A_97 = arith.constant 0 : i32
        %dma_wait3A_98 = tpu.memref_slice %arg6[%dma_wait3A_96, %dma_wait3A_97] : memref<10000x128xf32, #tpu.memory_space<vmem_shared>> -> memref<16x128xf32, #tpu.memory_space<vmem_shared>>
        %dma_wait3A_99 = arith.constant 0 : i32
        %dma_wait3A_100 = arith.constant 0 : i32
        %dma_wait3A_101 = tpu.memref_slice %arg9[%dma_wait3A_99, %dma_wait3A_100] : memref<128x128xf32, #tpu.memory_space<vmem>> -> memref<16x128xf32, #tpu.memory_space<vmem>>
        %dma_wait3A_102 = arith.constant 9984 : i32
        %dma_wait3A_103 = arith.constant 0 : i32
        %dma_wait3A_104 = tpu.memref_slice %arg6[%dma_wait3A_102, %dma_wait3A_103] : memref<10000x128xf32, #tpu.memory_space<vmem_shared>> -> memref<16x128xf32, #tpu.memory_space<vmem_shared>>
        tpu.wait_dma2 semaphore(%run_scoped3A : memref<!tpu.dma_semaphore, #tpu.memory_space<semaphore_mem>>) src(%dma_wait3A_104 : memref<16x128xf32, #tpu.memory_space<vmem_shared>>) dst(%dma_wait3A_101 : memref<16x128xf32, #tpu.memory_space<vmem>>)
        tpu.yield
      }) : () -> ()
      %mul3A_78 = arith.constant 10000 : i32
      %mul3A_79 = arith.muli %arg0, %mul3A_78 : i32
      %add3A_80 = arith.constant 9984 : i32
      %add3A_81 = arith.addi %mul3A_79, %add3A_80 : i32
      "tpu.region"() ({
        %run_scoped3A = tpu.sem_alloc : memref<!tpu.dma_semaphore, #tpu.memory_space<semaphore_mem>>
        %dma_start3A_82 = arith.constant 0 : i32
        %dma_start3A_83 = arith.constant 0 : i32
        %dma_start3A_84 = tpu.memref_slice %arg9[%dma_start3A_82, %dma_start3A_83] : memref<128x128xf32, #tpu.memory_space<vmem>> -> memref<16x128xf32, #tpu.memory_space<vmem>>
        %dma_start3A_85 = arith.constant 0 : i32
        %dma_start3A_86 = tpu.memref_slice %arg5[%add3A_81, %dma_start3A_85] : memref<20000x128xf32, #tpu.memory_space<hbm>> -> memref<16x128xf32, #tpu.memory_space<hbm>>
        %dma_start3A_87 = arith.constant 0 : i32
        %dma_start3A_88 = tpu.memref_slice %arg5[%add3A_81, %dma_start3A_87] : memref<20000x128xf32, #tpu.memory_space<hbm>> -> memref<16x128xf32, #tpu.memory_space<hbm>>
        %dma_start3A_89 = arith.constant 0 : i32
        %dma_start3A_90 = arith.constant 0 : i32
        %dma_start3A_91 = tpu.memref_slice %arg9[%dma_start3A_89, %dma_start3A_90] : memref<128x128xf32, #tpu.memory_space<vmem>> -> memref<16x128xf32, #tpu.memory_space<vmem>>
        tpu.enqueue_dma source(%dma_start3A_91 : memref<16x128xf32, #tpu.memory_space<vmem>>) target(%dma_start3A_88 : memref<16x128xf32, #tpu.memory_space<hbm>>) target_semaphore(%run_scoped3A : memref<!tpu.dma_semaphore, #tpu.memory_space<semaphore_mem>>)
        %dma_wait3A = arith.constant 0 : i32
        %dma_wait3A_92 = arith.constant 0 : i32
        %dma_wait3A_93 = tpu.memref_slice %arg9[%dma_wait3A, %dma_wait3A_92] : memref<128x128xf32, #tpu.memory_space<vmem>> -> memref<16x128xf32, #tpu.memory_space<vmem>>
        %dma_wait3A_94 = arith.constant 0 : i32
        %dma_wait3A_95 = tpu.memref_slice %arg5[%add3A_81, %dma_wait3A_94] : memref<20000x128xf32, #tpu.memory_space<hbm>> -> memref<16x128xf32, #tpu.memory_space<hbm>>
        %dma_wait3A_96 = arith.constant 0 : i32
        %dma_wait3A_97 = tpu.memref_slice %arg5[%add3A_81, %dma_wait3A_96] : memref<20000x128xf32, #tpu.memory_space<hbm>> -> memref<16x128xf32, #tpu.memory_space<hbm>>
        %dma_wait3A_98 = arith.constant 0 : i32
        %dma_wait3A_99 = arith.constant 0 : i32
        %dma_wait3A_100 = tpu.memref_slice %arg9[%dma_wait3A_98, %dma_wait3A_99] : memref<128x128xf32, #tpu.memory_space<vmem>> -> memref<16x128xf32, #tpu.memory_space<vmem>>
        tpu.wait_dma2 semaphore(%run_scoped3A : memref<!tpu.dma_semaphore, #tpu.memory_space<semaphore_mem>>) src(%dma_wait3A_100 : memref<16x128xf32, #tpu.memory_space<vmem>>) dst(%dma_wait3A_97 : memref<16x128xf32, #tpu.memory_space<hbm>>)
        tpu.yield
      }) : () -> ()
    } else {
    }
    return
  }
}

#map = affine_map<(d0, d1) -> (0, 0)>
#map1 = affine_map<(d0, d1) -> (0)>
module attributes {stable_mosaic.version = 14 : i64} {
  func.func @body_fn(%arg0: i32, %arg1: i32, %arg2: memref<320000x128xf32, #tpu.memory_space<hbm>>, %arg3: memref<320000xi32, #tpu.memory_space<hbm>>, %arg4: memref<128x128xf32, #tpu.memory_space<hbm>>, %arg5: memref<20000x128xf32, #tpu.memory_space<hbm>>, %arg6: memref<10000x128xf32, #tpu.memory_space<vmem_shared>>, %arg7: memref<128xi32, #tpu.memory_space<vmem>>, %arg8: memref<128xi32, #tpu.memory_space<vmem>>, %arg9: memref<128x128xf32, #tpu.memory_space<vmem>>, %arg10: memref<128x128xf32, #tpu.memory_space<vmem>>, %arg11: memref<!tpu.dma_semaphore, #tpu.memory_space<semaphore_mem>>, %arg12: memref<!tpu.dma_semaphore, #tpu.memory_space<semaphore_mem>>) attributes {dimension_semantics = [#tpu.dimension_semantics<core_parallel>, #tpu.dimension_semantics<subcore_parallel>], iteration_bounds = array<i64: 2, 16>, scalar_prefetch = 0 : i64, scratch_operands = 7 : i64, tpu.core_type = #tpu.core_type<sc_vector_subcore>, window_params = [{transform_indices = #map}, {transform_indices = #map1}, {transform_indices = #map}, {transform_indices = #map}]} {
    %mul3A = arith.constant 2 : i32
    %mul3A_0 = arith.muli %arg1, %mul3A : i32
    %add3A = arith.addi %mul3A_0, %arg0 : i32
    "tpu.region"() ({
      %run_scoped3A = tpu.sem_alloc : memref<!tpu.dma_semaphore, #tpu.memory_space<semaphore_mem>>
      tpu.enqueue_dma source(%arg4 : memref<128x128xf32, #tpu.memory_space<hbm>>) target(%arg9 : memref<128x128xf32, #tpu.memory_space<vmem>>) target_semaphore(%run_scoped3A : memref<!tpu.dma_semaphore, #tpu.memory_space<semaphore_mem>>)
      tpu.wait_dma2 semaphore(%run_scoped3A : memref<!tpu.dma_semaphore, #tpu.memory_space<semaphore_mem>>) src(%arg4 : memref<128x128xf32, #tpu.memory_space<hbm>>) dst(%arg9 : memref<128x128xf32, #tpu.memory_space<vmem>>)
      tpu.yield
    }) : () -> ()
    %mul3A_1 = arith.constant 624 : i32
    %mul3A_2 = arith.muli %arg1, %mul3A_1 : i32
    %add3A_3 = arith.constant 0 : i32
    %add3A_4 = arith.addi %mul3A_2, %add3A_3 : i32
    "tpu.region"() ({
      %run_scoped3A = tpu.sem_alloc : memref<!tpu.dma_semaphore, #tpu.memory_space<semaphore_mem>>
      %dma_start3A_78 = arith.constant 0 : i32
      %dma_start3A_79 = arith.constant 0 : i32
      %dma_start3A_80 = tpu.memref_slice %arg9[%dma_start3A_78, %dma_start3A_79] : memref<128x128xf32, #tpu.memory_space<vmem>> -> memref<128x128xf32, #tpu.memory_space<vmem>>
      %dma_start3A_81 = arith.constant 0 : i32
      %dma_start3A_82 = tpu.memref_slice %arg6[%add3A_4, %dma_start3A_81] : memref<10000x128xf32, #tpu.memory_space<vmem_shared>> -> memref<128x128xf32, #tpu.memory_space<vmem_shared>>
      %dma_start3A_83 = arith.constant 0 : i32
      %dma_start3A_84 = tpu.memref_slice %arg6[%add3A_4, %dma_start3A_83] : memref<10000x128xf32, #tpu.memory_space<vmem_shared>> -> memref<128x128xf32, #tpu.memory_space<vmem_shared>>
      %dma_start3A_85 = arith.constant 0 : i32
      %dma_start3A_86 = arith.constant 0 : i32
      %dma_start3A_87 = tpu.memref_slice %arg9[%dma_start3A_85, %dma_start3A_86] : memref<128x128xf32, #tpu.memory_space<vmem>> -> memref<128x128xf32, #tpu.memory_space<vmem>>
      tpu.enqueue_dma source(%dma_start3A_87 : memref<128x128xf32, #tpu.memory_space<vmem>>) target(%dma_start3A_84 : memref<128x128xf32, #tpu.memory_space<vmem_shared>>) target_semaphore(%run_scoped3A : memref<!tpu.dma_semaphore, #tpu.memory_space<semaphore_mem>>)
      %dma_wait3A = arith.constant 0 : i32
      %dma_wait3A_88 = arith.constant 0 : i32
      %dma_wait3A_89 = tpu.memref_slice %arg9[%dma_wait3A, %dma_wait3A_88] : memref<128x128xf32, #tpu.memory_space<vmem>> -> memref<128x128xf32, #tpu.memory_space<vmem>>
      %dma_wait3A_90 = arith.constant 0 : i32
      %dma_wait3A_91 = tpu.memref_slice %arg6[%add3A_4, %dma_wait3A_90] : memref<10000x128xf32, #tpu.memory_space<vmem_shared>> -> memref<128x128xf32, #tpu.memory_space<vmem_shared>>
      %dma_wait3A_92 = arith.constant 0 : i32
      %dma_wait3A_93 = tpu.memref_slice %arg6[%add3A_4, %dma_wait3A_92] : memref<10000x128xf32, #tpu.memory_space<vmem_shared>> -> memref<128x128xf32, #tpu.memory_space<vmem_shared>>
      %dma_wait3A_94 = arith.constant 0 : i32
      %dma_wait3A_95 = arith.constant 0 : i32
      %dma_wait3A_96 = tpu.memref_slice %arg9[%dma_wait3A_94, %dma_wait3A_95] : memref<128x128xf32, #tpu.memory_space<vmem>> -> memref<128x128xf32, #tpu.memory_space<vmem>>
      tpu.wait_dma2 semaphore(%run_scoped3A : memref<!tpu.dma_semaphore, #tpu.memory_space<semaphore_mem>>) src(%dma_wait3A_96 : memref<128x128xf32, #tpu.memory_space<vmem>>) dst(%dma_wait3A_93 : memref<128x128xf32, #tpu.memory_space<vmem_shared>>)
      tpu.yield
    }) : () -> ()
    %add3A_5 = arith.constant 128 : i32
    %add3A_6 = arith.addi %mul3A_2, %add3A_5 : i32
    "tpu.region"() ({
      %run_scoped3A = tpu.sem_alloc : memref<!tpu.dma_semaphore, #tpu.memory_space<semaphore_mem>>
      %dma_start3A_78 = arith.constant 0 : i32
      %dma_start3A_79 = arith.constant 0 : i32
      %dma_start3A_80 = tpu.memref_slice %arg9[%dma_start3A_78, %dma_start3A_79] : memref<128x128xf32, #tpu.memory_space<vmem>> -> memref<128x128xf32, #tpu.memory_space<vmem>>
      %dma_start3A_81 = arith.constant 0 : i32
      %dma_start3A_82 = tpu.memref_slice %arg6[%add3A_6, %dma_start3A_81] : memref<10000x128xf32, #tpu.memory_space<vmem_shared>> -> memref<128x128xf32, #tpu.memory_space<vmem_shared>>
      %dma_start3A_83 = arith.constant 0 : i32
      %dma_start3A_84 = tpu.memref_slice %arg6[%add3A_6, %dma_start3A_83] : memref<10000x128xf32, #tpu.memory_space<vmem_shared>> -> memref<128x128xf32, #tpu.memory_space<vmem_shared>>
      %dma_start3A_85 = arith.constant 0 : i32
      %dma_start3A_86 = arith.constant 0 : i32
      %dma_start3A_87 = tpu.memref_slice %arg9[%dma_start3A_85, %dma_start3A_86] : memref<128x128xf32, #tpu.memory_space<vmem>> -> memref<128x128xf32, #tpu.memory_space<vmem>>
      tpu.enqueue_dma source(%dma_start3A_87 : memref<128x128xf32, #tpu.memory_space<vmem>>) target(%dma_start3A_84 : memref<128x128xf32, #tpu.memory_space<vmem_shared>>) target_semaphore(%run_scoped3A : memref<!tpu.dma_semaphore, #tpu.memory_space<semaphore_mem>>)
      %dma_wait3A = arith.constant 0 : i32
      %dma_wait3A_88 = arith.constant 0 : i32
      %dma_wait3A_89 = tpu.memref_slice %arg9[%dma_wait3A, %dma_wait3A_88] : memref<128x128xf32, #tpu.memory_space<vmem>> -> memref<128x128xf32, #tpu.memory_space<vmem>>
      %dma_wait3A_90 = arith.constant 0 : i32
      %dma_wait3A_91 = tpu.memref_slice %arg6[%add3A_6, %dma_wait3A_90] : memref<10000x128xf32, #tpu.memory_space<vmem_shared>> -> memref<128x128xf32, #tpu.memory_space<vmem_shared>>
      %dma_wait3A_92 = arith.constant 0 : i32
      %dma_wait3A_93 = tpu.memref_slice %arg6[%add3A_6, %dma_wait3A_92] : memref<10000x128xf32, #tpu.memory_space<vmem_shared>> -> memref<128x128xf32, #tpu.memory_space<vmem_shared>>
      %dma_wait3A_94 = arith.constant 0 : i32
      %dma_wait3A_95 = arith.constant 0 : i32
      %dma_wait3A_96 = tpu.memref_slice %arg9[%dma_wait3A_94, %dma_wait3A_95] : memref<128x128xf32, #tpu.memory_space<vmem>> -> memref<128x128xf32, #tpu.memory_space<vmem>>
      tpu.wait_dma2 semaphore(%run_scoped3A : memref<!tpu.dma_semaphore, #tpu.memory_space<semaphore_mem>>) src(%dma_wait3A_96 : memref<128x128xf32, #tpu.memory_space<vmem>>) dst(%dma_wait3A_93 : memref<128x128xf32, #tpu.memory_space<vmem_shared>>)
      tpu.yield
    }) : () -> ()
    %add3A_7 = arith.constant 256 : i32
    %add3A_8 = arith.addi %mul3A_2, %add3A_7 : i32
    "tpu.region"() ({
      %run_scoped3A = tpu.sem_alloc : memref<!tpu.dma_semaphore, #tpu.memory_space<semaphore_mem>>
      %dma_start3A_78 = arith.constant 0 : i32
      %dma_start3A_79 = arith.constant 0 : i32
      %dma_start3A_80 = tpu.memref_slice %arg9[%dma_start3A_78, %dma_start3A_79] : memref<128x128xf32, #tpu.memory_space<vmem>> -> memref<128x128xf32, #tpu.memory_space<vmem>>
      %dma_start3A_81 = arith.constant 0 : i32
      %dma_start3A_82 = tpu.memref_slice %arg6[%add3A_8, %dma_start3A_81] : memref<10000x128xf32, #tpu.memory_space<vmem_shared>> -> memref<128x128xf32, #tpu.memory_space<vmem_shared>>
      %dma_start3A_83 = arith.constant 0 : i32
      %dma_start3A_84 = tpu.memref_slice %arg6[%add3A_8, %dma_start3A_83] : memref<10000x128xf32, #tpu.memory_space<vmem_shared>> -> memref<128x128xf32, #tpu.memory_space<vmem_shared>>
      %dma_start3A_85 = arith.constant 0 : i32
      %dma_start3A_86 = arith.constant 0 : i32
      %dma_start3A_87 = tpu.memref_slice %arg9[%dma_start3A_85, %dma_start3A_86] : memref<128x128xf32, #tpu.memory_space<vmem>> -> memref<128x128xf32, #tpu.memory_space<vmem>>
      tpu.enqueue_dma source(%dma_start3A_87 : memref<128x128xf32, #tpu.memory_space<vmem>>) target(%dma_start3A_84 : memref<128x128xf32, #tpu.memory_space<vmem_shared>>) target_semaphore(%run_scoped3A : memref<!tpu.dma_semaphore, #tpu.memory_space<semaphore_mem>>)
      %dma_wait3A = arith.constant 0 : i32
      %dma_wait3A_88 = arith.constant 0 : i32
      %dma_wait3A_89 = tpu.memref_slice %arg9[%dma_wait3A, %dma_wait3A_88] : memref<128x128xf32, #tpu.memory_space<vmem>> -> memref<128x128xf32, #tpu.memory_space<vmem>>
      %dma_wait3A_90 = arith.constant 0 : i32
      %dma_wait3A_91 = tpu.memref_slice %arg6[%add3A_8, %dma_wait3A_90] : memref<10000x128xf32, #tpu.memory_space<vmem_shared>> -> memref<128x128xf32, #tpu.memory_space<vmem_shared>>
      %dma_wait3A_92 = arith.constant 0 : i32
      %dma_wait3A_93 = tpu.memref_slice %arg6[%add3A_8, %dma_wait3A_92] : memref<10000x128xf32, #tpu.memory_space<vmem_shared>> -> memref<128x128xf32, #tpu.memory_space<vmem_shared>>
      %dma_wait3A_94 = arith.constant 0 : i32
      %dma_wait3A_95 = arith.constant 0 : i32
      %dma_wait3A_96 = tpu.memref_slice %arg9[%dma_wait3A_94, %dma_wait3A_95] : memref<128x128xf32, #tpu.memory_space<vmem>> -> memref<128x128xf32, #tpu.memory_space<vmem>>
      tpu.wait_dma2 semaphore(%run_scoped3A : memref<!tpu.dma_semaphore, #tpu.memory_space<semaphore_mem>>) src(%dma_wait3A_96 : memref<128x128xf32, #tpu.memory_space<vmem>>) dst(%dma_wait3A_93 : memref<128x128xf32, #tpu.memory_space<vmem_shared>>)
      tpu.yield
    }) : () -> ()
    %add3A_9 = arith.constant 384 : i32
    %add3A_10 = arith.addi %mul3A_2, %add3A_9 : i32
    "tpu.region"() ({
      %run_scoped3A = tpu.sem_alloc : memref<!tpu.dma_semaphore, #tpu.memory_space<semaphore_mem>>
      %dma_start3A_78 = arith.constant 0 : i32
      %dma_start3A_79 = arith.constant 0 : i32
      %dma_start3A_80 = tpu.memref_slice %arg9[%dma_start3A_78, %dma_start3A_79] : memref<128x128xf32, #tpu.memory_space<vmem>> -> memref<128x128xf32, #tpu.memory_space<vmem>>
      %dma_start3A_81 = arith.constant 0 : i32
      %dma_start3A_82 = tpu.memref_slice %arg6[%add3A_10, %dma_start3A_81] : memref<10000x128xf32, #tpu.memory_space<vmem_shared>> -> memref<128x128xf32, #tpu.memory_space<vmem_shared>>
      %dma_start3A_83 = arith.constant 0 : i32
      %dma_start3A_84 = tpu.memref_slice %arg6[%add3A_10, %dma_start3A_83] : memref<10000x128xf32, #tpu.memory_space<vmem_shared>> -> memref<128x128xf32, #tpu.memory_space<vmem_shared>>
      %dma_start3A_85 = arith.constant 0 : i32
      %dma_start3A_86 = arith.constant 0 : i32
      %dma_start3A_87 = tpu.memref_slice %arg9[%dma_start3A_85, %dma_start3A_86] : memref<128x128xf32, #tpu.memory_space<vmem>> -> memref<128x128xf32, #tpu.memory_space<vmem>>
      tpu.enqueue_dma source(%dma_start3A_87 : memref<128x128xf32, #tpu.memory_space<vmem>>) target(%dma_start3A_84 : memref<128x128xf32, #tpu.memory_space<vmem_shared>>) target_semaphore(%run_scoped3A : memref<!tpu.dma_semaphore, #tpu.memory_space<semaphore_mem>>)
      %dma_wait3A = arith.constant 0 : i32
      %dma_wait3A_88 = arith.constant 0 : i32
      %dma_wait3A_89 = tpu.memref_slice %arg9[%dma_wait3A, %dma_wait3A_88] : memref<128x128xf32, #tpu.memory_space<vmem>> -> memref<128x128xf32, #tpu.memory_space<vmem>>
      %dma_wait3A_90 = arith.constant 0 : i32
      %dma_wait3A_91 = tpu.memref_slice %arg6[%add3A_10, %dma_wait3A_90] : memref<10000x128xf32, #tpu.memory_space<vmem_shared>> -> memref<128x128xf32, #tpu.memory_space<vmem_shared>>
      %dma_wait3A_92 = arith.constant 0 : i32
      %dma_wait3A_93 = tpu.memref_slice %arg6[%add3A_10, %dma_wait3A_92] : memref<10000x128xf32, #tpu.memory_space<vmem_shared>> -> memref<128x128xf32, #tpu.memory_space<vmem_shared>>
      %dma_wait3A_94 = arith.constant 0 : i32
      %dma_wait3A_95 = arith.constant 0 : i32
      %dma_wait3A_96 = tpu.memref_slice %arg9[%dma_wait3A_94, %dma_wait3A_95] : memref<128x128xf32, #tpu.memory_space<vmem>> -> memref<128x128xf32, #tpu.memory_space<vmem>>
      tpu.wait_dma2 semaphore(%run_scoped3A : memref<!tpu.dma_semaphore, #tpu.memory_space<semaphore_mem>>) src(%dma_wait3A_96 : memref<128x128xf32, #tpu.memory_space<vmem>>) dst(%dma_wait3A_93 : memref<128x128xf32, #tpu.memory_space<vmem_shared>>)
      tpu.yield
    }) : () -> ()
    %add3A_11 = arith.constant 512 : i32
    %add3A_12 = arith.addi %mul3A_2, %add3A_11 : i32
    "tpu.region"() ({
      %run_scoped3A = tpu.sem_alloc : memref<!tpu.dma_semaphore, #tpu.memory_space<semaphore_mem>>
      %dma_start3A_78 = arith.constant 0 : i32
      %dma_start3A_79 = arith.constant 0 : i32
      %dma_start3A_80 = tpu.memref_slice %arg9[%dma_start3A_78, %dma_start3A_79] : memref<128x128xf32, #tpu.memory_space<vmem>> -> memref<112x128xf32, #tpu.memory_space<vmem>>
      %dma_start3A_81 = arith.constant 0 : i32
      %dma_start3A_82 = tpu.memref_slice %arg6[%add3A_12, %dma_start3A_81] : memref<10000x128xf32, #tpu.memory_space<vmem_shared>> -> memref<112x128xf32, #tpu.memory_space<vmem_shared>>
      %dma_start3A_83 = arith.constant 0 : i32
      %dma_start3A_84 = tpu.memref_slice %arg6[%add3A_12, %dma_start3A_83] : memref<10000x128xf32, #tpu.memory_space<vmem_shared>> -> memref<112x128xf32, #tpu.memory_space<vmem_shared>>
      %dma_start3A_85 = arith.constant 0 : i32
      %dma_start3A_86 = arith.constant 0 : i32
      %dma_start3A_87 = tpu.memref_slice %arg9[%dma_start3A_85, %dma_start3A_86] : memref<128x128xf32, #tpu.memory_space<vmem>> -> memref<112x128xf32, #tpu.memory_space<vmem>>
      tpu.enqueue_dma source(%dma_start3A_87 : memref<112x128xf32, #tpu.memory_space<vmem>>) target(%dma_start3A_84 : memref<112x128xf32, #tpu.memory_space<vmem_shared>>) target_semaphore(%run_scoped3A : memref<!tpu.dma_semaphore, #tpu.memory_space<semaphore_mem>>)
      %dma_wait3A = arith.constant 0 : i32
      %dma_wait3A_88 = arith.constant 0 : i32
      %dma_wait3A_89 = tpu.memref_slice %arg9[%dma_wait3A, %dma_wait3A_88] : memref<128x128xf32, #tpu.memory_space<vmem>> -> memref<112x128xf32, #tpu.memory_space<vmem>>
      %dma_wait3A_90 = arith.constant 0 : i32
      %dma_wait3A_91 = tpu.memref_slice %arg6[%add3A_12, %dma_wait3A_90] : memref<10000x128xf32, #tpu.memory_space<vmem_shared>> -> memref<112x128xf32, #tpu.memory_space<vmem_shared>>
      %dma_wait3A_92 = arith.constant 0 : i32
      %dma_wait3A_93 = tpu.memref_slice %arg6[%add3A_12, %dma_wait3A_92] : memref<10000x128xf32, #tpu.memory_space<vmem_shared>> -> memref<112x128xf32, #tpu.memory_space<vmem_shared>>
      %dma_wait3A_94 = arith.constant 0 : i32
      %dma_wait3A_95 = arith.constant 0 : i32
      %dma_wait3A_96 = tpu.memref_slice %arg9[%dma_wait3A_94, %dma_wait3A_95] : memref<128x128xf32, #tpu.memory_space<vmem>> -> memref<112x128xf32, #tpu.memory_space<vmem>>
      tpu.wait_dma2 semaphore(%run_scoped3A : memref<!tpu.dma_semaphore, #tpu.memory_space<semaphore_mem>>) src(%dma_wait3A_96 : memref<112x128xf32, #tpu.memory_space<vmem>>) dst(%dma_wait3A_93 : memref<112x128xf32, #tpu.memory_space<vmem_shared>>)
      tpu.yield
    }) : () -> ()
    %eq3A = arith.constant 15 : i32
    %eq3A_13 = arith.cmpi eq, %arg1, %eq3A : i32
    %convert_element_type3A = arith.extui %eq3A_13 : i1 to i32
    %cond3A = arith.constant 0 : i32
    %cond3A_14 = arith.cmpi ne, %convert_element_type3A, %cond3A : i32
    scf.if %cond3A_14 {
      "tpu.region"() ({
        %run_scoped3A = tpu.sem_alloc : memref<!tpu.dma_semaphore, #tpu.memory_space<semaphore_mem>>
        %dma_start3A_78 = arith.constant 0 : i32
        %dma_start3A_79 = arith.constant 0 : i32
        %dma_start3A_80 = tpu.memref_slice %arg9[%dma_start3A_78, %dma_start3A_79] : memref<128x128xf32, #tpu.memory_space<vmem>> -> memref<16x128xf32, #tpu.memory_space<vmem>>
        %dma_start3A_81 = arith.constant 9984 : i32
        %dma_start3A_82 = arith.constant 0 : i32
        %dma_start3A_83 = tpu.memref_slice %arg6[%dma_start3A_81, %dma_start3A_82] : memref<10000x128xf32, #tpu.memory_space<vmem_shared>> -> memref<16x128xf32, #tpu.memory_space<vmem_shared>>
        %dma_start3A_84 = arith.constant 9984 : i32
        %dma_start3A_85 = arith.constant 0 : i32
        %dma_start3A_86 = tpu.memref_slice %arg6[%dma_start3A_84, %dma_start3A_85] : memref<10000x128xf32, #tpu.memory_space<vmem_shared>> -> memref<16x128xf32, #tpu.memory_space<vmem_shared>>
        %dma_start3A_87 = arith.constant 0 : i32
        %dma_start3A_88 = arith.constant 0 : i32
        %dma_start3A_89 = tpu.memref_slice %arg9[%dma_start3A_87, %dma_start3A_88] : memref<128x128xf32, #tpu.memory_space<vmem>> -> memref<16x128xf32, #tpu.memory_space<vmem>>
        tpu.enqueue_dma source(%dma_start3A_89 : memref<16x128xf32, #tpu.memory_space<vmem>>) target(%dma_start3A_86 : memref<16x128xf32, #tpu.memory_space<vmem_shared>>) target_semaphore(%run_scoped3A : memref<!tpu.dma_semaphore, #tpu.memory_space<semaphore_mem>>)
        %dma_wait3A = arith.constant 0 : i32
        %dma_wait3A_90 = arith.constant 0 : i32
        %dma_wait3A_91 = tpu.memref_slice %arg9[%dma_wait3A, %dma_wait3A_90] : memref<128x128xf32, #tpu.memory_space<vmem>> -> memref<16x128xf32, #tpu.memory_space<vmem>>
        %dma_wait3A_92 = arith.constant 9984 : i32
        %dma_wait3A_93 = arith.constant 0 : i32
        %dma_wait3A_94 = tpu.memref_slice %arg6[%dma_wait3A_92, %dma_wait3A_93] : memref<10000x128xf32, #tpu.memory_space<vmem_shared>> -> memref<16x128xf32, #tpu.memory_space<vmem_shared>>
        %dma_wait3A_95 = arith.constant 9984 : i32
        %dma_wait3A_96 = arith.constant 0 : i32
        %dma_wait3A_97 = tpu.memref_slice %arg6[%dma_wait3A_95, %dma_wait3A_96] : memref<10000x128xf32, #tpu.memory_space<vmem_shared>> -> memref<16x128xf32, #tpu.memory_space<vmem_shared>>
        %dma_wait3A_98 = arith.constant 0 : i32
        %dma_wait3A_99 = arith.constant 0 : i32
        %dma_wait3A_100 = tpu.memref_slice %arg9[%dma_wait3A_98, %dma_wait3A_99] : memref<128x128xf32, #tpu.memory_space<vmem>> -> memref<16x128xf32, #tpu.memory_space<vmem>>
        tpu.wait_dma2 semaphore(%run_scoped3A : memref<!tpu.dma_semaphore, #tpu.memory_space<semaphore_mem>>) src(%dma_wait3A_100 : memref<16x128xf32, #tpu.memory_space<vmem>>) dst(%dma_wait3A_97 : memref<16x128xf32, #tpu.memory_space<vmem_shared>>)
        tpu.yield
      }) : () -> ()
    } else {
    }
    %mul3A_15 = arith.constant 128 : i32
    %mul3A_16 = arith.muli %add3A, %mul3A_15 : i32
    %dma_start3A = tpu.memref_slice %arg3[%mul3A_16] : memref<320000xi32, #tpu.memory_space<hbm>> -> memref<128xi32, #tpu.memory_space<hbm>>
    %dma_start3A_17 = tpu.memref_slice %arg3[%mul3A_16] : memref<320000xi32, #tpu.memory_space<hbm>> -> memref<128xi32, #tpu.memory_space<hbm>>
    tpu.enqueue_dma source(%dma_start3A_17 : memref<128xi32, #tpu.memory_space<hbm>>) target(%arg7 : memref<128xi32, #tpu.memory_space<vmem>>) target_semaphore(%arg11 : memref<!tpu.dma_semaphore, #tpu.memory_space<semaphore_mem>>)
    %mul3A_18 = arith.constant 128 : i32
    %mul3A_19 = arith.muli %add3A, %mul3A_18 : i32
    %dma_start3A_20 = arith.constant 0 : i32
    %dma_start3A_21 = tpu.memref_slice %arg2[%mul3A_19, %dma_start3A_20] : memref<320000x128xf32, #tpu.memory_space<hbm>> -> memref<128x128xf32, #tpu.memory_space<hbm>>
    %dma_start3A_22 = arith.constant 0 : i32
    %dma_start3A_23 = tpu.memref_slice %arg2[%mul3A_19, %dma_start3A_22] : memref<320000x128xf32, #tpu.memory_space<hbm>> -> memref<128x128xf32, #tpu.memory_space<hbm>>
    tpu.enqueue_dma source(%dma_start3A_23 : memref<128x128xf32, #tpu.memory_space<hbm>>) target(%arg9 : memref<128x128xf32, #tpu.memory_space<vmem>>) target_semaphore(%arg11 : memref<!tpu.dma_semaphore, #tpu.memory_space<semaphore_mem>>)
    %add3A_24 = arith.constant 32 : i32
    %add3A_25 = arith.addi %add3A, %add3A_24 : i32
    %mul3A_26 = arith.constant 128 : i32
    %mul3A_27 = arith.muli %add3A_25, %mul3A_26 : i32
    %dma_start3A_28 = tpu.memref_slice %arg3[%mul3A_27] : memref<320000xi32, #tpu.memory_space<hbm>> -> memref<128xi32, #tpu.memory_space<hbm>>
    %dma_start3A_29 = tpu.memref_slice %arg3[%mul3A_27] : memref<320000xi32, #tpu.memory_space<hbm>> -> memref<128xi32, #tpu.memory_space<hbm>>
    tpu.enqueue_dma source(%dma_start3A_29 : memref<128xi32, #tpu.memory_space<hbm>>) target(%arg8 : memref<128xi32, #tpu.memory_space<vmem>>) target_semaphore(%arg12 : memref<!tpu.dma_semaphore, #tpu.memory_space<semaphore_mem>>)
    %mul3A_30 = arith.constant 128 : i32
    %mul3A_31 = arith.muli %add3A_25, %mul3A_30 : i32
    %dma_start3A_32 = arith.constant 0 : i32
    %dma_start3A_33 = tpu.memref_slice %arg2[%mul3A_31, %dma_start3A_32] : memref<320000x128xf32, #tpu.memory_space<hbm>> -> memref<128x128xf32, #tpu.memory_space<hbm>>
    %dma_start3A_34 = arith.constant 0 : i32
    %dma_start3A_35 = tpu.memref_slice %arg2[%mul3A_31, %dma_start3A_34] : memref<320000x128xf32, #tpu.memory_space<hbm>> -> memref<128x128xf32, #tpu.memory_space<hbm>>
    tpu.enqueue_dma source(%dma_start3A_35 : memref<128x128xf32, #tpu.memory_space<hbm>>) target(%arg10 : memref<128x128xf32, #tpu.memory_space<vmem>>) target_semaphore(%arg12 : memref<!tpu.dma_semaphore, #tpu.memory_space<semaphore_mem>>)
    %barrier3A = arith.constant 0 : index
    tpu.barrier barrier_id(%barrier3A)
    %scan3A = arith.constant 0 : i32
    %scan3A_36 = arith.constant 0 : i32
    %scan3A_37 = arith.constant 39 : i32
    %scan3A_38 = arith.addi %scan3A_36, %scan3A_37 : i32
    %scan3A_39 = arith.constant 1 : i32
    scf.for %scan3A_78 = %scan3A_36 to %scan3A_38 step %scan3A_39  : i32 {
      %mul3A_79 = arith.constant 2 : i32
      %mul3A_80 = arith.muli %mul3A_79, %scan3A_78 : i32
      %mul3A_81 = arith.constant 32 : i32
      %mul3A_82 = arith.muli %mul3A_80, %mul3A_81 : i32
      %add3A_83 = arith.addi %add3A, %mul3A_82 : i32
      %mul3A_84 = arith.constant 128 : i32
      %mul3A_85 = arith.muli %add3A_83, %mul3A_84 : i32
      %dma_wait3A = tpu.memref_slice %arg3[%mul3A_85] : memref<320000xi32, #tpu.memory_space<hbm>> -> memref<128xi32, #tpu.memory_space<hbm>>
      %dma_wait3A_86 = tpu.memref_slice %arg3[%mul3A_85] : memref<320000xi32, #tpu.memory_space<hbm>> -> memref<128xi32, #tpu.memory_space<hbm>>
      tpu.wait_dma2 semaphore(%arg11 : memref<!tpu.dma_semaphore, #tpu.memory_space<semaphore_mem>>) src(%dma_wait3A_86 : memref<128xi32, #tpu.memory_space<hbm>>) dst(%arg7 : memref<128xi32, #tpu.memory_space<vmem>>)
      %mul3A_87 = arith.constant 128 : i32
      %mul3A_88 = arith.muli %add3A_83, %mul3A_87 : i32
      %dma_wait3A_89 = arith.constant 0 : i32
      %dma_wait3A_90 = tpu.memref_slice %arg2[%mul3A_88, %dma_wait3A_89] : memref<320000x128xf32, #tpu.memory_space<hbm>> -> memref<128x128xf32, #tpu.memory_space<hbm>>
      %dma_wait3A_91 = arith.constant 0 : i32
      %dma_wait3A_92 = tpu.memref_slice %arg2[%mul3A_88, %dma_wait3A_91] : memref<320000x128xf32, #tpu.memory_space<hbm>> -> memref<128x128xf32, #tpu.memory_space<hbm>>
      tpu.wait_dma2 semaphore(%arg11 : memref<!tpu.dma_semaphore, #tpu.memory_space<semaphore_mem>>) src(%dma_wait3A_92 : memref<128x128xf32, #tpu.memory_space<hbm>>) dst(%arg9 : memref<128x128xf32, #tpu.memory_space<vmem>>)
      "tpu.region"() ({
        %run_scoped3A = tpu.sem_alloc : memref<!tpu.dma_semaphore, #tpu.memory_space<semaphore_mem>>
        %dma_start3A_115 = arith.constant 0 : i32
        %dma_start3A_116 = arith.constant 0 : i32
        %dma_start3A_117 = tpu.memref_slice %arg6[%dma_start3A_115, %dma_start3A_116] : memref<10000x128xf32, #tpu.memory_space<vmem_shared>> -> memref<10000x128xf32, #tpu.memory_space<vmem_shared>>
        tpu.enqueue_indirect_dma source(%arg9 : memref<128x128xf32, #tpu.memory_space<vmem>>) target(%dma_start3A_117 : memref<10000x128xf32, #tpu.memory_space<vmem_shared>>) offsets(%arg7 : memref<128xi32, #tpu.memory_space<vmem>>) semaphore(%run_scoped3A : memref<!tpu.dma_semaphore, #tpu.memory_space<semaphore_mem>>) {add = true}
        %dma_wait3A_118 = arith.constant 0 : i32
        %dma_wait3A_119 = arith.constant 0 : i32
        %dma_wait3A_120 = tpu.memref_slice %arg6[%dma_wait3A_118, %dma_wait3A_119] : memref<10000x128xf32, #tpu.memory_space<vmem_shared>> -> memref<10000x128xf32, #tpu.memory_space<vmem_shared>>
        tpu.wait_indirect_dma semaphore(%run_scoped3A : memref<!tpu.dma_semaphore, #tpu.memory_space<semaphore_mem>>) src(%arg9 : memref<128x128xf32, #tpu.memory_space<vmem>>) dst(%dma_wait3A_120 : memref<10000x128xf32, #tpu.memory_space<vmem_shared>>)
        tpu.yield
      }) : () -> ()
      %lt3A_93 = arith.constant 38 : i32
      %lt3A_94 = arith.cmpi slt, %scan3A_78, %lt3A_93 : i32
      %convert_element_type3A_95 = arith.extui %lt3A_94 : i1 to i32
      %cond3A_96 = arith.constant 0 : i32
      %cond3A_97 = arith.cmpi ne, %convert_element_type3A_95, %cond3A_96 : i32
      scf.if %cond3A_97 {
        %add3A_115 = arith.constant 64 : i32
        %add3A_116 = arith.addi %add3A_83, %add3A_115 : i32
        %mul3A_117 = arith.constant 128 : i32
        %mul3A_118 = arith.muli %add3A_116, %mul3A_117 : i32
        %dma_start3A_119 = tpu.memref_slice %arg3[%mul3A_118] : memref<320000xi32, #tpu.memory_space<hbm>> -> memref<128xi32, #tpu.memory_space<hbm>>
        %dma_start3A_120 = tpu.memref_slice %arg3[%mul3A_118] : memref<320000xi32, #tpu.memory_space<hbm>> -> memref<128xi32, #tpu.memory_space<hbm>>
        tpu.enqueue_dma source(%dma_start3A_120 : memref<128xi32, #tpu.memory_space<hbm>>) target(%arg7 : memref<128xi32, #tpu.memory_space<vmem>>) target_semaphore(%arg11 : memref<!tpu.dma_semaphore, #tpu.memory_space<semaphore_mem>>)
        %mul3A_121 = arith.constant 128 : i32
        %mul3A_122 = arith.muli %add3A_116, %mul3A_121 : i32
        %dma_start3A_123 = arith.constant 0 : i32
        %dma_start3A_124 = tpu.memref_slice %arg2[%mul3A_122, %dma_start3A_123] : memref<320000x128xf32, #tpu.memory_space<hbm>> -> memref<128x128xf32, #tpu.memory_space<hbm>>
        %dma_start3A_125 = arith.constant 0 : i32
        %dma_start3A_126 = tpu.memref_slice %arg2[%mul3A_122, %dma_start3A_125] : memref<320000x128xf32, #tpu.memory_space<hbm>> -> memref<128x128xf32, #tpu.memory_space<hbm>>
        tpu.enqueue_dma source(%dma_start3A_126 : memref<128x128xf32, #tpu.memory_space<hbm>>) target(%arg9 : memref<128x128xf32, #tpu.memory_space<vmem>>) target_semaphore(%arg11 : memref<!tpu.dma_semaphore, #tpu.memory_space<semaphore_mem>>)
      } else {
      }
      %add3A_98 = arith.constant 32 : i32
      %add3A_99 = arith.addi %add3A_83, %add3A_98 : i32
      %mul3A_100 = arith.constant 128 : i32
      %mul3A_101 = arith.muli %add3A_99, %mul3A_100 : i32
      %dma_wait3A_102 = tpu.memref_slice %arg3[%mul3A_101] : memref<320000xi32, #tpu.memory_space<hbm>> -> memref<128xi32, #tpu.memory_space<hbm>>
      %dma_wait3A_103 = tpu.memref_slice %arg3[%mul3A_101] : memref<320000xi32, #tpu.memory_space<hbm>> -> memref<128xi32, #tpu.memory_space<hbm>>
      tpu.wait_dma2 semaphore(%arg12 : memref<!tpu.dma_semaphore, #tpu.memory_space<semaphore_mem>>) src(%dma_wait3A_103 : memref<128xi32, #tpu.memory_space<hbm>>) dst(%arg8 : memref<128xi32, #tpu.memory_space<vmem>>)
      %mul3A_104 = arith.constant 128 : i32
      %mul3A_105 = arith.muli %add3A_99, %mul3A_104 : i32
      %dma_wait3A_106 = arith.constant 0 : i32
      %dma_wait3A_107 = tpu.memref_slice %arg2[%mul3A_105, %dma_wait3A_106] : memref<320000x128xf32, #tpu.memory_space<hbm>> -> memref<128x128xf32, #tpu.memory_space<hbm>>
      %dma_wait3A_108 = arith.constant 0 : i32
      %dma_wait3A_109 = tpu.memref_slice %arg2[%mul3A_105, %dma_wait3A_108] : memref<320000x128xf32, #tpu.memory_space<hbm>> -> memref<128x128xf32, #tpu.memory_space<hbm>>
      tpu.wait_dma2 semaphore(%arg12 : memref<!tpu.dma_semaphore, #tpu.memory_space<semaphore_mem>>) src(%dma_wait3A_109 : memref<128x128xf32, #tpu.memory_space<hbm>>) dst(%arg10 : memref<128x128xf32, #tpu.memory_space<vmem>>)
      "tpu.region"() ({
        %run_scoped3A = tpu.sem_alloc : memref<!tpu.dma_semaphore, #tpu.memory_space<semaphore_mem>>
        %dma_start3A_115 = arith.constant 0 : i32
        %dma_start3A_116 = arith.constant 0 : i32
        %dma_start3A_117 = tpu.memref_slice %arg6[%dma_start3A_115, %dma_start3A_116] : memref<10000x128xf32, #tpu.memory_space<vmem_shared>> -> memref<10000x128xf32, #tpu.memory_space<vmem_shared>>
        tpu.enqueue_indirect_dma source(%arg10 : memref<128x128xf32, #tpu.memory_space<vmem>>) target(%dma_start3A_117 : memref<10000x128xf32, #tpu.memory_space<vmem_shared>>) offsets(%arg8 : memref<128xi32, #tpu.memory_space<vmem>>) semaphore(%run_scoped3A : memref<!tpu.dma_semaphore, #tpu.memory_space<semaphore_mem>>) {add = true}
        %dma_wait3A_118 = arith.constant 0 : i32
        %dma_wait3A_119 = arith.constant 0 : i32
        %dma_wait3A_120 = tpu.memref_slice %arg6[%dma_wait3A_118, %dma_wait3A_119] : memref<10000x128xf32, #tpu.memory_space<vmem_shared>> -> memref<10000x128xf32, #tpu.memory_space<vmem_shared>>
        tpu.wait_indirect_dma semaphore(%run_scoped3A : memref<!tpu.dma_semaphore, #tpu.memory_space<semaphore_mem>>) src(%arg10 : memref<128x128xf32, #tpu.memory_space<vmem>>) dst(%dma_wait3A_120 : memref<10000x128xf32, #tpu.memory_space<vmem_shared>>)
        tpu.yield
      }) : () -> ()
      %lt3A_110 = arith.constant 38 : i32
      %lt3A_111 = arith.cmpi slt, %scan3A_78, %lt3A_110 : i32
      %convert_element_type3A_112 = arith.extui %lt3A_111 : i1 to i32
      %cond3A_113 = arith.constant 0 : i32
      %cond3A_114 = arith.cmpi ne, %convert_element_type3A_112, %cond3A_113 : i32
      scf.if %cond3A_114 {
        %add3A_115 = arith.constant 64 : i32
        %add3A_116 = arith.addi %add3A_99, %add3A_115 : i32
        %mul3A_117 = arith.constant 128 : i32
        %mul3A_118 = arith.muli %add3A_116, %mul3A_117 : i32
        %dma_start3A_119 = tpu.memref_slice %arg3[%mul3A_118] : memref<320000xi32, #tpu.memory_space<hbm>> -> memref<128xi32, #tpu.memory_space<hbm>>
        %dma_start3A_120 = tpu.memref_slice %arg3[%mul3A_118] : memref<320000xi32, #tpu.memory_space<hbm>> -> memref<128xi32, #tpu.memory_space<hbm>>
        tpu.enqueue_dma source(%dma_start3A_120 : memref<128xi32, #tpu.memory_space<hbm>>) target(%arg8 : memref<128xi32, #tpu.memory_space<vmem>>) target_semaphore(%arg12 : memref<!tpu.dma_semaphore, #tpu.memory_space<semaphore_mem>>)
        %mul3A_121 = arith.constant 128 : i32
        %mul3A_122 = arith.muli %add3A_116, %mul3A_121 : i32
        %dma_start3A_123 = arith.constant 0 : i32
        %dma_start3A_124 = tpu.memref_slice %arg2[%mul3A_122, %dma_start3A_123] : memref<320000x128xf32, #tpu.memory_space<hbm>> -> memref<128x128xf32, #tpu.memory_space<hbm>>
        %dma_start3A_125 = arith.constant 0 : i32
        %dma_start3A_126 = tpu.memref_slice %arg2[%mul3A_122, %dma_start3A_125] : memref<320000x128xf32, #tpu.memory_space<hbm>> -> memref<128x128xf32, #tpu.memory_space<hbm>>
        tpu.enqueue_dma source(%dma_start3A_126 : memref<128x128xf32, #tpu.memory_space<hbm>>) target(%arg10 : memref<128x128xf32, #tpu.memory_space<vmem>>) target_semaphore(%arg12 : memref<!tpu.dma_semaphore, #tpu.memory_space<semaphore_mem>>)
      } else {
      }
    }
    %scan3A_40 = arith.constant 39 : i32
    %lt3A = arith.constant 4 : i32
    %lt3A_41 = arith.cmpi slt, %add3A, %lt3A : i32
    %convert_element_type3A_42 = arith.extui %lt3A_41 : i1 to i32
    %cond3A_43 = arith.constant 0 : i32
    %cond3A_44 = arith.cmpi ne, %convert_element_type3A_42, %cond3A_43 : i32
    scf.if %cond3A_44 {
      %add3A_78 = arith.constant 2496 : i32
      %add3A_79 = arith.addi %add3A_78, %add3A : i32
      %mul3A_80 = arith.constant 128 : i32
      %mul3A_81 = arith.muli %add3A_79, %mul3A_80 : i32
      "tpu.region"() ({
        %run_scoped3A = tpu.sem_alloc : memref<!tpu.dma_semaphore, #tpu.memory_space<semaphore_mem>>
        %dma_start3A_84 = tpu.memref_slice %arg3[%mul3A_81] : memref<320000xi32, #tpu.memory_space<hbm>> -> memref<128xi32, #tpu.memory_space<hbm>>
        %dma_start3A_85 = tpu.memref_slice %arg3[%mul3A_81] : memref<320000xi32, #tpu.memory_space<hbm>> -> memref<128xi32, #tpu.memory_space<hbm>>
        tpu.enqueue_dma source(%dma_start3A_85 : memref<128xi32, #tpu.memory_space<hbm>>) target(%arg7 : memref<128xi32, #tpu.memory_space<vmem>>) target_semaphore(%run_scoped3A : memref<!tpu.dma_semaphore, #tpu.memory_space<semaphore_mem>>)
        %dma_wait3A = tpu.memref_slice %arg3[%mul3A_81] : memref<320000xi32, #tpu.memory_space<hbm>> -> memref<128xi32, #tpu.memory_space<hbm>>
        %dma_wait3A_86 = tpu.memref_slice %arg3[%mul3A_81] : memref<320000xi32, #tpu.memory_space<hbm>> -> memref<128xi32, #tpu.memory_space<hbm>>
        tpu.wait_dma2 semaphore(%run_scoped3A : memref<!tpu.dma_semaphore, #tpu.memory_space<semaphore_mem>>) src(%dma_wait3A_86 : memref<128xi32, #tpu.memory_space<hbm>>) dst(%arg7 : memref<128xi32, #tpu.memory_space<vmem>>)
        tpu.yield
      }) : () -> ()
      %mul3A_82 = arith.constant 128 : i32
      %mul3A_83 = arith.muli %add3A_79, %mul3A_82 : i32
      "tpu.region"() ({
        %run_scoped3A = tpu.sem_alloc : memref<!tpu.dma_semaphore, #tpu.memory_space<semaphore_mem>>
        %dma_start3A_84 = arith.constant 0 : i32
        %dma_start3A_85 = tpu.memref_slice %arg2[%mul3A_83, %dma_start3A_84] : memref<320000x128xf32, #tpu.memory_space<hbm>> -> memref<128x128xf32, #tpu.memory_space<hbm>>
        %dma_start3A_86 = arith.constant 0 : i32
        %dma_start3A_87 = tpu.memref_slice %arg2[%mul3A_83, %dma_start3A_86] : memref<320000x128xf32, #tpu.memory_space<hbm>> -> memref<128x128xf32, #tpu.memory_space<hbm>>
        tpu.enqueue_dma source(%dma_start3A_87 : memref<128x128xf32, #tpu.memory_space<hbm>>) target(%arg9 : memref<128x128xf32, #tpu.memory_space<vmem>>) target_semaphore(%run_scoped3A : memref<!tpu.dma_semaphore, #tpu.memory_space<semaphore_mem>>)
        %dma_wait3A = arith.constant 0 : i32
        %dma_wait3A_88 = tpu.memref_slice %arg2[%mul3A_83, %dma_wait3A] : memref<320000x128xf32, #tpu.memory_space<hbm>> -> memref<128x128xf32, #tpu.memory_space<hbm>>
        %dma_wait3A_89 = arith.constant 0 : i32
        %dma_wait3A_90 = tpu.memref_slice %arg2[%mul3A_83, %dma_wait3A_89] : memref<320000x128xf32, #tpu.memory_space<hbm>> -> memref<128x128xf32, #tpu.memory_space<hbm>>
        tpu.wait_dma2 semaphore(%run_scoped3A : memref<!tpu.dma_semaphore, #tpu.memory_space<semaphore_mem>>) src(%dma_wait3A_90 : memref<128x128xf32, #tpu.memory_space<hbm>>) dst(%arg9 : memref<128x128xf32, #tpu.memory_space<vmem>>)
        tpu.yield
      }) : () -> ()
      "tpu.region"() ({
        %run_scoped3A = tpu.sem_alloc : memref<!tpu.dma_semaphore, #tpu.memory_space<semaphore_mem>>
        %dma_start3A_84 = arith.constant 0 : i32
        %dma_start3A_85 = arith.constant 0 : i32
        %dma_start3A_86 = tpu.memref_slice %arg6[%dma_start3A_84, %dma_start3A_85] : memref<10000x128xf32, #tpu.memory_space<vmem_shared>> -> memref<10000x128xf32, #tpu.memory_space<vmem_shared>>
        tpu.enqueue_indirect_dma source(%arg9 : memref<128x128xf32, #tpu.memory_space<vmem>>) target(%dma_start3A_86 : memref<10000x128xf32, #tpu.memory_space<vmem_shared>>) offsets(%arg7 : memref<128xi32, #tpu.memory_space<vmem>>) semaphore(%run_scoped3A : memref<!tpu.dma_semaphore, #tpu.memory_space<semaphore_mem>>) {add = true}
        %dma_wait3A = arith.constant 0 : i32
        %dma_wait3A_87 = arith.constant 0 : i32
        %dma_wait3A_88 = tpu.memref_slice %arg6[%dma_wait3A, %dma_wait3A_87] : memref<10000x128xf32, #tpu.memory_space<vmem_shared>> -> memref<10000x128xf32, #tpu.memory_space<vmem_shared>>
        tpu.wait_indirect_dma semaphore(%run_scoped3A : memref<!tpu.dma_semaphore, #tpu.memory_space<semaphore_mem>>) src(%arg9 : memref<128x128xf32, #tpu.memory_space<vmem>>) dst(%dma_wait3A_88 : memref<10000x128xf32, #tpu.memory_space<vmem_shared>>)
        tpu.yield
      }) : () -> ()
    } else {
    }
    %barrier3A_45 = arith.constant 0 : index
    tpu.barrier barrier_id(%barrier3A_45)
    %mul3A_46 = arith.constant 624 : i32
    %mul3A_47 = arith.muli %arg1, %mul3A_46 : i32
    %add3A_48 = arith.constant 0 : i32
    %add3A_49 = arith.addi %mul3A_47, %add3A_48 : i32
    "tpu.region"() ({
      %run_scoped3A = tpu.sem_alloc : memref<!tpu.dma_semaphore, #tpu.memory_space<semaphore_mem>>
      %dma_start3A_78 = arith.constant 0 : i32
      %dma_start3A_79 = arith.constant 0 : i32
      %dma_start3A_80 = tpu.memref_slice %arg9[%dma_start3A_78, %dma_start3A_79] : memref<128x128xf32, #tpu.memory_space<vmem>> -> memref<128x128xf32, #tpu.memory_space<vmem>>
      %dma_start3A_81 = arith.constant 0 : i32
      %dma_start3A_82 = tpu.memref_slice %arg6[%add3A_49, %dma_start3A_81] : memref<10000x128xf32, #tpu.memory_space<vmem_shared>> -> memref<128x128xf32, #tpu.memory_space<vmem_shared>>
      %dma_start3A_83 = arith.constant 0 : i32
      %dma_start3A_84 = arith.constant 0 : i32
      %dma_start3A_85 = tpu.memref_slice %arg9[%dma_start3A_83, %dma_start3A_84] : memref<128x128xf32, #tpu.memory_space<vmem>> -> memref<128x128xf32, #tpu.memory_space<vmem>>
      %dma_start3A_86 = arith.constant 0 : i32
      %dma_start3A_87 = tpu.memref_slice %arg6[%add3A_49, %dma_start3A_86] : memref<10000x128xf32, #tpu.memory_space<vmem_shared>> -> memref<128x128xf32, #tpu.memory_space<vmem_shared>>
      tpu.enqueue_dma source(%dma_start3A_87 : memref<128x128xf32, #tpu.memory_space<vmem_shared>>) target(%dma_start3A_85 : memref<128x128xf32, #tpu.memory_space<vmem>>) target_semaphore(%run_scoped3A : memref<!tpu.dma_semaphore, #tpu.memory_space<semaphore_mem>>)
      %dma_wait3A = arith.constant 0 : i32
      %dma_wait3A_88 = arith.constant 0 : i32
      %dma_wait3A_89 = tpu.memref_slice %arg9[%dma_wait3A, %dma_wait3A_88] : memref<128x128xf32, #tpu.memory_space<vmem>> -> memref<128x128xf32, #tpu.memory_space<vmem>>
      %dma_wait3A_90 = arith.constant 0 : i32
      %dma_wait3A_91 = tpu.memref_slice %arg6[%add3A_49, %dma_wait3A_90] : memref<10000x128xf32, #tpu.memory_space<vmem_shared>> -> memref<128x128xf32, #tpu.memory_space<vmem_shared>>
      %dma_wait3A_92 = arith.constant 0 : i32
      %dma_wait3A_93 = arith.constant 0 : i32
      %dma_wait3A_94 = tpu.memref_slice %arg9[%dma_wait3A_92, %dma_wait3A_93] : memref<128x128xf32, #tpu.memory_space<vmem>> -> memref<128x128xf32, #tpu.memory_space<vmem>>
      %dma_wait3A_95 = arith.constant 0 : i32
      %dma_wait3A_96 = tpu.memref_slice %arg6[%add3A_49, %dma_wait3A_95] : memref<10000x128xf32, #tpu.memory_space<vmem_shared>> -> memref<128x128xf32, #tpu.memory_space<vmem_shared>>
      tpu.wait_dma2 semaphore(%run_scoped3A : memref<!tpu.dma_semaphore, #tpu.memory_space<semaphore_mem>>) src(%dma_wait3A_96 : memref<128x128xf32, #tpu.memory_space<vmem_shared>>) dst(%dma_wait3A_94 : memref<128x128xf32, #tpu.memory_space<vmem>>)
      tpu.yield
    }) : () -> ()
    %mul3A_50 = arith.constant 10000 : i32
    %mul3A_51 = arith.muli %arg0, %mul3A_50 : i32
    %add3A_52 = arith.addi %mul3A_51, %add3A_49 : i32
    "tpu.region"() ({
      %run_scoped3A = tpu.sem_alloc : memref<!tpu.dma_semaphore, #tpu.memory_space<semaphore_mem>>
      %dma_start3A_78 = arith.constant 0 : i32
      %dma_start3A_79 = arith.constant 0 : i32
      %dma_start3A_80 = tpu.memref_slice %arg9[%dma_start3A_78, %dma_start3A_79] : memref<128x128xf32, #tpu.memory_space<vmem>> -> memref<128x128xf32, #tpu.memory_space<vmem>>
      %dma_start3A_81 = arith.constant 0 : i32
      %dma_start3A_82 = tpu.memref_slice %arg5[%add3A_52, %dma_start3A_81] : memref<20000x128xf32, #tpu.memory_space<hbm>> -> memref<128x128xf32, #tpu.memory_space<hbm>>
      %dma_start3A_83 = arith.constant 0 : i32
      %dma_start3A_84 = tpu.memref_slice %arg5[%add3A_52, %dma_start3A_83] : memref<20000x128xf32, #tpu.memory_space<hbm>> -> memref<128x128xf32, #tpu.memory_space<hbm>>
      %dma_start3A_85 = arith.constant 0 : i32
      %dma_start3A_86 = arith.constant 0 : i32
      %dma_start3A_87 = tpu.memref_slice %arg9[%dma_start3A_85, %dma_start3A_86] : memref<128x128xf32, #tpu.memory_space<vmem>> -> memref<128x128xf32, #tpu.memory_space<vmem>>
      tpu.enqueue_dma source(%dma_start3A_87 : memref<128x128xf32, #tpu.memory_space<vmem>>) target(%dma_start3A_84 : memref<128x128xf32, #tpu.memory_space<hbm>>) target_semaphore(%run_scoped3A : memref<!tpu.dma_semaphore, #tpu.memory_space<semaphore_mem>>)
      %dma_wait3A = arith.constant 0 : i32
      %dma_wait3A_88 = arith.constant 0 : i32
      %dma_wait3A_89 = tpu.memref_slice %arg9[%dma_wait3A, %dma_wait3A_88] : memref<128x128xf32, #tpu.memory_space<vmem>> -> memref<128x128xf32, #tpu.memory_space<vmem>>
      %dma_wait3A_90 = arith.constant 0 : i32
      %dma_wait3A_91 = tpu.memref_slice %arg5[%add3A_52, %dma_wait3A_90] : memref<20000x128xf32, #tpu.memory_space<hbm>> -> memref<128x128xf32, #tpu.memory_space<hbm>>
      %dma_wait3A_92 = arith.constant 0 : i32
      %dma_wait3A_93 = tpu.memref_slice %arg5[%add3A_52, %dma_wait3A_92] : memref<20000x128xf32, #tpu.memory_space<hbm>> -> memref<128x128xf32, #tpu.memory_space<hbm>>
      %dma_wait3A_94 = arith.constant 0 : i32
      %dma_wait3A_95 = arith.constant 0 : i32
      %dma_wait3A_96 = tpu.memref_slice %arg9[%dma_wait3A_94, %dma_wait3A_95] : memref<128x128xf32, #tpu.memory_space<vmem>> -> memref<128x128xf32, #tpu.memory_space<vmem>>
      tpu.wait_dma2 semaphore(%run_scoped3A : memref<!tpu.dma_semaphore, #tpu.memory_space<semaphore_mem>>) src(%dma_wait3A_96 : memref<128x128xf32, #tpu.memory_space<vmem>>) dst(%dma_wait3A_93 : memref<128x128xf32, #tpu.memory_space<hbm>>)
      tpu.yield
    }) : () -> ()
    %add3A_53 = arith.constant 128 : i32
    %add3A_54 = arith.addi %mul3A_47, %add3A_53 : i32
    "tpu.region"() ({
      %run_scoped3A = tpu.sem_alloc : memref<!tpu.dma_semaphore, #tpu.memory_space<semaphore_mem>>
      %dma_start3A_78 = arith.constant 0 : i32
      %dma_start3A_79 = arith.constant 0 : i32
      %dma_start3A_80 = tpu.memref_slice %arg9[%dma_start3A_78, %dma_start3A_79] : memref<128x128xf32, #tpu.memory_space<vmem>> -> memref<128x128xf32, #tpu.memory_space<vmem>>
      %dma_start3A_81 = arith.constant 0 : i32
      %dma_start3A_82 = tpu.memref_slice %arg6[%add3A_54, %dma_start3A_81] : memref<10000x128xf32, #tpu.memory_space<vmem_shared>> -> memref<128x128xf32, #tpu.memory_space<vmem_shared>>
      %dma_start3A_83 = arith.constant 0 : i32
      %dma_start3A_84 = arith.constant 0 : i32
      %dma_start3A_85 = tpu.memref_slice %arg9[%dma_start3A_83, %dma_start3A_84] : memref<128x128xf32, #tpu.memory_space<vmem>> -> memref<128x128xf32, #tpu.memory_space<vmem>>
      %dma_start3A_86 = arith.constant 0 : i32
      %dma_start3A_87 = tpu.memref_slice %arg6[%add3A_54, %dma_start3A_86] : memref<10000x128xf32, #tpu.memory_space<vmem_shared>> -> memref<128x128xf32, #tpu.memory_space<vmem_shared>>
      tpu.enqueue_dma source(%dma_start3A_87 : memref<128x128xf32, #tpu.memory_space<vmem_shared>>) target(%dma_start3A_85 : memref<128x128xf32, #tpu.memory_space<vmem>>) target_semaphore(%run_scoped3A : memref<!tpu.dma_semaphore, #tpu.memory_space<semaphore_mem>>)
      %dma_wait3A = arith.constant 0 : i32
      %dma_wait3A_88 = arith.constant 0 : i32
      %dma_wait3A_89 = tpu.memref_slice %arg9[%dma_wait3A, %dma_wait3A_88] : memref<128x128xf32, #tpu.memory_space<vmem>> -> memref<128x128xf32, #tpu.memory_space<vmem>>
      %dma_wait3A_90 = arith.constant 0 : i32
      %dma_wait3A_91 = tpu.memref_slice %arg6[%add3A_54, %dma_wait3A_90] : memref<10000x128xf32, #tpu.memory_space<vmem_shared>> -> memref<128x128xf32, #tpu.memory_space<vmem_shared>>
      %dma_wait3A_92 = arith.constant 0 : i32
      %dma_wait3A_93 = arith.constant 0 : i32
      %dma_wait3A_94 = tpu.memref_slice %arg9[%dma_wait3A_92, %dma_wait3A_93] : memref<128x128xf32, #tpu.memory_space<vmem>> -> memref<128x128xf32, #tpu.memory_space<vmem>>
      %dma_wait3A_95 = arith.constant 0 : i32
      %dma_wait3A_96 = tpu.memref_slice %arg6[%add3A_54, %dma_wait3A_95] : memref<10000x128xf32, #tpu.memory_space<vmem_shared>> -> memref<128x128xf32, #tpu.memory_space<vmem_shared>>
      tpu.wait_dma2 semaphore(%run_scoped3A : memref<!tpu.dma_semaphore, #tpu.memory_space<semaphore_mem>>) src(%dma_wait3A_96 : memref<128x128xf32, #tpu.memory_space<vmem_shared>>) dst(%dma_wait3A_94 : memref<128x128xf32, #tpu.memory_space<vmem>>)
      tpu.yield
    }) : () -> ()
    %mul3A_55 = arith.constant 10000 : i32
    %mul3A_56 = arith.muli %arg0, %mul3A_55 : i32
    %add3A_57 = arith.addi %mul3A_56, %add3A_54 : i32
    "tpu.region"() ({
      %run_scoped3A = tpu.sem_alloc : memref<!tpu.dma_semaphore, #tpu.memory_space<semaphore_mem>>
      %dma_start3A_78 = arith.constant 0 : i32
      %dma_start3A_79 = arith.constant 0 : i32
      %dma_start3A_80 = tpu.memref_slice %arg9[%dma_start3A_78, %dma_start3A_79] : memref<128x128xf32, #tpu.memory_space<vmem>> -> memref<128x128xf32, #tpu.memory_space<vmem>>
      %dma_start3A_81 = arith.constant 0 : i32
      %dma_start3A_82 = tpu.memref_slice %arg5[%add3A_57, %dma_start3A_81] : memref<20000x128xf32, #tpu.memory_space<hbm>> -> memref<128x128xf32, #tpu.memory_space<hbm>>
      %dma_start3A_83 = arith.constant 0 : i32
      %dma_start3A_84 = tpu.memref_slice %arg5[%add3A_57, %dma_start3A_83] : memref<20000x128xf32, #tpu.memory_space<hbm>> -> memref<128x128xf32, #tpu.memory_space<hbm>>
      %dma_start3A_85 = arith.constant 0 : i32
      %dma_start3A_86 = arith.constant 0 : i32
      %dma_start3A_87 = tpu.memref_slice %arg9[%dma_start3A_85, %dma_start3A_86] : memref<128x128xf32, #tpu.memory_space<vmem>> -> memref<128x128xf32, #tpu.memory_space<vmem>>
      tpu.enqueue_dma source(%dma_start3A_87 : memref<128x128xf32, #tpu.memory_space<vmem>>) target(%dma_start3A_84 : memref<128x128xf32, #tpu.memory_space<hbm>>) target_semaphore(%run_scoped3A : memref<!tpu.dma_semaphore, #tpu.memory_space<semaphore_mem>>)
      %dma_wait3A = arith.constant 0 : i32
      %dma_wait3A_88 = arith.constant 0 : i32
      %dma_wait3A_89 = tpu.memref_slice %arg9[%dma_wait3A, %dma_wait3A_88] : memref<128x128xf32, #tpu.memory_space<vmem>> -> memref<128x128xf32, #tpu.memory_space<vmem>>
      %dma_wait3A_90 = arith.constant 0 : i32
      %dma_wait3A_91 = tpu.memref_slice %arg5[%add3A_57, %dma_wait3A_90] : memref<20000x128xf32, #tpu.memory_space<hbm>> -> memref<128x128xf32, #tpu.memory_space<hbm>>
      %dma_wait3A_92 = arith.constant 0 : i32
      %dma_wait3A_93 = tpu.memref_slice %arg5[%add3A_57, %dma_wait3A_92] : memref<20000x128xf32, #tpu.memory_space<hbm>> -> memref<128x128xf32, #tpu.memory_space<hbm>>
      %dma_wait3A_94 = arith.constant 0 : i32
      %dma_wait3A_95 = arith.constant 0 : i32
      %dma_wait3A_96 = tpu.memref_slice %arg9[%dma_wait3A_94, %dma_wait3A_95] : memref<128x128xf32, #tpu.memory_space<vmem>> -> memref<128x128xf32, #tpu.memory_space<vmem>>
      tpu.wait_dma2 semaphore(%run_scoped3A : memref<!tpu.dma_semaphore, #tpu.memory_space<semaphore_mem>>) src(%dma_wait3A_96 : memref<128x128xf32, #tpu.memory_space<vmem>>) dst(%dma_wait3A_93 : memref<128x128xf32, #tpu.memory_space<hbm>>)
      tpu.yield
    }) : () -> ()
    %add3A_58 = arith.constant 256 : i32
    %add3A_59 = arith.addi %mul3A_47, %add3A_58 : i32
    "tpu.region"() ({
      %run_scoped3A = tpu.sem_alloc : memref<!tpu.dma_semaphore, #tpu.memory_space<semaphore_mem>>
      %dma_start3A_78 = arith.constant 0 : i32
      %dma_start3A_79 = arith.constant 0 : i32
      %dma_start3A_80 = tpu.memref_slice %arg9[%dma_start3A_78, %dma_start3A_79] : memref<128x128xf32, #tpu.memory_space<vmem>> -> memref<128x128xf32, #tpu.memory_space<vmem>>
      %dma_start3A_81 = arith.constant 0 : i32
      %dma_start3A_82 = tpu.memref_slice %arg6[%add3A_59, %dma_start3A_81] : memref<10000x128xf32, #tpu.memory_space<vmem_shared>> -> memref<128x128xf32, #tpu.memory_space<vmem_shared>>
      %dma_start3A_83 = arith.constant 0 : i32
      %dma_start3A_84 = arith.constant 0 : i32
      %dma_start3A_85 = tpu.memref_slice %arg9[%dma_start3A_83, %dma_start3A_84] : memref<128x128xf32, #tpu.memory_space<vmem>> -> memref<128x128xf32, #tpu.memory_space<vmem>>
      %dma_start3A_86 = arith.constant 0 : i32
      %dma_start3A_87 = tpu.memref_slice %arg6[%add3A_59, %dma_start3A_86] : memref<10000x128xf32, #tpu.memory_space<vmem_shared>> -> memref<128x128xf32, #tpu.memory_space<vmem_shared>>
      tpu.enqueue_dma source(%dma_start3A_87 : memref<128x128xf32, #tpu.memory_space<vmem_shared>>) target(%dma_start3A_85 : memref<128x128xf32, #tpu.memory_space<vmem>>) target_semaphore(%run_scoped3A : memref<!tpu.dma_semaphore, #tpu.memory_space<semaphore_mem>>)
      %dma_wait3A = arith.constant 0 : i32
      %dma_wait3A_88 = arith.constant 0 : i32
      %dma_wait3A_89 = tpu.memref_slice %arg9[%dma_wait3A, %dma_wait3A_88] : memref<128x128xf32, #tpu.memory_space<vmem>> -> memref<128x128xf32, #tpu.memory_space<vmem>>
      %dma_wait3A_90 = arith.constant 0 : i32
      %dma_wait3A_91 = tpu.memref_slice %arg6[%add3A_59, %dma_wait3A_90] : memref<10000x128xf32, #tpu.memory_space<vmem_shared>> -> memref<128x128xf32, #tpu.memory_space<vmem_shared>>
      %dma_wait3A_92 = arith.constant 0 : i32
      %dma_wait3A_93 = arith.constant 0 : i32
      %dma_wait3A_94 = tpu.memref_slice %arg9[%dma_wait3A_92, %dma_wait3A_93] : memref<128x128xf32, #tpu.memory_space<vmem>> -> memref<128x128xf32, #tpu.memory_space<vmem>>
      %dma_wait3A_95 = arith.constant 0 : i32
      %dma_wait3A_96 = tpu.memref_slice %arg6[%add3A_59, %dma_wait3A_95] : memref<10000x128xf32, #tpu.memory_space<vmem_shared>> -> memref<128x128xf32, #tpu.memory_space<vmem_shared>>
      tpu.wait_dma2 semaphore(%run_scoped3A : memref<!tpu.dma_semaphore, #tpu.memory_space<semaphore_mem>>) src(%dma_wait3A_96 : memref<128x128xf32, #tpu.memory_space<vmem_shared>>) dst(%dma_wait3A_94 : memref<128x128xf32, #tpu.memory_space<vmem>>)
      tpu.yield
    }) : () -> ()
    %mul3A_60 = arith.constant 10000 : i32
    %mul3A_61 = arith.muli %arg0, %mul3A_60 : i32
    %add3A_62 = arith.addi %mul3A_61, %add3A_59 : i32
    "tpu.region"() ({
      %run_scoped3A = tpu.sem_alloc : memref<!tpu.dma_semaphore, #tpu.memory_space<semaphore_mem>>
      %dma_start3A_78 = arith.constant 0 : i32
      %dma_start3A_79 = arith.constant 0 : i32
      %dma_start3A_80 = tpu.memref_slice %arg9[%dma_start3A_78, %dma_start3A_79] : memref<128x128xf32, #tpu.memory_space<vmem>> -> memref<128x128xf32, #tpu.memory_space<vmem>>
      %dma_start3A_81 = arith.constant 0 : i32
      %dma_start3A_82 = tpu.memref_slice %arg5[%add3A_62, %dma_start3A_81] : memref<20000x128xf32, #tpu.memory_space<hbm>> -> memref<128x128xf32, #tpu.memory_space<hbm>>
      %dma_start3A_83 = arith.constant 0 : i32
      %dma_start3A_84 = tpu.memref_slice %arg5[%add3A_62, %dma_start3A_83] : memref<20000x128xf32, #tpu.memory_space<hbm>> -> memref<128x128xf32, #tpu.memory_space<hbm>>
      %dma_start3A_85 = arith.constant 0 : i32
      %dma_start3A_86 = arith.constant 0 : i32
      %dma_start3A_87 = tpu.memref_slice %arg9[%dma_start3A_85, %dma_start3A_86] : memref<128x128xf32, #tpu.memory_space<vmem>> -> memref<128x128xf32, #tpu.memory_space<vmem>>
      tpu.enqueue_dma source(%dma_start3A_87 : memref<128x128xf32, #tpu.memory_space<vmem>>) target(%dma_start3A_84 : memref<128x128xf32, #tpu.memory_space<hbm>>) target_semaphore(%run_scoped3A : memref<!tpu.dma_semaphore, #tpu.memory_space<semaphore_mem>>)
      %dma_wait3A = arith.constant 0 : i32
      %dma_wait3A_88 = arith.constant 0 : i32
      %dma_wait3A_89 = tpu.memref_slice %arg9[%dma_wait3A, %dma_wait3A_88] : memref<128x128xf32, #tpu.memory_space<vmem>> -> memref<128x128xf32, #tpu.memory_space<vmem>>
      %dma_wait3A_90 = arith.constant 0 : i32
      %dma_wait3A_91 = tpu.memref_slice %arg5[%add3A_62, %dma_wait3A_90] : memref<20000x128xf32, #tpu.memory_space<hbm>> -> memref<128x128xf32, #tpu.memory_space<hbm>>
      %dma_wait3A_92 = arith.constant 0 : i32
      %dma_wait3A_93 = tpu.memref_slice %arg5[%add3A_62, %dma_wait3A_92] : memref<20000x128xf32, #tpu.memory_space<hbm>> -> memref<128x128xf32, #tpu.memory_space<hbm>>
      %dma_wait3A_94 = arith.constant 0 : i32
      %dma_wait3A_95 = arith.constant 0 : i32
      %dma_wait3A_96 = tpu.memref_slice %arg9[%dma_wait3A_94, %dma_wait3A_95] : memref<128x128xf32, #tpu.memory_space<vmem>> -> memref<128x128xf32, #tpu.memory_space<vmem>>
      tpu.wait_dma2 semaphore(%run_scoped3A : memref<!tpu.dma_semaphore, #tpu.memory_space<semaphore_mem>>) src(%dma_wait3A_96 : memref<128x128xf32, #tpu.memory_space<vmem>>) dst(%dma_wait3A_93 : memref<128x128xf32, #tpu.memory_space<hbm>>)
      tpu.yield
    }) : () -> ()
    %add3A_63 = arith.constant 384 : i32
    %add3A_64 = arith.addi %mul3A_47, %add3A_63 : i32
    "tpu.region"() ({
      %run_scoped3A = tpu.sem_alloc : memref<!tpu.dma_semaphore, #tpu.memory_space<semaphore_mem>>
      %dma_start3A_78 = arith.constant 0 : i32
      %dma_start3A_79 = arith.constant 0 : i32
      %dma_start3A_80 = tpu.memref_slice %arg9[%dma_start3A_78, %dma_start3A_79] : memref<128x128xf32, #tpu.memory_space<vmem>> -> memref<128x128xf32, #tpu.memory_space<vmem>>
      %dma_start3A_81 = arith.constant 0 : i32
      %dma_start3A_82 = tpu.memref_slice %arg6[%add3A_64, %dma_start3A_81] : memref<10000x128xf32, #tpu.memory_space<vmem_shared>> -> memref<128x128xf32, #tpu.memory_space<vmem_shared>>
      %dma_start3A_83 = arith.constant 0 : i32
      %dma_start3A_84 = arith.constant 0 : i32
      %dma_start3A_85 = tpu.memref_slice %arg9[%dma_start3A_83, %dma_start3A_84] : memref<128x128xf32, #tpu.memory_space<vmem>> -> memref<128x128xf32, #tpu.memory_space<vmem>>
      %dma_start3A_86 = arith.constant 0 : i32
      %dma_start3A_87 = tpu.memref_slice %arg6[%add3A_64, %dma_start3A_86] : memref<10000x128xf32, #tpu.memory_space<vmem_shared>> -> memref<128x128xf32, #tpu.memory_space<vmem_shared>>
      tpu.enqueue_dma source(%dma_start3A_87 : memref<128x128xf32, #tpu.memory_space<vmem_shared>>) target(%dma_start3A_85 : memref<128x128xf32, #tpu.memory_space<vmem>>) target_semaphore(%run_scoped3A : memref<!tpu.dma_semaphore, #tpu.memory_space<semaphore_mem>>)
      %dma_wait3A = arith.constant 0 : i32
      %dma_wait3A_88 = arith.constant 0 : i32
      %dma_wait3A_89 = tpu.memref_slice %arg9[%dma_wait3A, %dma_wait3A_88] : memref<128x128xf32, #tpu.memory_space<vmem>> -> memref<128x128xf32, #tpu.memory_space<vmem>>
      %dma_wait3A_90 = arith.constant 0 : i32
      %dma_wait3A_91 = tpu.memref_slice %arg6[%add3A_64, %dma_wait3A_90] : memref<10000x128xf32, #tpu.memory_space<vmem_shared>> -> memref<128x128xf32, #tpu.memory_space<vmem_shared>>
      %dma_wait3A_92 = arith.constant 0 : i32
      %dma_wait3A_93 = arith.constant 0 : i32
      %dma_wait3A_94 = tpu.memref_slice %arg9[%dma_wait3A_92, %dma_wait3A_93] : memref<128x128xf32, #tpu.memory_space<vmem>> -> memref<128x128xf32, #tpu.memory_space<vmem>>
      %dma_wait3A_95 = arith.constant 0 : i32
      %dma_wait3A_96 = tpu.memref_slice %arg6[%add3A_64, %dma_wait3A_95] : memref<10000x128xf32, #tpu.memory_space<vmem_shared>> -> memref<128x128xf32, #tpu.memory_space<vmem_shared>>
      tpu.wait_dma2 semaphore(%run_scoped3A : memref<!tpu.dma_semaphore, #tpu.memory_space<semaphore_mem>>) src(%dma_wait3A_96 : memref<128x128xf32, #tpu.memory_space<vmem_shared>>) dst(%dma_wait3A_94 : memref<128x128xf32, #tpu.memory_space<vmem>>)
      tpu.yield
    }) : () -> ()
    %mul3A_65 = arith.constant 10000 : i32
    %mul3A_66 = arith.muli %arg0, %mul3A_65 : i32
    %add3A_67 = arith.addi %mul3A_66, %add3A_64 : i32
    "tpu.region"() ({
      %run_scoped3A = tpu.sem_alloc : memref<!tpu.dma_semaphore, #tpu.memory_space<semaphore_mem>>
      %dma_start3A_78 = arith.constant 0 : i32
      %dma_start3A_79 = arith.constant 0 : i32
      %dma_start3A_80 = tpu.memref_slice %arg9[%dma_start3A_78, %dma_start3A_79] : memref<128x128xf32, #tpu.memory_space<vmem>> -> memref<128x128xf32, #tpu.memory_space<vmem>>
      %dma_start3A_81 = arith.constant 0 : i32
      %dma_start3A_82 = tpu.memref_slice %arg5[%add3A_67, %dma_start3A_81] : memref<20000x128xf32, #tpu.memory_space<hbm>> -> memref<128x128xf32, #tpu.memory_space<hbm>>
      %dma_start3A_83 = arith.constant 0 : i32
      %dma_start3A_84 = tpu.memref_slice %arg5[%add3A_67, %dma_start3A_83] : memref<20000x128xf32, #tpu.memory_space<hbm>> -> memref<128x128xf32, #tpu.memory_space<hbm>>
      %dma_start3A_85 = arith.constant 0 : i32
      %dma_start3A_86 = arith.constant 0 : i32
      %dma_start3A_87 = tpu.memref_slice %arg9[%dma_start3A_85, %dma_start3A_86] : memref<128x128xf32, #tpu.memory_space<vmem>> -> memref<128x128xf32, #tpu.memory_space<vmem>>
      tpu.enqueue_dma source(%dma_start3A_87 : memref<128x128xf32, #tpu.memory_space<vmem>>) target(%dma_start3A_84 : memref<128x128xf32, #tpu.memory_space<hbm>>) target_semaphore(%run_scoped3A : memref<!tpu.dma_semaphore, #tpu.memory_space<semaphore_mem>>)
      %dma_wait3A = arith.constant 0 : i32
      %dma_wait3A_88 = arith.constant 0 : i32
      %dma_wait3A_89 = tpu.memref_slice %arg9[%dma_wait3A, %dma_wait3A_88] : memref<128x128xf32, #tpu.memory_space<vmem>> -> memref<128x128xf32, #tpu.memory_space<vmem>>
      %dma_wait3A_90 = arith.constant 0 : i32
      %dma_wait3A_91 = tpu.memref_slice %arg5[%add3A_67, %dma_wait3A_90] : memref<20000x128xf32, #tpu.memory_space<hbm>> -> memref<128x128xf32, #tpu.memory_space<hbm>>
      %dma_wait3A_92 = arith.constant 0 : i32
      %dma_wait3A_93 = tpu.memref_slice %arg5[%add3A_67, %dma_wait3A_92] : memref<20000x128xf32, #tpu.memory_space<hbm>> -> memref<128x128xf32, #tpu.memory_space<hbm>>
      %dma_wait3A_94 = arith.constant 0 : i32
      %dma_wait3A_95 = arith.constant 0 : i32
      %dma_wait3A_96 = tpu.memref_slice %arg9[%dma_wait3A_94, %dma_wait3A_95] : memref<128x128xf32, #tpu.memory_space<vmem>> -> memref<128x128xf32, #tpu.memory_space<vmem>>
      tpu.wait_dma2 semaphore(%run_scoped3A : memref<!tpu.dma_semaphore, #tpu.memory_space<semaphore_mem>>) src(%dma_wait3A_96 : memref<128x128xf32, #tpu.memory_space<vmem>>) dst(%dma_wait3A_93 : memref<128x128xf32, #tpu.memory_space<hbm>>)
      tpu.yield
    }) : () -> ()
    %add3A_68 = arith.constant 512 : i32
    %add3A_69 = arith.addi %mul3A_47, %add3A_68 : i32
    "tpu.region"() ({
      %run_scoped3A = tpu.sem_alloc : memref<!tpu.dma_semaphore, #tpu.memory_space<semaphore_mem>>
      %dma_start3A_78 = arith.constant 0 : i32
      %dma_start3A_79 = arith.constant 0 : i32
      %dma_start3A_80 = tpu.memref_slice %arg9[%dma_start3A_78, %dma_start3A_79] : memref<128x128xf32, #tpu.memory_space<vmem>> -> memref<112x128xf32, #tpu.memory_space<vmem>>
      %dma_start3A_81 = arith.constant 0 : i32
      %dma_start3A_82 = tpu.memref_slice %arg6[%add3A_69, %dma_start3A_81] : memref<10000x128xf32, #tpu.memory_space<vmem_shared>> -> memref<112x128xf32, #tpu.memory_space<vmem_shared>>
      %dma_start3A_83 = arith.constant 0 : i32
      %dma_start3A_84 = arith.constant 0 : i32
      %dma_start3A_85 = tpu.memref_slice %arg9[%dma_start3A_83, %dma_start3A_84] : memref<128x128xf32, #tpu.memory_space<vmem>> -> memref<112x128xf32, #tpu.memory_space<vmem>>
      %dma_start3A_86 = arith.constant 0 : i32
      %dma_start3A_87 = tpu.memref_slice %arg6[%add3A_69, %dma_start3A_86] : memref<10000x128xf32, #tpu.memory_space<vmem_shared>> -> memref<112x128xf32, #tpu.memory_space<vmem_shared>>
      tpu.enqueue_dma source(%dma_start3A_87 : memref<112x128xf32, #tpu.memory_space<vmem_shared>>) target(%dma_start3A_85 : memref<112x128xf32, #tpu.memory_space<vmem>>) target_semaphore(%run_scoped3A : memref<!tpu.dma_semaphore, #tpu.memory_space<semaphore_mem>>)
      %dma_wait3A = arith.constant 0 : i32
      %dma_wait3A_88 = arith.constant 0 : i32
      %dma_wait3A_89 = tpu.memref_slice %arg9[%dma_wait3A, %dma_wait3A_88] : memref<128x128xf32, #tpu.memory_space<vmem>> -> memref<112x128xf32, #tpu.memory_space<vmem>>
      %dma_wait3A_90 = arith.constant 0 : i32
      %dma_wait3A_91 = tpu.memref_slice %arg6[%add3A_69, %dma_wait3A_90] : memref<10000x128xf32, #tpu.memory_space<vmem_shared>> -> memref<112x128xf32, #tpu.memory_space<vmem_shared>>
      %dma_wait3A_92 = arith.constant 0 : i32
      %dma_wait3A_93 = arith.constant 0 : i32
      %dma_wait3A_94 = tpu.memref_slice %arg9[%dma_wait3A_92, %dma_wait3A_93] : memref<128x128xf32, #tpu.memory_space<vmem>> -> memref<112x128xf32, #tpu.memory_space<vmem>>
      %dma_wait3A_95 = arith.constant 0 : i32
      %dma_wait3A_96 = tpu.memref_slice %arg6[%add3A_69, %dma_wait3A_95] : memref<10000x128xf32, #tpu.memory_space<vmem_shared>> -> memref<112x128xf32, #tpu.memory_space<vmem_shared>>
      tpu.wait_dma2 semaphore(%run_scoped3A : memref<!tpu.dma_semaphore, #tpu.memory_space<semaphore_mem>>) src(%dma_wait3A_96 : memref<112x128xf32, #tpu.memory_space<vmem_shared>>) dst(%dma_wait3A_94 : memref<112x128xf32, #tpu.memory_space<vmem>>)
      tpu.yield
    }) : () -> ()
    %mul3A_70 = arith.constant 10000 : i32
    %mul3A_71 = arith.muli %arg0, %mul3A_70 : i32
    %add3A_72 = arith.addi %mul3A_71, %add3A_69 : i32
    "tpu.region"() ({
      %run_scoped3A = tpu.sem_alloc : memref<!tpu.dma_semaphore, #tpu.memory_space<semaphore_mem>>
      %dma_start3A_78 = arith.constant 0 : i32
      %dma_start3A_79 = arith.constant 0 : i32
      %dma_start3A_80 = tpu.memref_slice %arg9[%dma_start3A_78, %dma_start3A_79] : memref<128x128xf32, #tpu.memory_space<vmem>> -> memref<112x128xf32, #tpu.memory_space<vmem>>
      %dma_start3A_81 = arith.constant 0 : i32
      %dma_start3A_82 = tpu.memref_slice %arg5[%add3A_72, %dma_start3A_81] : memref<20000x128xf32, #tpu.memory_space<hbm>> -> memref<112x128xf32, #tpu.memory_space<hbm>>
      %dma_start3A_83 = arith.constant 0 : i32
      %dma_start3A_84 = tpu.memref_slice %arg5[%add3A_72, %dma_start3A_83] : memref<20000x128xf32, #tpu.memory_space<hbm>> -> memref<112x128xf32, #tpu.memory_space<hbm>>
      %dma_start3A_85 = arith.constant 0 : i32
      %dma_start3A_86 = arith.constant 0 : i32
      %dma_start3A_87 = tpu.memref_slice %arg9[%dma_start3A_85, %dma_start3A_86] : memref<128x128xf32, #tpu.memory_space<vmem>> -> memref<112x128xf32, #tpu.memory_space<vmem>>
      tpu.enqueue_dma source(%dma_start3A_87 : memref<112x128xf32, #tpu.memory_space<vmem>>) target(%dma_start3A_84 : memref<112x128xf32, #tpu.memory_space<hbm>>) target_semaphore(%run_scoped3A : memref<!tpu.dma_semaphore, #tpu.memory_space<semaphore_mem>>)
      %dma_wait3A = arith.constant 0 : i32
      %dma_wait3A_88 = arith.constant 0 : i32
      %dma_wait3A_89 = tpu.memref_slice %arg9[%dma_wait3A, %dma_wait3A_88] : memref<128x128xf32, #tpu.memory_space<vmem>> -> memref<112x128xf32, #tpu.memory_space<vmem>>
      %dma_wait3A_90 = arith.constant 0 : i32
      %dma_wait3A_91 = tpu.memref_slice %arg5[%add3A_72, %dma_wait3A_90] : memref<20000x128xf32, #tpu.memory_space<hbm>> -> memref<112x128xf32, #tpu.memory_space<hbm>>
      %dma_wait3A_92 = arith.constant 0 : i32
      %dma_wait3A_93 = tpu.memref_slice %arg5[%add3A_72, %dma_wait3A_92] : memref<20000x128xf32, #tpu.memory_space<hbm>> -> memref<112x128xf32, #tpu.memory_space<hbm>>
      %dma_wait3A_94 = arith.constant 0 : i32
      %dma_wait3A_95 = arith.constant 0 : i32
      %dma_wait3A_96 = tpu.memref_slice %arg9[%dma_wait3A_94, %dma_wait3A_95] : memref<128x128xf32, #tpu.memory_space<vmem>> -> memref<112x128xf32, #tpu.memory_space<vmem>>
      tpu.wait_dma2 semaphore(%run_scoped3A : memref<!tpu.dma_semaphore, #tpu.memory_space<semaphore_mem>>) src(%dma_wait3A_96 : memref<112x128xf32, #tpu.memory_space<vmem>>) dst(%dma_wait3A_93 : memref<112x128xf32, #tpu.memory_space<hbm>>)
      tpu.yield
    }) : () -> ()
    %eq3A_73 = arith.constant 15 : i32
    %eq3A_74 = arith.cmpi eq, %arg1, %eq3A_73 : i32
    %convert_element_type3A_75 = arith.extui %eq3A_74 : i1 to i32
    %cond3A_76 = arith.constant 0 : i32
    %cond3A_77 = arith.cmpi ne, %convert_element_type3A_75, %cond3A_76 : i32
    scf.if %cond3A_77 {
      "tpu.region"() ({
        %run_scoped3A = tpu.sem_alloc : memref<!tpu.dma_semaphore, #tpu.memory_space<semaphore_mem>>
        %dma_start3A_82 = arith.constant 0 : i32
        %dma_start3A_83 = arith.constant 0 : i32
        %dma_start3A_84 = tpu.memref_slice %arg9[%dma_start3A_82, %dma_start3A_83] : memref<128x128xf32, #tpu.memory_space<vmem>> -> memref<16x128xf32, #tpu.memory_space<vmem>>
        %dma_start3A_85 = arith.constant 9984 : i32
        %dma_start3A_86 = arith.constant 0 : i32
        %dma_start3A_87 = tpu.memref_slice %arg6[%dma_start3A_85, %dma_start3A_86] : memref<10000x128xf32, #tpu.memory_space<vmem_shared>> -> memref<16x128xf32, #tpu.memory_space<vmem_shared>>
        %dma_start3A_88 = arith.constant 0 : i32
        %dma_start3A_89 = arith.constant 0 : i32
        %dma_start3A_90 = tpu.memref_slice %arg9[%dma_start3A_88, %dma_start3A_89] : memref<128x128xf32, #tpu.memory_space<vmem>> -> memref<16x128xf32, #tpu.memory_space<vmem>>
        %dma_start3A_91 = arith.constant 9984 : i32
        %dma_start3A_92 = arith.constant 0 : i32
        %dma_start3A_93 = tpu.memref_slice %arg6[%dma_start3A_91, %dma_start3A_92] : memref<10000x128xf32, #tpu.memory_space<vmem_shared>> -> memref<16x128xf32, #tpu.memory_space<vmem_shared>>
        tpu.enqueue_dma source(%dma_start3A_93 : memref<16x128xf32, #tpu.memory_space<vmem_shared>>) target(%dma_start3A_90 : memref<16x128xf32, #tpu.memory_space<vmem>>) target_semaphore(%run_scoped3A : memref<!tpu.dma_semaphore, #tpu.memory_space<semaphore_mem>>)
        %dma_wait3A = arith.constant 0 : i32
        %dma_wait3A_94 = arith.constant 0 : i32
        %dma_wait3A_95 = tpu.memref_slice %arg9[%dma_wait3A, %dma_wait3A_94] : memref<128x128xf32, #tpu.memory_space<vmem>> -> memref<16x128xf32, #tpu.memory_space<vmem>>
        %dma_wait3A_96 = arith.constant 9984 : i32
        %dma_wait3A_97 = arith.constant 0 : i32
        %dma_wait3A_98 = tpu.memref_slice %arg6[%dma_wait3A_96, %dma_wait3A_97] : memref<10000x128xf32, #tpu.memory_space<vmem_shared>> -> memref<16x128xf32, #tpu.memory_space<vmem_shared>>
        %dma_wait3A_99 = arith.constant 0 : i32
        %dma_wait3A_100 = arith.constant 0 : i32
        %dma_wait3A_101 = tpu.memref_slice %arg9[%dma_wait3A_99, %dma_wait3A_100] : memref<128x128xf32, #tpu.memory_space<vmem>> -> memref<16x128xf32, #tpu.memory_space<vmem>>
        %dma_wait3A_102 = arith.constant 9984 : i32
        %dma_wait3A_103 = arith.constant 0 : i32
        %dma_wait3A_104 = tpu.memref_slice %arg6[%dma_wait3A_102, %dma_wait3A_103] : memref<10000x128xf32, #tpu.memory_space<vmem_shared>> -> memref<16x128xf32, #tpu.memory_space<vmem_shared>>
        tpu.wait_dma2 semaphore(%run_scoped3A : memref<!tpu.dma_semaphore, #tpu.memory_space<semaphore_mem>>) src(%dma_wait3A_104 : memref<16x128xf32, #tpu.memory_space<vmem_shared>>) dst(%dma_wait3A_101 : memref<16x128xf32, #tpu.memory_space<vmem>>)
        tpu.yield
      }) : () -> ()
      %mul3A_78 = arith.constant 10000 : i32
      %mul3A_79 = arith.muli %arg0, %mul3A_78 : i32
      %add3A_80 = arith.constant 9984 : i32
      %add3A_81 = arith.addi %mul3A_79, %add3A_80 : i32
      "tpu.region"() ({
        %run_scoped3A = tpu.sem_alloc : memref<!tpu.dma_semaphore, #tpu.memory_space<semaphore_mem>>
        %dma_start3A_82 = arith.constant 0 : i32
        %dma_start3A_83 = arith.constant 0 : i32
        %dma_start3A_84 = tpu.memref_slice %arg9[%dma_start3A_82, %dma_start3A_83] : memref<128x128xf32, #tpu.memory_space<vmem>> -> memref<16x128xf32, #tpu.memory_space<vmem>>
        %dma_start3A_85 = arith.constant 0 : i32
        %dma_start3A_86 = tpu.memref_slice %arg5[%add3A_81, %dma_start3A_85] : memref<20000x128xf32, #tpu.memory_space<hbm>> -> memref<16x128xf32, #tpu.memory_space<hbm>>
        %dma_start3A_87 = arith.constant 0 : i32
        %dma_start3A_88 = tpu.memref_slice %arg5[%add3A_81, %dma_start3A_87] : memref<20000x128xf32, #tpu.memory_space<hbm>> -> memref<16x128xf32, #tpu.memory_space<hbm>>
        %dma_start3A_89 = arith.constant 0 : i32
        %dma_start3A_90 = arith.constant 0 : i32
        %dma_start3A_91 = tpu.memref_slice %arg9[%dma_start3A_89, %dma_start3A_90] : memref<128x128xf32, #tpu.memory_space<vmem>> -> memref<16x128xf32, #tpu.memory_space<vmem>>
        tpu.enqueue_dma source(%dma_start3A_91 : memref<16x128xf32, #tpu.memory_space<vmem>>) target(%dma_start3A_88 : memref<16x128xf32, #tpu.memory_space<hbm>>) target_semaphore(%run_scoped3A : memref<!tpu.dma_semaphore, #tpu.memory_space<semaphore_mem>>)
        %dma_wait3A = arith.constant 0 : i32
        %dma_wait3A_92 = arith.constant 0 : i32
        %dma_wait3A_93 = tpu.memref_slice %arg9[%dma_wait3A, %dma_wait3A_92] : memref<128x128xf32, #tpu.memory_space<vmem>> -> memref<16x128xf32, #tpu.memory_space<vmem>>
        %dma_wait3A_94 = arith.constant 0 : i32
        %dma_wait3A_95 = tpu.memref_slice %arg5[%add3A_81, %dma_wait3A_94] : memref<20000x128xf32, #tpu.memory_space<hbm>> -> memref<16x128xf32, #tpu.memory_space<hbm>>
        %dma_wait3A_96 = arith.constant 0 : i32
        %dma_wait3A_97 = tpu.memref_slice %arg5[%add3A_81, %dma_wait3A_96] : memref<20000x128xf32, #tpu.memory_space<hbm>> -> memref<16x128xf32, #tpu.memory_space<hbm>>
        %dma_wait3A_98 = arith.constant 0 : i32
        %dma_wait3A_99 = arith.constant 0 : i32
        %dma_wait3A_100 = tpu.memref_slice %arg9[%dma_wait3A_98, %dma_wait3A_99] : memref<128x128xf32, #tpu.memory_space<vmem>> -> memref<16x128xf32, #tpu.memory_space<vmem>>
        tpu.wait_dma2 semaphore(%run_scoped3A : memref<!tpu.dma_semaphore, #tpu.memory_space<semaphore_mem>>) src(%dma_wait3A_100 : memref<16x128xf32, #tpu.memory_space<vmem>>) dst(%dma_wait3A_97 : memref<16x128xf32, #tpu.memory_space<hbm>>)
        tpu.yield
      }) : () -> ()
    } else {
    }
    return
  }
}

#map = affine_map<(d0, d1) -> (0, 0)>
#map1 = affine_map<(d0, d1) -> (0)>
module attributes {stable_mosaic.version = 14 : i64} {
  func.func @body_fn(%arg0: i32, %arg1: i32, %arg2: memref<320000x128xf32, #tpu.memory_space<hbm>>, %arg3: memref<320000xi32, #tpu.memory_space<hbm>>, %arg4: memref<128x128xf32, #tpu.memory_space<hbm>>, %arg5: memref<20000x128xf32, #tpu.memory_space<hbm>>, %arg6: memref<10000x128xf32, #tpu.memory_space<vmem_shared>>, %arg7: memref<128xi32, #tpu.memory_space<vmem>>, %arg8: memref<128xi32, #tpu.memory_space<vmem>>, %arg9: memref<128x128xf32, #tpu.memory_space<vmem>>, %arg10: memref<128x128xf32, #tpu.memory_space<vmem>>, %arg11: memref<!tpu.dma_semaphore, #tpu.memory_space<semaphore_mem>>, %arg12: memref<!tpu.dma_semaphore, #tpu.memory_space<semaphore_mem>>) attributes {dimension_semantics = [#tpu.dimension_semantics<core_parallel>, #tpu.dimension_semantics<subcore_parallel>], iteration_bounds = array<i64: 2, 16>, scalar_prefetch = 0 : i64, scratch_operands = 7 : i64, tpu.core_type = #tpu.core_type<sc_vector_subcore>, window_params = [{transform_indices = #map}, {transform_indices = #map1}, {transform_indices = #map}, {transform_indices = #map}]} {
    %mul3A = arith.constant 2 : i32
    %mul3A_0 = arith.muli %arg1, %mul3A : i32
    %add3A = arith.addi %mul3A_0, %arg0 : i32
    "tpu.region"() ({
      %run_scoped3A = tpu.sem_alloc : memref<!tpu.dma_semaphore, #tpu.memory_space<semaphore_mem>>
      tpu.enqueue_dma source(%arg4 : memref<128x128xf32, #tpu.memory_space<hbm>>) target(%arg9 : memref<128x128xf32, #tpu.memory_space<vmem>>) target_semaphore(%run_scoped3A : memref<!tpu.dma_semaphore, #tpu.memory_space<semaphore_mem>>)
      tpu.wait_dma2 semaphore(%run_scoped3A : memref<!tpu.dma_semaphore, #tpu.memory_space<semaphore_mem>>) src(%arg4 : memref<128x128xf32, #tpu.memory_space<hbm>>) dst(%arg9 : memref<128x128xf32, #tpu.memory_space<vmem>>)
      tpu.yield
    }) : () -> ()
    %mul3A_1 = arith.constant 624 : i32
    %mul3A_2 = arith.muli %arg1, %mul3A_1 : i32
    %add3A_3 = arith.constant 0 : i32
    %add3A_4 = arith.addi %mul3A_2, %add3A_3 : i32
    "tpu.region"() ({
      %run_scoped3A = tpu.sem_alloc : memref<!tpu.dma_semaphore, #tpu.memory_space<semaphore_mem>>
      %dma_start3A_78 = arith.constant 0 : i32
      %dma_start3A_79 = arith.constant 0 : i32
      %dma_start3A_80 = tpu.memref_slice %arg9[%dma_start3A_78, %dma_start3A_79] : memref<128x128xf32, #tpu.memory_space<vmem>> -> memref<128x128xf32, #tpu.memory_space<vmem>>
      %dma_start3A_81 = arith.constant 0 : i32
      %dma_start3A_82 = tpu.memref_slice %arg6[%add3A_4, %dma_start3A_81] : memref<10000x128xf32, #tpu.memory_space<vmem_shared>> -> memref<128x128xf32, #tpu.memory_space<vmem_shared>>
      %dma_start3A_83 = arith.constant 0 : i32
      %dma_start3A_84 = tpu.memref_slice %arg6[%add3A_4, %dma_start3A_83] : memref<10000x128xf32, #tpu.memory_space<vmem_shared>> -> memref<128x128xf32, #tpu.memory_space<vmem_shared>>
      %dma_start3A_85 = arith.constant 0 : i32
      %dma_start3A_86 = arith.constant 0 : i32
      %dma_start3A_87 = tpu.memref_slice %arg9[%dma_start3A_85, %dma_start3A_86] : memref<128x128xf32, #tpu.memory_space<vmem>> -> memref<128x128xf32, #tpu.memory_space<vmem>>
      tpu.enqueue_dma source(%dma_start3A_87 : memref<128x128xf32, #tpu.memory_space<vmem>>) target(%dma_start3A_84 : memref<128x128xf32, #tpu.memory_space<vmem_shared>>) target_semaphore(%run_scoped3A : memref<!tpu.dma_semaphore, #tpu.memory_space<semaphore_mem>>)
      %dma_wait3A = arith.constant 0 : i32
      %dma_wait3A_88 = arith.constant 0 : i32
      %dma_wait3A_89 = tpu.memref_slice %arg9[%dma_wait3A, %dma_wait3A_88] : memref<128x128xf32, #tpu.memory_space<vmem>> -> memref<128x128xf32, #tpu.memory_space<vmem>>
      %dma_wait3A_90 = arith.constant 0 : i32
      %dma_wait3A_91 = tpu.memref_slice %arg6[%add3A_4, %dma_wait3A_90] : memref<10000x128xf32, #tpu.memory_space<vmem_shared>> -> memref<128x128xf32, #tpu.memory_space<vmem_shared>>
      %dma_wait3A_92 = arith.constant 0 : i32
      %dma_wait3A_93 = tpu.memref_slice %arg6[%add3A_4, %dma_wait3A_92] : memref<10000x128xf32, #tpu.memory_space<vmem_shared>> -> memref<128x128xf32, #tpu.memory_space<vmem_shared>>
      %dma_wait3A_94 = arith.constant 0 : i32
      %dma_wait3A_95 = arith.constant 0 : i32
      %dma_wait3A_96 = tpu.memref_slice %arg9[%dma_wait3A_94, %dma_wait3A_95] : memref<128x128xf32, #tpu.memory_space<vmem>> -> memref<128x128xf32, #tpu.memory_space<vmem>>
      tpu.wait_dma2 semaphore(%run_scoped3A : memref<!tpu.dma_semaphore, #tpu.memory_space<semaphore_mem>>) src(%dma_wait3A_96 : memref<128x128xf32, #tpu.memory_space<vmem>>) dst(%dma_wait3A_93 : memref<128x128xf32, #tpu.memory_space<vmem_shared>>)
      tpu.yield
    }) : () -> ()
    %add3A_5 = arith.constant 128 : i32
    %add3A_6 = arith.addi %mul3A_2, %add3A_5 : i32
    "tpu.region"() ({
      %run_scoped3A = tpu.sem_alloc : memref<!tpu.dma_semaphore, #tpu.memory_space<semaphore_mem>>
      %dma_start3A_78 = arith.constant 0 : i32
      %dma_start3A_79 = arith.constant 0 : i32
      %dma_start3A_80 = tpu.memref_slice %arg9[%dma_start3A_78, %dma_start3A_79] : memref<128x128xf32, #tpu.memory_space<vmem>> -> memref<128x128xf32, #tpu.memory_space<vmem>>
      %dma_start3A_81 = arith.constant 0 : i32
      %dma_start3A_82 = tpu.memref_slice %arg6[%add3A_6, %dma_start3A_81] : memref<10000x128xf32, #tpu.memory_space<vmem_shared>> -> memref<128x128xf32, #tpu.memory_space<vmem_shared>>
      %dma_start3A_83 = arith.constant 0 : i32
      %dma_start3A_84 = tpu.memref_slice %arg6[%add3A_6, %dma_start3A_83] : memref<10000x128xf32, #tpu.memory_space<vmem_shared>> -> memref<128x128xf32, #tpu.memory_space<vmem_shared>>
      %dma_start3A_85 = arith.constant 0 : i32
      %dma_start3A_86 = arith.constant 0 : i32
      %dma_start3A_87 = tpu.memref_slice %arg9[%dma_start3A_85, %dma_start3A_86] : memref<128x128xf32, #tpu.memory_space<vmem>> -> memref<128x128xf32, #tpu.memory_space<vmem>>
      tpu.enqueue_dma source(%dma_start3A_87 : memref<128x128xf32, #tpu.memory_space<vmem>>) target(%dma_start3A_84 : memref<128x128xf32, #tpu.memory_space<vmem_shared>>) target_semaphore(%run_scoped3A : memref<!tpu.dma_semaphore, #tpu.memory_space<semaphore_mem>>)
      %dma_wait3A = arith.constant 0 : i32
      %dma_wait3A_88 = arith.constant 0 : i32
      %dma_wait3A_89 = tpu.memref_slice %arg9[%dma_wait3A, %dma_wait3A_88] : memref<128x128xf32, #tpu.memory_space<vmem>> -> memref<128x128xf32, #tpu.memory_space<vmem>>
      %dma_wait3A_90 = arith.constant 0 : i32
      %dma_wait3A_91 = tpu.memref_slice %arg6[%add3A_6, %dma_wait3A_90] : memref<10000x128xf32, #tpu.memory_space<vmem_shared>> -> memref<128x128xf32, #tpu.memory_space<vmem_shared>>
      %dma_wait3A_92 = arith.constant 0 : i32
      %dma_wait3A_93 = tpu.memref_slice %arg6[%add3A_6, %dma_wait3A_92] : memref<10000x128xf32, #tpu.memory_space<vmem_shared>> -> memref<128x128xf32, #tpu.memory_space<vmem_shared>>
      %dma_wait3A_94 = arith.constant 0 : i32
      %dma_wait3A_95 = arith.constant 0 : i32
      %dma_wait3A_96 = tpu.memref_slice %arg9[%dma_wait3A_94, %dma_wait3A_95] : memref<128x128xf32, #tpu.memory_space<vmem>> -> memref<128x128xf32, #tpu.memory_space<vmem>>
      tpu.wait_dma2 semaphore(%run_scoped3A : memref<!tpu.dma_semaphore, #tpu.memory_space<semaphore_mem>>) src(%dma_wait3A_96 : memref<128x128xf32, #tpu.memory_space<vmem>>) dst(%dma_wait3A_93 : memref<128x128xf32, #tpu.memory_space<vmem_shared>>)
      tpu.yield
    }) : () -> ()
    %add3A_7 = arith.constant 256 : i32
    %add3A_8 = arith.addi %mul3A_2, %add3A_7 : i32
    "tpu.region"() ({
      %run_scoped3A = tpu.sem_alloc : memref<!tpu.dma_semaphore, #tpu.memory_space<semaphore_mem>>
      %dma_start3A_78 = arith.constant 0 : i32
      %dma_start3A_79 = arith.constant 0 : i32
      %dma_start3A_80 = tpu.memref_slice %arg9[%dma_start3A_78, %dma_start3A_79] : memref<128x128xf32, #tpu.memory_space<vmem>> -> memref<128x128xf32, #tpu.memory_space<vmem>>
      %dma_start3A_81 = arith.constant 0 : i32
      %dma_start3A_82 = tpu.memref_slice %arg6[%add3A_8, %dma_start3A_81] : memref<10000x128xf32, #tpu.memory_space<vmem_shared>> -> memref<128x128xf32, #tpu.memory_space<vmem_shared>>
      %dma_start3A_83 = arith.constant 0 : i32
      %dma_start3A_84 = tpu.memref_slice %arg6[%add3A_8, %dma_start3A_83] : memref<10000x128xf32, #tpu.memory_space<vmem_shared>> -> memref<128x128xf32, #tpu.memory_space<vmem_shared>>
      %dma_start3A_85 = arith.constant 0 : i32
      %dma_start3A_86 = arith.constant 0 : i32
      %dma_start3A_87 = tpu.memref_slice %arg9[%dma_start3A_85, %dma_start3A_86] : memref<128x128xf32, #tpu.memory_space<vmem>> -> memref<128x128xf32, #tpu.memory_space<vmem>>
      tpu.enqueue_dma source(%dma_start3A_87 : memref<128x128xf32, #tpu.memory_space<vmem>>) target(%dma_start3A_84 : memref<128x128xf32, #tpu.memory_space<vmem_shared>>) target_semaphore(%run_scoped3A : memref<!tpu.dma_semaphore, #tpu.memory_space<semaphore_mem>>)
      %dma_wait3A = arith.constant 0 : i32
      %dma_wait3A_88 = arith.constant 0 : i32
      %dma_wait3A_89 = tpu.memref_slice %arg9[%dma_wait3A, %dma_wait3A_88] : memref<128x128xf32, #tpu.memory_space<vmem>> -> memref<128x128xf32, #tpu.memory_space<vmem>>
      %dma_wait3A_90 = arith.constant 0 : i32
      %dma_wait3A_91 = tpu.memref_slice %arg6[%add3A_8, %dma_wait3A_90] : memref<10000x128xf32, #tpu.memory_space<vmem_shared>> -> memref<128x128xf32, #tpu.memory_space<vmem_shared>>
      %dma_wait3A_92 = arith.constant 0 : i32
      %dma_wait3A_93 = tpu.memref_slice %arg6[%add3A_8, %dma_wait3A_92] : memref<10000x128xf32, #tpu.memory_space<vmem_shared>> -> memref<128x128xf32, #tpu.memory_space<vmem_shared>>
      %dma_wait3A_94 = arith.constant 0 : i32
      %dma_wait3A_95 = arith.constant 0 : i32
      %dma_wait3A_96 = tpu.memref_slice %arg9[%dma_wait3A_94, %dma_wait3A_95] : memref<128x128xf32, #tpu.memory_space<vmem>> -> memref<128x128xf32, #tpu.memory_space<vmem>>
      tpu.wait_dma2 semaphore(%run_scoped3A : memref<!tpu.dma_semaphore, #tpu.memory_space<semaphore_mem>>) src(%dma_wait3A_96 : memref<128x128xf32, #tpu.memory_space<vmem>>) dst(%dma_wait3A_93 : memref<128x128xf32, #tpu.memory_space<vmem_shared>>)
      tpu.yield
    }) : () -> ()
    %add3A_9 = arith.constant 384 : i32
    %add3A_10 = arith.addi %mul3A_2, %add3A_9 : i32
    "tpu.region"() ({
      %run_scoped3A = tpu.sem_alloc : memref<!tpu.dma_semaphore, #tpu.memory_space<semaphore_mem>>
      %dma_start3A_78 = arith.constant 0 : i32
      %dma_start3A_79 = arith.constant 0 : i32
      %dma_start3A_80 = tpu.memref_slice %arg9[%dma_start3A_78, %dma_start3A_79] : memref<128x128xf32, #tpu.memory_space<vmem>> -> memref<128x128xf32, #tpu.memory_space<vmem>>
      %dma_start3A_81 = arith.constant 0 : i32
      %dma_start3A_82 = tpu.memref_slice %arg6[%add3A_10, %dma_start3A_81] : memref<10000x128xf32, #tpu.memory_space<vmem_shared>> -> memref<128x128xf32, #tpu.memory_space<vmem_shared>>
      %dma_start3A_83 = arith.constant 0 : i32
      %dma_start3A_84 = tpu.memref_slice %arg6[%add3A_10, %dma_start3A_83] : memref<10000x128xf32, #tpu.memory_space<vmem_shared>> -> memref<128x128xf32, #tpu.memory_space<vmem_shared>>
      %dma_start3A_85 = arith.constant 0 : i32
      %dma_start3A_86 = arith.constant 0 : i32
      %dma_start3A_87 = tpu.memref_slice %arg9[%dma_start3A_85, %dma_start3A_86] : memref<128x128xf32, #tpu.memory_space<vmem>> -> memref<128x128xf32, #tpu.memory_space<vmem>>
      tpu.enqueue_dma source(%dma_start3A_87 : memref<128x128xf32, #tpu.memory_space<vmem>>) target(%dma_start3A_84 : memref<128x128xf32, #tpu.memory_space<vmem_shared>>) target_semaphore(%run_scoped3A : memref<!tpu.dma_semaphore, #tpu.memory_space<semaphore_mem>>)
      %dma_wait3A = arith.constant 0 : i32
      %dma_wait3A_88 = arith.constant 0 : i32
      %dma_wait3A_89 = tpu.memref_slice %arg9[%dma_wait3A, %dma_wait3A_88] : memref<128x128xf32, #tpu.memory_space<vmem>> -> memref<128x128xf32, #tpu.memory_space<vmem>>
      %dma_wait3A_90 = arith.constant 0 : i32
      %dma_wait3A_91 = tpu.memref_slice %arg6[%add3A_10, %dma_wait3A_90] : memref<10000x128xf32, #tpu.memory_space<vmem_shared>> -> memref<128x128xf32, #tpu.memory_space<vmem_shared>>
      %dma_wait3A_92 = arith.constant 0 : i32
      %dma_wait3A_93 = tpu.memref_slice %arg6[%add3A_10, %dma_wait3A_92] : memref<10000x128xf32, #tpu.memory_space<vmem_shared>> -> memref<128x128xf32, #tpu.memory_space<vmem_shared>>
      %dma_wait3A_94 = arith.constant 0 : i32
      %dma_wait3A_95 = arith.constant 0 : i32
      %dma_wait3A_96 = tpu.memref_slice %arg9[%dma_wait3A_94, %dma_wait3A_95] : memref<128x128xf32, #tpu.memory_space<vmem>> -> memref<128x128xf32, #tpu.memory_space<vmem>>
      tpu.wait_dma2 semaphore(%run_scoped3A : memref<!tpu.dma_semaphore, #tpu.memory_space<semaphore_mem>>) src(%dma_wait3A_96 : memref<128x128xf32, #tpu.memory_space<vmem>>) dst(%dma_wait3A_93 : memref<128x128xf32, #tpu.memory_space<vmem_shared>>)
      tpu.yield
    }) : () -> ()
    %add3A_11 = arith.constant 512 : i32
    %add3A_12 = arith.addi %mul3A_2, %add3A_11 : i32
    "tpu.region"() ({
      %run_scoped3A = tpu.sem_alloc : memref<!tpu.dma_semaphore, #tpu.memory_space<semaphore_mem>>
      %dma_start3A_78 = arith.constant 0 : i32
      %dma_start3A_79 = arith.constant 0 : i32
      %dma_start3A_80 = tpu.memref_slice %arg9[%dma_start3A_78, %dma_start3A_79] : memref<128x128xf32, #tpu.memory_space<vmem>> -> memref<112x128xf32, #tpu.memory_space<vmem>>
      %dma_start3A_81 = arith.constant 0 : i32
      %dma_start3A_82 = tpu.memref_slice %arg6[%add3A_12, %dma_start3A_81] : memref<10000x128xf32, #tpu.memory_space<vmem_shared>> -> memref<112x128xf32, #tpu.memory_space<vmem_shared>>
      %dma_start3A_83 = arith.constant 0 : i32
      %dma_start3A_84 = tpu.memref_slice %arg6[%add3A_12, %dma_start3A_83] : memref<10000x128xf32, #tpu.memory_space<vmem_shared>> -> memref<112x128xf32, #tpu.memory_space<vmem_shared>>
      %dma_start3A_85 = arith.constant 0 : i32
      %dma_start3A_86 = arith.constant 0 : i32
      %dma_start3A_87 = tpu.memref_slice %arg9[%dma_start3A_85, %dma_start3A_86] : memref<128x128xf32, #tpu.memory_space<vmem>> -> memref<112x128xf32, #tpu.memory_space<vmem>>
      tpu.enqueue_dma source(%dma_start3A_87 : memref<112x128xf32, #tpu.memory_space<vmem>>) target(%dma_start3A_84 : memref<112x128xf32, #tpu.memory_space<vmem_shared>>) target_semaphore(%run_scoped3A : memref<!tpu.dma_semaphore, #tpu.memory_space<semaphore_mem>>)
      %dma_wait3A = arith.constant 0 : i32
      %dma_wait3A_88 = arith.constant 0 : i32
      %dma_wait3A_89 = tpu.memref_slice %arg9[%dma_wait3A, %dma_wait3A_88] : memref<128x128xf32, #tpu.memory_space<vmem>> -> memref<112x128xf32, #tpu.memory_space<vmem>>
      %dma_wait3A_90 = arith.constant 0 : i32
      %dma_wait3A_91 = tpu.memref_slice %arg6[%add3A_12, %dma_wait3A_90] : memref<10000x128xf32, #tpu.memory_space<vmem_shared>> -> memref<112x128xf32, #tpu.memory_space<vmem_shared>>
      %dma_wait3A_92 = arith.constant 0 : i32
      %dma_wait3A_93 = tpu.memref_slice %arg6[%add3A_12, %dma_wait3A_92] : memref<10000x128xf32, #tpu.memory_space<vmem_shared>> -> memref<112x128xf32, #tpu.memory_space<vmem_shared>>
      %dma_wait3A_94 = arith.constant 0 : i32
      %dma_wait3A_95 = arith.constant 0 : i32
      %dma_wait3A_96 = tpu.memref_slice %arg9[%dma_wait3A_94, %dma_wait3A_95] : memref<128x128xf32, #tpu.memory_space<vmem>> -> memref<112x128xf32, #tpu.memory_space<vmem>>
      tpu.wait_dma2 semaphore(%run_scoped3A : memref<!tpu.dma_semaphore, #tpu.memory_space<semaphore_mem>>) src(%dma_wait3A_96 : memref<112x128xf32, #tpu.memory_space<vmem>>) dst(%dma_wait3A_93 : memref<112x128xf32, #tpu.memory_space<vmem_shared>>)
      tpu.yield
    }) : () -> ()
    %eq3A = arith.constant 15 : i32
    %eq3A_13 = arith.cmpi eq, %arg1, %eq3A : i32
    %convert_element_type3A = arith.extui %eq3A_13 : i1 to i32
    %cond3A = arith.constant 0 : i32
    %cond3A_14 = arith.cmpi ne, %convert_element_type3A, %cond3A : i32
    scf.if %cond3A_14 {
      "tpu.region"() ({
        %run_scoped3A = tpu.sem_alloc : memref<!tpu.dma_semaphore, #tpu.memory_space<semaphore_mem>>
        %dma_start3A_78 = arith.constant 0 : i32
        %dma_start3A_79 = arith.constant 0 : i32
        %dma_start3A_80 = tpu.memref_slice %arg9[%dma_start3A_78, %dma_start3A_79] : memref<128x128xf32, #tpu.memory_space<vmem>> -> memref<16x128xf32, #tpu.memory_space<vmem>>
        %dma_start3A_81 = arith.constant 9984 : i32
        %dma_start3A_82 = arith.constant 0 : i32
        %dma_start3A_83 = tpu.memref_slice %arg6[%dma_start3A_81, %dma_start3A_82] : memref<10000x128xf32, #tpu.memory_space<vmem_shared>> -> memref<16x128xf32, #tpu.memory_space<vmem_shared>>
        %dma_start3A_84 = arith.constant 9984 : i32
        %dma_start3A_85 = arith.constant 0 : i32
        %dma_start3A_86 = tpu.memref_slice %arg6[%dma_start3A_84, %dma_start3A_85] : memref<10000x128xf32, #tpu.memory_space<vmem_shared>> -> memref<16x128xf32, #tpu.memory_space<vmem_shared>>
        %dma_start3A_87 = arith.constant 0 : i32
        %dma_start3A_88 = arith.constant 0 : i32
        %dma_start3A_89 = tpu.memref_slice %arg9[%dma_start3A_87, %dma_start3A_88] : memref<128x128xf32, #tpu.memory_space<vmem>> -> memref<16x128xf32, #tpu.memory_space<vmem>>
        tpu.enqueue_dma source(%dma_start3A_89 : memref<16x128xf32, #tpu.memory_space<vmem>>) target(%dma_start3A_86 : memref<16x128xf32, #tpu.memory_space<vmem_shared>>) target_semaphore(%run_scoped3A : memref<!tpu.dma_semaphore, #tpu.memory_space<semaphore_mem>>)
        %dma_wait3A = arith.constant 0 : i32
        %dma_wait3A_90 = arith.constant 0 : i32
        %dma_wait3A_91 = tpu.memref_slice %arg9[%dma_wait3A, %dma_wait3A_90] : memref<128x128xf32, #tpu.memory_space<vmem>> -> memref<16x128xf32, #tpu.memory_space<vmem>>
        %dma_wait3A_92 = arith.constant 9984 : i32
        %dma_wait3A_93 = arith.constant 0 : i32
        %dma_wait3A_94 = tpu.memref_slice %arg6[%dma_wait3A_92, %dma_wait3A_93] : memref<10000x128xf32, #tpu.memory_space<vmem_shared>> -> memref<16x128xf32, #tpu.memory_space<vmem_shared>>
        %dma_wait3A_95 = arith.constant 9984 : i32
        %dma_wait3A_96 = arith.constant 0 : i32
        %dma_wait3A_97 = tpu.memref_slice %arg6[%dma_wait3A_95, %dma_wait3A_96] : memref<10000x128xf32, #tpu.memory_space<vmem_shared>> -> memref<16x128xf32, #tpu.memory_space<vmem_shared>>
        %dma_wait3A_98 = arith.constant 0 : i32
        %dma_wait3A_99 = arith.constant 0 : i32
        %dma_wait3A_100 = tpu.memref_slice %arg9[%dma_wait3A_98, %dma_wait3A_99] : memref<128x128xf32, #tpu.memory_space<vmem>> -> memref<16x128xf32, #tpu.memory_space<vmem>>
        tpu.wait_dma2 semaphore(%run_scoped3A : memref<!tpu.dma_semaphore, #tpu.memory_space<semaphore_mem>>) src(%dma_wait3A_100 : memref<16x128xf32, #tpu.memory_space<vmem>>) dst(%dma_wait3A_97 : memref<16x128xf32, #tpu.memory_space<vmem_shared>>)
        tpu.yield
      }) : () -> ()
    } else {
    }
    %mul3A_15 = arith.constant 128 : i32
    %mul3A_16 = arith.muli %add3A, %mul3A_15 : i32
    %dma_start3A = tpu.memref_slice %arg3[%mul3A_16] : memref<320000xi32, #tpu.memory_space<hbm>> -> memref<128xi32, #tpu.memory_space<hbm>>
    %dma_start3A_17 = tpu.memref_slice %arg3[%mul3A_16] : memref<320000xi32, #tpu.memory_space<hbm>> -> memref<128xi32, #tpu.memory_space<hbm>>
    tpu.enqueue_dma source(%dma_start3A_17 : memref<128xi32, #tpu.memory_space<hbm>>) target(%arg7 : memref<128xi32, #tpu.memory_space<vmem>>) target_semaphore(%arg11 : memref<!tpu.dma_semaphore, #tpu.memory_space<semaphore_mem>>)
    %mul3A_18 = arith.constant 128 : i32
    %mul3A_19 = arith.muli %add3A, %mul3A_18 : i32
    %dma_start3A_20 = arith.constant 0 : i32
    %dma_start3A_21 = tpu.memref_slice %arg2[%mul3A_19, %dma_start3A_20] : memref<320000x128xf32, #tpu.memory_space<hbm>> -> memref<128x128xf32, #tpu.memory_space<hbm>>
    %dma_start3A_22 = arith.constant 0 : i32
    %dma_start3A_23 = tpu.memref_slice %arg2[%mul3A_19, %dma_start3A_22] : memref<320000x128xf32, #tpu.memory_space<hbm>> -> memref<128x128xf32, #tpu.memory_space<hbm>>
    tpu.enqueue_dma source(%dma_start3A_23 : memref<128x128xf32, #tpu.memory_space<hbm>>) target(%arg9 : memref<128x128xf32, #tpu.memory_space<vmem>>) target_semaphore(%arg11 : memref<!tpu.dma_semaphore, #tpu.memory_space<semaphore_mem>>)
    %add3A_24 = arith.constant 32 : i32
    %add3A_25 = arith.addi %add3A, %add3A_24 : i32
    %mul3A_26 = arith.constant 128 : i32
    %mul3A_27 = arith.muli %add3A_25, %mul3A_26 : i32
    %dma_start3A_28 = tpu.memref_slice %arg3[%mul3A_27] : memref<320000xi32, #tpu.memory_space<hbm>> -> memref<128xi32, #tpu.memory_space<hbm>>
    %dma_start3A_29 = tpu.memref_slice %arg3[%mul3A_27] : memref<320000xi32, #tpu.memory_space<hbm>> -> memref<128xi32, #tpu.memory_space<hbm>>
    tpu.enqueue_dma source(%dma_start3A_29 : memref<128xi32, #tpu.memory_space<hbm>>) target(%arg8 : memref<128xi32, #tpu.memory_space<vmem>>) target_semaphore(%arg12 : memref<!tpu.dma_semaphore, #tpu.memory_space<semaphore_mem>>)
    %mul3A_30 = arith.constant 128 : i32
    %mul3A_31 = arith.muli %add3A_25, %mul3A_30 : i32
    %dma_start3A_32 = arith.constant 0 : i32
    %dma_start3A_33 = tpu.memref_slice %arg2[%mul3A_31, %dma_start3A_32] : memref<320000x128xf32, #tpu.memory_space<hbm>> -> memref<128x128xf32, #tpu.memory_space<hbm>>
    %dma_start3A_34 = arith.constant 0 : i32
    %dma_start3A_35 = tpu.memref_slice %arg2[%mul3A_31, %dma_start3A_34] : memref<320000x128xf32, #tpu.memory_space<hbm>> -> memref<128x128xf32, #tpu.memory_space<hbm>>
    tpu.enqueue_dma source(%dma_start3A_35 : memref<128x128xf32, #tpu.memory_space<hbm>>) target(%arg10 : memref<128x128xf32, #tpu.memory_space<vmem>>) target_semaphore(%arg12 : memref<!tpu.dma_semaphore, #tpu.memory_space<semaphore_mem>>)
    %barrier3A = arith.constant 0 : index
    tpu.barrier barrier_id(%barrier3A)
    %scan3A = arith.constant 0 : i32
    %scan3A_36 = arith.constant 0 : i32
    %scan3A_37 = arith.constant 39 : i32
    %scan3A_38 = arith.addi %scan3A_36, %scan3A_37 : i32
    %scan3A_39 = arith.constant 1 : i32
    scf.for %scan3A_78 = %scan3A_36 to %scan3A_38 step %scan3A_39  : i32 {
      %mul3A_79 = arith.constant 2 : i32
      %mul3A_80 = arith.muli %mul3A_79, %scan3A_78 : i32
      %mul3A_81 = arith.constant 32 : i32
      %mul3A_82 = arith.muli %mul3A_80, %mul3A_81 : i32
      %add3A_83 = arith.addi %add3A, %mul3A_82 : i32
      %mul3A_84 = arith.constant 128 : i32
      %mul3A_85 = arith.muli %add3A_83, %mul3A_84 : i32
      %dma_wait3A = tpu.memref_slice %arg3[%mul3A_85] : memref<320000xi32, #tpu.memory_space<hbm>> -> memref<128xi32, #tpu.memory_space<hbm>>
      %dma_wait3A_86 = tpu.memref_slice %arg3[%mul3A_85] : memref<320000xi32, #tpu.memory_space<hbm>> -> memref<128xi32, #tpu.memory_space<hbm>>
      tpu.wait_dma2 semaphore(%arg11 : memref<!tpu.dma_semaphore, #tpu.memory_space<semaphore_mem>>) src(%dma_wait3A_86 : memref<128xi32, #tpu.memory_space<hbm>>) dst(%arg7 : memref<128xi32, #tpu.memory_space<vmem>>)
      %mul3A_87 = arith.constant 128 : i32
      %mul3A_88 = arith.muli %add3A_83, %mul3A_87 : i32
      %dma_wait3A_89 = arith.constant 0 : i32
      %dma_wait3A_90 = tpu.memref_slice %arg2[%mul3A_88, %dma_wait3A_89] : memref<320000x128xf32, #tpu.memory_space<hbm>> -> memref<128x128xf32, #tpu.memory_space<hbm>>
      %dma_wait3A_91 = arith.constant 0 : i32
      %dma_wait3A_92 = tpu.memref_slice %arg2[%mul3A_88, %dma_wait3A_91] : memref<320000x128xf32, #tpu.memory_space<hbm>> -> memref<128x128xf32, #tpu.memory_space<hbm>>
      tpu.wait_dma2 semaphore(%arg11 : memref<!tpu.dma_semaphore, #tpu.memory_space<semaphore_mem>>) src(%dma_wait3A_92 : memref<128x128xf32, #tpu.memory_space<hbm>>) dst(%arg9 : memref<128x128xf32, #tpu.memory_space<vmem>>)
      "tpu.region"() ({
        %run_scoped3A = tpu.sem_alloc : memref<!tpu.dma_semaphore, #tpu.memory_space<semaphore_mem>>
        %dma_start3A_115 = arith.constant 0 : i32
        %dma_start3A_116 = arith.constant 0 : i32
        %dma_start3A_117 = tpu.memref_slice %arg6[%dma_start3A_115, %dma_start3A_116] : memref<10000x128xf32, #tpu.memory_space<vmem_shared>> -> memref<10000x128xf32, #tpu.memory_space<vmem_shared>>
        tpu.enqueue_indirect_dma source(%arg9 : memref<128x128xf32, #tpu.memory_space<vmem>>) target(%dma_start3A_117 : memref<10000x128xf32, #tpu.memory_space<vmem_shared>>) offsets(%arg7 : memref<128xi32, #tpu.memory_space<vmem>>) semaphore(%run_scoped3A : memref<!tpu.dma_semaphore, #tpu.memory_space<semaphore_mem>>) {add = true}
        %dma_wait3A_118 = arith.constant 0 : i32
        %dma_wait3A_119 = arith.constant 0 : i32
        %dma_wait3A_120 = tpu.memref_slice %arg6[%dma_wait3A_118, %dma_wait3A_119] : memref<10000x128xf32, #tpu.memory_space<vmem_shared>> -> memref<10000x128xf32, #tpu.memory_space<vmem_shared>>
        tpu.wait_indirect_dma semaphore(%run_scoped3A : memref<!tpu.dma_semaphore, #tpu.memory_space<semaphore_mem>>) src(%arg9 : memref<128x128xf32, #tpu.memory_space<vmem>>) dst(%dma_wait3A_120 : memref<10000x128xf32, #tpu.memory_space<vmem_shared>>)
        tpu.yield
      }) : () -> ()
      %lt3A_93 = arith.constant 38 : i32
      %lt3A_94 = arith.cmpi slt, %scan3A_78, %lt3A_93 : i32
      %convert_element_type3A_95 = arith.extui %lt3A_94 : i1 to i32
      %cond3A_96 = arith.constant 0 : i32
      %cond3A_97 = arith.cmpi ne, %convert_element_type3A_95, %cond3A_96 : i32
      scf.if %cond3A_97 {
        %add3A_115 = arith.constant 64 : i32
        %add3A_116 = arith.addi %add3A_83, %add3A_115 : i32
        %mul3A_117 = arith.constant 128 : i32
        %mul3A_118 = arith.muli %add3A_116, %mul3A_117 : i32
        %dma_start3A_119 = tpu.memref_slice %arg3[%mul3A_118] : memref<320000xi32, #tpu.memory_space<hbm>> -> memref<128xi32, #tpu.memory_space<hbm>>
        %dma_start3A_120 = tpu.memref_slice %arg3[%mul3A_118] : memref<320000xi32, #tpu.memory_space<hbm>> -> memref<128xi32, #tpu.memory_space<hbm>>
        tpu.enqueue_dma source(%dma_start3A_120 : memref<128xi32, #tpu.memory_space<hbm>>) target(%arg7 : memref<128xi32, #tpu.memory_space<vmem>>) target_semaphore(%arg11 : memref<!tpu.dma_semaphore, #tpu.memory_space<semaphore_mem>>)
        %mul3A_121 = arith.constant 128 : i32
        %mul3A_122 = arith.muli %add3A_116, %mul3A_121 : i32
        %dma_start3A_123 = arith.constant 0 : i32
        %dma_start3A_124 = tpu.memref_slice %arg2[%mul3A_122, %dma_start3A_123] : memref<320000x128xf32, #tpu.memory_space<hbm>> -> memref<128x128xf32, #tpu.memory_space<hbm>>
        %dma_start3A_125 = arith.constant 0 : i32
        %dma_start3A_126 = tpu.memref_slice %arg2[%mul3A_122, %dma_start3A_125] : memref<320000x128xf32, #tpu.memory_space<hbm>> -> memref<128x128xf32, #tpu.memory_space<hbm>>
        tpu.enqueue_dma source(%dma_start3A_126 : memref<128x128xf32, #tpu.memory_space<hbm>>) target(%arg9 : memref<128x128xf32, #tpu.memory_space<vmem>>) target_semaphore(%arg11 : memref<!tpu.dma_semaphore, #tpu.memory_space<semaphore_mem>>)
      } else {
      }
      %add3A_98 = arith.constant 32 : i32
      %add3A_99 = arith.addi %add3A_83, %add3A_98 : i32
      %mul3A_100 = arith.constant 128 : i32
      %mul3A_101 = arith.muli %add3A_99, %mul3A_100 : i32
      %dma_wait3A_102 = tpu.memref_slice %arg3[%mul3A_101] : memref<320000xi32, #tpu.memory_space<hbm>> -> memref<128xi32, #tpu.memory_space<hbm>>
      %dma_wait3A_103 = tpu.memref_slice %arg3[%mul3A_101] : memref<320000xi32, #tpu.memory_space<hbm>> -> memref<128xi32, #tpu.memory_space<hbm>>
      tpu.wait_dma2 semaphore(%arg12 : memref<!tpu.dma_semaphore, #tpu.memory_space<semaphore_mem>>) src(%dma_wait3A_103 : memref<128xi32, #tpu.memory_space<hbm>>) dst(%arg8 : memref<128xi32, #tpu.memory_space<vmem>>)
      %mul3A_104 = arith.constant 128 : i32
      %mul3A_105 = arith.muli %add3A_99, %mul3A_104 : i32
      %dma_wait3A_106 = arith.constant 0 : i32
      %dma_wait3A_107 = tpu.memref_slice %arg2[%mul3A_105, %dma_wait3A_106] : memref<320000x128xf32, #tpu.memory_space<hbm>> -> memref<128x128xf32, #tpu.memory_space<hbm>>
      %dma_wait3A_108 = arith.constant 0 : i32
      %dma_wait3A_109 = tpu.memref_slice %arg2[%mul3A_105, %dma_wait3A_108] : memref<320000x128xf32, #tpu.memory_space<hbm>> -> memref<128x128xf32, #tpu.memory_space<hbm>>
      tpu.wait_dma2 semaphore(%arg12 : memref<!tpu.dma_semaphore, #tpu.memory_space<semaphore_mem>>) src(%dma_wait3A_109 : memref<128x128xf32, #tpu.memory_space<hbm>>) dst(%arg10 : memref<128x128xf32, #tpu.memory_space<vmem>>)
      "tpu.region"() ({
        %run_scoped3A = tpu.sem_alloc : memref<!tpu.dma_semaphore, #tpu.memory_space<semaphore_mem>>
        %dma_start3A_115 = arith.constant 0 : i32
        %dma_start3A_116 = arith.constant 0 : i32
        %dma_start3A_117 = tpu.memref_slice %arg6[%dma_start3A_115, %dma_start3A_116] : memref<10000x128xf32, #tpu.memory_space<vmem_shared>> -> memref<10000x128xf32, #tpu.memory_space<vmem_shared>>
        tpu.enqueue_indirect_dma source(%arg10 : memref<128x128xf32, #tpu.memory_space<vmem>>) target(%dma_start3A_117 : memref<10000x128xf32, #tpu.memory_space<vmem_shared>>) offsets(%arg8 : memref<128xi32, #tpu.memory_space<vmem>>) semaphore(%run_scoped3A : memref<!tpu.dma_semaphore, #tpu.memory_space<semaphore_mem>>) {add = true}
        %dma_wait3A_118 = arith.constant 0 : i32
        %dma_wait3A_119 = arith.constant 0 : i32
        %dma_wait3A_120 = tpu.memref_slice %arg6[%dma_wait3A_118, %dma_wait3A_119] : memref<10000x128xf32, #tpu.memory_space<vmem_shared>> -> memref<10000x128xf32, #tpu.memory_space<vmem_shared>>
        tpu.wait_indirect_dma semaphore(%run_scoped3A : memref<!tpu.dma_semaphore, #tpu.memory_space<semaphore_mem>>) src(%arg10 : memref<128x128xf32, #tpu.memory_space<vmem>>) dst(%dma_wait3A_120 : memref<10000x128xf32, #tpu.memory_space<vmem_shared>>)
        tpu.yield
      }) : () -> ()
      %lt3A_110 = arith.constant 38 : i32
      %lt3A_111 = arith.cmpi slt, %scan3A_78, %lt3A_110 : i32
      %convert_element_type3A_112 = arith.extui %lt3A_111 : i1 to i32
      %cond3A_113 = arith.constant 0 : i32
      %cond3A_114 = arith.cmpi ne, %convert_element_type3A_112, %cond3A_113 : i32
      scf.if %cond3A_114 {
        %add3A_115 = arith.constant 64 : i32
        %add3A_116 = arith.addi %add3A_99, %add3A_115 : i32
        %mul3A_117 = arith.constant 128 : i32
        %mul3A_118 = arith.muli %add3A_116, %mul3A_117 : i32
        %dma_start3A_119 = tpu.memref_slice %arg3[%mul3A_118] : memref<320000xi32, #tpu.memory_space<hbm>> -> memref<128xi32, #tpu.memory_space<hbm>>
        %dma_start3A_120 = tpu.memref_slice %arg3[%mul3A_118] : memref<320000xi32, #tpu.memory_space<hbm>> -> memref<128xi32, #tpu.memory_space<hbm>>
        tpu.enqueue_dma source(%dma_start3A_120 : memref<128xi32, #tpu.memory_space<hbm>>) target(%arg8 : memref<128xi32, #tpu.memory_space<vmem>>) target_semaphore(%arg12 : memref<!tpu.dma_semaphore, #tpu.memory_space<semaphore_mem>>)
        %mul3A_121 = arith.constant 128 : i32
        %mul3A_122 = arith.muli %add3A_116, %mul3A_121 : i32
        %dma_start3A_123 = arith.constant 0 : i32
        %dma_start3A_124 = tpu.memref_slice %arg2[%mul3A_122, %dma_start3A_123] : memref<320000x128xf32, #tpu.memory_space<hbm>> -> memref<128x128xf32, #tpu.memory_space<hbm>>
        %dma_start3A_125 = arith.constant 0 : i32
        %dma_start3A_126 = tpu.memref_slice %arg2[%mul3A_122, %dma_start3A_125] : memref<320000x128xf32, #tpu.memory_space<hbm>> -> memref<128x128xf32, #tpu.memory_space<hbm>>
        tpu.enqueue_dma source(%dma_start3A_126 : memref<128x128xf32, #tpu.memory_space<hbm>>) target(%arg10 : memref<128x128xf32, #tpu.memory_space<vmem>>) target_semaphore(%arg12 : memref<!tpu.dma_semaphore, #tpu.memory_space<semaphore_mem>>)
      } else {
      }
    }
    %scan3A_40 = arith.constant 39 : i32
    %lt3A = arith.constant 4 : i32
    %lt3A_41 = arith.cmpi slt, %add3A, %lt3A : i32
    %convert_element_type3A_42 = arith.extui %lt3A_41 : i1 to i32
    %cond3A_43 = arith.constant 0 : i32
    %cond3A_44 = arith.cmpi ne, %convert_element_type3A_42, %cond3A_43 : i32
    scf.if %cond3A_44 {
      %add3A_78 = arith.constant 2496 : i32
      %add3A_79 = arith.addi %add3A_78, %add3A : i32
      %mul3A_80 = arith.constant 128 : i32
      %mul3A_81 = arith.muli %add3A_79, %mul3A_80 : i32
      "tpu.region"() ({
        %run_scoped3A = tpu.sem_alloc : memref<!tpu.dma_semaphore, #tpu.memory_space<semaphore_mem>>
        %dma_start3A_84 = tpu.memref_slice %arg3[%mul3A_81] : memref<320000xi32, #tpu.memory_space<hbm>> -> memref<128xi32, #tpu.memory_space<hbm>>
        %dma_start3A_85 = tpu.memref_slice %arg3[%mul3A_81] : memref<320000xi32, #tpu.memory_space<hbm>> -> memref<128xi32, #tpu.memory_space<hbm>>
        tpu.enqueue_dma source(%dma_start3A_85 : memref<128xi32, #tpu.memory_space<hbm>>) target(%arg7 : memref<128xi32, #tpu.memory_space<vmem>>) target_semaphore(%run_scoped3A : memref<!tpu.dma_semaphore, #tpu.memory_space<semaphore_mem>>)
        %dma_wait3A = tpu.memref_slice %arg3[%mul3A_81] : memref<320000xi32, #tpu.memory_space<hbm>> -> memref<128xi32, #tpu.memory_space<hbm>>
        %dma_wait3A_86 = tpu.memref_slice %arg3[%mul3A_81] : memref<320000xi32, #tpu.memory_space<hbm>> -> memref<128xi32, #tpu.memory_space<hbm>>
        tpu.wait_dma2 semaphore(%run_scoped3A : memref<!tpu.dma_semaphore, #tpu.memory_space<semaphore_mem>>) src(%dma_wait3A_86 : memref<128xi32, #tpu.memory_space<hbm>>) dst(%arg7 : memref<128xi32, #tpu.memory_space<vmem>>)
        tpu.yield
      }) : () -> ()
      %mul3A_82 = arith.constant 128 : i32
      %mul3A_83 = arith.muli %add3A_79, %mul3A_82 : i32
      "tpu.region"() ({
        %run_scoped3A = tpu.sem_alloc : memref<!tpu.dma_semaphore, #tpu.memory_space<semaphore_mem>>
        %dma_start3A_84 = arith.constant 0 : i32
        %dma_start3A_85 = tpu.memref_slice %arg2[%mul3A_83, %dma_start3A_84] : memref<320000x128xf32, #tpu.memory_space<hbm>> -> memref<128x128xf32, #tpu.memory_space<hbm>>
        %dma_start3A_86 = arith.constant 0 : i32
        %dma_start3A_87 = tpu.memref_slice %arg2[%mul3A_83, %dma_start3A_86] : memref<320000x128xf32, #tpu.memory_space<hbm>> -> memref<128x128xf32, #tpu.memory_space<hbm>>
        tpu.enqueue_dma source(%dma_start3A_87 : memref<128x128xf32, #tpu.memory_space<hbm>>) target(%arg9 : memref<128x128xf32, #tpu.memory_space<vmem>>) target_semaphore(%run_scoped3A : memref<!tpu.dma_semaphore, #tpu.memory_space<semaphore_mem>>)
        %dma_wait3A = arith.constant 0 : i32
        %dma_wait3A_88 = tpu.memref_slice %arg2[%mul3A_83, %dma_wait3A] : memref<320000x128xf32, #tpu.memory_space<hbm>> -> memref<128x128xf32, #tpu.memory_space<hbm>>
        %dma_wait3A_89 = arith.constant 0 : i32
        %dma_wait3A_90 = tpu.memref_slice %arg2[%mul3A_83, %dma_wait3A_89] : memref<320000x128xf32, #tpu.memory_space<hbm>> -> memref<128x128xf32, #tpu.memory_space<hbm>>
        tpu.wait_dma2 semaphore(%run_scoped3A : memref<!tpu.dma_semaphore, #tpu.memory_space<semaphore_mem>>) src(%dma_wait3A_90 : memref<128x128xf32, #tpu.memory_space<hbm>>) dst(%arg9 : memref<128x128xf32, #tpu.memory_space<vmem>>)
        tpu.yield
      }) : () -> ()
      "tpu.region"() ({
        %run_scoped3A = tpu.sem_alloc : memref<!tpu.dma_semaphore, #tpu.memory_space<semaphore_mem>>
        %dma_start3A_84 = arith.constant 0 : i32
        %dma_start3A_85 = arith.constant 0 : i32
        %dma_start3A_86 = tpu.memref_slice %arg6[%dma_start3A_84, %dma_start3A_85] : memref<10000x128xf32, #tpu.memory_space<vmem_shared>> -> memref<10000x128xf32, #tpu.memory_space<vmem_shared>>
        tpu.enqueue_indirect_dma source(%arg9 : memref<128x128xf32, #tpu.memory_space<vmem>>) target(%dma_start3A_86 : memref<10000x128xf32, #tpu.memory_space<vmem_shared>>) offsets(%arg7 : memref<128xi32, #tpu.memory_space<vmem>>) semaphore(%run_scoped3A : memref<!tpu.dma_semaphore, #tpu.memory_space<semaphore_mem>>) {add = true}
        %dma_wait3A = arith.constant 0 : i32
        %dma_wait3A_87 = arith.constant 0 : i32
        %dma_wait3A_88 = tpu.memref_slice %arg6[%dma_wait3A, %dma_wait3A_87] : memref<10000x128xf32, #tpu.memory_space<vmem_shared>> -> memref<10000x128xf32, #tpu.memory_space<vmem_shared>>
        tpu.wait_indirect_dma semaphore(%run_scoped3A : memref<!tpu.dma_semaphore, #tpu.memory_space<semaphore_mem>>) src(%arg9 : memref<128x128xf32, #tpu.memory_space<vmem>>) dst(%dma_wait3A_88 : memref<10000x128xf32, #tpu.memory_space<vmem_shared>>)
        tpu.yield
      }) : () -> ()
    } else {
    }
    %barrier3A_45 = arith.constant 0 : index
    tpu.barrier barrier_id(%barrier3A_45)
    %mul3A_46 = arith.constant 624 : i32
    %mul3A_47 = arith.muli %arg1, %mul3A_46 : i32
    %add3A_48 = arith.constant 0 : i32
    %add3A_49 = arith.addi %mul3A_47, %add3A_48 : i32
    "tpu.region"() ({
      %run_scoped3A = tpu.sem_alloc : memref<!tpu.dma_semaphore, #tpu.memory_space<semaphore_mem>>
      %dma_start3A_78 = arith.constant 0 : i32
      %dma_start3A_79 = arith.constant 0 : i32
      %dma_start3A_80 = tpu.memref_slice %arg9[%dma_start3A_78, %dma_start3A_79] : memref<128x128xf32, #tpu.memory_space<vmem>> -> memref<128x128xf32, #tpu.memory_space<vmem>>
      %dma_start3A_81 = arith.constant 0 : i32
      %dma_start3A_82 = tpu.memref_slice %arg6[%add3A_49, %dma_start3A_81] : memref<10000x128xf32, #tpu.memory_space<vmem_shared>> -> memref<128x128xf32, #tpu.memory_space<vmem_shared>>
      %dma_start3A_83 = arith.constant 0 : i32
      %dma_start3A_84 = arith.constant 0 : i32
      %dma_start3A_85 = tpu.memref_slice %arg9[%dma_start3A_83, %dma_start3A_84] : memref<128x128xf32, #tpu.memory_space<vmem>> -> memref<128x128xf32, #tpu.memory_space<vmem>>
      %dma_start3A_86 = arith.constant 0 : i32
      %dma_start3A_87 = tpu.memref_slice %arg6[%add3A_49, %dma_start3A_86] : memref<10000x128xf32, #tpu.memory_space<vmem_shared>> -> memref<128x128xf32, #tpu.memory_space<vmem_shared>>
      tpu.enqueue_dma source(%dma_start3A_87 : memref<128x128xf32, #tpu.memory_space<vmem_shared>>) target(%dma_start3A_85 : memref<128x128xf32, #tpu.memory_space<vmem>>) target_semaphore(%run_scoped3A : memref<!tpu.dma_semaphore, #tpu.memory_space<semaphore_mem>>)
      %dma_wait3A = arith.constant 0 : i32
      %dma_wait3A_88 = arith.constant 0 : i32
      %dma_wait3A_89 = tpu.memref_slice %arg9[%dma_wait3A, %dma_wait3A_88] : memref<128x128xf32, #tpu.memory_space<vmem>> -> memref<128x128xf32, #tpu.memory_space<vmem>>
      %dma_wait3A_90 = arith.constant 0 : i32
      %dma_wait3A_91 = tpu.memref_slice %arg6[%add3A_49, %dma_wait3A_90] : memref<10000x128xf32, #tpu.memory_space<vmem_shared>> -> memref<128x128xf32, #tpu.memory_space<vmem_shared>>
      %dma_wait3A_92 = arith.constant 0 : i32
      %dma_wait3A_93 = arith.constant 0 : i32
      %dma_wait3A_94 = tpu.memref_slice %arg9[%dma_wait3A_92, %dma_wait3A_93] : memref<128x128xf32, #tpu.memory_space<vmem>> -> memref<128x128xf32, #tpu.memory_space<vmem>>
      %dma_wait3A_95 = arith.constant 0 : i32
      %dma_wait3A_96 = tpu.memref_slice %arg6[%add3A_49, %dma_wait3A_95] : memref<10000x128xf32, #tpu.memory_space<vmem_shared>> -> memref<128x128xf32, #tpu.memory_space<vmem_shared>>
      tpu.wait_dma2 semaphore(%run_scoped3A : memref<!tpu.dma_semaphore, #tpu.memory_space<semaphore_mem>>) src(%dma_wait3A_96 : memref<128x128xf32, #tpu.memory_space<vmem_shared>>) dst(%dma_wait3A_94 : memref<128x128xf32, #tpu.memory_space<vmem>>)
      tpu.yield
    }) : () -> ()
    %mul3A_50 = arith.constant 10000 : i32
    %mul3A_51 = arith.muli %arg0, %mul3A_50 : i32
    %add3A_52 = arith.addi %mul3A_51, %add3A_49 : i32
    "tpu.region"() ({
      %run_scoped3A = tpu.sem_alloc : memref<!tpu.dma_semaphore, #tpu.memory_space<semaphore_mem>>
      %dma_start3A_78 = arith.constant 0 : i32
      %dma_start3A_79 = arith.constant 0 : i32
      %dma_start3A_80 = tpu.memref_slice %arg9[%dma_start3A_78, %dma_start3A_79] : memref<128x128xf32, #tpu.memory_space<vmem>> -> memref<128x128xf32, #tpu.memory_space<vmem>>
      %dma_start3A_81 = arith.constant 0 : i32
      %dma_start3A_82 = tpu.memref_slice %arg5[%add3A_52, %dma_start3A_81] : memref<20000x128xf32, #tpu.memory_space<hbm>> -> memref<128x128xf32, #tpu.memory_space<hbm>>
      %dma_start3A_83 = arith.constant 0 : i32
      %dma_start3A_84 = tpu.memref_slice %arg5[%add3A_52, %dma_start3A_83] : memref<20000x128xf32, #tpu.memory_space<hbm>> -> memref<128x128xf32, #tpu.memory_space<hbm>>
      %dma_start3A_85 = arith.constant 0 : i32
      %dma_start3A_86 = arith.constant 0 : i32
      %dma_start3A_87 = tpu.memref_slice %arg9[%dma_start3A_85, %dma_start3A_86] : memref<128x128xf32, #tpu.memory_space<vmem>> -> memref<128x128xf32, #tpu.memory_space<vmem>>
      tpu.enqueue_dma source(%dma_start3A_87 : memref<128x128xf32, #tpu.memory_space<vmem>>) target(%dma_start3A_84 : memref<128x128xf32, #tpu.memory_space<hbm>>) target_semaphore(%run_scoped3A : memref<!tpu.dma_semaphore, #tpu.memory_space<semaphore_mem>>)
      %dma_wait3A = arith.constant 0 : i32
      %dma_wait3A_88 = arith.constant 0 : i32
      %dma_wait3A_89 = tpu.memref_slice %arg9[%dma_wait3A, %dma_wait3A_88] : memref<128x128xf32, #tpu.memory_space<vmem>> -> memref<128x128xf32, #tpu.memory_space<vmem>>
      %dma_wait3A_90 = arith.constant 0 : i32
      %dma_wait3A_91 = tpu.memref_slice %arg5[%add3A_52, %dma_wait3A_90] : memref<20000x128xf32, #tpu.memory_space<hbm>> -> memref<128x128xf32, #tpu.memory_space<hbm>>
      %dma_wait3A_92 = arith.constant 0 : i32
      %dma_wait3A_93 = tpu.memref_slice %arg5[%add3A_52, %dma_wait3A_92] : memref<20000x128xf32, #tpu.memory_space<hbm>> -> memref<128x128xf32, #tpu.memory_space<hbm>>
      %dma_wait3A_94 = arith.constant 0 : i32
      %dma_wait3A_95 = arith.constant 0 : i32
      %dma_wait3A_96 = tpu.memref_slice %arg9[%dma_wait3A_94, %dma_wait3A_95] : memref<128x128xf32, #tpu.memory_space<vmem>> -> memref<128x128xf32, #tpu.memory_space<vmem>>
      tpu.wait_dma2 semaphore(%run_scoped3A : memref<!tpu.dma_semaphore, #tpu.memory_space<semaphore_mem>>) src(%dma_wait3A_96 : memref<128x128xf32, #tpu.memory_space<vmem>>) dst(%dma_wait3A_93 : memref<128x128xf32, #tpu.memory_space<hbm>>)
      tpu.yield
    }) : () -> ()
    %add3A_53 = arith.constant 128 : i32
    %add3A_54 = arith.addi %mul3A_47, %add3A_53 : i32
    "tpu.region"() ({
      %run_scoped3A = tpu.sem_alloc : memref<!tpu.dma_semaphore, #tpu.memory_space<semaphore_mem>>
      %dma_start3A_78 = arith.constant 0 : i32
      %dma_start3A_79 = arith.constant 0 : i32
      %dma_start3A_80 = tpu.memref_slice %arg9[%dma_start3A_78, %dma_start3A_79] : memref<128x128xf32, #tpu.memory_space<vmem>> -> memref<128x128xf32, #tpu.memory_space<vmem>>
      %dma_start3A_81 = arith.constant 0 : i32
      %dma_start3A_82 = tpu.memref_slice %arg6[%add3A_54, %dma_start3A_81] : memref<10000x128xf32, #tpu.memory_space<vmem_shared>> -> memref<128x128xf32, #tpu.memory_space<vmem_shared>>
      %dma_start3A_83 = arith.constant 0 : i32
      %dma_start3A_84 = arith.constant 0 : i32
      %dma_start3A_85 = tpu.memref_slice %arg9[%dma_start3A_83, %dma_start3A_84] : memref<128x128xf32, #tpu.memory_space<vmem>> -> memref<128x128xf32, #tpu.memory_space<vmem>>
      %dma_start3A_86 = arith.constant 0 : i32
      %dma_start3A_87 = tpu.memref_slice %arg6[%add3A_54, %dma_start3A_86] : memref<10000x128xf32, #tpu.memory_space<vmem_shared>> -> memref<128x128xf32, #tpu.memory_space<vmem_shared>>
      tpu.enqueue_dma source(%dma_start3A_87 : memref<128x128xf32, #tpu.memory_space<vmem_shared>>) target(%dma_start3A_85 : memref<128x128xf32, #tpu.memory_space<vmem>>) target_semaphore(%run_scoped3A : memref<!tpu.dma_semaphore, #tpu.memory_space<semaphore_mem>>)
      %dma_wait3A = arith.constant 0 : i32
      %dma_wait3A_88 = arith.constant 0 : i32
      %dma_wait3A_89 = tpu.memref_slice %arg9[%dma_wait3A, %dma_wait3A_88] : memref<128x128xf32, #tpu.memory_space<vmem>> -> memref<128x128xf32, #tpu.memory_space<vmem>>
      %dma_wait3A_90 = arith.constant 0 : i32
      %dma_wait3A_91 = tpu.memref_slice %arg6[%add3A_54, %dma_wait3A_90] : memref<10000x128xf32, #tpu.memory_space<vmem_shared>> -> memref<128x128xf32, #tpu.memory_space<vmem_shared>>
      %dma_wait3A_92 = arith.constant 0 : i32
      %dma_wait3A_93 = arith.constant 0 : i32
      %dma_wait3A_94 = tpu.memref_slice %arg9[%dma_wait3A_92, %dma_wait3A_93] : memref<128x128xf32, #tpu.memory_space<vmem>> -> memref<128x128xf32, #tpu.memory_space<vmem>>
      %dma_wait3A_95 = arith.constant 0 : i32
      %dma_wait3A_96 = tpu.memref_slice %arg6[%add3A_54, %dma_wait3A_95] : memref<10000x128xf32, #tpu.memory_space<vmem_shared>> -> memref<128x128xf32, #tpu.memory_space<vmem_shared>>
      tpu.wait_dma2 semaphore(%run_scoped3A : memref<!tpu.dma_semaphore, #tpu.memory_space<semaphore_mem>>) src(%dma_wait3A_96 : memref<128x128xf32, #tpu.memory_space<vmem_shared>>) dst(%dma_wait3A_94 : memref<128x128xf32, #tpu.memory_space<vmem>>)
      tpu.yield
    }) : () -> ()
    %mul3A_55 = arith.constant 10000 : i32
    %mul3A_56 = arith.muli %arg0, %mul3A_55 : i32
    %add3A_57 = arith.addi %mul3A_56, %add3A_54 : i32
    "tpu.region"() ({
      %run_scoped3A = tpu.sem_alloc : memref<!tpu.dma_semaphore, #tpu.memory_space<semaphore_mem>>
      %dma_start3A_78 = arith.constant 0 : i32
      %dma_start3A_79 = arith.constant 0 : i32
      %dma_start3A_80 = tpu.memref_slice %arg9[%dma_start3A_78, %dma_start3A_79] : memref<128x128xf32, #tpu.memory_space<vmem>> -> memref<128x128xf32, #tpu.memory_space<vmem>>
      %dma_start3A_81 = arith.constant 0 : i32
      %dma_start3A_82 = tpu.memref_slice %arg5[%add3A_57, %dma_start3A_81] : memref<20000x128xf32, #tpu.memory_space<hbm>> -> memref<128x128xf32, #tpu.memory_space<hbm>>
      %dma_start3A_83 = arith.constant 0 : i32
      %dma_start3A_84 = tpu.memref_slice %arg5[%add3A_57, %dma_start3A_83] : memref<20000x128xf32, #tpu.memory_space<hbm>> -> memref<128x128xf32, #tpu.memory_space<hbm>>
      %dma_start3A_85 = arith.constant 0 : i32
      %dma_start3A_86 = arith.constant 0 : i32
      %dma_start3A_87 = tpu.memref_slice %arg9[%dma_start3A_85, %dma_start3A_86] : memref<128x128xf32, #tpu.memory_space<vmem>> -> memref<128x128xf32, #tpu.memory_space<vmem>>
      tpu.enqueue_dma source(%dma_start3A_87 : memref<128x128xf32, #tpu.memory_space<vmem>>) target(%dma_start3A_84 : memref<128x128xf32, #tpu.memory_space<hbm>>) target_semaphore(%run_scoped3A : memref<!tpu.dma_semaphore, #tpu.memory_space<semaphore_mem>>)
      %dma_wait3A = arith.constant 0 : i32
      %dma_wait3A_88 = arith.constant 0 : i32
      %dma_wait3A_89 = tpu.memref_slice %arg9[%dma_wait3A, %dma_wait3A_88] : memref<128x128xf32, #tpu.memory_space<vmem>> -> memref<128x128xf32, #tpu.memory_space<vmem>>
      %dma_wait3A_90 = arith.constant 0 : i32
      %dma_wait3A_91 = tpu.memref_slice %arg5[%add3A_57, %dma_wait3A_90] : memref<20000x128xf32, #tpu.memory_space<hbm>> -> memref<128x128xf32, #tpu.memory_space<hbm>>
      %dma_wait3A_92 = arith.constant 0 : i32
      %dma_wait3A_93 = tpu.memref_slice %arg5[%add3A_57, %dma_wait3A_92] : memref<20000x128xf32, #tpu.memory_space<hbm>> -> memref<128x128xf32, #tpu.memory_space<hbm>>
      %dma_wait3A_94 = arith.constant 0 : i32
      %dma_wait3A_95 = arith.constant 0 : i32
      %dma_wait3A_96 = tpu.memref_slice %arg9[%dma_wait3A_94, %dma_wait3A_95] : memref<128x128xf32, #tpu.memory_space<vmem>> -> memref<128x128xf32, #tpu.memory_space<vmem>>
      tpu.wait_dma2 semaphore(%run_scoped3A : memref<!tpu.dma_semaphore, #tpu.memory_space<semaphore_mem>>) src(%dma_wait3A_96 : memref<128x128xf32, #tpu.memory_space<vmem>>) dst(%dma_wait3A_93 : memref<128x128xf32, #tpu.memory_space<hbm>>)
      tpu.yield
    }) : () -> ()
    %add3A_58 = arith.constant 256 : i32
    %add3A_59 = arith.addi %mul3A_47, %add3A_58 : i32
    "tpu.region"() ({
      %run_scoped3A = tpu.sem_alloc : memref<!tpu.dma_semaphore, #tpu.memory_space<semaphore_mem>>
      %dma_start3A_78 = arith.constant 0 : i32
      %dma_start3A_79 = arith.constant 0 : i32
      %dma_start3A_80 = tpu.memref_slice %arg9[%dma_start3A_78, %dma_start3A_79] : memref<128x128xf32, #tpu.memory_space<vmem>> -> memref<128x128xf32, #tpu.memory_space<vmem>>
      %dma_start3A_81 = arith.constant 0 : i32
      %dma_start3A_82 = tpu.memref_slice %arg6[%add3A_59, %dma_start3A_81] : memref<10000x128xf32, #tpu.memory_space<vmem_shared>> -> memref<128x128xf32, #tpu.memory_space<vmem_shared>>
      %dma_start3A_83 = arith.constant 0 : i32
      %dma_start3A_84 = arith.constant 0 : i32
      %dma_start3A_85 = tpu.memref_slice %arg9[%dma_start3A_83, %dma_start3A_84] : memref<128x128xf32, #tpu.memory_space<vmem>> -> memref<128x128xf32, #tpu.memory_space<vmem>>
      %dma_start3A_86 = arith.constant 0 : i32
      %dma_start3A_87 = tpu.memref_slice %arg6[%add3A_59, %dma_start3A_86] : memref<10000x128xf32, #tpu.memory_space<vmem_shared>> -> memref<128x128xf32, #tpu.memory_space<vmem_shared>>
      tpu.enqueue_dma source(%dma_start3A_87 : memref<128x128xf32, #tpu.memory_space<vmem_shared>>) target(%dma_start3A_85 : memref<128x128xf32, #tpu.memory_space<vmem>>) target_semaphore(%run_scoped3A : memref<!tpu.dma_semaphore, #tpu.memory_space<semaphore_mem>>)
      %dma_wait3A = arith.constant 0 : i32
      %dma_wait3A_88 = arith.constant 0 : i32
      %dma_wait3A_89 = tpu.memref_slice %arg9[%dma_wait3A, %dma_wait3A_88] : memref<128x128xf32, #tpu.memory_space<vmem>> -> memref<128x128xf32, #tpu.memory_space<vmem>>
      %dma_wait3A_90 = arith.constant 0 : i32
      %dma_wait3A_91 = tpu.memref_slice %arg6[%add3A_59, %dma_wait3A_90] : memref<10000x128xf32, #tpu.memory_space<vmem_shared>> -> memref<128x128xf32, #tpu.memory_space<vmem_shared>>
      %dma_wait3A_92 = arith.constant 0 : i32
      %dma_wait3A_93 = arith.constant 0 : i32
      %dma_wait3A_94 = tpu.memref_slice %arg9[%dma_wait3A_92, %dma_wait3A_93] : memref<128x128xf32, #tpu.memory_space<vmem>> -> memref<128x128xf32, #tpu.memory_space<vmem>>
      %dma_wait3A_95 = arith.constant 0 : i32
      %dma_wait3A_96 = tpu.memref_slice %arg6[%add3A_59, %dma_wait3A_95] : memref<10000x128xf32, #tpu.memory_space<vmem_shared>> -> memref<128x128xf32, #tpu.memory_space<vmem_shared>>
      tpu.wait_dma2 semaphore(%run_scoped3A : memref<!tpu.dma_semaphore, #tpu.memory_space<semaphore_mem>>) src(%dma_wait3A_96 : memref<128x128xf32, #tpu.memory_space<vmem_shared>>) dst(%dma_wait3A_94 : memref<128x128xf32, #tpu.memory_space<vmem>>)
      tpu.yield
    }) : () -> ()
    %mul3A_60 = arith.constant 10000 : i32
    %mul3A_61 = arith.muli %arg0, %mul3A_60 : i32
    %add3A_62 = arith.addi %mul3A_61, %add3A_59 : i32
    "tpu.region"() ({
      %run_scoped3A = tpu.sem_alloc : memref<!tpu.dma_semaphore, #tpu.memory_space<semaphore_mem>>
      %dma_start3A_78 = arith.constant 0 : i32
      %dma_start3A_79 = arith.constant 0 : i32
      %dma_start3A_80 = tpu.memref_slice %arg9[%dma_start3A_78, %dma_start3A_79] : memref<128x128xf32, #tpu.memory_space<vmem>> -> memref<128x128xf32, #tpu.memory_space<vmem>>
      %dma_start3A_81 = arith.constant 0 : i32
      %dma_start3A_82 = tpu.memref_slice %arg5[%add3A_62, %dma_start3A_81] : memref<20000x128xf32, #tpu.memory_space<hbm>> -> memref<128x128xf32, #tpu.memory_space<hbm>>
      %dma_start3A_83 = arith.constant 0 : i32
      %dma_start3A_84 = tpu.memref_slice %arg5[%add3A_62, %dma_start3A_83] : memref<20000x128xf32, #tpu.memory_space<hbm>> -> memref<128x128xf32, #tpu.memory_space<hbm>>
      %dma_start3A_85 = arith.constant 0 : i32
      %dma_start3A_86 = arith.constant 0 : i32
      %dma_start3A_87 = tpu.memref_slice %arg9[%dma_start3A_85, %dma_start3A_86] : memref<128x128xf32, #tpu.memory_space<vmem>> -> memref<128x128xf32, #tpu.memory_space<vmem>>
      tpu.enqueue_dma source(%dma_start3A_87 : memref<128x128xf32, #tpu.memory_space<vmem>>) target(%dma_start3A_84 : memref<128x128xf32, #tpu.memory_space<hbm>>) target_semaphore(%run_scoped3A : memref<!tpu.dma_semaphore, #tpu.memory_space<semaphore_mem>>)
      %dma_wait3A = arith.constant 0 : i32
      %dma_wait3A_88 = arith.constant 0 : i32
      %dma_wait3A_89 = tpu.memref_slice %arg9[%dma_wait3A, %dma_wait3A_88] : memref<128x128xf32, #tpu.memory_space<vmem>> -> memref<128x128xf32, #tpu.memory_space<vmem>>
      %dma_wait3A_90 = arith.constant 0 : i32
      %dma_wait3A_91 = tpu.memref_slice %arg5[%add3A_62, %dma_wait3A_90] : memref<20000x128xf32, #tpu.memory_space<hbm>> -> memref<128x128xf32, #tpu.memory_space<hbm>>
      %dma_wait3A_92 = arith.constant 0 : i32
      %dma_wait3A_93 = tpu.memref_slice %arg5[%add3A_62, %dma_wait3A_92] : memref<20000x128xf32, #tpu.memory_space<hbm>> -> memref<128x128xf32, #tpu.memory_space<hbm>>
      %dma_wait3A_94 = arith.constant 0 : i32
      %dma_wait3A_95 = arith.constant 0 : i32
      %dma_wait3A_96 = tpu.memref_slice %arg9[%dma_wait3A_94, %dma_wait3A_95] : memref<128x128xf32, #tpu.memory_space<vmem>> -> memref<128x128xf32, #tpu.memory_space<vmem>>
      tpu.wait_dma2 semaphore(%run_scoped3A : memref<!tpu.dma_semaphore, #tpu.memory_space<semaphore_mem>>) src(%dma_wait3A_96 : memref<128x128xf32, #tpu.memory_space<vmem>>) dst(%dma_wait3A_93 : memref<128x128xf32, #tpu.memory_space<hbm>>)
      tpu.yield
    }) : () -> ()
    %add3A_63 = arith.constant 384 : i32
    %add3A_64 = arith.addi %mul3A_47, %add3A_63 : i32
    "tpu.region"() ({
      %run_scoped3A = tpu.sem_alloc : memref<!tpu.dma_semaphore, #tpu.memory_space<semaphore_mem>>
      %dma_start3A_78 = arith.constant 0 : i32
      %dma_start3A_79 = arith.constant 0 : i32
      %dma_start3A_80 = tpu.memref_slice %arg9[%dma_start3A_78, %dma_start3A_79] : memref<128x128xf32, #tpu.memory_space<vmem>> -> memref<128x128xf32, #tpu.memory_space<vmem>>
      %dma_start3A_81 = arith.constant 0 : i32
      %dma_start3A_82 = tpu.memref_slice %arg6[%add3A_64, %dma_start3A_81] : memref<10000x128xf32, #tpu.memory_space<vmem_shared>> -> memref<128x128xf32, #tpu.memory_space<vmem_shared>>
      %dma_start3A_83 = arith.constant 0 : i32
      %dma_start3A_84 = arith.constant 0 : i32
      %dma_start3A_85 = tpu.memref_slice %arg9[%dma_start3A_83, %dma_start3A_84] : memref<128x128xf32, #tpu.memory_space<vmem>> -> memref<128x128xf32, #tpu.memory_space<vmem>>
      %dma_start3A_86 = arith.constant 0 : i32
      %dma_start3A_87 = tpu.memref_slice %arg6[%add3A_64, %dma_start3A_86] : memref<10000x128xf32, #tpu.memory_space<vmem_shared>> -> memref<128x128xf32, #tpu.memory_space<vmem_shared>>
      tpu.enqueue_dma source(%dma_start3A_87 : memref<128x128xf32, #tpu.memory_space<vmem_shared>>) target(%dma_start3A_85 : memref<128x128xf32, #tpu.memory_space<vmem>>) target_semaphore(%run_scoped3A : memref<!tpu.dma_semaphore, #tpu.memory_space<semaphore_mem>>)
      %dma_wait3A = arith.constant 0 : i32
      %dma_wait3A_88 = arith.constant 0 : i32
      %dma_wait3A_89 = tpu.memref_slice %arg9[%dma_wait3A, %dma_wait3A_88] : memref<128x128xf32, #tpu.memory_space<vmem>> -> memref<128x128xf32, #tpu.memory_space<vmem>>
      %dma_wait3A_90 = arith.constant 0 : i32
      %dma_wait3A_91 = tpu.memref_slice %arg6[%add3A_64, %dma_wait3A_90] : memref<10000x128xf32, #tpu.memory_space<vmem_shared>> -> memref<128x128xf32, #tpu.memory_space<vmem_shared>>
      %dma_wait3A_92 = arith.constant 0 : i32
      %dma_wait3A_93 = arith.constant 0 : i32
      %dma_wait3A_94 = tpu.memref_slice %arg9[%dma_wait3A_92, %dma_wait3A_93] : memref<128x128xf32, #tpu.memory_space<vmem>> -> memref<128x128xf32, #tpu.memory_space<vmem>>
      %dma_wait3A_95 = arith.constant 0 : i32
      %dma_wait3A_96 = tpu.memref_slice %arg6[%add3A_64, %dma_wait3A_95] : memref<10000x128xf32, #tpu.memory_space<vmem_shared>> -> memref<128x128xf32, #tpu.memory_space<vmem_shared>>
      tpu.wait_dma2 semaphore(%run_scoped3A : memref<!tpu.dma_semaphore, #tpu.memory_space<semaphore_mem>>) src(%dma_wait3A_96 : memref<128x128xf32, #tpu.memory_space<vmem_shared>>) dst(%dma_wait3A_94 : memref<128x128xf32, #tpu.memory_space<vmem>>)
      tpu.yield
    }) : () -> ()
    %mul3A_65 = arith.constant 10000 : i32
    %mul3A_66 = arith.muli %arg0, %mul3A_65 : i32
    %add3A_67 = arith.addi %mul3A_66, %add3A_64 : i32
    "tpu.region"() ({
      %run_scoped3A = tpu.sem_alloc : memref<!tpu.dma_semaphore, #tpu.memory_space<semaphore_mem>>
      %dma_start3A_78 = arith.constant 0 : i32
      %dma_start3A_79 = arith.constant 0 : i32
      %dma_start3A_80 = tpu.memref_slice %arg9[%dma_start3A_78, %dma_start3A_79] : memref<128x128xf32, #tpu.memory_space<vmem>> -> memref<128x128xf32, #tpu.memory_space<vmem>>
      %dma_start3A_81 = arith.constant 0 : i32
      %dma_start3A_82 = tpu.memref_slice %arg5[%add3A_67, %dma_start3A_81] : memref<20000x128xf32, #tpu.memory_space<hbm>> -> memref<128x128xf32, #tpu.memory_space<hbm>>
      %dma_start3A_83 = arith.constant 0 : i32
      %dma_start3A_84 = tpu.memref_slice %arg5[%add3A_67, %dma_start3A_83] : memref<20000x128xf32, #tpu.memory_space<hbm>> -> memref<128x128xf32, #tpu.memory_space<hbm>>
      %dma_start3A_85 = arith.constant 0 : i32
      %dma_start3A_86 = arith.constant 0 : i32
      %dma_start3A_87 = tpu.memref_slice %arg9[%dma_start3A_85, %dma_start3A_86] : memref<128x128xf32, #tpu.memory_space<vmem>> -> memref<128x128xf32, #tpu.memory_space<vmem>>
      tpu.enqueue_dma source(%dma_start3A_87 : memref<128x128xf32, #tpu.memory_space<vmem>>) target(%dma_start3A_84 : memref<128x128xf32, #tpu.memory_space<hbm>>) target_semaphore(%run_scoped3A : memref<!tpu.dma_semaphore, #tpu.memory_space<semaphore_mem>>)
      %dma_wait3A = arith.constant 0 : i32
      %dma_wait3A_88 = arith.constant 0 : i32
      %dma_wait3A_89 = tpu.memref_slice %arg9[%dma_wait3A, %dma_wait3A_88] : memref<128x128xf32, #tpu.memory_space<vmem>> -> memref<128x128xf32, #tpu.memory_space<vmem>>
      %dma_wait3A_90 = arith.constant 0 : i32
      %dma_wait3A_91 = tpu.memref_slice %arg5[%add3A_67, %dma_wait3A_90] : memref<20000x128xf32, #tpu.memory_space<hbm>> -> memref<128x128xf32, #tpu.memory_space<hbm>>
      %dma_wait3A_92 = arith.constant 0 : i32
      %dma_wait3A_93 = tpu.memref_slice %arg5[%add3A_67, %dma_wait3A_92] : memref<20000x128xf32, #tpu.memory_space<hbm>> -> memref<128x128xf32, #tpu.memory_space<hbm>>
      %dma_wait3A_94 = arith.constant 0 : i32
      %dma_wait3A_95 = arith.constant 0 : i32
      %dma_wait3A_96 = tpu.memref_slice %arg9[%dma_wait3A_94, %dma_wait3A_95] : memref<128x128xf32, #tpu.memory_space<vmem>> -> memref<128x128xf32, #tpu.memory_space<vmem>>
      tpu.wait_dma2 semaphore(%run_scoped3A : memref<!tpu.dma_semaphore, #tpu.memory_space<semaphore_mem>>) src(%dma_wait3A_96 : memref<128x128xf32, #tpu.memory_space<vmem>>) dst(%dma_wait3A_93 : memref<128x128xf32, #tpu.memory_space<hbm>>)
      tpu.yield
    }) : () -> ()
    %add3A_68 = arith.constant 512 : i32
    %add3A_69 = arith.addi %mul3A_47, %add3A_68 : i32
    "tpu.region"() ({
      %run_scoped3A = tpu.sem_alloc : memref<!tpu.dma_semaphore, #tpu.memory_space<semaphore_mem>>
      %dma_start3A_78 = arith.constant 0 : i32
      %dma_start3A_79 = arith.constant 0 : i32
      %dma_start3A_80 = tpu.memref_slice %arg9[%dma_start3A_78, %dma_start3A_79] : memref<128x128xf32, #tpu.memory_space<vmem>> -> memref<112x128xf32, #tpu.memory_space<vmem>>
      %dma_start3A_81 = arith.constant 0 : i32
      %dma_start3A_82 = tpu.memref_slice %arg6[%add3A_69, %dma_start3A_81] : memref<10000x128xf32, #tpu.memory_space<vmem_shared>> -> memref<112x128xf32, #tpu.memory_space<vmem_shared>>
      %dma_start3A_83 = arith.constant 0 : i32
      %dma_start3A_84 = arith.constant 0 : i32
      %dma_start3A_85 = tpu.memref_slice %arg9[%dma_start3A_83, %dma_start3A_84] : memref<128x128xf32, #tpu.memory_space<vmem>> -> memref<112x128xf32, #tpu.memory_space<vmem>>
      %dma_start3A_86 = arith.constant 0 : i32
      %dma_start3A_87 = tpu.memref_slice %arg6[%add3A_69, %dma_start3A_86] : memref<10000x128xf32, #tpu.memory_space<vmem_shared>> -> memref<112x128xf32, #tpu.memory_space<vmem_shared>>
      tpu.enqueue_dma source(%dma_start3A_87 : memref<112x128xf32, #tpu.memory_space<vmem_shared>>) target(%dma_start3A_85 : memref<112x128xf32, #tpu.memory_space<vmem>>) target_semaphore(%run_scoped3A : memref<!tpu.dma_semaphore, #tpu.memory_space<semaphore_mem>>)
      %dma_wait3A = arith.constant 0 : i32
      %dma_wait3A_88 = arith.constant 0 : i32
      %dma_wait3A_89 = tpu.memref_slice %arg9[%dma_wait3A, %dma_wait3A_88] : memref<128x128xf32, #tpu.memory_space<vmem>> -> memref<112x128xf32, #tpu.memory_space<vmem>>
      %dma_wait3A_90 = arith.constant 0 : i32
      %dma_wait3A_91 = tpu.memref_slice %arg6[%add3A_69, %dma_wait3A_90] : memref<10000x128xf32, #tpu.memory_space<vmem_shared>> -> memref<112x128xf32, #tpu.memory_space<vmem_shared>>
      %dma_wait3A_92 = arith.constant 0 : i32
      %dma_wait3A_93 = arith.constant 0 : i32
      %dma_wait3A_94 = tpu.memref_slice %arg9[%dma_wait3A_92, %dma_wait3A_93] : memref<128x128xf32, #tpu.memory_space<vmem>> -> memref<112x128xf32, #tpu.memory_space<vmem>>
      %dma_wait3A_95 = arith.constant 0 : i32
      %dma_wait3A_96 = tpu.memref_slice %arg6[%add3A_69, %dma_wait3A_95] : memref<10000x128xf32, #tpu.memory_space<vmem_shared>> -> memref<112x128xf32, #tpu.memory_space<vmem_shared>>
      tpu.wait_dma2 semaphore(%run_scoped3A : memref<!tpu.dma_semaphore, #tpu.memory_space<semaphore_mem>>) src(%dma_wait3A_96 : memref<112x128xf32, #tpu.memory_space<vmem_shared>>) dst(%dma_wait3A_94 : memref<112x128xf32, #tpu.memory_space<vmem>>)
      tpu.yield
    }) : () -> ()
    %mul3A_70 = arith.constant 10000 : i32
    %mul3A_71 = arith.muli %arg0, %mul3A_70 : i32
    %add3A_72 = arith.addi %mul3A_71, %add3A_69 : i32
    "tpu.region"() ({
      %run_scoped3A = tpu.sem_alloc : memref<!tpu.dma_semaphore, #tpu.memory_space<semaphore_mem>>
      %dma_start3A_78 = arith.constant 0 : i32
      %dma_start3A_79 = arith.constant 0 : i32
      %dma_start3A_80 = tpu.memref_slice %arg9[%dma_start3A_78, %dma_start3A_79] : memref<128x128xf32, #tpu.memory_space<vmem>> -> memref<112x128xf32, #tpu.memory_space<vmem>>
      %dma_start3A_81 = arith.constant 0 : i32
      %dma_start3A_82 = tpu.memref_slice %arg5[%add3A_72, %dma_start3A_81] : memref<20000x128xf32, #tpu.memory_space<hbm>> -> memref<112x128xf32, #tpu.memory_space<hbm>>
      %dma_start3A_83 = arith.constant 0 : i32
      %dma_start3A_84 = tpu.memref_slice %arg5[%add3A_72, %dma_start3A_83] : memref<20000x128xf32, #tpu.memory_space<hbm>> -> memref<112x128xf32, #tpu.memory_space<hbm>>
      %dma_start3A_85 = arith.constant 0 : i32
      %dma_start3A_86 = arith.constant 0 : i32
      %dma_start3A_87 = tpu.memref_slice %arg9[%dma_start3A_85, %dma_start3A_86] : memref<128x128xf32, #tpu.memory_space<vmem>> -> memref<112x128xf32, #tpu.memory_space<vmem>>
      tpu.enqueue_dma source(%dma_start3A_87 : memref<112x128xf32, #tpu.memory_space<vmem>>) target(%dma_start3A_84 : memref<112x128xf32, #tpu.memory_space<hbm>>) target_semaphore(%run_scoped3A : memref<!tpu.dma_semaphore, #tpu.memory_space<semaphore_mem>>)
      %dma_wait3A = arith.constant 0 : i32
      %dma_wait3A_88 = arith.constant 0 : i32
      %dma_wait3A_89 = tpu.memref_slice %arg9[%dma_wait3A, %dma_wait3A_88] : memref<128x128xf32, #tpu.memory_space<vmem>> -> memref<112x128xf32, #tpu.memory_space<vmem>>
      %dma_wait3A_90 = arith.constant 0 : i32
      %dma_wait3A_91 = tpu.memref_slice %arg5[%add3A_72, %dma_wait3A_90] : memref<20000x128xf32, #tpu.memory_space<hbm>> -> memref<112x128xf32, #tpu.memory_space<hbm>>
      %dma_wait3A_92 = arith.constant 0 : i32
      %dma_wait3A_93 = tpu.memref_slice %arg5[%add3A_72, %dma_wait3A_92] : memref<20000x128xf32, #tpu.memory_space<hbm>> -> memref<112x128xf32, #tpu.memory_space<hbm>>
      %dma_wait3A_94 = arith.constant 0 : i32
      %dma_wait3A_95 = arith.constant 0 : i32
      %dma_wait3A_96 = tpu.memref_slice %arg9[%dma_wait3A_94, %dma_wait3A_95] : memref<128x128xf32, #tpu.memory_space<vmem>> -> memref<112x128xf32, #tpu.memory_space<vmem>>
      tpu.wait_dma2 semaphore(%run_scoped3A : memref<!tpu.dma_semaphore, #tpu.memory_space<semaphore_mem>>) src(%dma_wait3A_96 : memref<112x128xf32, #tpu.memory_space<vmem>>) dst(%dma_wait3A_93 : memref<112x128xf32, #tpu.memory_space<hbm>>)
      tpu.yield
    }) : () -> ()
    %eq3A_73 = arith.constant 15 : i32
    %eq3A_74 = arith.cmpi eq, %arg1, %eq3A_73 : i32
    %convert_element_type3A_75 = arith.extui %eq3A_74 : i1 to i32
    %cond3A_76 = arith.constant 0 : i32
    %cond3A_77 = arith.cmpi ne, %convert_element_type3A_75, %cond3A_76 : i32
    scf.if %cond3A_77 {
      "tpu.region"() ({
        %run_scoped3A = tpu.sem_alloc : memref<!tpu.dma_semaphore, #tpu.memory_space<semaphore_mem>>
        %dma_start3A_82 = arith.constant 0 : i32
        %dma_start3A_83 = arith.constant 0 : i32
        %dma_start3A_84 = tpu.memref_slice %arg9[%dma_start3A_82, %dma_start3A_83] : memref<128x128xf32, #tpu.memory_space<vmem>> -> memref<16x128xf32, #tpu.memory_space<vmem>>
        %dma_start3A_85 = arith.constant 9984 : i32
        %dma_start3A_86 = arith.constant 0 : i32
        %dma_start3A_87 = tpu.memref_slice %arg6[%dma_start3A_85, %dma_start3A_86] : memref<10000x128xf32, #tpu.memory_space<vmem_shared>> -> memref<16x128xf32, #tpu.memory_space<vmem_shared>>
        %dma_start3A_88 = arith.constant 0 : i32
        %dma_start3A_89 = arith.constant 0 : i32
        %dma_start3A_90 = tpu.memref_slice %arg9[%dma_start3A_88, %dma_start3A_89] : memref<128x128xf32, #tpu.memory_space<vmem>> -> memref<16x128xf32, #tpu.memory_space<vmem>>
        %dma_start3A_91 = arith.constant 9984 : i32
        %dma_start3A_92 = arith.constant 0 : i32
        %dma_start3A_93 = tpu.memref_slice %arg6[%dma_start3A_91, %dma_start3A_92] : memref<10000x128xf32, #tpu.memory_space<vmem_shared>> -> memref<16x128xf32, #tpu.memory_space<vmem_shared>>
        tpu.enqueue_dma source(%dma_start3A_93 : memref<16x128xf32, #tpu.memory_space<vmem_shared>>) target(%dma_start3A_90 : memref<16x128xf32, #tpu.memory_space<vmem>>) target_semaphore(%run_scoped3A : memref<!tpu.dma_semaphore, #tpu.memory_space<semaphore_mem>>)
        %dma_wait3A = arith.constant 0 : i32
        %dma_wait3A_94 = arith.constant 0 : i32
        %dma_wait3A_95 = tpu.memref_slice %arg9[%dma_wait3A, %dma_wait3A_94] : memref<128x128xf32, #tpu.memory_space<vmem>> -> memref<16x128xf32, #tpu.memory_space<vmem>>
        %dma_wait3A_96 = arith.constant 9984 : i32
        %dma_wait3A_97 = arith.constant 0 : i32
        %dma_wait3A_98 = tpu.memref_slice %arg6[%dma_wait3A_96, %dma_wait3A_97] : memref<10000x128xf32, #tpu.memory_space<vmem_shared>> -> memref<16x128xf32, #tpu.memory_space<vmem_shared>>
        %dma_wait3A_99 = arith.constant 0 : i32
        %dma_wait3A_100 = arith.constant 0 : i32
        %dma_wait3A_101 = tpu.memref_slice %arg9[%dma_wait3A_99, %dma_wait3A_100] : memref<128x128xf32, #tpu.memory_space<vmem>> -> memref<16x128xf32, #tpu.memory_space<vmem>>
        %dma_wait3A_102 = arith.constant 9984 : i32
        %dma_wait3A_103 = arith.constant 0 : i32
        %dma_wait3A_104 = tpu.memref_slice %arg6[%dma_wait3A_102, %dma_wait3A_103] : memref<10000x128xf32, #tpu.memory_space<vmem_shared>> -> memref<16x128xf32, #tpu.memory_space<vmem_shared>>
        tpu.wait_dma2 semaphore(%run_scoped3A : memref<!tpu.dma_semaphore, #tpu.memory_space<semaphore_mem>>) src(%dma_wait3A_104 : memref<16x128xf32, #tpu.memory_space<vmem_shared>>) dst(%dma_wait3A_101 : memref<16x128xf32, #tpu.memory_space<vmem>>)
        tpu.yield
      }) : () -> ()
      %mul3A_78 = arith.constant 10000 : i32
      %mul3A_79 = arith.muli %arg0, %mul3A_78 : i32
      %add3A_80 = arith.constant 9984 : i32
      %add3A_81 = arith.addi %mul3A_79, %add3A_80 : i32
      "tpu.region"() ({
        %run_scoped3A = tpu.sem_alloc : memref<!tpu.dma_semaphore, #tpu.memory_space<semaphore_mem>>
        %dma_start3A_82 = arith.constant 0 : i32
        %dma_start3A_83 = arith.constant 0 : i32
        %dma_start3A_84 = tpu.memref_slice %arg9[%dma_start3A_82, %dma_start3A_83] : memref<128x128xf32, #tpu.memory_space<vmem>> -> memref<16x128xf32, #tpu.memory_space<vmem>>
        %dma_start3A_85 = arith.constant 0 : i32
        %dma_start3A_86 = tpu.memref_slice %arg5[%add3A_81, %dma_start3A_85] : memref<20000x128xf32, #tpu.memory_space<hbm>> -> memref<16x128xf32, #tpu.memory_space<hbm>>
        %dma_start3A_87 = arith.constant 0 : i32
        %dma_start3A_88 = tpu.memref_slice %arg5[%add3A_81, %dma_start3A_87] : memref<20000x128xf32, #tpu.memory_space<hbm>> -> memref<16x128xf32, #tpu.memory_space<hbm>>
        %dma_start3A_89 = arith.constant 0 : i32
        %dma_start3A_90 = arith.constant 0 : i32
        %dma_start3A_91 = tpu.memref_slice %arg9[%dma_start3A_89, %dma_start3A_90] : memref<128x128xf32, #tpu.memory_space<vmem>> -> memref<16x128xf32, #tpu.memory_space<vmem>>
        tpu.enqueue_dma source(%dma_start3A_91 : memref<16x128xf32, #tpu.memory_space<vmem>>) target(%dma_start3A_88 : memref<16x128xf32, #tpu.memory_space<hbm>>) target_semaphore(%run_scoped3A : memref<!tpu.dma_semaphore, #tpu.memory_space<semaphore_mem>>)
        %dma_wait3A = arith.constant 0 : i32
        %dma_wait3A_92 = arith.constant 0 : i32
        %dma_wait3A_93 = tpu.memref_slice %arg9[%dma_wait3A, %dma_wait3A_92] : memref<128x128xf32, #tpu.memory_space<vmem>> -> memref<16x128xf32, #tpu.memory_space<vmem>>
        %dma_wait3A_94 = arith.constant 0 : i32
        %dma_wait3A_95 = tpu.memref_slice %arg5[%add3A_81, %dma_wait3A_94] : memref<20000x128xf32, #tpu.memory_space<hbm>> -> memref<16x128xf32, #tpu.memory_space<hbm>>
        %dma_wait3A_96 = arith.constant 0 : i32
        %dma_wait3A_97 = tpu.memref_slice %arg5[%add3A_81, %dma_wait3A_96] : memref<20000x128xf32, #tpu.memory_space<hbm>> -> memref<16x128xf32, #tpu.memory_space<hbm>>
        %dma_wait3A_98 = arith.constant 0 : i32
        %dma_wait3A_99 = arith.constant 0 : i32
        %dma_wait3A_100 = tpu.memref_slice %arg9[%dma_wait3A_98, %dma_wait3A_99] : memref<128x128xf32, #tpu.memory_space<vmem>> -> memref<16x128xf32, #tpu.memory_space<vmem>>
        tpu.wait_dma2 semaphore(%run_scoped3A : memref<!tpu.dma_semaphore, #tpu.memory_space<semaphore_mem>>) src(%dma_wait3A_100 : memref<16x128xf32, #tpu.memory_space<vmem>>) dst(%dma_wait3A_97 : memref<16x128xf32, #tpu.memory_space<hbm>>)
        tpu.yield
      }) : () -> ()
    } else {
    }
    return
  }
}

#map = affine_map<(d0, d1) -> (0, 0)>
#map1 = affine_map<(d0, d1) -> (0)>
module attributes {stable_mosaic.version = 14 : i64} {
  func.func @body_fn(%arg0: i32, %arg1: i32, %arg2: memref<320000x128xf32, #tpu.memory_space<hbm>>, %arg3: memref<320000xi32, #tpu.memory_space<hbm>>, %arg4: memref<128x128xf32, #tpu.memory_space<hbm>>, %arg5: memref<20000x128xf32, #tpu.memory_space<hbm>>, %arg6: memref<10000x128xf32, #tpu.memory_space<vmem_shared>>, %arg7: memref<128xi32, #tpu.memory_space<vmem>>, %arg8: memref<128xi32, #tpu.memory_space<vmem>>, %arg9: memref<128x128xf32, #tpu.memory_space<vmem>>, %arg10: memref<128x128xf32, #tpu.memory_space<vmem>>, %arg11: memref<!tpu.dma_semaphore, #tpu.memory_space<semaphore_mem>>, %arg12: memref<!tpu.dma_semaphore, #tpu.memory_space<semaphore_mem>>) attributes {dimension_semantics = [#tpu.dimension_semantics<core_parallel>, #tpu.dimension_semantics<subcore_parallel>], iteration_bounds = array<i64: 2, 16>, scalar_prefetch = 0 : i64, scratch_operands = 7 : i64, tpu.core_type = #tpu.core_type<sc_vector_subcore>, window_params = [{transform_indices = #map}, {transform_indices = #map1}, {transform_indices = #map}, {transform_indices = #map}]} {
    %mul3A = arith.constant 2 : i32
    %mul3A_0 = arith.muli %arg1, %mul3A : i32
    %add3A = arith.addi %mul3A_0, %arg0 : i32
    "tpu.region"() ({
      %run_scoped3A = tpu.sem_alloc : memref<!tpu.dma_semaphore, #tpu.memory_space<semaphore_mem>>
      tpu.enqueue_dma source(%arg4 : memref<128x128xf32, #tpu.memory_space<hbm>>) target(%arg9 : memref<128x128xf32, #tpu.memory_space<vmem>>) target_semaphore(%run_scoped3A : memref<!tpu.dma_semaphore, #tpu.memory_space<semaphore_mem>>)
      tpu.wait_dma2 semaphore(%run_scoped3A : memref<!tpu.dma_semaphore, #tpu.memory_space<semaphore_mem>>) src(%arg4 : memref<128x128xf32, #tpu.memory_space<hbm>>) dst(%arg9 : memref<128x128xf32, #tpu.memory_space<vmem>>)
      tpu.yield
    }) : () -> ()
    %mul3A_1 = arith.constant 624 : i32
    %mul3A_2 = arith.muli %arg1, %mul3A_1 : i32
    %add3A_3 = arith.constant 0 : i32
    %add3A_4 = arith.addi %mul3A_2, %add3A_3 : i32
    "tpu.region"() ({
      %run_scoped3A = tpu.sem_alloc : memref<!tpu.dma_semaphore, #tpu.memory_space<semaphore_mem>>
      %dma_start3A_78 = arith.constant 0 : i32
      %dma_start3A_79 = arith.constant 0 : i32
      %dma_start3A_80 = tpu.memref_slice %arg9[%dma_start3A_78, %dma_start3A_79] : memref<128x128xf32, #tpu.memory_space<vmem>> -> memref<128x128xf32, #tpu.memory_space<vmem>>
      %dma_start3A_81 = arith.constant 0 : i32
      %dma_start3A_82 = tpu.memref_slice %arg6[%add3A_4, %dma_start3A_81] : memref<10000x128xf32, #tpu.memory_space<vmem_shared>> -> memref<128x128xf32, #tpu.memory_space<vmem_shared>>
      %dma_start3A_83 = arith.constant 0 : i32
      %dma_start3A_84 = tpu.memref_slice %arg6[%add3A_4, %dma_start3A_83] : memref<10000x128xf32, #tpu.memory_space<vmem_shared>> -> memref<128x128xf32, #tpu.memory_space<vmem_shared>>
      %dma_start3A_85 = arith.constant 0 : i32
      %dma_start3A_86 = arith.constant 0 : i32
      %dma_start3A_87 = tpu.memref_slice %arg9[%dma_start3A_85, %dma_start3A_86] : memref<128x128xf32, #tpu.memory_space<vmem>> -> memref<128x128xf32, #tpu.memory_space<vmem>>
      tpu.enqueue_dma source(%dma_start3A_87 : memref<128x128xf32, #tpu.memory_space<vmem>>) target(%dma_start3A_84 : memref<128x128xf32, #tpu.memory_space<vmem_shared>>) target_semaphore(%run_scoped3A : memref<!tpu.dma_semaphore, #tpu.memory_space<semaphore_mem>>)
      %dma_wait3A = arith.constant 0 : i32
      %dma_wait3A_88 = arith.constant 0 : i32
      %dma_wait3A_89 = tpu.memref_slice %arg9[%dma_wait3A, %dma_wait3A_88] : memref<128x128xf32, #tpu.memory_space<vmem>> -> memref<128x128xf32, #tpu.memory_space<vmem>>
      %dma_wait3A_90 = arith.constant 0 : i32
      %dma_wait3A_91 = tpu.memref_slice %arg6[%add3A_4, %dma_wait3A_90] : memref<10000x128xf32, #tpu.memory_space<vmem_shared>> -> memref<128x128xf32, #tpu.memory_space<vmem_shared>>
      %dma_wait3A_92 = arith.constant 0 : i32
      %dma_wait3A_93 = tpu.memref_slice %arg6[%add3A_4, %dma_wait3A_92] : memref<10000x128xf32, #tpu.memory_space<vmem_shared>> -> memref<128x128xf32, #tpu.memory_space<vmem_shared>>
      %dma_wait3A_94 = arith.constant 0 : i32
      %dma_wait3A_95 = arith.constant 0 : i32
      %dma_wait3A_96 = tpu.memref_slice %arg9[%dma_wait3A_94, %dma_wait3A_95] : memref<128x128xf32, #tpu.memory_space<vmem>> -> memref<128x128xf32, #tpu.memory_space<vmem>>
      tpu.wait_dma2 semaphore(%run_scoped3A : memref<!tpu.dma_semaphore, #tpu.memory_space<semaphore_mem>>) src(%dma_wait3A_96 : memref<128x128xf32, #tpu.memory_space<vmem>>) dst(%dma_wait3A_93 : memref<128x128xf32, #tpu.memory_space<vmem_shared>>)
      tpu.yield
    }) : () -> ()
    %add3A_5 = arith.constant 128 : i32
    %add3A_6 = arith.addi %mul3A_2, %add3A_5 : i32
    "tpu.region"() ({
      %run_scoped3A = tpu.sem_alloc : memref<!tpu.dma_semaphore, #tpu.memory_space<semaphore_mem>>
      %dma_start3A_78 = arith.constant 0 : i32
      %dma_start3A_79 = arith.constant 0 : i32
      %dma_start3A_80 = tpu.memref_slice %arg9[%dma_start3A_78, %dma_start3A_79] : memref<128x128xf32, #tpu.memory_space<vmem>> -> memref<128x128xf32, #tpu.memory_space<vmem>>
      %dma_start3A_81 = arith.constant 0 : i32
      %dma_start3A_82 = tpu.memref_slice %arg6[%add3A_6, %dma_start3A_81] : memref<10000x128xf32, #tpu.memory_space<vmem_shared>> -> memref<128x128xf32, #tpu.memory_space<vmem_shared>>
      %dma_start3A_83 = arith.constant 0 : i32
      %dma_start3A_84 = tpu.memref_slice %arg6[%add3A_6, %dma_start3A_83] : memref<10000x128xf32, #tpu.memory_space<vmem_shared>> -> memref<128x128xf32, #tpu.memory_space<vmem_shared>>
      %dma_start3A_85 = arith.constant 0 : i32
      %dma_start3A_86 = arith.constant 0 : i32
      %dma_start3A_87 = tpu.memref_slice %arg9[%dma_start3A_85, %dma_start3A_86] : memref<128x128xf32, #tpu.memory_space<vmem>> -> memref<128x128xf32, #tpu.memory_space<vmem>>
      tpu.enqueue_dma source(%dma_start3A_87 : memref<128x128xf32, #tpu.memory_space<vmem>>) target(%dma_start3A_84 : memref<128x128xf32, #tpu.memory_space<vmem_shared>>) target_semaphore(%run_scoped3A : memref<!tpu.dma_semaphore, #tpu.memory_space<semaphore_mem>>)
      %dma_wait3A = arith.constant 0 : i32
      %dma_wait3A_88 = arith.constant 0 : i32
      %dma_wait3A_89 = tpu.memref_slice %arg9[%dma_wait3A, %dma_wait3A_88] : memref<128x128xf32, #tpu.memory_space<vmem>> -> memref<128x128xf32, #tpu.memory_space<vmem>>
      %dma_wait3A_90 = arith.constant 0 : i32
      %dma_wait3A_91 = tpu.memref_slice %arg6[%add3A_6, %dma_wait3A_90] : memref<10000x128xf32, #tpu.memory_space<vmem_shared>> -> memref<128x128xf32, #tpu.memory_space<vmem_shared>>
      %dma_wait3A_92 = arith.constant 0 : i32
      %dma_wait3A_93 = tpu.memref_slice %arg6[%add3A_6, %dma_wait3A_92] : memref<10000x128xf32, #tpu.memory_space<vmem_shared>> -> memref<128x128xf32, #tpu.memory_space<vmem_shared>>
      %dma_wait3A_94 = arith.constant 0 : i32
      %dma_wait3A_95 = arith.constant 0 : i32
      %dma_wait3A_96 = tpu.memref_slice %arg9[%dma_wait3A_94, %dma_wait3A_95] : memref<128x128xf32, #tpu.memory_space<vmem>> -> memref<128x128xf32, #tpu.memory_space<vmem>>
      tpu.wait_dma2 semaphore(%run_scoped3A : memref<!tpu.dma_semaphore, #tpu.memory_space<semaphore_mem>>) src(%dma_wait3A_96 : memref<128x128xf32, #tpu.memory_space<vmem>>) dst(%dma_wait3A_93 : memref<128x128xf32, #tpu.memory_space<vmem_shared>>)
      tpu.yield
    }) : () -> ()
    %add3A_7 = arith.constant 256 : i32
    %add3A_8 = arith.addi %mul3A_2, %add3A_7 : i32
    "tpu.region"() ({
      %run_scoped3A = tpu.sem_alloc : memref<!tpu.dma_semaphore, #tpu.memory_space<semaphore_mem>>
      %dma_start3A_78 = arith.constant 0 : i32
      %dma_start3A_79 = arith.constant 0 : i32
      %dma_start3A_80 = tpu.memref_slice %arg9[%dma_start3A_78, %dma_start3A_79] : memref<128x128xf32, #tpu.memory_space<vmem>> -> memref<128x128xf32, #tpu.memory_space<vmem>>
      %dma_start3A_81 = arith.constant 0 : i32
      %dma_start3A_82 = tpu.memref_slice %arg6[%add3A_8, %dma_start3A_81] : memref<10000x128xf32, #tpu.memory_space<vmem_shared>> -> memref<128x128xf32, #tpu.memory_space<vmem_shared>>
      %dma_start3A_83 = arith.constant 0 : i32
      %dma_start3A_84 = tpu.memref_slice %arg6[%add3A_8, %dma_start3A_83] : memref<10000x128xf32, #tpu.memory_space<vmem_shared>> -> memref<128x128xf32, #tpu.memory_space<vmem_shared>>
      %dma_start3A_85 = arith.constant 0 : i32
      %dma_start3A_86 = arith.constant 0 : i32
      %dma_start3A_87 = tpu.memref_slice %arg9[%dma_start3A_85, %dma_start3A_86] : memref<128x128xf32, #tpu.memory_space<vmem>> -> memref<128x128xf32, #tpu.memory_space<vmem>>
      tpu.enqueue_dma source(%dma_start3A_87 : memref<128x128xf32, #tpu.memory_space<vmem>>) target(%dma_start3A_84 : memref<128x128xf32, #tpu.memory_space<vmem_shared>>) target_semaphore(%run_scoped3A : memref<!tpu.dma_semaphore, #tpu.memory_space<semaphore_mem>>)
      %dma_wait3A = arith.constant 0 : i32
      %dma_wait3A_88 = arith.constant 0 : i32
      %dma_wait3A_89 = tpu.memref_slice %arg9[%dma_wait3A, %dma_wait3A_88] : memref<128x128xf32, #tpu.memory_space<vmem>> -> memref<128x128xf32, #tpu.memory_space<vmem>>
      %dma_wait3A_90 = arith.constant 0 : i32
      %dma_wait3A_91 = tpu.memref_slice %arg6[%add3A_8, %dma_wait3A_90] : memref<10000x128xf32, #tpu.memory_space<vmem_shared>> -> memref<128x128xf32, #tpu.memory_space<vmem_shared>>
      %dma_wait3A_92 = arith.constant 0 : i32
      %dma_wait3A_93 = tpu.memref_slice %arg6[%add3A_8, %dma_wait3A_92] : memref<10000x128xf32, #tpu.memory_space<vmem_shared>> -> memref<128x128xf32, #tpu.memory_space<vmem_shared>>
      %dma_wait3A_94 = arith.constant 0 : i32
      %dma_wait3A_95 = arith.constant 0 : i32
      %dma_wait3A_96 = tpu.memref_slice %arg9[%dma_wait3A_94, %dma_wait3A_95] : memref<128x128xf32, #tpu.memory_space<vmem>> -> memref<128x128xf32, #tpu.memory_space<vmem>>
      tpu.wait_dma2 semaphore(%run_scoped3A : memref<!tpu.dma_semaphore, #tpu.memory_space<semaphore_mem>>) src(%dma_wait3A_96 : memref<128x128xf32, #tpu.memory_space<vmem>>) dst(%dma_wait3A_93 : memref<128x128xf32, #tpu.memory_space<vmem_shared>>)
      tpu.yield
    }) : () -> ()
    %add3A_9 = arith.constant 384 : i32
    %add3A_10 = arith.addi %mul3A_2, %add3A_9 : i32
    "tpu.region"() ({
      %run_scoped3A = tpu.sem_alloc : memref<!tpu.dma_semaphore, #tpu.memory_space<semaphore_mem>>
      %dma_start3A_78 = arith.constant 0 : i32
      %dma_start3A_79 = arith.constant 0 : i32
      %dma_start3A_80 = tpu.memref_slice %arg9[%dma_start3A_78, %dma_start3A_79] : memref<128x128xf32, #tpu.memory_space<vmem>> -> memref<128x128xf32, #tpu.memory_space<vmem>>
      %dma_start3A_81 = arith.constant 0 : i32
      %dma_start3A_82 = tpu.memref_slice %arg6[%add3A_10, %dma_start3A_81] : memref<10000x128xf32, #tpu.memory_space<vmem_shared>> -> memref<128x128xf32, #tpu.memory_space<vmem_shared>>
      %dma_start3A_83 = arith.constant 0 : i32
      %dma_start3A_84 = tpu.memref_slice %arg6[%add3A_10, %dma_start3A_83] : memref<10000x128xf32, #tpu.memory_space<vmem_shared>> -> memref<128x128xf32, #tpu.memory_space<vmem_shared>>
      %dma_start3A_85 = arith.constant 0 : i32
      %dma_start3A_86 = arith.constant 0 : i32
      %dma_start3A_87 = tpu.memref_slice %arg9[%dma_start3A_85, %dma_start3A_86] : memref<128x128xf32, #tpu.memory_space<vmem>> -> memref<128x128xf32, #tpu.memory_space<vmem>>
      tpu.enqueue_dma source(%dma_start3A_87 : memref<128x128xf32, #tpu.memory_space<vmem>>) target(%dma_start3A_84 : memref<128x128xf32, #tpu.memory_space<vmem_shared>>) target_semaphore(%run_scoped3A : memref<!tpu.dma_semaphore, #tpu.memory_space<semaphore_mem>>)
      %dma_wait3A = arith.constant 0 : i32
      %dma_wait3A_88 = arith.constant 0 : i32
      %dma_wait3A_89 = tpu.memref_slice %arg9[%dma_wait3A, %dma_wait3A_88] : memref<128x128xf32, #tpu.memory_space<vmem>> -> memref<128x128xf32, #tpu.memory_space<vmem>>
      %dma_wait3A_90 = arith.constant 0 : i32
      %dma_wait3A_91 = tpu.memref_slice %arg6[%add3A_10, %dma_wait3A_90] : memref<10000x128xf32, #tpu.memory_space<vmem_shared>> -> memref<128x128xf32, #tpu.memory_space<vmem_shared>>
      %dma_wait3A_92 = arith.constant 0 : i32
      %dma_wait3A_93 = tpu.memref_slice %arg6[%add3A_10, %dma_wait3A_92] : memref<10000x128xf32, #tpu.memory_space<vmem_shared>> -> memref<128x128xf32, #tpu.memory_space<vmem_shared>>
      %dma_wait3A_94 = arith.constant 0 : i32
      %dma_wait3A_95 = arith.constant 0 : i32
      %dma_wait3A_96 = tpu.memref_slice %arg9[%dma_wait3A_94, %dma_wait3A_95] : memref<128x128xf32, #tpu.memory_space<vmem>> -> memref<128x128xf32, #tpu.memory_space<vmem>>
      tpu.wait_dma2 semaphore(%run_scoped3A : memref<!tpu.dma_semaphore, #tpu.memory_space<semaphore_mem>>) src(%dma_wait3A_96 : memref<128x128xf32, #tpu.memory_space<vmem>>) dst(%dma_wait3A_93 : memref<128x128xf32, #tpu.memory_space<vmem_shared>>)
      tpu.yield
    }) : () -> ()
    %add3A_11 = arith.constant 512 : i32
    %add3A_12 = arith.addi %mul3A_2, %add3A_11 : i32
    "tpu.region"() ({
      %run_scoped3A = tpu.sem_alloc : memref<!tpu.dma_semaphore, #tpu.memory_space<semaphore_mem>>
      %dma_start3A_78 = arith.constant 0 : i32
      %dma_start3A_79 = arith.constant 0 : i32
      %dma_start3A_80 = tpu.memref_slice %arg9[%dma_start3A_78, %dma_start3A_79] : memref<128x128xf32, #tpu.memory_space<vmem>> -> memref<112x128xf32, #tpu.memory_space<vmem>>
      %dma_start3A_81 = arith.constant 0 : i32
      %dma_start3A_82 = tpu.memref_slice %arg6[%add3A_12, %dma_start3A_81] : memref<10000x128xf32, #tpu.memory_space<vmem_shared>> -> memref<112x128xf32, #tpu.memory_space<vmem_shared>>
      %dma_start3A_83 = arith.constant 0 : i32
      %dma_start3A_84 = tpu.memref_slice %arg6[%add3A_12, %dma_start3A_83] : memref<10000x128xf32, #tpu.memory_space<vmem_shared>> -> memref<112x128xf32, #tpu.memory_space<vmem_shared>>
      %dma_start3A_85 = arith.constant 0 : i32
      %dma_start3A_86 = arith.constant 0 : i32
      %dma_start3A_87 = tpu.memref_slice %arg9[%dma_start3A_85, %dma_start3A_86] : memref<128x128xf32, #tpu.memory_space<vmem>> -> memref<112x128xf32, #tpu.memory_space<vmem>>
      tpu.enqueue_dma source(%dma_start3A_87 : memref<112x128xf32, #tpu.memory_space<vmem>>) target(%dma_start3A_84 : memref<112x128xf32, #tpu.memory_space<vmem_shared>>) target_semaphore(%run_scoped3A : memref<!tpu.dma_semaphore, #tpu.memory_space<semaphore_mem>>)
      %dma_wait3A = arith.constant 0 : i32
      %dma_wait3A_88 = arith.constant 0 : i32
      %dma_wait3A_89 = tpu.memref_slice %arg9[%dma_wait3A, %dma_wait3A_88] : memref<128x128xf32, #tpu.memory_space<vmem>> -> memref<112x128xf32, #tpu.memory_space<vmem>>
      %dma_wait3A_90 = arith.constant 0 : i32
      %dma_wait3A_91 = tpu.memref_slice %arg6[%add3A_12, %dma_wait3A_90] : memref<10000x128xf32, #tpu.memory_space<vmem_shared>> -> memref<112x128xf32, #tpu.memory_space<vmem_shared>>
      %dma_wait3A_92 = arith.constant 0 : i32
      %dma_wait3A_93 = tpu.memref_slice %arg6[%add3A_12, %dma_wait3A_92] : memref<10000x128xf32, #tpu.memory_space<vmem_shared>> -> memref<112x128xf32, #tpu.memory_space<vmem_shared>>
      %dma_wait3A_94 = arith.constant 0 : i32
      %dma_wait3A_95 = arith.constant 0 : i32
      %dma_wait3A_96 = tpu.memref_slice %arg9[%dma_wait3A_94, %dma_wait3A_95] : memref<128x128xf32, #tpu.memory_space<vmem>> -> memref<112x128xf32, #tpu.memory_space<vmem>>
      tpu.wait_dma2 semaphore(%run_scoped3A : memref<!tpu.dma_semaphore, #tpu.memory_space<semaphore_mem>>) src(%dma_wait3A_96 : memref<112x128xf32, #tpu.memory_space<vmem>>) dst(%dma_wait3A_93 : memref<112x128xf32, #tpu.memory_space<vmem_shared>>)
      tpu.yield
    }) : () -> ()
    %eq3A = arith.constant 15 : i32
    %eq3A_13 = arith.cmpi eq, %arg1, %eq3A : i32
    %convert_element_type3A = arith.extui %eq3A_13 : i1 to i32
    %cond3A = arith.constant 0 : i32
    %cond3A_14 = arith.cmpi ne, %convert_element_type3A, %cond3A : i32
    scf.if %cond3A_14 {
      "tpu.region"() ({
        %run_scoped3A = tpu.sem_alloc : memref<!tpu.dma_semaphore, #tpu.memory_space<semaphore_mem>>
        %dma_start3A_78 = arith.constant 0 : i32
        %dma_start3A_79 = arith.constant 0 : i32
        %dma_start3A_80 = tpu.memref_slice %arg9[%dma_start3A_78, %dma_start3A_79] : memref<128x128xf32, #tpu.memory_space<vmem>> -> memref<16x128xf32, #tpu.memory_space<vmem>>
        %dma_start3A_81 = arith.constant 9984 : i32
        %dma_start3A_82 = arith.constant 0 : i32
        %dma_start3A_83 = tpu.memref_slice %arg6[%dma_start3A_81, %dma_start3A_82] : memref<10000x128xf32, #tpu.memory_space<vmem_shared>> -> memref<16x128xf32, #tpu.memory_space<vmem_shared>>
        %dma_start3A_84 = arith.constant 9984 : i32
        %dma_start3A_85 = arith.constant 0 : i32
        %dma_start3A_86 = tpu.memref_slice %arg6[%dma_start3A_84, %dma_start3A_85] : memref<10000x128xf32, #tpu.memory_space<vmem_shared>> -> memref<16x128xf32, #tpu.memory_space<vmem_shared>>
        %dma_start3A_87 = arith.constant 0 : i32
        %dma_start3A_88 = arith.constant 0 : i32
        %dma_start3A_89 = tpu.memref_slice %arg9[%dma_start3A_87, %dma_start3A_88] : memref<128x128xf32, #tpu.memory_space<vmem>> -> memref<16x128xf32, #tpu.memory_space<vmem>>
        tpu.enqueue_dma source(%dma_start3A_89 : memref<16x128xf32, #tpu.memory_space<vmem>>) target(%dma_start3A_86 : memref<16x128xf32, #tpu.memory_space<vmem_shared>>) target_semaphore(%run_scoped3A : memref<!tpu.dma_semaphore, #tpu.memory_space<semaphore_mem>>)
        %dma_wait3A = arith.constant 0 : i32
        %dma_wait3A_90 = arith.constant 0 : i32
        %dma_wait3A_91 = tpu.memref_slice %arg9[%dma_wait3A, %dma_wait3A_90] : memref<128x128xf32, #tpu.memory_space<vmem>> -> memref<16x128xf32, #tpu.memory_space<vmem>>
        %dma_wait3A_92 = arith.constant 9984 : i32
        %dma_wait3A_93 = arith.constant 0 : i32
        %dma_wait3A_94 = tpu.memref_slice %arg6[%dma_wait3A_92, %dma_wait3A_93] : memref<10000x128xf32, #tpu.memory_space<vmem_shared>> -> memref<16x128xf32, #tpu.memory_space<vmem_shared>>
        %dma_wait3A_95 = arith.constant 9984 : i32
        %dma_wait3A_96 = arith.constant 0 : i32
        %dma_wait3A_97 = tpu.memref_slice %arg6[%dma_wait3A_95, %dma_wait3A_96] : memref<10000x128xf32, #tpu.memory_space<vmem_shared>> -> memref<16x128xf32, #tpu.memory_space<vmem_shared>>
        %dma_wait3A_98 = arith.constant 0 : i32
        %dma_wait3A_99 = arith.constant 0 : i32
        %dma_wait3A_100 = tpu.memref_slice %arg9[%dma_wait3A_98, %dma_wait3A_99] : memref<128x128xf32, #tpu.memory_space<vmem>> -> memref<16x128xf32, #tpu.memory_space<vmem>>
        tpu.wait_dma2 semaphore(%run_scoped3A : memref<!tpu.dma_semaphore, #tpu.memory_space<semaphore_mem>>) src(%dma_wait3A_100 : memref<16x128xf32, #tpu.memory_space<vmem>>) dst(%dma_wait3A_97 : memref<16x128xf32, #tpu.memory_space<vmem_shared>>)
        tpu.yield
      }) : () -> ()
    } else {
    }
    %mul3A_15 = arith.constant 128 : i32
    %mul3A_16 = arith.muli %add3A, %mul3A_15 : i32
    %dma_start3A = tpu.memref_slice %arg3[%mul3A_16] : memref<320000xi32, #tpu.memory_space<hbm>> -> memref<128xi32, #tpu.memory_space<hbm>>
    %dma_start3A_17 = tpu.memref_slice %arg3[%mul3A_16] : memref<320000xi32, #tpu.memory_space<hbm>> -> memref<128xi32, #tpu.memory_space<hbm>>
    tpu.enqueue_dma source(%dma_start3A_17 : memref<128xi32, #tpu.memory_space<hbm>>) target(%arg7 : memref<128xi32, #tpu.memory_space<vmem>>) target_semaphore(%arg11 : memref<!tpu.dma_semaphore, #tpu.memory_space<semaphore_mem>>)
    %mul3A_18 = arith.constant 128 : i32
    %mul3A_19 = arith.muli %add3A, %mul3A_18 : i32
    %dma_start3A_20 = arith.constant 0 : i32
    %dma_start3A_21 = tpu.memref_slice %arg2[%mul3A_19, %dma_start3A_20] : memref<320000x128xf32, #tpu.memory_space<hbm>> -> memref<128x128xf32, #tpu.memory_space<hbm>>
    %dma_start3A_22 = arith.constant 0 : i32
    %dma_start3A_23 = tpu.memref_slice %arg2[%mul3A_19, %dma_start3A_22] : memref<320000x128xf32, #tpu.memory_space<hbm>> -> memref<128x128xf32, #tpu.memory_space<hbm>>
    tpu.enqueue_dma source(%dma_start3A_23 : memref<128x128xf32, #tpu.memory_space<hbm>>) target(%arg9 : memref<128x128xf32, #tpu.memory_space<vmem>>) target_semaphore(%arg11 : memref<!tpu.dma_semaphore, #tpu.memory_space<semaphore_mem>>)
    %add3A_24 = arith.constant 32 : i32
    %add3A_25 = arith.addi %add3A, %add3A_24 : i32
    %mul3A_26 = arith.constant 128 : i32
    %mul3A_27 = arith.muli %add3A_25, %mul3A_26 : i32
    %dma_start3A_28 = tpu.memref_slice %arg3[%mul3A_27] : memref<320000xi32, #tpu.memory_space<hbm>> -> memref<128xi32, #tpu.memory_space<hbm>>
    %dma_start3A_29 = tpu.memref_slice %arg3[%mul3A_27] : memref<320000xi32, #tpu.memory_space<hbm>> -> memref<128xi32, #tpu.memory_space<hbm>>
    tpu.enqueue_dma source(%dma_start3A_29 : memref<128xi32, #tpu.memory_space<hbm>>) target(%arg8 : memref<128xi32, #tpu.memory_space<vmem>>) target_semaphore(%arg12 : memref<!tpu.dma_semaphore, #tpu.memory_space<semaphore_mem>>)
    %mul3A_30 = arith.constant 128 : i32
    %mul3A_31 = arith.muli %add3A_25, %mul3A_30 : i32
    %dma_start3A_32 = arith.constant 0 : i32
    %dma_start3A_33 = tpu.memref_slice %arg2[%mul3A_31, %dma_start3A_32] : memref<320000x128xf32, #tpu.memory_space<hbm>> -> memref<128x128xf32, #tpu.memory_space<hbm>>
    %dma_start3A_34 = arith.constant 0 : i32
    %dma_start3A_35 = tpu.memref_slice %arg2[%mul3A_31, %dma_start3A_34] : memref<320000x128xf32, #tpu.memory_space<hbm>> -> memref<128x128xf32, #tpu.memory_space<hbm>>
    tpu.enqueue_dma source(%dma_start3A_35 : memref<128x128xf32, #tpu.memory_space<hbm>>) target(%arg10 : memref<128x128xf32, #tpu.memory_space<vmem>>) target_semaphore(%arg12 : memref<!tpu.dma_semaphore, #tpu.memory_space<semaphore_mem>>)
    %barrier3A = arith.constant 0 : index
    tpu.barrier barrier_id(%barrier3A)
    %scan3A = arith.constant 0 : i32
    %scan3A_36 = arith.constant 0 : i32
    %scan3A_37 = arith.constant 39 : i32
    %scan3A_38 = arith.addi %scan3A_36, %scan3A_37 : i32
    %scan3A_39 = arith.constant 1 : i32
    scf.for %scan3A_78 = %scan3A_36 to %scan3A_38 step %scan3A_39  : i32 {
      %mul3A_79 = arith.constant 2 : i32
      %mul3A_80 = arith.muli %mul3A_79, %scan3A_78 : i32
      %mul3A_81 = arith.constant 32 : i32
      %mul3A_82 = arith.muli %mul3A_80, %mul3A_81 : i32
      %add3A_83 = arith.addi %add3A, %mul3A_82 : i32
      %mul3A_84 = arith.constant 128 : i32
      %mul3A_85 = arith.muli %add3A_83, %mul3A_84 : i32
      %dma_wait3A = tpu.memref_slice %arg3[%mul3A_85] : memref<320000xi32, #tpu.memory_space<hbm>> -> memref<128xi32, #tpu.memory_space<hbm>>
      %dma_wait3A_86 = tpu.memref_slice %arg3[%mul3A_85] : memref<320000xi32, #tpu.memory_space<hbm>> -> memref<128xi32, #tpu.memory_space<hbm>>
      tpu.wait_dma2 semaphore(%arg11 : memref<!tpu.dma_semaphore, #tpu.memory_space<semaphore_mem>>) src(%dma_wait3A_86 : memref<128xi32, #tpu.memory_space<hbm>>) dst(%arg7 : memref<128xi32, #tpu.memory_space<vmem>>)
      %mul3A_87 = arith.constant 128 : i32
      %mul3A_88 = arith.muli %add3A_83, %mul3A_87 : i32
      %dma_wait3A_89 = arith.constant 0 : i32
      %dma_wait3A_90 = tpu.memref_slice %arg2[%mul3A_88, %dma_wait3A_89] : memref<320000x128xf32, #tpu.memory_space<hbm>> -> memref<128x128xf32, #tpu.memory_space<hbm>>
      %dma_wait3A_91 = arith.constant 0 : i32
      %dma_wait3A_92 = tpu.memref_slice %arg2[%mul3A_88, %dma_wait3A_91] : memref<320000x128xf32, #tpu.memory_space<hbm>> -> memref<128x128xf32, #tpu.memory_space<hbm>>
      tpu.wait_dma2 semaphore(%arg11 : memref<!tpu.dma_semaphore, #tpu.memory_space<semaphore_mem>>) src(%dma_wait3A_92 : memref<128x128xf32, #tpu.memory_space<hbm>>) dst(%arg9 : memref<128x128xf32, #tpu.memory_space<vmem>>)
      "tpu.region"() ({
        %run_scoped3A = tpu.sem_alloc : memref<!tpu.dma_semaphore, #tpu.memory_space<semaphore_mem>>
        %dma_start3A_115 = arith.constant 0 : i32
        %dma_start3A_116 = arith.constant 0 : i32
        %dma_start3A_117 = tpu.memref_slice %arg6[%dma_start3A_115, %dma_start3A_116] : memref<10000x128xf32, #tpu.memory_space<vmem_shared>> -> memref<10000x128xf32, #tpu.memory_space<vmem_shared>>
        tpu.enqueue_indirect_dma source(%arg9 : memref<128x128xf32, #tpu.memory_space<vmem>>) target(%dma_start3A_117 : memref<10000x128xf32, #tpu.memory_space<vmem_shared>>) offsets(%arg7 : memref<128xi32, #tpu.memory_space<vmem>>) semaphore(%run_scoped3A : memref<!tpu.dma_semaphore, #tpu.memory_space<semaphore_mem>>) {add = true}
        %dma_wait3A_118 = arith.constant 0 : i32
        %dma_wait3A_119 = arith.constant 0 : i32
        %dma_wait3A_120 = tpu.memref_slice %arg6[%dma_wait3A_118, %dma_wait3A_119] : memref<10000x128xf32, #tpu.memory_space<vmem_shared>> -> memref<10000x128xf32, #tpu.memory_space<vmem_shared>>
        tpu.wait_indirect_dma semaphore(%run_scoped3A : memref<!tpu.dma_semaphore, #tpu.memory_space<semaphore_mem>>) src(%arg9 : memref<128x128xf32, #tpu.memory_space<vmem>>) dst(%dma_wait3A_120 : memref<10000x128xf32, #tpu.memory_space<vmem_shared>>)
        tpu.yield
      }) : () -> ()
      %lt3A_93 = arith.constant 38 : i32
      %lt3A_94 = arith.cmpi slt, %scan3A_78, %lt3A_93 : i32
      %convert_element_type3A_95 = arith.extui %lt3A_94 : i1 to i32
      %cond3A_96 = arith.constant 0 : i32
      %cond3A_97 = arith.cmpi ne, %convert_element_type3A_95, %cond3A_96 : i32
      scf.if %cond3A_97 {
        %add3A_115 = arith.constant 64 : i32
        %add3A_116 = arith.addi %add3A_83, %add3A_115 : i32
        %mul3A_117 = arith.constant 128 : i32
        %mul3A_118 = arith.muli %add3A_116, %mul3A_117 : i32
        %dma_start3A_119 = tpu.memref_slice %arg3[%mul3A_118] : memref<320000xi32, #tpu.memory_space<hbm>> -> memref<128xi32, #tpu.memory_space<hbm>>
        %dma_start3A_120 = tpu.memref_slice %arg3[%mul3A_118] : memref<320000xi32, #tpu.memory_space<hbm>> -> memref<128xi32, #tpu.memory_space<hbm>>
        tpu.enqueue_dma source(%dma_start3A_120 : memref<128xi32, #tpu.memory_space<hbm>>) target(%arg7 : memref<128xi32, #tpu.memory_space<vmem>>) target_semaphore(%arg11 : memref<!tpu.dma_semaphore, #tpu.memory_space<semaphore_mem>>)
        %mul3A_121 = arith.constant 128 : i32
        %mul3A_122 = arith.muli %add3A_116, %mul3A_121 : i32
        %dma_start3A_123 = arith.constant 0 : i32
        %dma_start3A_124 = tpu.memref_slice %arg2[%mul3A_122, %dma_start3A_123] : memref<320000x128xf32, #tpu.memory_space<hbm>> -> memref<128x128xf32, #tpu.memory_space<hbm>>
        %dma_start3A_125 = arith.constant 0 : i32
        %dma_start3A_126 = tpu.memref_slice %arg2[%mul3A_122, %dma_start3A_125] : memref<320000x128xf32, #tpu.memory_space<hbm>> -> memref<128x128xf32, #tpu.memory_space<hbm>>
        tpu.enqueue_dma source(%dma_start3A_126 : memref<128x128xf32, #tpu.memory_space<hbm>>) target(%arg9 : memref<128x128xf32, #tpu.memory_space<vmem>>) target_semaphore(%arg11 : memref<!tpu.dma_semaphore, #tpu.memory_space<semaphore_mem>>)
      } else {
      }
      %add3A_98 = arith.constant 32 : i32
      %add3A_99 = arith.addi %add3A_83, %add3A_98 : i32
      %mul3A_100 = arith.constant 128 : i32
      %mul3A_101 = arith.muli %add3A_99, %mul3A_100 : i32
      %dma_wait3A_102 = tpu.memref_slice %arg3[%mul3A_101] : memref<320000xi32, #tpu.memory_space<hbm>> -> memref<128xi32, #tpu.memory_space<hbm>>
      %dma_wait3A_103 = tpu.memref_slice %arg3[%mul3A_101] : memref<320000xi32, #tpu.memory_space<hbm>> -> memref<128xi32, #tpu.memory_space<hbm>>
      tpu.wait_dma2 semaphore(%arg12 : memref<!tpu.dma_semaphore, #tpu.memory_space<semaphore_mem>>) src(%dma_wait3A_103 : memref<128xi32, #tpu.memory_space<hbm>>) dst(%arg8 : memref<128xi32, #tpu.memory_space<vmem>>)
      %mul3A_104 = arith.constant 128 : i32
      %mul3A_105 = arith.muli %add3A_99, %mul3A_104 : i32
      %dma_wait3A_106 = arith.constant 0 : i32
      %dma_wait3A_107 = tpu.memref_slice %arg2[%mul3A_105, %dma_wait3A_106] : memref<320000x128xf32, #tpu.memory_space<hbm>> -> memref<128x128xf32, #tpu.memory_space<hbm>>
      %dma_wait3A_108 = arith.constant 0 : i32
      %dma_wait3A_109 = tpu.memref_slice %arg2[%mul3A_105, %dma_wait3A_108] : memref<320000x128xf32, #tpu.memory_space<hbm>> -> memref<128x128xf32, #tpu.memory_space<hbm>>
      tpu.wait_dma2 semaphore(%arg12 : memref<!tpu.dma_semaphore, #tpu.memory_space<semaphore_mem>>) src(%dma_wait3A_109 : memref<128x128xf32, #tpu.memory_space<hbm>>) dst(%arg10 : memref<128x128xf32, #tpu.memory_space<vmem>>)
      "tpu.region"() ({
        %run_scoped3A = tpu.sem_alloc : memref<!tpu.dma_semaphore, #tpu.memory_space<semaphore_mem>>
        %dma_start3A_115 = arith.constant 0 : i32
        %dma_start3A_116 = arith.constant 0 : i32
        %dma_start3A_117 = tpu.memref_slice %arg6[%dma_start3A_115, %dma_start3A_116] : memref<10000x128xf32, #tpu.memory_space<vmem_shared>> -> memref<10000x128xf32, #tpu.memory_space<vmem_shared>>
        tpu.enqueue_indirect_dma source(%arg10 : memref<128x128xf32, #tpu.memory_space<vmem>>) target(%dma_start3A_117 : memref<10000x128xf32, #tpu.memory_space<vmem_shared>>) offsets(%arg8 : memref<128xi32, #tpu.memory_space<vmem>>) semaphore(%run_scoped3A : memref<!tpu.dma_semaphore, #tpu.memory_space<semaphore_mem>>) {add = true}
        %dma_wait3A_118 = arith.constant 0 : i32
        %dma_wait3A_119 = arith.constant 0 : i32
        %dma_wait3A_120 = tpu.memref_slice %arg6[%dma_wait3A_118, %dma_wait3A_119] : memref<10000x128xf32, #tpu.memory_space<vmem_shared>> -> memref<10000x128xf32, #tpu.memory_space<vmem_shared>>
        tpu.wait_indirect_dma semaphore(%run_scoped3A : memref<!tpu.dma_semaphore, #tpu.memory_space<semaphore_mem>>) src(%arg10 : memref<128x128xf32, #tpu.memory_space<vmem>>) dst(%dma_wait3A_120 : memref<10000x128xf32, #tpu.memory_space<vmem_shared>>)
        tpu.yield
      }) : () -> ()
      %lt3A_110 = arith.constant 38 : i32
      %lt3A_111 = arith.cmpi slt, %scan3A_78, %lt3A_110 : i32
      %convert_element_type3A_112 = arith.extui %lt3A_111 : i1 to i32
      %cond3A_113 = arith.constant 0 : i32
      %cond3A_114 = arith.cmpi ne, %convert_element_type3A_112, %cond3A_113 : i32
      scf.if %cond3A_114 {
        %add3A_115 = arith.constant 64 : i32
        %add3A_116 = arith.addi %add3A_99, %add3A_115 : i32
        %mul3A_117 = arith.constant 128 : i32
        %mul3A_118 = arith.muli %add3A_116, %mul3A_117 : i32
        %dma_start3A_119 = tpu.memref_slice %arg3[%mul3A_118] : memref<320000xi32, #tpu.memory_space<hbm>> -> memref<128xi32, #tpu.memory_space<hbm>>
        %dma_start3A_120 = tpu.memref_slice %arg3[%mul3A_118] : memref<320000xi32, #tpu.memory_space<hbm>> -> memref<128xi32, #tpu.memory_space<hbm>>
        tpu.enqueue_dma source(%dma_start3A_120 : memref<128xi32, #tpu.memory_space<hbm>>) target(%arg8 : memref<128xi32, #tpu.memory_space<vmem>>) target_semaphore(%arg12 : memref<!tpu.dma_semaphore, #tpu.memory_space<semaphore_mem>>)
        %mul3A_121 = arith.constant 128 : i32
        %mul3A_122 = arith.muli %add3A_116, %mul3A_121 : i32
        %dma_start3A_123 = arith.constant 0 : i32
        %dma_start3A_124 = tpu.memref_slice %arg2[%mul3A_122, %dma_start3A_123] : memref<320000x128xf32, #tpu.memory_space<hbm>> -> memref<128x128xf32, #tpu.memory_space<hbm>>
        %dma_start3A_125 = arith.constant 0 : i32
        %dma_start3A_126 = tpu.memref_slice %arg2[%mul3A_122, %dma_start3A_125] : memref<320000x128xf32, #tpu.memory_space<hbm>> -> memref<128x128xf32, #tpu.memory_space<hbm>>
        tpu.enqueue_dma source(%dma_start3A_126 : memref<128x128xf32, #tpu.memory_space<hbm>>) target(%arg10 : memref<128x128xf32, #tpu.memory_space<vmem>>) target_semaphore(%arg12 : memref<!tpu.dma_semaphore, #tpu.memory_space<semaphore_mem>>)
      } else {
      }
    }
    %scan3A_40 = arith.constant 39 : i32
    %lt3A = arith.constant 4 : i32
    %lt3A_41 = arith.cmpi slt, %add3A, %lt3A : i32
    %convert_element_type3A_42 = arith.extui %lt3A_41 : i1 to i32
    %cond3A_43 = arith.constant 0 : i32
    %cond3A_44 = arith.cmpi ne, %convert_element_type3A_42, %cond3A_43 : i32
    scf.if %cond3A_44 {
      %add3A_78 = arith.constant 2496 : i32
      %add3A_79 = arith.addi %add3A_78, %add3A : i32
      %mul3A_80 = arith.constant 128 : i32
      %mul3A_81 = arith.muli %add3A_79, %mul3A_80 : i32
      "tpu.region"() ({
        %run_scoped3A = tpu.sem_alloc : memref<!tpu.dma_semaphore, #tpu.memory_space<semaphore_mem>>
        %dma_start3A_84 = tpu.memref_slice %arg3[%mul3A_81] : memref<320000xi32, #tpu.memory_space<hbm>> -> memref<128xi32, #tpu.memory_space<hbm>>
        %dma_start3A_85 = tpu.memref_slice %arg3[%mul3A_81] : memref<320000xi32, #tpu.memory_space<hbm>> -> memref<128xi32, #tpu.memory_space<hbm>>
        tpu.enqueue_dma source(%dma_start3A_85 : memref<128xi32, #tpu.memory_space<hbm>>) target(%arg7 : memref<128xi32, #tpu.memory_space<vmem>>) target_semaphore(%run_scoped3A : memref<!tpu.dma_semaphore, #tpu.memory_space<semaphore_mem>>)
        %dma_wait3A = tpu.memref_slice %arg3[%mul3A_81] : memref<320000xi32, #tpu.memory_space<hbm>> -> memref<128xi32, #tpu.memory_space<hbm>>
        %dma_wait3A_86 = tpu.memref_slice %arg3[%mul3A_81] : memref<320000xi32, #tpu.memory_space<hbm>> -> memref<128xi32, #tpu.memory_space<hbm>>
        tpu.wait_dma2 semaphore(%run_scoped3A : memref<!tpu.dma_semaphore, #tpu.memory_space<semaphore_mem>>) src(%dma_wait3A_86 : memref<128xi32, #tpu.memory_space<hbm>>) dst(%arg7 : memref<128xi32, #tpu.memory_space<vmem>>)
        tpu.yield
      }) : () -> ()
      %mul3A_82 = arith.constant 128 : i32
      %mul3A_83 = arith.muli %add3A_79, %mul3A_82 : i32
      "tpu.region"() ({
        %run_scoped3A = tpu.sem_alloc : memref<!tpu.dma_semaphore, #tpu.memory_space<semaphore_mem>>
        %dma_start3A_84 = arith.constant 0 : i32
        %dma_start3A_85 = tpu.memref_slice %arg2[%mul3A_83, %dma_start3A_84] : memref<320000x128xf32, #tpu.memory_space<hbm>> -> memref<128x128xf32, #tpu.memory_space<hbm>>
        %dma_start3A_86 = arith.constant 0 : i32
        %dma_start3A_87 = tpu.memref_slice %arg2[%mul3A_83, %dma_start3A_86] : memref<320000x128xf32, #tpu.memory_space<hbm>> -> memref<128x128xf32, #tpu.memory_space<hbm>>
        tpu.enqueue_dma source(%dma_start3A_87 : memref<128x128xf32, #tpu.memory_space<hbm>>) target(%arg9 : memref<128x128xf32, #tpu.memory_space<vmem>>) target_semaphore(%run_scoped3A : memref<!tpu.dma_semaphore, #tpu.memory_space<semaphore_mem>>)
        %dma_wait3A = arith.constant 0 : i32
        %dma_wait3A_88 = tpu.memref_slice %arg2[%mul3A_83, %dma_wait3A] : memref<320000x128xf32, #tpu.memory_space<hbm>> -> memref<128x128xf32, #tpu.memory_space<hbm>>
        %dma_wait3A_89 = arith.constant 0 : i32
        %dma_wait3A_90 = tpu.memref_slice %arg2[%mul3A_83, %dma_wait3A_89] : memref<320000x128xf32, #tpu.memory_space<hbm>> -> memref<128x128xf32, #tpu.memory_space<hbm>>
        tpu.wait_dma2 semaphore(%run_scoped3A : memref<!tpu.dma_semaphore, #tpu.memory_space<semaphore_mem>>) src(%dma_wait3A_90 : memref<128x128xf32, #tpu.memory_space<hbm>>) dst(%arg9 : memref<128x128xf32, #tpu.memory_space<vmem>>)
        tpu.yield
      }) : () -> ()
      "tpu.region"() ({
        %run_scoped3A = tpu.sem_alloc : memref<!tpu.dma_semaphore, #tpu.memory_space<semaphore_mem>>
        %dma_start3A_84 = arith.constant 0 : i32
        %dma_start3A_85 = arith.constant 0 : i32
        %dma_start3A_86 = tpu.memref_slice %arg6[%dma_start3A_84, %dma_start3A_85] : memref<10000x128xf32, #tpu.memory_space<vmem_shared>> -> memref<10000x128xf32, #tpu.memory_space<vmem_shared>>
        tpu.enqueue_indirect_dma source(%arg9 : memref<128x128xf32, #tpu.memory_space<vmem>>) target(%dma_start3A_86 : memref<10000x128xf32, #tpu.memory_space<vmem_shared>>) offsets(%arg7 : memref<128xi32, #tpu.memory_space<vmem>>) semaphore(%run_scoped3A : memref<!tpu.dma_semaphore, #tpu.memory_space<semaphore_mem>>) {add = true}
        %dma_wait3A = arith.constant 0 : i32
        %dma_wait3A_87 = arith.constant 0 : i32
        %dma_wait3A_88 = tpu.memref_slice %arg6[%dma_wait3A, %dma_wait3A_87] : memref<10000x128xf32, #tpu.memory_space<vmem_shared>> -> memref<10000x128xf32, #tpu.memory_space<vmem_shared>>
        tpu.wait_indirect_dma semaphore(%run_scoped3A : memref<!tpu.dma_semaphore, #tpu.memory_space<semaphore_mem>>) src(%arg9 : memref<128x128xf32, #tpu.memory_space<vmem>>) dst(%dma_wait3A_88 : memref<10000x128xf32, #tpu.memory_space<vmem_shared>>)
        tpu.yield
      }) : () -> ()
    } else {
    }
    %barrier3A_45 = arith.constant 0 : index
    tpu.barrier barrier_id(%barrier3A_45)
    %mul3A_46 = arith.constant 624 : i32
    %mul3A_47 = arith.muli %arg1, %mul3A_46 : i32
    %add3A_48 = arith.constant 0 : i32
    %add3A_49 = arith.addi %mul3A_47, %add3A_48 : i32
    "tpu.region"() ({
      %run_scoped3A = tpu.sem_alloc : memref<!tpu.dma_semaphore, #tpu.memory_space<semaphore_mem>>
      %dma_start3A_78 = arith.constant 0 : i32
      %dma_start3A_79 = arith.constant 0 : i32
      %dma_start3A_80 = tpu.memref_slice %arg9[%dma_start3A_78, %dma_start3A_79] : memref<128x128xf32, #tpu.memory_space<vmem>> -> memref<128x128xf32, #tpu.memory_space<vmem>>
      %dma_start3A_81 = arith.constant 0 : i32
      %dma_start3A_82 = tpu.memref_slice %arg6[%add3A_49, %dma_start3A_81] : memref<10000x128xf32, #tpu.memory_space<vmem_shared>> -> memref<128x128xf32, #tpu.memory_space<vmem_shared>>
      %dma_start3A_83 = arith.constant 0 : i32
      %dma_start3A_84 = arith.constant 0 : i32
      %dma_start3A_85 = tpu.memref_slice %arg9[%dma_start3A_83, %dma_start3A_84] : memref<128x128xf32, #tpu.memory_space<vmem>> -> memref<128x128xf32, #tpu.memory_space<vmem>>
      %dma_start3A_86 = arith.constant 0 : i32
      %dma_start3A_87 = tpu.memref_slice %arg6[%add3A_49, %dma_start3A_86] : memref<10000x128xf32, #tpu.memory_space<vmem_shared>> -> memref<128x128xf32, #tpu.memory_space<vmem_shared>>
      tpu.enqueue_dma source(%dma_start3A_87 : memref<128x128xf32, #tpu.memory_space<vmem_shared>>) target(%dma_start3A_85 : memref<128x128xf32, #tpu.memory_space<vmem>>) target_semaphore(%run_scoped3A : memref<!tpu.dma_semaphore, #tpu.memory_space<semaphore_mem>>)
      %dma_wait3A = arith.constant 0 : i32
      %dma_wait3A_88 = arith.constant 0 : i32
      %dma_wait3A_89 = tpu.memref_slice %arg9[%dma_wait3A, %dma_wait3A_88] : memref<128x128xf32, #tpu.memory_space<vmem>> -> memref<128x128xf32, #tpu.memory_space<vmem>>
      %dma_wait3A_90 = arith.constant 0 : i32
      %dma_wait3A_91 = tpu.memref_slice %arg6[%add3A_49, %dma_wait3A_90] : memref<10000x128xf32, #tpu.memory_space<vmem_shared>> -> memref<128x128xf32, #tpu.memory_space<vmem_shared>>
      %dma_wait3A_92 = arith.constant 0 : i32
      %dma_wait3A_93 = arith.constant 0 : i32
      %dma_wait3A_94 = tpu.memref_slice %arg9[%dma_wait3A_92, %dma_wait3A_93] : memref<128x128xf32, #tpu.memory_space<vmem>> -> memref<128x128xf32, #tpu.memory_space<vmem>>
      %dma_wait3A_95 = arith.constant 0 : i32
      %dma_wait3A_96 = tpu.memref_slice %arg6[%add3A_49, %dma_wait3A_95] : memref<10000x128xf32, #tpu.memory_space<vmem_shared>> -> memref<128x128xf32, #tpu.memory_space<vmem_shared>>
      tpu.wait_dma2 semaphore(%run_scoped3A : memref<!tpu.dma_semaphore, #tpu.memory_space<semaphore_mem>>) src(%dma_wait3A_96 : memref<128x128xf32, #tpu.memory_space<vmem_shared>>) dst(%dma_wait3A_94 : memref<128x128xf32, #tpu.memory_space<vmem>>)
      tpu.yield
    }) : () -> ()
    %mul3A_50 = arith.constant 10000 : i32
    %mul3A_51 = arith.muli %arg0, %mul3A_50 : i32
    %add3A_52 = arith.addi %mul3A_51, %add3A_49 : i32
    "tpu.region"() ({
      %run_scoped3A = tpu.sem_alloc : memref<!tpu.dma_semaphore, #tpu.memory_space<semaphore_mem>>
      %dma_start3A_78 = arith.constant 0 : i32
      %dma_start3A_79 = arith.constant 0 : i32
      %dma_start3A_80 = tpu.memref_slice %arg9[%dma_start3A_78, %dma_start3A_79] : memref<128x128xf32, #tpu.memory_space<vmem>> -> memref<128x128xf32, #tpu.memory_space<vmem>>
      %dma_start3A_81 = arith.constant 0 : i32
      %dma_start3A_82 = tpu.memref_slice %arg5[%add3A_52, %dma_start3A_81] : memref<20000x128xf32, #tpu.memory_space<hbm>> -> memref<128x128xf32, #tpu.memory_space<hbm>>
      %dma_start3A_83 = arith.constant 0 : i32
      %dma_start3A_84 = tpu.memref_slice %arg5[%add3A_52, %dma_start3A_83] : memref<20000x128xf32, #tpu.memory_space<hbm>> -> memref<128x128xf32, #tpu.memory_space<hbm>>
      %dma_start3A_85 = arith.constant 0 : i32
      %dma_start3A_86 = arith.constant 0 : i32
      %dma_start3A_87 = tpu.memref_slice %arg9[%dma_start3A_85, %dma_start3A_86] : memref<128x128xf32, #tpu.memory_space<vmem>> -> memref<128x128xf32, #tpu.memory_space<vmem>>
      tpu.enqueue_dma source(%dma_start3A_87 : memref<128x128xf32, #tpu.memory_space<vmem>>) target(%dma_start3A_84 : memref<128x128xf32, #tpu.memory_space<hbm>>) target_semaphore(%run_scoped3A : memref<!tpu.dma_semaphore, #tpu.memory_space<semaphore_mem>>)
      %dma_wait3A = arith.constant 0 : i32
      %dma_wait3A_88 = arith.constant 0 : i32
      %dma_wait3A_89 = tpu.memref_slice %arg9[%dma_wait3A, %dma_wait3A_88] : memref<128x128xf32, #tpu.memory_space<vmem>> -> memref<128x128xf32, #tpu.memory_space<vmem>>
      %dma_wait3A_90 = arith.constant 0 : i32
      %dma_wait3A_91 = tpu.memref_slice %arg5[%add3A_52, %dma_wait3A_90] : memref<20000x128xf32, #tpu.memory_space<hbm>> -> memref<128x128xf32, #tpu.memory_space<hbm>>
      %dma_wait3A_92 = arith.constant 0 : i32
      %dma_wait3A_93 = tpu.memref_slice %arg5[%add3A_52, %dma_wait3A_92] : memref<20000x128xf32, #tpu.memory_space<hbm>> -> memref<128x128xf32, #tpu.memory_space<hbm>>
      %dma_wait3A_94 = arith.constant 0 : i32
      %dma_wait3A_95 = arith.constant 0 : i32
      %dma_wait3A_96 = tpu.memref_slice %arg9[%dma_wait3A_94, %dma_wait3A_95] : memref<128x128xf32, #tpu.memory_space<vmem>> -> memref<128x128xf32, #tpu.memory_space<vmem>>
      tpu.wait_dma2 semaphore(%run_scoped3A : memref<!tpu.dma_semaphore, #tpu.memory_space<semaphore_mem>>) src(%dma_wait3A_96 : memref<128x128xf32, #tpu.memory_space<vmem>>) dst(%dma_wait3A_93 : memref<128x128xf32, #tpu.memory_space<hbm>>)
      tpu.yield
    }) : () -> ()
    %add3A_53 = arith.constant 128 : i32
    %add3A_54 = arith.addi %mul3A_47, %add3A_53 : i32
    "tpu.region"() ({
      %run_scoped3A = tpu.sem_alloc : memref<!tpu.dma_semaphore, #tpu.memory_space<semaphore_mem>>
      %dma_start3A_78 = arith.constant 0 : i32
      %dma_start3A_79 = arith.constant 0 : i32
      %dma_start3A_80 = tpu.memref_slice %arg9[%dma_start3A_78, %dma_start3A_79] : memref<128x128xf32, #tpu.memory_space<vmem>> -> memref<128x128xf32, #tpu.memory_space<vmem>>
      %dma_start3A_81 = arith.constant 0 : i32
      %dma_start3A_82 = tpu.memref_slice %arg6[%add3A_54, %dma_start3A_81] : memref<10000x128xf32, #tpu.memory_space<vmem_shared>> -> memref<128x128xf32, #tpu.memory_space<vmem_shared>>
      %dma_start3A_83 = arith.constant 0 : i32
      %dma_start3A_84 = arith.constant 0 : i32
      %dma_start3A_85 = tpu.memref_slice %arg9[%dma_start3A_83, %dma_start3A_84] : memref<128x128xf32, #tpu.memory_space<vmem>> -> memref<128x128xf32, #tpu.memory_space<vmem>>
      %dma_start3A_86 = arith.constant 0 : i32
      %dma_start3A_87 = tpu.memref_slice %arg6[%add3A_54, %dma_start3A_86] : memref<10000x128xf32, #tpu.memory_space<vmem_shared>> -> memref<128x128xf32, #tpu.memory_space<vmem_shared>>
      tpu.enqueue_dma source(%dma_start3A_87 : memref<128x128xf32, #tpu.memory_space<vmem_shared>>) target(%dma_start3A_85 : memref<128x128xf32, #tpu.memory_space<vmem>>) target_semaphore(%run_scoped3A : memref<!tpu.dma_semaphore, #tpu.memory_space<semaphore_mem>>)
      %dma_wait3A = arith.constant 0 : i32
      %dma_wait3A_88 = arith.constant 0 : i32
      %dma_wait3A_89 = tpu.memref_slice %arg9[%dma_wait3A, %dma_wait3A_88] : memref<128x128xf32, #tpu.memory_space<vmem>> -> memref<128x128xf32, #tpu.memory_space<vmem>>
      %dma_wait3A_90 = arith.constant 0 : i32
      %dma_wait3A_91 = tpu.memref_slice %arg6[%add3A_54, %dma_wait3A_90] : memref<10000x128xf32, #tpu.memory_space<vmem_shared>> -> memref<128x128xf32, #tpu.memory_space<vmem_shared>>
      %dma_wait3A_92 = arith.constant 0 : i32
      %dma_wait3A_93 = arith.constant 0 : i32
      %dma_wait3A_94 = tpu.memref_slice %arg9[%dma_wait3A_92, %dma_wait3A_93] : memref<128x128xf32, #tpu.memory_space<vmem>> -> memref<128x128xf32, #tpu.memory_space<vmem>>
      %dma_wait3A_95 = arith.constant 0 : i32
      %dma_wait3A_96 = tpu.memref_slice %arg6[%add3A_54, %dma_wait3A_95] : memref<10000x128xf32, #tpu.memory_space<vmem_shared>> -> memref<128x128xf32, #tpu.memory_space<vmem_shared>>
      tpu.wait_dma2 semaphore(%run_scoped3A : memref<!tpu.dma_semaphore, #tpu.memory_space<semaphore_mem>>) src(%dma_wait3A_96 : memref<128x128xf32, #tpu.memory_space<vmem_shared>>) dst(%dma_wait3A_94 : memref<128x128xf32, #tpu.memory_space<vmem>>)
      tpu.yield
    }) : () -> ()
    %mul3A_55 = arith.constant 10000 : i32
    %mul3A_56 = arith.muli %arg0, %mul3A_55 : i32
    %add3A_57 = arith.addi %mul3A_56, %add3A_54 : i32
    "tpu.region"() ({
      %run_scoped3A = tpu.sem_alloc : memref<!tpu.dma_semaphore, #tpu.memory_space<semaphore_mem>>
      %dma_start3A_78 = arith.constant 0 : i32
      %dma_start3A_79 = arith.constant 0 : i32
      %dma_start3A_80 = tpu.memref_slice %arg9[%dma_start3A_78, %dma_start3A_79] : memref<128x128xf32, #tpu.memory_space<vmem>> -> memref<128x128xf32, #tpu.memory_space<vmem>>
      %dma_start3A_81 = arith.constant 0 : i32
      %dma_start3A_82 = tpu.memref_slice %arg5[%add3A_57, %dma_start3A_81] : memref<20000x128xf32, #tpu.memory_space<hbm>> -> memref<128x128xf32, #tpu.memory_space<hbm>>
      %dma_start3A_83 = arith.constant 0 : i32
      %dma_start3A_84 = tpu.memref_slice %arg5[%add3A_57, %dma_start3A_83] : memref<20000x128xf32, #tpu.memory_space<hbm>> -> memref<128x128xf32, #tpu.memory_space<hbm>>
      %dma_start3A_85 = arith.constant 0 : i32
      %dma_start3A_86 = arith.constant 0 : i32
      %dma_start3A_87 = tpu.memref_slice %arg9[%dma_start3A_85, %dma_start3A_86] : memref<128x128xf32, #tpu.memory_space<vmem>> -> memref<128x128xf32, #tpu.memory_space<vmem>>
      tpu.enqueue_dma source(%dma_start3A_87 : memref<128x128xf32, #tpu.memory_space<vmem>>) target(%dma_start3A_84 : memref<128x128xf32, #tpu.memory_space<hbm>>) target_semaphore(%run_scoped3A : memref<!tpu.dma_semaphore, #tpu.memory_space<semaphore_mem>>)
      %dma_wait3A = arith.constant 0 : i32
      %dma_wait3A_88 = arith.constant 0 : i32
      %dma_wait3A_89 = tpu.memref_slice %arg9[%dma_wait3A, %dma_wait3A_88] : memref<128x128xf32, #tpu.memory_space<vmem>> -> memref<128x128xf32, #tpu.memory_space<vmem>>
      %dma_wait3A_90 = arith.constant 0 : i32
      %dma_wait3A_91 = tpu.memref_slice %arg5[%add3A_57, %dma_wait3A_90] : memref<20000x128xf32, #tpu.memory_space<hbm>> -> memref<128x128xf32, #tpu.memory_space<hbm>>
      %dma_wait3A_92 = arith.constant 0 : i32
      %dma_wait3A_93 = tpu.memref_slice %arg5[%add3A_57, %dma_wait3A_92] : memref<20000x128xf32, #tpu.memory_space<hbm>> -> memref<128x128xf32, #tpu.memory_space<hbm>>
      %dma_wait3A_94 = arith.constant 0 : i32
      %dma_wait3A_95 = arith.constant 0 : i32
      %dma_wait3A_96 = tpu.memref_slice %arg9[%dma_wait3A_94, %dma_wait3A_95] : memref<128x128xf32, #tpu.memory_space<vmem>> -> memref<128x128xf32, #tpu.memory_space<vmem>>
      tpu.wait_dma2 semaphore(%run_scoped3A : memref<!tpu.dma_semaphore, #tpu.memory_space<semaphore_mem>>) src(%dma_wait3A_96 : memref<128x128xf32, #tpu.memory_space<vmem>>) dst(%dma_wait3A_93 : memref<128x128xf32, #tpu.memory_space<hbm>>)
      tpu.yield
    }) : () -> ()
    %add3A_58 = arith.constant 256 : i32
    %add3A_59 = arith.addi %mul3A_47, %add3A_58 : i32
    "tpu.region"() ({
      %run_scoped3A = tpu.sem_alloc : memref<!tpu.dma_semaphore, #tpu.memory_space<semaphore_mem>>
      %dma_start3A_78 = arith.constant 0 : i32
      %dma_start3A_79 = arith.constant 0 : i32
      %dma_start3A_80 = tpu.memref_slice %arg9[%dma_start3A_78, %dma_start3A_79] : memref<128x128xf32, #tpu.memory_space<vmem>> -> memref<128x128xf32, #tpu.memory_space<vmem>>
      %dma_start3A_81 = arith.constant 0 : i32
      %dma_start3A_82 = tpu.memref_slice %arg6[%add3A_59, %dma_start3A_81] : memref<10000x128xf32, #tpu.memory_space<vmem_shared>> -> memref<128x128xf32, #tpu.memory_space<vmem_shared>>
      %dma_start3A_83 = arith.constant 0 : i32
      %dma_start3A_84 = arith.constant 0 : i32
      %dma_start3A_85 = tpu.memref_slice %arg9[%dma_start3A_83, %dma_start3A_84] : memref<128x128xf32, #tpu.memory_space<vmem>> -> memref<128x128xf32, #tpu.memory_space<vmem>>
      %dma_start3A_86 = arith.constant 0 : i32
      %dma_start3A_87 = tpu.memref_slice %arg6[%add3A_59, %dma_start3A_86] : memref<10000x128xf32, #tpu.memory_space<vmem_shared>> -> memref<128x128xf32, #tpu.memory_space<vmem_shared>>
      tpu.enqueue_dma source(%dma_start3A_87 : memref<128x128xf32, #tpu.memory_space<vmem_shared>>) target(%dma_start3A_85 : memref<128x128xf32, #tpu.memory_space<vmem>>) target_semaphore(%run_scoped3A : memref<!tpu.dma_semaphore, #tpu.memory_space<semaphore_mem>>)
      %dma_wait3A = arith.constant 0 : i32
      %dma_wait3A_88 = arith.constant 0 : i32
      %dma_wait3A_89 = tpu.memref_slice %arg9[%dma_wait3A, %dma_wait3A_88] : memref<128x128xf32, #tpu.memory_space<vmem>> -> memref<128x128xf32, #tpu.memory_space<vmem>>
      %dma_wait3A_90 = arith.constant 0 : i32
      %dma_wait3A_91 = tpu.memref_slice %arg6[%add3A_59, %dma_wait3A_90] : memref<10000x128xf32, #tpu.memory_space<vmem_shared>> -> memref<128x128xf32, #tpu.memory_space<vmem_shared>>
      %dma_wait3A_92 = arith.constant 0 : i32
      %dma_wait3A_93 = arith.constant 0 : i32
      %dma_wait3A_94 = tpu.memref_slice %arg9[%dma_wait3A_92, %dma_wait3A_93] : memref<128x128xf32, #tpu.memory_space<vmem>> -> memref<128x128xf32, #tpu.memory_space<vmem>>
      %dma_wait3A_95 = arith.constant 0 : i32
      %dma_wait3A_96 = tpu.memref_slice %arg6[%add3A_59, %dma_wait3A_95] : memref<10000x128xf32, #tpu.memory_space<vmem_shared>> -> memref<128x128xf32, #tpu.memory_space<vmem_shared>>
      tpu.wait_dma2 semaphore(%run_scoped3A : memref<!tpu.dma_semaphore, #tpu.memory_space<semaphore_mem>>) src(%dma_wait3A_96 : memref<128x128xf32, #tpu.memory_space<vmem_shared>>) dst(%dma_wait3A_94 : memref<128x128xf32, #tpu.memory_space<vmem>>)
      tpu.yield
    }) : () -> ()
    %mul3A_60 = arith.constant 10000 : i32
    %mul3A_61 = arith.muli %arg0, %mul3A_60 : i32
    %add3A_62 = arith.addi %mul3A_61, %add3A_59 : i32
    "tpu.region"() ({
      %run_scoped3A = tpu.sem_alloc : memref<!tpu.dma_semaphore, #tpu.memory_space<semaphore_mem>>
      %dma_start3A_78 = arith.constant 0 : i32
      %dma_start3A_79 = arith.constant 0 : i32
      %dma_start3A_80 = tpu.memref_slice %arg9[%dma_start3A_78, %dma_start3A_79] : memref<128x128xf32, #tpu.memory_space<vmem>> -> memref<128x128xf32, #tpu.memory_space<vmem>>
      %dma_start3A_81 = arith.constant 0 : i32
      %dma_start3A_82 = tpu.memref_slice %arg5[%add3A_62, %dma_start3A_81] : memref<20000x128xf32, #tpu.memory_space<hbm>> -> memref<128x128xf32, #tpu.memory_space<hbm>>
      %dma_start3A_83 = arith.constant 0 : i32
      %dma_start3A_84 = tpu.memref_slice %arg5[%add3A_62, %dma_start3A_83] : memref<20000x128xf32, #tpu.memory_space<hbm>> -> memref<128x128xf32, #tpu.memory_space<hbm>>
      %dma_start3A_85 = arith.constant 0 : i32
      %dma_start3A_86 = arith.constant 0 : i32
      %dma_start3A_87 = tpu.memref_slice %arg9[%dma_start3A_85, %dma_start3A_86] : memref<128x128xf32, #tpu.memory_space<vmem>> -> memref<128x128xf32, #tpu.memory_space<vmem>>
      tpu.enqueue_dma source(%dma_start3A_87 : memref<128x128xf32, #tpu.memory_space<vmem>>) target(%dma_start3A_84 : memref<128x128xf32, #tpu.memory_space<hbm>>) target_semaphore(%run_scoped3A : memref<!tpu.dma_semaphore, #tpu.memory_space<semaphore_mem>>)
      %dma_wait3A = arith.constant 0 : i32
      %dma_wait3A_88 = arith.constant 0 : i32
      %dma_wait3A_89 = tpu.memref_slice %arg9[%dma_wait3A, %dma_wait3A_88] : memref<128x128xf32, #tpu.memory_space<vmem>> -> memref<128x128xf32, #tpu.memory_space<vmem>>
      %dma_wait3A_90 = arith.constant 0 : i32
      %dma_wait3A_91 = tpu.memref_slice %arg5[%add3A_62, %dma_wait3A_90] : memref<20000x128xf32, #tpu.memory_space<hbm>> -> memref<128x128xf32, #tpu.memory_space<hbm>>
      %dma_wait3A_92 = arith.constant 0 : i32
      %dma_wait3A_93 = tpu.memref_slice %arg5[%add3A_62, %dma_wait3A_92] : memref<20000x128xf32, #tpu.memory_space<hbm>> -> memref<128x128xf32, #tpu.memory_space<hbm>>
      %dma_wait3A_94 = arith.constant 0 : i32
      %dma_wait3A_95 = arith.constant 0 : i32
      %dma_wait3A_96 = tpu.memref_slice %arg9[%dma_wait3A_94, %dma_wait3A_95] : memref<128x128xf32, #tpu.memory_space<vmem>> -> memref<128x128xf32, #tpu.memory_space<vmem>>
      tpu.wait_dma2 semaphore(%run_scoped3A : memref<!tpu.dma_semaphore, #tpu.memory_space<semaphore_mem>>) src(%dma_wait3A_96 : memref<128x128xf32, #tpu.memory_space<vmem>>) dst(%dma_wait3A_93 : memref<128x128xf32, #tpu.memory_space<hbm>>)
      tpu.yield
    }) : () -> ()
    %add3A_63 = arith.constant 384 : i32
    %add3A_64 = arith.addi %mul3A_47, %add3A_63 : i32
    "tpu.region"() ({
      %run_scoped3A = tpu.sem_alloc : memref<!tpu.dma_semaphore, #tpu.memory_space<semaphore_mem>>
      %dma_start3A_78 = arith.constant 0 : i32
      %dma_start3A_79 = arith.constant 0 : i32
      %dma_start3A_80 = tpu.memref_slice %arg9[%dma_start3A_78, %dma_start3A_79] : memref<128x128xf32, #tpu.memory_space<vmem>> -> memref<128x128xf32, #tpu.memory_space<vmem>>
      %dma_start3A_81 = arith.constant 0 : i32
      %dma_start3A_82 = tpu.memref_slice %arg6[%add3A_64, %dma_start3A_81] : memref<10000x128xf32, #tpu.memory_space<vmem_shared>> -> memref<128x128xf32, #tpu.memory_space<vmem_shared>>
      %dma_start3A_83 = arith.constant 0 : i32
      %dma_start3A_84 = arith.constant 0 : i32
      %dma_start3A_85 = tpu.memref_slice %arg9[%dma_start3A_83, %dma_start3A_84] : memref<128x128xf32, #tpu.memory_space<vmem>> -> memref<128x128xf32, #tpu.memory_space<vmem>>
      %dma_start3A_86 = arith.constant 0 : i32
      %dma_start3A_87 = tpu.memref_slice %arg6[%add3A_64, %dma_start3A_86] : memref<10000x128xf32, #tpu.memory_space<vmem_shared>> -> memref<128x128xf32, #tpu.memory_space<vmem_shared>>
      tpu.enqueue_dma source(%dma_start3A_87 : memref<128x128xf32, #tpu.memory_space<vmem_shared>>) target(%dma_start3A_85 : memref<128x128xf32, #tpu.memory_space<vmem>>) target_semaphore(%run_scoped3A : memref<!tpu.dma_semaphore, #tpu.memory_space<semaphore_mem>>)
      %dma_wait3A = arith.constant 0 : i32
      %dma_wait3A_88 = arith.constant 0 : i32
      %dma_wait3A_89 = tpu.memref_slice %arg9[%dma_wait3A, %dma_wait3A_88] : memref<128x128xf32, #tpu.memory_space<vmem>> -> memref<128x128xf32, #tpu.memory_space<vmem>>
      %dma_wait3A_90 = arith.constant 0 : i32
      %dma_wait3A_91 = tpu.memref_slice %arg6[%add3A_64, %dma_wait3A_90] : memref<10000x128xf32, #tpu.memory_space<vmem_shared>> -> memref<128x128xf32, #tpu.memory_space<vmem_shared>>
      %dma_wait3A_92 = arith.constant 0 : i32
      %dma_wait3A_93 = arith.constant 0 : i32
      %dma_wait3A_94 = tpu.memref_slice %arg9[%dma_wait3A_92, %dma_wait3A_93] : memref<128x128xf32, #tpu.memory_space<vmem>> -> memref<128x128xf32, #tpu.memory_space<vmem>>
      %dma_wait3A_95 = arith.constant 0 : i32
      %dma_wait3A_96 = tpu.memref_slice %arg6[%add3A_64, %dma_wait3A_95] : memref<10000x128xf32, #tpu.memory_space<vmem_shared>> -> memref<128x128xf32, #tpu.memory_space<vmem_shared>>
      tpu.wait_dma2 semaphore(%run_scoped3A : memref<!tpu.dma_semaphore, #tpu.memory_space<semaphore_mem>>) src(%dma_wait3A_96 : memref<128x128xf32, #tpu.memory_space<vmem_shared>>) dst(%dma_wait3A_94 : memref<128x128xf32, #tpu.memory_space<vmem>>)
      tpu.yield
    }) : () -> ()
    %mul3A_65 = arith.constant 10000 : i32
    %mul3A_66 = arith.muli %arg0, %mul3A_65 : i32
    %add3A_67 = arith.addi %mul3A_66, %add3A_64 : i32
    "tpu.region"() ({
      %run_scoped3A = tpu.sem_alloc : memref<!tpu.dma_semaphore, #tpu.memory_space<semaphore_mem>>
      %dma_start3A_78 = arith.constant 0 : i32
      %dma_start3A_79 = arith.constant 0 : i32
      %dma_start3A_80 = tpu.memref_slice %arg9[%dma_start3A_78, %dma_start3A_79] : memref<128x128xf32, #tpu.memory_space<vmem>> -> memref<128x128xf32, #tpu.memory_space<vmem>>
      %dma_start3A_81 = arith.constant 0 : i32
      %dma_start3A_82 = tpu.memref_slice %arg5[%add3A_67, %dma_start3A_81] : memref<20000x128xf32, #tpu.memory_space<hbm>> -> memref<128x128xf32, #tpu.memory_space<hbm>>
      %dma_start3A_83 = arith.constant 0 : i32
      %dma_start3A_84 = tpu.memref_slice %arg5[%add3A_67, %dma_start3A_83] : memref<20000x128xf32, #tpu.memory_space<hbm>> -> memref<128x128xf32, #tpu.memory_space<hbm>>
      %dma_start3A_85 = arith.constant 0 : i32
      %dma_start3A_86 = arith.constant 0 : i32
      %dma_start3A_87 = tpu.memref_slice %arg9[%dma_start3A_85, %dma_start3A_86] : memref<128x128xf32, #tpu.memory_space<vmem>> -> memref<128x128xf32, #tpu.memory_space<vmem>>
      tpu.enqueue_dma source(%dma_start3A_87 : memref<128x128xf32, #tpu.memory_space<vmem>>) target(%dma_start3A_84 : memref<128x128xf32, #tpu.memory_space<hbm>>) target_semaphore(%run_scoped3A : memref<!tpu.dma_semaphore, #tpu.memory_space<semaphore_mem>>)
      %dma_wait3A = arith.constant 0 : i32
      %dma_wait3A_88 = arith.constant 0 : i32
      %dma_wait3A_89 = tpu.memref_slice %arg9[%dma_wait3A, %dma_wait3A_88] : memref<128x128xf32, #tpu.memory_space<vmem>> -> memref<128x128xf32, #tpu.memory_space<vmem>>
      %dma_wait3A_90 = arith.constant 0 : i32
      %dma_wait3A_91 = tpu.memref_slice %arg5[%add3A_67, %dma_wait3A_90] : memref<20000x128xf32, #tpu.memory_space<hbm>> -> memref<128x128xf32, #tpu.memory_space<hbm>>
      %dma_wait3A_92 = arith.constant 0 : i32
      %dma_wait3A_93 = tpu.memref_slice %arg5[%add3A_67, %dma_wait3A_92] : memref<20000x128xf32, #tpu.memory_space<hbm>> -> memref<128x128xf32, #tpu.memory_space<hbm>>
      %dma_wait3A_94 = arith.constant 0 : i32
      %dma_wait3A_95 = arith.constant 0 : i32
      %dma_wait3A_96 = tpu.memref_slice %arg9[%dma_wait3A_94, %dma_wait3A_95] : memref<128x128xf32, #tpu.memory_space<vmem>> -> memref<128x128xf32, #tpu.memory_space<vmem>>
      tpu.wait_dma2 semaphore(%run_scoped3A : memref<!tpu.dma_semaphore, #tpu.memory_space<semaphore_mem>>) src(%dma_wait3A_96 : memref<128x128xf32, #tpu.memory_space<vmem>>) dst(%dma_wait3A_93 : memref<128x128xf32, #tpu.memory_space<hbm>>)
      tpu.yield
    }) : () -> ()
    %add3A_68 = arith.constant 512 : i32
    %add3A_69 = arith.addi %mul3A_47, %add3A_68 : i32
    "tpu.region"() ({
      %run_scoped3A = tpu.sem_alloc : memref<!tpu.dma_semaphore, #tpu.memory_space<semaphore_mem>>
      %dma_start3A_78 = arith.constant 0 : i32
      %dma_start3A_79 = arith.constant 0 : i32
      %dma_start3A_80 = tpu.memref_slice %arg9[%dma_start3A_78, %dma_start3A_79] : memref<128x128xf32, #tpu.memory_space<vmem>> -> memref<112x128xf32, #tpu.memory_space<vmem>>
      %dma_start3A_81 = arith.constant 0 : i32
      %dma_start3A_82 = tpu.memref_slice %arg6[%add3A_69, %dma_start3A_81] : memref<10000x128xf32, #tpu.memory_space<vmem_shared>> -> memref<112x128xf32, #tpu.memory_space<vmem_shared>>
      %dma_start3A_83 = arith.constant 0 : i32
      %dma_start3A_84 = arith.constant 0 : i32
      %dma_start3A_85 = tpu.memref_slice %arg9[%dma_start3A_83, %dma_start3A_84] : memref<128x128xf32, #tpu.memory_space<vmem>> -> memref<112x128xf32, #tpu.memory_space<vmem>>
      %dma_start3A_86 = arith.constant 0 : i32
      %dma_start3A_87 = tpu.memref_slice %arg6[%add3A_69, %dma_start3A_86] : memref<10000x128xf32, #tpu.memory_space<vmem_shared>> -> memref<112x128xf32, #tpu.memory_space<vmem_shared>>
      tpu.enqueue_dma source(%dma_start3A_87 : memref<112x128xf32, #tpu.memory_space<vmem_shared>>) target(%dma_start3A_85 : memref<112x128xf32, #tpu.memory_space<vmem>>) target_semaphore(%run_scoped3A : memref<!tpu.dma_semaphore, #tpu.memory_space<semaphore_mem>>)
      %dma_wait3A = arith.constant 0 : i32
      %dma_wait3A_88 = arith.constant 0 : i32
      %dma_wait3A_89 = tpu.memref_slice %arg9[%dma_wait3A, %dma_wait3A_88] : memref<128x128xf32, #tpu.memory_space<vmem>> -> memref<112x128xf32, #tpu.memory_space<vmem>>
      %dma_wait3A_90 = arith.constant 0 : i32
      %dma_wait3A_91 = tpu.memref_slice %arg6[%add3A_69, %dma_wait3A_90] : memref<10000x128xf32, #tpu.memory_space<vmem_shared>> -> memref<112x128xf32, #tpu.memory_space<vmem_shared>>
      %dma_wait3A_92 = arith.constant 0 : i32
      %dma_wait3A_93 = arith.constant 0 : i32
      %dma_wait3A_94 = tpu.memref_slice %arg9[%dma_wait3A_92, %dma_wait3A_93] : memref<128x128xf32, #tpu.memory_space<vmem>> -> memref<112x128xf32, #tpu.memory_space<vmem>>
      %dma_wait3A_95 = arith.constant 0 : i32
      %dma_wait3A_96 = tpu.memref_slice %arg6[%add3A_69, %dma_wait3A_95] : memref<10000x128xf32, #tpu.memory_space<vmem_shared>> -> memref<112x128xf32, #tpu.memory_space<vmem_shared>>
      tpu.wait_dma2 semaphore(%run_scoped3A : memref<!tpu.dma_semaphore, #tpu.memory_space<semaphore_mem>>) src(%dma_wait3A_96 : memref<112x128xf32, #tpu.memory_space<vmem_shared>>) dst(%dma_wait3A_94 : memref<112x128xf32, #tpu.memory_space<vmem>>)
      tpu.yield
    }) : () -> ()
    %mul3A_70 = arith.constant 10000 : i32
    %mul3A_71 = arith.muli %arg0, %mul3A_70 : i32
    %add3A_72 = arith.addi %mul3A_71, %add3A_69 : i32
    "tpu.region"() ({
      %run_scoped3A = tpu.sem_alloc : memref<!tpu.dma_semaphore, #tpu.memory_space<semaphore_mem>>
      %dma_start3A_78 = arith.constant 0 : i32
      %dma_start3A_79 = arith.constant 0 : i32
      %dma_start3A_80 = tpu.memref_slice %arg9[%dma_start3A_78, %dma_start3A_79] : memref<128x128xf32, #tpu.memory_space<vmem>> -> memref<112x128xf32, #tpu.memory_space<vmem>>
      %dma_start3A_81 = arith.constant 0 : i32
      %dma_start3A_82 = tpu.memref_slice %arg5[%add3A_72, %dma_start3A_81] : memref<20000x128xf32, #tpu.memory_space<hbm>> -> memref<112x128xf32, #tpu.memory_space<hbm>>
      %dma_start3A_83 = arith.constant 0 : i32
      %dma_start3A_84 = tpu.memref_slice %arg5[%add3A_72, %dma_start3A_83] : memref<20000x128xf32, #tpu.memory_space<hbm>> -> memref<112x128xf32, #tpu.memory_space<hbm>>
      %dma_start3A_85 = arith.constant 0 : i32
      %dma_start3A_86 = arith.constant 0 : i32
      %dma_start3A_87 = tpu.memref_slice %arg9[%dma_start3A_85, %dma_start3A_86] : memref<128x128xf32, #tpu.memory_space<vmem>> -> memref<112x128xf32, #tpu.memory_space<vmem>>
      tpu.enqueue_dma source(%dma_start3A_87 : memref<112x128xf32, #tpu.memory_space<vmem>>) target(%dma_start3A_84 : memref<112x128xf32, #tpu.memory_space<hbm>>) target_semaphore(%run_scoped3A : memref<!tpu.dma_semaphore, #tpu.memory_space<semaphore_mem>>)
      %dma_wait3A = arith.constant 0 : i32
      %dma_wait3A_88 = arith.constant 0 : i32
      %dma_wait3A_89 = tpu.memref_slice %arg9[%dma_wait3A, %dma_wait3A_88] : memref<128x128xf32, #tpu.memory_space<vmem>> -> memref<112x128xf32, #tpu.memory_space<vmem>>
      %dma_wait3A_90 = arith.constant 0 : i32
      %dma_wait3A_91 = tpu.memref_slice %arg5[%add3A_72, %dma_wait3A_90] : memref<20000x128xf32, #tpu.memory_space<hbm>> -> memref<112x128xf32, #tpu.memory_space<hbm>>
      %dma_wait3A_92 = arith.constant 0 : i32
      %dma_wait3A_93 = tpu.memref_slice %arg5[%add3A_72, %dma_wait3A_92] : memref<20000x128xf32, #tpu.memory_space<hbm>> -> memref<112x128xf32, #tpu.memory_space<hbm>>
      %dma_wait3A_94 = arith.constant 0 : i32
      %dma_wait3A_95 = arith.constant 0 : i32
      %dma_wait3A_96 = tpu.memref_slice %arg9[%dma_wait3A_94, %dma_wait3A_95] : memref<128x128xf32, #tpu.memory_space<vmem>> -> memref<112x128xf32, #tpu.memory_space<vmem>>
      tpu.wait_dma2 semaphore(%run_scoped3A : memref<!tpu.dma_semaphore, #tpu.memory_space<semaphore_mem>>) src(%dma_wait3A_96 : memref<112x128xf32, #tpu.memory_space<vmem>>) dst(%dma_wait3A_93 : memref<112x128xf32, #tpu.memory_space<hbm>>)
      tpu.yield
    }) : () -> ()
    %eq3A_73 = arith.constant 15 : i32
    %eq3A_74 = arith.cmpi eq, %arg1, %eq3A_73 : i32
    %convert_element_type3A_75 = arith.extui %eq3A_74 : i1 to i32
    %cond3A_76 = arith.constant 0 : i32
    %cond3A_77 = arith.cmpi ne, %convert_element_type3A_75, %cond3A_76 : i32
    scf.if %cond3A_77 {
      "tpu.region"() ({
        %run_scoped3A = tpu.sem_alloc : memref<!tpu.dma_semaphore, #tpu.memory_space<semaphore_mem>>
        %dma_start3A_82 = arith.constant 0 : i32
        %dma_start3A_83 = arith.constant 0 : i32
        %dma_start3A_84 = tpu.memref_slice %arg9[%dma_start3A_82, %dma_start3A_83] : memref<128x128xf32, #tpu.memory_space<vmem>> -> memref<16x128xf32, #tpu.memory_space<vmem>>
        %dma_start3A_85 = arith.constant 9984 : i32
        %dma_start3A_86 = arith.constant 0 : i32
        %dma_start3A_87 = tpu.memref_slice %arg6[%dma_start3A_85, %dma_start3A_86] : memref<10000x128xf32, #tpu.memory_space<vmem_shared>> -> memref<16x128xf32, #tpu.memory_space<vmem_shared>>
        %dma_start3A_88 = arith.constant 0 : i32
        %dma_start3A_89 = arith.constant 0 : i32
        %dma_start3A_90 = tpu.memref_slice %arg9[%dma_start3A_88, %dma_start3A_89] : memref<128x128xf32, #tpu.memory_space<vmem>> -> memref<16x128xf32, #tpu.memory_space<vmem>>
        %dma_start3A_91 = arith.constant 9984 : i32
        %dma_start3A_92 = arith.constant 0 : i32
        %dma_start3A_93 = tpu.memref_slice %arg6[%dma_start3A_91, %dma_start3A_92] : memref<10000x128xf32, #tpu.memory_space<vmem_shared>> -> memref<16x128xf32, #tpu.memory_space<vmem_shared>>
        tpu.enqueue_dma source(%dma_start3A_93 : memref<16x128xf32, #tpu.memory_space<vmem_shared>>) target(%dma_start3A_90 : memref<16x128xf32, #tpu.memory_space<vmem>>) target_semaphore(%run_scoped3A : memref<!tpu.dma_semaphore, #tpu.memory_space<semaphore_mem>>)
        %dma_wait3A = arith.constant 0 : i32
        %dma_wait3A_94 = arith.constant 0 : i32
        %dma_wait3A_95 = tpu.memref_slice %arg9[%dma_wait3A, %dma_wait3A_94] : memref<128x128xf32, #tpu.memory_space<vmem>> -> memref<16x128xf32, #tpu.memory_space<vmem>>
        %dma_wait3A_96 = arith.constant 9984 : i32
        %dma_wait3A_97 = arith.constant 0 : i32
        %dma_wait3A_98 = tpu.memref_slice %arg6[%dma_wait3A_96, %dma_wait3A_97] : memref<10000x128xf32, #tpu.memory_space<vmem_shared>> -> memref<16x128xf32, #tpu.memory_space<vmem_shared>>
        %dma_wait3A_99 = arith.constant 0 : i32
        %dma_wait3A_100 = arith.constant 0 : i32
        %dma_wait3A_101 = tpu.memref_slice %arg9[%dma_wait3A_99, %dma_wait3A_100] : memref<128x128xf32, #tpu.memory_space<vmem>> -> memref<16x128xf32, #tpu.memory_space<vmem>>
        %dma_wait3A_102 = arith.constant 9984 : i32
        %dma_wait3A_103 = arith.constant 0 : i32
        %dma_wait3A_104 = tpu.memref_slice %arg6[%dma_wait3A_102, %dma_wait3A_103] : memref<10000x128xf32, #tpu.memory_space<vmem_shared>> -> memref<16x128xf32, #tpu.memory_space<vmem_shared>>
        tpu.wait_dma2 semaphore(%run_scoped3A : memref<!tpu.dma_semaphore, #tpu.memory_space<semaphore_mem>>) src(%dma_wait3A_104 : memref<16x128xf32, #tpu.memory_space<vmem_shared>>) dst(%dma_wait3A_101 : memref<16x128xf32, #tpu.memory_space<vmem>>)
        tpu.yield
      }) : () -> ()
      %mul3A_78 = arith.constant 10000 : i32
      %mul3A_79 = arith.muli %arg0, %mul3A_78 : i32
      %add3A_80 = arith.constant 9984 : i32
      %add3A_81 = arith.addi %mul3A_79, %add3A_80 : i32
      "tpu.region"() ({
        %run_scoped3A = tpu.sem_alloc : memref<!tpu.dma_semaphore, #tpu.memory_space<semaphore_mem>>
        %dma_start3A_82 = arith.constant 0 : i32
        %dma_start3A_83 = arith.constant 0 : i32
        %dma_start3A_84 = tpu.memref_slice %arg9[%dma_start3A_82, %dma_start3A_83] : memref<128x128xf32, #tpu.memory_space<vmem>> -> memref<16x128xf32, #tpu.memory_space<vmem>>
        %dma_start3A_85 = arith.constant 0 : i32
        %dma_start3A_86 = tpu.memref_slice %arg5[%add3A_81, %dma_start3A_85] : memref<20000x128xf32, #tpu.memory_space<hbm>> -> memref<16x128xf32, #tpu.memory_space<hbm>>
        %dma_start3A_87 = arith.constant 0 : i32
        %dma_start3A_88 = tpu.memref_slice %arg5[%add3A_81, %dma_start3A_87] : memref<20000x128xf32, #tpu.memory_space<hbm>> -> memref<16x128xf32, #tpu.memory_space<hbm>>
        %dma_start3A_89 = arith.constant 0 : i32
        %dma_start3A_90 = arith.constant 0 : i32
        %dma_start3A_91 = tpu.memref_slice %arg9[%dma_start3A_89, %dma_start3A_90] : memref<128x128xf32, #tpu.memory_space<vmem>> -> memref<16x128xf32, #tpu.memory_space<vmem>>
        tpu.enqueue_dma source(%dma_start3A_91 : memref<16x128xf32, #tpu.memory_space<vmem>>) target(%dma_start3A_88 : memref<16x128xf32, #tpu.memory_space<hbm>>) target_semaphore(%run_scoped3A : memref<!tpu.dma_semaphore, #tpu.memory_space<semaphore_mem>>)
        %dma_wait3A = arith.constant 0 : i32
        %dma_wait3A_92 = arith.constant 0 : i32
        %dma_wait3A_93 = tpu.memref_slice %arg9[%dma_wait3A, %dma_wait3A_92] : memref<128x128xf32, #tpu.memory_space<vmem>> -> memref<16x128xf32, #tpu.memory_space<vmem>>
        %dma_wait3A_94 = arith.constant 0 : i32
        %dma_wait3A_95 = tpu.memref_slice %arg5[%add3A_81, %dma_wait3A_94] : memref<20000x128xf32, #tpu.memory_space<hbm>> -> memref<16x128xf32, #tpu.memory_space<hbm>>
        %dma_wait3A_96 = arith.constant 0 : i32
        %dma_wait3A_97 = tpu.memref_slice %arg5[%add3A_81, %dma_wait3A_96] : memref<20000x128xf32, #tpu.memory_space<hbm>> -> memref<16x128xf32, #tpu.memory_space<hbm>>
        %dma_wait3A_98 = arith.constant 0 : i32
        %dma_wait3A_99 = arith.constant 0 : i32
        %dma_wait3A_100 = tpu.memref_slice %arg9[%dma_wait3A_98, %dma_wait3A_99] : memref<128x128xf32, #tpu.memory_space<vmem>> -> memref<16x128xf32, #tpu.memory_space<vmem>>
        tpu.wait_dma2 semaphore(%run_scoped3A : memref<!tpu.dma_semaphore, #tpu.memory_space<semaphore_mem>>) src(%dma_wait3A_100 : memref<16x128xf32, #tpu.memory_space<vmem>>) dst(%dma_wait3A_97 : memref<16x128xf32, #tpu.memory_space<hbm>>)
        tpu.yield
      }) : () -> ()
    } else {
    }
    return
  }
}

module attributes {stable_mosaic.version = 14 : i64} {
  func.func @_tc_pre_body(%arg0: memref<10000x128xf32, #tpu.memory_space<vmem>>, %arg1: memref<128x128xf32, #tpu.memory_space<vmem>>, %arg2: memref<1x128xf32, #tpu.memory_space<vmem>>, %arg3: memref<10000x128xf32, #tpu.memory_space<vmem>>) attributes {dimension_semantics = [], scalar_prefetch = 0 : i64, scratch_operands = 0 : i64, tpu.core_type = #tpu.core_type<tc>} {
    %get3A = arith.constant 0 : index
    %get3A_0 = arith.constant 0 : index
    %get3A_1 = vector.load %arg0[%get3A, %get3A_0] : memref<10000x128xf32, #tpu.memory_space<vmem>>, vector<10000x128xf32>
    %get3A_2 = arith.constant 0 : index
    %get3A_3 = arith.constant 0 : index
    %get3A_4 = vector.load %arg1[%get3A_2, %get3A_3] : memref<128x128xf32, #tpu.memory_space<vmem>>, vector<128x128xf32>
    %dot_general3A = arith.constant dense<0.000000e+00> : vector<10000x128xf32>
    %dot_general3A_5 = tpu.matmul %get3A_1, %get3A_4, %dot_general3A {dimension_numbers = #tpu.dot_dimension_numbers<[1], [0], [0], [1], [0, 0, 1, 1], [], []>, transpose_lhs_hint = false} : vector<10000x128xf32>, vector<128x128xf32>, vector<10000x128xf32> -> vector<10000x128xf32>
    %get3A_6 = arith.constant 0 : index
    %get3A_7 = arith.constant 0 : index
    %get3A_8 = vector.load %arg2[%get3A_6, %get3A_7] : memref<1x128xf32, #tpu.memory_space<vmem>>, vector<1x128xf32>
    %add3A = vector.broadcast %get3A_8 : vector<1x128xf32> to vector<10000x128xf32>
    %add3A_9 = arith.addf %dot_general3A_5, %add3A : vector<10000x128xf32>
    %swap3A = arith.constant 0 : index
    %swap3A_10 = arith.constant 0 : index
    %swap3A_11 = vector.load %arg3[%swap3A, %swap3A_10] : memref<10000x128xf32, #tpu.memory_space<vmem>>, vector<10000x128xf32>
    tpu.vector_store %arg3[%swap3A, %swap3A_10], %add3A_9 {strides = array<i32>} : memref<10000x128xf32, #tpu.memory_space<vmem>>, vector<10000x128xf32>,
    return
  }
}

module attributes {stable_mosaic.version = 14 : i64} {
  func.func @_tc_inp_body(%arg0: i32, %arg1: memref<5000x128xf32, #tpu.memory_space<vmem>>, %arg2: memref<5000x16xf32, #tpu.memory_space<vmem>>, %arg3: memref<16x128xf32, #tpu.memory_space<vmem>>, %arg4: memref<1x128xf32, #tpu.memory_space<vmem>>, %arg5: memref<1x128xf32, #tpu.memory_space<vmem>>, %arg6: memref<5000x128xf32, #tpu.memory_space<vmem>>) attributes {dimension_semantics = [#tpu.dimension_semantics<arbitrary>], iteration_bounds = array<i64: 64>, scalar_prefetch = 0 : i64, scratch_operands = 0 : i64, tpu.core_type = #tpu.core_type<tc>, window_params = [{transform_indices = @transform_0, window_bounds = array<i64: 5000, 128>}, {transform_indices = @transform_1, window_bounds = array<i64: 5000, 16>}, {pipeline_mode = #tpu.pipeline_mode<synchronous>, transform_indices = @transform_2, window_bounds = array<i64: 16, 128>}, {pipeline_mode = #tpu.pipeline_mode<synchronous>, transform_indices = @transform_3, window_bounds = array<i64: 1, 128>}, {pipeline_mode = #tpu.pipeline_mode<synchronous>, transform_indices = @transform_4, window_bounds = array<i64: 1, 128>}, {transform_indices = @transform_5, window_bounds = array<i64: 5000, 128>}]} {
    %get3A = arith.constant 0 : index
    %get3A_0 = arith.constant 0 : index
    %get3A_1 = vector.load %arg1[%get3A, %get3A_0] : memref<5000x128xf32, #tpu.memory_space<vmem>>, vector<5000x128xf32>
    %get3A_2 = arith.constant 0 : index
    %get3A_3 = arith.constant 0 : index
    %get3A_4 = vector.load %arg2[%get3A_2, %get3A_3] : memref<5000x16xf32, #tpu.memory_space<vmem>>, vector<5000x16xf32>
    %get3A_5 = arith.constant 0 : index
    %get3A_6 = arith.constant 0 : index
    %get3A_7 = vector.load %arg3[%get3A_5, %get3A_6] : memref<16x128xf32, #tpu.memory_space<vmem>>, vector<16x128xf32>
    %dot_general3A = arith.constant dense<0.000000e+00> : vector<5000x128xf32>
    %dot_general3A_8 = tpu.matmul %get3A_4, %get3A_7, %dot_general3A {dimension_numbers = #tpu.dot_dimension_numbers<[1], [0], [0], [1], [0, 0, 1, 1], [], []>, transpose_lhs_hint = false} : vector<5000x16xf32>, vector<16x128xf32>, vector<5000x128xf32> -> vector<5000x128xf32>
    %add3A = arith.addf %get3A_1, %dot_general3A_8 : vector<5000x128xf32>
    %max3A = arith.constant 0.000000e+00 : f32
    %max3A_9 = vector.broadcast %max3A : f32 to vector<5000x128xf32>
    %max3A_10 = arith.maximumf %add3A, %max3A_9 : vector<5000x128xf32>
    %get3A_11 = arith.constant 0 : index
    %get3A_12 = arith.constant 0 : index
    %get3A_13 = vector.load %arg4[%get3A_11, %get3A_12] : memref<1x128xf32, #tpu.memory_space<vmem>>, vector<1x128xf32>
    %get3A_14 = arith.constant 0 : index
    %get3A_15 = arith.constant 0 : index
    %get3A_16 = vector.load %arg5[%get3A_14, %get3A_15] : memref<1x128xf32, #tpu.memory_space<vmem>>, vector<1x128xf32>
    %reduce_sum3A = arith.constant dense<0.000000e+00> : vector<5000xf32>
    %reduce_sum3A_17 = vector.multi_reduction <add>, %max3A_10, %reduce_sum3A [1] : vector<5000x128xf32> to vector<5000xf32>
    %broadcast_in_dim3A = vector.shape_cast %reduce_sum3A_17 : vector<5000xf32> to vector<5000x1xf32>
    %div3A = arith.constant 1.280000e+02 : f32
    %div3A_18 = vector.broadcast %div3A : f32 to vector<5000x1xf32>
    %div3A_19 = arith.divf %broadcast_in_dim3A, %div3A_18 : vector<5000x1xf32>
    %sub3A = vector.broadcast %div3A_19 : vector<5000x1xf32> to vector<5000x128xf32>
    %sub3A_20 = arith.subf %max3A_10, %sub3A : vector<5000x128xf32>
    %mul3A = arith.mulf %sub3A_20, %sub3A_20 : vector<5000x128xf32>
    %reduce_sum3A_21 = arith.constant dense<0.000000e+00> : vector<5000xf32>
    %reduce_sum3A_22 = vector.multi_reduction <add>, %mul3A, %reduce_sum3A_21 [1] : vector<5000x128xf32> to vector<5000xf32>
    %broadcast_in_dim3A_23 = vector.shape_cast %reduce_sum3A_22 : vector<5000xf32> to vector<5000x1xf32>
    %div3A_24 = arith.constant 1.280000e+02 : f32
    %div3A_25 = vector.broadcast %div3A_24 : f32 to vector<5000x1xf32>
    %div3A_26 = arith.divf %broadcast_in_dim3A_23, %div3A_25 : vector<5000x1xf32>
    %add3A_27 = arith.constant 9.99999974E-6 : f32
    %add3A_28 = vector.broadcast %add3A_27 : f32 to vector<5000x1xf32>
    %add3A_29 = arith.addf %div3A_26, %add3A_28 : vector<5000x1xf32>
    %rsqrt3A = math.rsqrt %add3A_29 : vector<5000x1xf32>
    %mul3A_30 = vector.broadcast %rsqrt3A : vector<5000x1xf32> to vector<5000x128xf32>
    %mul3A_31 = arith.mulf %sub3A_20, %mul3A_30 : vector<5000x128xf32>
    %mul3A_32 = vector.broadcast %get3A_13 : vector<1x128xf32> to vector<5000x128xf32>
    %mul3A_33 = arith.mulf %mul3A_31, %mul3A_32 : vector<5000x128xf32>
    %add3A_34 = vector.broadcast %get3A_16 : vector<1x128xf32> to vector<5000x128xf32>
    %add3A_35 = arith.addf %mul3A_33, %add3A_34 : vector<5000x128xf32>
    %swap3A = arith.constant 0 : index
    %swap3A_36 = arith.constant 0 : index
    %swap3A_37 = vector.load %arg6[%swap3A, %swap3A_36] : memref<5000x128xf32, #tpu.memory_space<vmem>>, vector<5000x128xf32>
    tpu.vector_store %arg6[%swap3A, %swap3A_36], %add3A_35 {strides = array<i32>} : memref<5000x128xf32, #tpu.memory_space<vmem>>, vector<5000x128xf32>,
    return
  }
  func.func @transform_0(%arg0: i32) -> (i32, i32) {
    %c0_i32 = arith.constant 0 : i32
    %c0_i32_0 = arith.constant 0 : i32
    return %arg0, %c0_i32 : i32, i32
  }
  func.func @transform_1(%arg0: i32) -> (i32, i32) {
    %c0_i32 = arith.constant 0 : i32
    %c0_i32_0 = arith.constant 0 : i32
    return %arg0, %c0_i32 : i32, i32
  }
  func.func @transform_2(%arg0: i32) -> (i32, i32) {
    %c0_i32 = arith.constant 0 : i32
    %c0_i32_0 = arith.constant 0 : i32
    %c0_i32_1 = arith.constant 0 : i32
    return %c0_i32, %c0_i32_0 : i32, i32
  }
  func.func @transform_3(%arg0: i32) -> (i32, i32) {
    %c0_i32 = arith.constant 0 : i32
    %c0_i32_0 = arith.constant 0 : i32
    %c0_i32_1 = arith.constant 0 : i32
    return %c0_i32, %c0_i32_0 : i32, i32
  }
  func.func @transform_4(%arg0: i32) -> (i32, i32) {
    %c0_i32 = arith.constant 0 : i32
    %c0_i32_0 = arith.constant 0 : i32
    %c0_i32_1 = arith.constant 0 : i32
    return %c0_i32, %c0_i32_0 : i32, i32
  }
  func.func @transform_5(%arg0: i32) -> (i32, i32) {
    %c0_i32 = arith.constant 0 : i32
    %c0_i32_0 = arith.constant 0 : i32
    return %arg0, %c0_i32 : i32, i32
  }
}

module attributes {stable_mosaic.version = 14 : i64} {
  func.func @_tc_upd_body(%arg0: i32, %arg1: memref<5000x128xf32, #tpu.memory_space<vmem>>, %arg2: memref<5000x128xf32, #tpu.memory_space<vmem>>, %arg3: memref<5000x128xf32, #tpu.memory_space<vmem>>, %arg4: memref<128x128xf32, #tpu.memory_space<vmem>>, %arg5: memref<1x128xf32, #tpu.memory_space<vmem>>, %arg6: memref<1x128xf32, #tpu.memory_space<vmem>>, %arg7: memref<5000x128xf32, #tpu.memory_space<vmem>>) attributes {dimension_semantics = [#tpu.dimension_semantics<arbitrary>], iteration_bounds = array<i64: 64>, scalar_prefetch = 0 : i64, scratch_operands = 0 : i64, tpu.core_type = #tpu.core_type<tc>, window_params = [{transform_indices = @transform_0, window_bounds = array<i64: 5000, 128>}, {transform_indices = @transform_1, window_bounds = array<i64: 5000, 128>}, {transform_indices = @transform_2, window_bounds = array<i64: 5000, 128>}, {pipeline_mode = #tpu.pipeline_mode<synchronous>, transform_indices = @transform_3, window_bounds = array<i64: 128, 128>}, {pipeline_mode = #tpu.pipeline_mode<synchronous>, transform_indices = @transform_4, window_bounds = array<i64: 1, 128>}, {pipeline_mode = #tpu.pipeline_mode<synchronous>, transform_indices = @transform_5, window_bounds = array<i64: 1, 128>}, {transform_indices = @transform_6, window_bounds = array<i64: 5000, 128>}]} {
    %lt3A = arith.constant 2 : i32
    %lt3A_0 = arith.cmpi slt, %arg0, %lt3A : i32
    %convert_element_type3A = arith.extui %lt3A_0 : i1 to i32
    %cond3A = arith.constant 0 : i32
    %cond3A_1 = arith.cmpi ne, %convert_element_type3A, %cond3A : i32
    scf.if %cond3A_1 {
      %get3A = arith.constant 0 : index
      %get3A_6 = arith.constant 0 : index
      %get3A_7 = vector.load %arg2[%get3A, %get3A_6] : memref<5000x128xf32, #tpu.memory_space<vmem>>, vector<5000x128xf32>
      %get3A_8 = arith.constant 0 : index
      %get3A_9 = arith.constant 0 : index
      %get3A_10 = vector.load %arg3[%get3A_8, %get3A_9] : memref<5000x128xf32, #tpu.memory_space<vmem>>, vector<5000x128xf32>
      %add3A = arith.addf %get3A_7, %get3A_10 : vector<5000x128xf32>
      %get3A_11 = arith.constant 0 : index
      %get3A_12 = arith.constant 0 : index
      %get3A_13 = vector.load %arg4[%get3A_11, %get3A_12] : memref<128x128xf32, #tpu.memory_space<vmem>>, vector<128x128xf32>
      %dot_general3A = arith.constant dense<0.000000e+00> : vector<5000x128xf32>
      %dot_general3A_14 = tpu.matmul %add3A, %get3A_13, %dot_general3A {dimension_numbers = #tpu.dot_dimension_numbers<[1], [0], [0], [1], [0, 0, 1, 1], [], []>, transpose_lhs_hint = false} : vector<5000x128xf32>, vector<128x128xf32>, vector<5000x128xf32> -> vector<5000x128xf32>
      %get3A_15 = arith.constant 0 : index
      %get3A_16 = arith.constant 0 : index
      %get3A_17 = vector.load %arg1[%get3A_15, %get3A_16] : memref<5000x128xf32, #tpu.memory_space<vmem>>, vector<5000x128xf32>
      %add3A_18 = arith.addf %get3A_17, %dot_general3A_14 : vector<5000x128xf32>
      %max3A = arith.constant 0.000000e+00 : f32
      %max3A_19 = vector.broadcast %max3A : f32 to vector<5000x128xf32>
      %max3A_20 = arith.maximumf %add3A_18, %max3A_19 : vector<5000x128xf32>
      %get3A_21 = arith.constant 0 : index
      %get3A_22 = arith.constant 0 : index
      %get3A_23 = vector.load %arg5[%get3A_21, %get3A_22] : memref<1x128xf32, #tpu.memory_space<vmem>>, vector<1x128xf32>
      %get3A_24 = arith.constant 0 : index
      %get3A_25 = arith.constant 0 : index
      %get3A_26 = vector.load %arg6[%get3A_24, %get3A_25] : memref<1x128xf32, #tpu.memory_space<vmem>>, vector<1x128xf32>
      %reduce_sum3A = arith.constant dense<0.000000e+00> : vector<5000xf32>
      %reduce_sum3A_27 = vector.multi_reduction <add>, %max3A_20, %reduce_sum3A [1] : vector<5000x128xf32> to vector<5000xf32>
      %broadcast_in_dim3A = vector.shape_cast %reduce_sum3A_27 : vector<5000xf32> to vector<5000x1xf32>
      %div3A = arith.constant 1.280000e+02 : f32
      %div3A_28 = vector.broadcast %div3A : f32 to vector<5000x1xf32>
      %div3A_29 = arith.divf %broadcast_in_dim3A, %div3A_28 : vector<5000x1xf32>
      %sub3A = vector.broadcast %div3A_29 : vector<5000x1xf32> to vector<5000x128xf32>
      %sub3A_30 = arith.subf %max3A_20, %sub3A : vector<5000x128xf32>
      %mul3A = arith.mulf %sub3A_30, %sub3A_30 : vector<5000x128xf32>
      %reduce_sum3A_31 = arith.constant dense<0.000000e+00> : vector<5000xf32>
      %reduce_sum3A_32 = vector.multi_reduction <add>, %mul3A, %reduce_sum3A_31 [1] : vector<5000x128xf32> to vector<5000xf32>
      %broadcast_in_dim3A_33 = vector.shape_cast %reduce_sum3A_32 : vector<5000xf32> to vector<5000x1xf32>
      %div3A_34 = arith.constant 1.280000e+02 : f32
      %div3A_35 = vector.broadcast %div3A_34 : f32 to vector<5000x1xf32>
      %div3A_36 = arith.divf %broadcast_in_dim3A_33, %div3A_35 : vector<5000x1xf32>
      %add3A_37 = arith.constant 9.99999974E-6 : f32
      %add3A_38 = vector.broadcast %add3A_37 : f32 to vector<5000x1xf32>
      %add3A_39 = arith.addf %div3A_36, %add3A_38 : vector<5000x1xf32>
      %rsqrt3A = math.rsqrt %add3A_39 : vector<5000x1xf32>
      %mul3A_40 = vector.broadcast %rsqrt3A : vector<5000x1xf32> to vector<5000x128xf32>
      %mul3A_41 = arith.mulf %sub3A_30, %mul3A_40 : vector<5000x128xf32>
      %mul3A_42 = vector.broadcast %get3A_23 : vector<1x128xf32> to vector<5000x128xf32>
      %mul3A_43 = arith.mulf %mul3A_41, %mul3A_42 : vector<5000x128xf32>
      %add3A_44 = vector.broadcast %get3A_26 : vector<1x128xf32> to vector<5000x128xf32>
      %add3A_45 = arith.addf %mul3A_43, %add3A_44 : vector<5000x128xf32>
      %swap3A = arith.constant 0 : index
      %swap3A_46 = arith.constant 0 : index
      %swap3A_47 = vector.load %arg7[%swap3A, %swap3A_46] : memref<5000x128xf32, #tpu.memory_space<vmem>>, vector<5000x128xf32>
      tpu.vector_store %arg7[%swap3A, %swap3A_46], %add3A_45 {strides = array<i32>} : memref<5000x128xf32, #tpu.memory_space<vmem>>, vector<5000x128xf32>,
    } else {
    }
    %ge3A = arith.constant 2 : i32
    %ge3A_2 = arith.cmpi sge, %arg0, %ge3A : i32
    %convert_element_type3A_3 = arith.extui %ge3A_2 : i1 to i32
    %cond3A_4 = arith.constant 0 : i32
    %cond3A_5 = arith.cmpi ne, %convert_element_type3A_3, %cond3A_4 : i32
    scf.if %cond3A_5 {
      %get3A = arith.constant 0 : index
      %get3A_6 = arith.constant 0 : index
      %get3A_7 = vector.load %arg1[%get3A, %get3A_6] : memref<5000x128xf32, #tpu.memory_space<vmem>>, vector<5000x128xf32>
      %max3A = arith.constant 0.000000e+00 : f32
      %max3A_8 = vector.broadcast %max3A : f32 to vector<5000x128xf32>
      %max3A_9 = arith.maximumf %get3A_7, %max3A_8 : vector<5000x128xf32>
      %get3A_10 = arith.constant 0 : index
      %get3A_11 = arith.constant 0 : index
      %get3A_12 = vector.load %arg5[%get3A_10, %get3A_11] : memref<1x128xf32, #tpu.memory_space<vmem>>, vector<1x128xf32>
      %get3A_13 = arith.constant 0 : index
      %get3A_14 = arith.constant 0 : index
      %get3A_15 = vector.load %arg6[%get3A_13, %get3A_14] : memref<1x128xf32, #tpu.memory_space<vmem>>, vector<1x128xf32>
      %reduce_sum3A = arith.constant dense<0.000000e+00> : vector<5000xf32>
      %reduce_sum3A_16 = vector.multi_reduction <add>, %max3A_9, %reduce_sum3A [1] : vector<5000x128xf32> to vector<5000xf32>
      %broadcast_in_dim3A = vector.shape_cast %reduce_sum3A_16 : vector<5000xf32> to vector<5000x1xf32>
      %div3A = arith.constant 1.280000e+02 : f32
      %div3A_17 = vector.broadcast %div3A : f32 to vector<5000x1xf32>
      %div3A_18 = arith.divf %broadcast_in_dim3A, %div3A_17 : vector<5000x1xf32>
      %sub3A = vector.broadcast %div3A_18 : vector<5000x1xf32> to vector<5000x128xf32>
      %sub3A_19 = arith.subf %max3A_9, %sub3A : vector<5000x128xf32>
      %mul3A = arith.mulf %sub3A_19, %sub3A_19 : vector<5000x128xf32>
      %reduce_sum3A_20 = arith.constant dense<0.000000e+00> : vector<5000xf32>
      %reduce_sum3A_21 = vector.multi_reduction <add>, %mul3A, %reduce_sum3A_20 [1] : vector<5000x128xf32> to vector<5000xf32>
      %broadcast_in_dim3A_22 = vector.shape_cast %reduce_sum3A_21 : vector<5000xf32> to vector<5000x1xf32>
      %div3A_23 = arith.constant 1.280000e+02 : f32
      %div3A_24 = vector.broadcast %div3A_23 : f32 to vector<5000x1xf32>
      %div3A_25 = arith.divf %broadcast_in_dim3A_22, %div3A_24 : vector<5000x1xf32>
      %add3A = arith.constant 9.99999974E-6 : f32
      %add3A_26 = vector.broadcast %add3A : f32 to vector<5000x1xf32>
      %add3A_27 = arith.addf %div3A_25, %add3A_26 : vector<5000x1xf32>
      %rsqrt3A = math.rsqrt %add3A_27 : vector<5000x1xf32>
      %mul3A_28 = vector.broadcast %rsqrt3A : vector<5000x1xf32> to vector<5000x128xf32>
      %mul3A_29 = arith.mulf %sub3A_19, %mul3A_28 : vector<5000x128xf32>
      %mul3A_30 = vector.broadcast %get3A_12 : vector<1x128xf32> to vector<5000x128xf32>
      %mul3A_31 = arith.mulf %mul3A_29, %mul3A_30 : vector<5000x128xf32>
      %add3A_32 = vector.broadcast %get3A_15 : vector<1x128xf32> to vector<5000x128xf32>
      %add3A_33 = arith.addf %mul3A_31, %add3A_32 : vector<5000x128xf32>
      %swap3A = arith.constant 0 : index
      %swap3A_34 = arith.constant 0 : index
      %swap3A_35 = vector.load %arg7[%swap3A, %swap3A_34] : memref<5000x128xf32, #tpu.memory_space<vmem>>, vector<5000x128xf32>
      tpu.vector_store %arg7[%swap3A, %swap3A_34], %add3A_33 {strides = array<i32>} : memref<5000x128xf32, #tpu.memory_space<vmem>>, vector<5000x128xf32>,
    } else {
    }
    return
  }
  func.func @transform_0(%arg0: i32) -> (i32, i32) {
    %c0_i32 = arith.constant 0 : i32
    %c0_i32_0 = arith.constant 0 : i32
    return %arg0, %c0_i32 : i32, i32
  }
  func.func @transform_1(%arg0: i32) -> (i32, i32) {
    %min3A = arith.constant 1 : i32
    %min3A_0 = arith.minsi %arg0, %min3A : i32
    %c0_i32 = arith.constant 0 : i32
    %c0_i32_1 = arith.constant 0 : i32
    return %min3A_0, %c0_i32 : i32, i32
  }
  func.func @transform_2(%arg0: i32) -> (i32, i32) {
    %min3A = arith.constant 1 : i32
    %min3A_0 = arith.minsi %arg0, %min3A : i32
    %c0_i32 = arith.constant 0 : i32
    %c0_i32_1 = arith.constant 0 : i32
    return %min3A_0, %c0_i32 : i32, i32
  }
  func.func @transform_3(%arg0: i32) -> (i32, i32) {
    %c0_i32 = arith.constant 0 : i32
    %c0_i32_0 = arith.constant 0 : i32
    %c0_i32_1 = arith.constant 0 : i32
    return %c0_i32, %c0_i32_0 : i32, i32
  }
  func.func @transform_4(%arg0: i32) -> (i32, i32) {
    %c0_i32 = arith.constant 0 : i32
    %c0_i32_0 = arith.constant 0 : i32
    %c0_i32_1 = arith.constant 0 : i32
    return %c0_i32, %c0_i32_0 : i32, i32
  }
  func.func @transform_5(%arg0: i32) -> (i32, i32) {
    %c0_i32 = arith.constant 0 : i32
    %c0_i32_0 = arith.constant 0 : i32
    %c0_i32_1 = arith.constant 0 : i32
    return %c0_i32, %c0_i32_0 : i32, i32
  }
  func.func @transform_6(%arg0: i32) -> (i32, i32) {
    %c0_i32 = arith.constant 0 : i32
    %c0_i32_0 = arith.constant 0 : i32
    return %arg0, %c0_i32 : i32, i32
  }
}

module attributes {stable_mosaic.version = 14 : i64} {
  func.func @_tc_head_body(%arg0: memref<10000x128xf32, #tpu.memory_space<vmem>>, %arg1: memref<20000x128xf32, #tpu.memory_space<vmem>>, %arg2: memref<10000x1xi32, #tpu.memory_space<vmem>>, %arg3: memref<128x128xf32, #tpu.memory_space<vmem>>, %arg4: memref<128x128xf32, #tpu.memory_space<vmem>>, %arg5: memref<1x128xf32, #tpu.memory_space<vmem>>, %arg6: memref<1x128xf32, #tpu.memory_space<vmem>>, %arg7: memref<1x128xf32, #tpu.memory_space<vmem>>, %arg8: memref<128x256xf32, #tpu.memory_space<vmem>>, %arg9: memref<1x256xf32, #tpu.memory_space<vmem>>, %arg10: memref<256x128xf32, #tpu.memory_space<vmem>>, %arg11: memref<1x128xf32, #tpu.memory_space<vmem>>, %arg12: memref<1x128xf32, #tpu.memory_space<vmem>>, %arg13: memref<1x1xf32, #tpu.memory_space<vmem>>, %arg14: memref<1x256xf32, #tpu.memory_space<vmem>>) attributes {dimension_semantics = [], scalar_prefetch = 0 : i64, scratch_operands = 0 : i64, tpu.core_type = #tpu.core_type<tc>} {
    %get3A = arith.constant 0 : index
    %get3A_0 = arith.constant 0 : index
    %get3A_1 = vector.load %arg1[%get3A, %get3A_0] : memref<20000x128xf32, #tpu.memory_space<vmem>>, vector<10000x128xf32>
    %get3A_2 = arith.constant 10000 : index
    %get3A_3 = arith.constant 0 : index
    %get3A_4 = vector.load %arg1[%get3A_2, %get3A_3] : memref<20000x128xf32, #tpu.memory_space<vmem>>, vector<10000x128xf32>
    %add3A = arith.addf %get3A_1, %get3A_4 : vector<10000x128xf32>
    %get3A_5 = arith.constant 0 : index
    %get3A_6 = arith.constant 0 : index
    %get3A_7 = vector.load %arg0[%get3A_5, %get3A_6] : memref<10000x128xf32, #tpu.memory_space<vmem>>, vector<10000x128xf32>
    %get3A_8 = arith.constant 0 : index
    %get3A_9 = arith.constant 0 : index
    %get3A_10 = vector.load %arg3[%get3A_8, %get3A_9] : memref<128x128xf32, #tpu.memory_space<vmem>>, vector<128x128xf32>
    %dot_general3A = arith.constant dense<0.000000e+00> : vector<10000x128xf32>
    %dot_general3A_11 = tpu.matmul %get3A_7, %get3A_10, %dot_general3A {dimension_numbers = #tpu.dot_dimension_numbers<[1], [0], [0], [1], [0, 0, 1, 1], [], []>, transpose_lhs_hint = false} : vector<10000x128xf32>, vector<128x128xf32>, vector<10000x128xf32> -> vector<10000x128xf32>
    %get3A_12 = arith.constant 0 : index
    %get3A_13 = arith.constant 0 : index
    %get3A_14 = vector.load %arg4[%get3A_12, %get3A_13] : memref<128x128xf32, #tpu.memory_space<vmem>>, vector<128x128xf32>
    %dot_general3A_15 = arith.constant dense<0.000000e+00> : vector<10000x128xf32>
    %dot_general3A_16 = tpu.matmul %add3A, %get3A_14, %dot_general3A_15 {dimension_numbers = #tpu.dot_dimension_numbers<[1], [0], [0], [1], [0, 0, 1, 1], [], []>, transpose_lhs_hint = false} : vector<10000x128xf32>, vector<128x128xf32>, vector<10000x128xf32> -> vector<10000x128xf32>
    %add3A_17 = arith.addf %dot_general3A_11, %dot_general3A_16 : vector<10000x128xf32>
    %get3A_18 = arith.constant 0 : index
    %get3A_19 = arith.constant 0 : index
    %get3A_20 = vector.load %arg5[%get3A_18, %get3A_19] : memref<1x128xf32, #tpu.memory_space<vmem>>, vector<1x128xf32>
    %add3A_21 = vector.broadcast %get3A_20 : vector<1x128xf32> to vector<10000x128xf32>
    %add3A_22 = arith.addf %add3A_17, %add3A_21 : vector<10000x128xf32>
    %max3A = arith.constant 0.000000e+00 : f32
    %max3A_23 = vector.broadcast %max3A : f32 to vector<10000x128xf32>
    %max3A_24 = arith.maximumf %add3A_22, %max3A_23 : vector<10000x128xf32>
    %get3A_25 = arith.constant 0 : index
    %get3A_26 = arith.constant 0 : index
    %get3A_27 = vector.load %arg6[%get3A_25, %get3A_26] : memref<1x128xf32, #tpu.memory_space<vmem>>, vector<1x128xf32>
    %get3A_28 = arith.constant 0 : index
    %get3A_29 = arith.constant 0 : index
    %get3A_30 = vector.load %arg7[%get3A_28, %get3A_29] : memref<1x128xf32, #tpu.memory_space<vmem>>, vector<1x128xf32>
    %reduce_sum3A = arith.constant dense<0.000000e+00> : vector<10000xf32>
    %reduce_sum3A_31 = vector.multi_reduction <add>, %max3A_24, %reduce_sum3A [1] : vector<10000x128xf32> to vector<10000xf32>
    %broadcast_in_dim3A = vector.shape_cast %reduce_sum3A_31 : vector<10000xf32> to vector<10000x1xf32>
    %div3A = arith.constant 1.280000e+02 : f32
    %div3A_32 = vector.broadcast %div3A : f32 to vector<10000x1xf32>
    %div3A_33 = arith.divf %broadcast_in_dim3A, %div3A_32 : vector<10000x1xf32>
    %sub3A = vector.broadcast %div3A_33 : vector<10000x1xf32> to vector<10000x128xf32>
    %sub3A_34 = arith.subf %max3A_24, %sub3A : vector<10000x128xf32>
    %mul3A = arith.mulf %sub3A_34, %sub3A_34 : vector<10000x128xf32>
    %reduce_sum3A_35 = arith.constant dense<0.000000e+00> : vector<10000xf32>
    %reduce_sum3A_36 = vector.multi_reduction <add>, %mul3A, %reduce_sum3A_35 [1] : vector<10000x128xf32> to vector<10000xf32>
    %broadcast_in_dim3A_37 = vector.shape_cast %reduce_sum3A_36 : vector<10000xf32> to vector<10000x1xf32>
    %div3A_38 = arith.constant 1.280000e+02 : f32
    %div3A_39 = vector.broadcast %div3A_38 : f32 to vector<10000x1xf32>
    %div3A_40 = arith.divf %broadcast_in_dim3A_37, %div3A_39 : vector<10000x1xf32>
    %add3A_41 = arith.constant 9.99999974E-6 : f32
    %add3A_42 = vector.broadcast %add3A_41 : f32 to vector<10000x1xf32>
    %add3A_43 = arith.addf %div3A_40, %add3A_42 : vector<10000x1xf32>
    %rsqrt3A = math.rsqrt %add3A_43 : vector<10000x1xf32>
    %mul3A_44 = vector.broadcast %rsqrt3A : vector<10000x1xf32> to vector<10000x128xf32>
    %mul3A_45 = arith.mulf %sub3A_34, %mul3A_44 : vector<10000x128xf32>
    %mul3A_46 = vector.broadcast %get3A_27 : vector<1x128xf32> to vector<10000x128xf32>
    %mul3A_47 = arith.mulf %mul3A_45, %mul3A_46 : vector<10000x128xf32>
    %add3A_48 = vector.broadcast %get3A_30 : vector<1x128xf32> to vector<10000x128xf32>
    %add3A_49 = arith.addf %mul3A_47, %add3A_48 : vector<10000x128xf32>
    %get3A_50 = arith.constant 0 : index
    %get3A_51 = arith.constant 0 : index
    %get3A_52 = vector.load %arg2[%get3A_50, %get3A_51] : memref<10000x1xi32, #tpu.memory_space<vmem>>, vector<10000x1xi32>
    %iota3A = tpu.iota {dimensions = array<i32: 1>} : vector<10000x256xi32>
    %eq3A = vector.broadcast %get3A_52 : vector<10000x1xi32> to vector<10000x256xi32>
    %eq3A_53 = arith.cmpi eq, %eq3A, %iota3A : vector<10000x256xi32>
    %convert_element_type3A = arith.extui %eq3A_53 : vector<10000x256xi1> to vector<10000x256xi32>
    %convert_element_type3A_54 = arith.sitofp %convert_element_type3A : vector<10000x256xi32> to vector<10000x256xf32>
    %dot_general3A_55 = arith.constant dense<0.000000e+00> : vector<256x128xf32>
    %dot_general3A_56 = tpu.matmul %convert_element_type3A_54, %add3A_49, %dot_general3A_55 {dimension_numbers = #tpu.dot_dimension_numbers<[0], [0], [1], [1], [0, 1, 1, 1], [], []>, transpose_lhs_hint = false} : vector<10000x256xf32>, vector<10000x128xf32>, vector<256x128xf32> -> vector<256x128xf32>
    %reduce_sum3A_57 = arith.constant dense<0.000000e+00> : vector<256xf32>
    %reduce_sum3A_58 = vector.multi_reduction <add>, %convert_element_type3A_54, %reduce_sum3A_57 [0] : vector<10000x256xf32> to vector<256xf32>
    %jit3A = arith.constant 1.000000e+00 : f32
    %max3A_59 = vector.broadcast %jit3A : f32 to vector<256xf32>
    %max3A_60 = arith.maximumf %max3A_59, %reduce_sum3A_58 : vector<256xf32>
    %broadcast_in_dim3A_61 = vector.shape_cast %max3A_60 : vector<256xf32> to vector<256x1xf32>
    %div3A_62 = vector.broadcast %broadcast_in_dim3A_61 : vector<256x1xf32> to vector<256x128xf32>
    %div3A_63 = arith.divf %dot_general3A_56, %div3A_62 : vector<256x128xf32>
    %get3A_64 = arith.constant 0 : index
    %get3A_65 = arith.constant 0 : index
    %get3A_66 = vector.load %arg8[%get3A_64, %get3A_65] : memref<128x256xf32, #tpu.memory_space<vmem>>, vector<128x256xf32>
    %dot_general3A_67 = arith.constant dense<0.000000e+00> : vector<256x256xf32>
    %dot_general3A_68 = tpu.matmul %div3A_63, %get3A_66, %dot_general3A_67 {dimension_numbers = #tpu.dot_dimension_numbers<[1], [0], [0], [1], [0, 0, 1, 1], [], []>, transpose_lhs_hint = false} : vector<256x128xf32>, vector<128x256xf32>, vector<256x256xf32> -> vector<256x256xf32>
    %get3A_69 = arith.constant 0 : index
    %get3A_70 = arith.constant 0 : index
    %get3A_71 = vector.load %arg9[%get3A_69, %get3A_70] : memref<1x256xf32, #tpu.memory_space<vmem>>, vector<1x256xf32>
    %add3A_72 = vector.broadcast %get3A_71 : vector<1x256xf32> to vector<256x256xf32>
    %add3A_73 = arith.addf %dot_general3A_68, %add3A_72 : vector<256x256xf32>
    %max3A_74 = arith.constant 0.000000e+00 : f32
    %max3A_75 = vector.broadcast %max3A_74 : f32 to vector<256x256xf32>
    %max3A_76 = arith.maximumf %add3A_73, %max3A_75 : vector<256x256xf32>
    %get3A_77 = arith.constant 0 : index
    %get3A_78 = arith.constant 0 : index
    %get3A_79 = vector.load %arg10[%get3A_77, %get3A_78] : memref<256x128xf32, #tpu.memory_space<vmem>>, vector<256x128xf32>
    %dot_general3A_80 = arith.constant dense<0.000000e+00> : vector<256x128xf32>
    %dot_general3A_81 = tpu.matmul %max3A_76, %get3A_79, %dot_general3A_80 {dimension_numbers = #tpu.dot_dimension_numbers<[1], [0], [0], [1], [0, 0, 1, 1], [], []>, transpose_lhs_hint = false} : vector<256x256xf32>, vector<256x128xf32>, vector<256x128xf32> -> vector<256x128xf32>
    %get3A_82 = arith.constant 0 : index
    %get3A_83 = arith.constant 0 : index
    %get3A_84 = vector.load %arg11[%get3A_82, %get3A_83] : memref<1x128xf32, #tpu.memory_space<vmem>>, vector<1x128xf32>
    %add3A_85 = vector.broadcast %get3A_84 : vector<1x128xf32> to vector<256x128xf32>
    %add3A_86 = arith.addf %dot_general3A_81, %add3A_85 : vector<256x128xf32>
    %max3A_87 = arith.constant 0.000000e+00 : f32
    %max3A_88 = vector.broadcast %max3A_87 : f32 to vector<256x128xf32>
    %max3A_89 = arith.maximumf %add3A_86, %max3A_88 : vector<256x128xf32>
    %get3A_90 = arith.constant 0 : index
    %get3A_91 = arith.constant 0 : index
    %get3A_92 = vector.load %arg12[%get3A_90, %get3A_91] : memref<1x128xf32, #tpu.memory_space<vmem>>, vector<1x128xf32>
    %mul3A_93 = vector.broadcast %get3A_92 : vector<1x128xf32> to vector<256x128xf32>
    %mul3A_94 = arith.mulf %max3A_89, %mul3A_93 : vector<256x128xf32>
    %reduce_sum3A_95 = arith.constant dense<0.000000e+00> : vector<256xf32>
    %reduce_sum3A_96 = vector.multi_reduction <add>, %mul3A_94, %reduce_sum3A_95 [1] : vector<256x128xf32> to vector<256xf32>
    %get3A_97 = arith.constant 0 : index
    %get3A_98 = arith.constant 0 : index
    %get3A_99 = vector.load %arg13[%get3A_97, %get3A_98] : memref<1x1xf32, #tpu.memory_space<vmem>>, vector<1x1xf32>
    %get3A_100 = vector.extract %get3A_99[0, 0] : f32 from vector<1x1xf32>
    %add3A_101 = vector.broadcast %get3A_100 : f32 to vector<256xf32>
    %add3A_102 = arith.addf %reduce_sum3A_96, %add3A_101 : vector<256xf32>
    %broadcast_in_dim3A_103 = vector.shape_cast %add3A_102 : vector<256xf32> to vector<1x256xf32>
    %swap3A = arith.constant 0 : index
    %swap3A_104 = arith.constant 0 : index
    %swap3A_105 = vector.load %arg14[%swap3A, %swap3A_104] : memref<1x256xf32, #tpu.memory_space<vmem>>, vector<1x256xf32>
    tpu.vector_store %arg14[%swap3A, %swap3A_104], %broadcast_in_dim3A_103 {strides = array<i32>} : memref<1x256xf32, #tpu.memory_space<vmem>>, vector<1x256xf32>,
    return
  }
}

</mosaic_0001>

<sc_bundles>
// kernel: kernel.13.cloned.1.call-start
scs
__scs_entry_jumppad:
0x0: {  	(pc) =	sbr.rel $0x88, $3  }
0x1: {  	(tag) =	ssettag $0x0;
	lr =	simm.s32 $0x1  }
0x2: {  	[smem:$0x3F8E] =	sst lr;
	_ =	strace $0xD0000000  }
0x3: {  	_ = 	snop  }
0x4: {  	_ = 	snop  }
0x5: {  	_ = 	snop  }
0x6: {  	_ = 	snop  }
0x7: {  	_ = 	snop  }
__scs_overlays_trampoline_lowered:
0x8: {  	[smem:$0x3F9D] =	sst s0  }
0x9: {  	[smem:$0x3F9E] =	sst s1  }
0xa: {  	[smem:$0x3F9F] =	sst s2  }
0xb: {  	[smem:$0x3FA0] =	sst s3  }
0xc: {  	[smem:$0x3FA1] =	sst s4  }
0xd: {  	[smem:$0x3FA2] =	sst s5  }
0xe: {  	[smem:$0x3FA3] =	sst s6  }
0xf: {  	[smem:$0x3FA4] =	sst s7  }
0x10: {  	[smem:$0x3FA5] =	sst s8  }
0x11: {  	[smem:$0x3FA6] =	sst s9;
	s0 =	simm.s32 @!p0 $0x0  }
0x12: {  	s1 =	sld [smem:$0x3F8C];
	s0 =	simm.s32 @p0 $0x1  }
0x13: {  	[smem:$0x3FA7] =	sst s0;
	s0 =	simm.s32 @!p1 $0x0  }
0x14: {  	s2 =	sld [smem:$0x3F8B];
	s0 =	simm.s32 @p1 $0x1  }
0x15: {  	[smem:$0x3FA8] =	sst s0;
	s0 =	simm.s32 @!p2 $0x0  }
0x16: {  	s3 =	sld [smem:$0x3FDB];
	s0 =	simm.s32 @p2 $0x1  }
0x17: {  	s4 =	simm.s32 $0x1BF5;
	[smem:$0x3FAA] =	sst s0  }
0x18: {  	s0 =	sld [smem:$0x3F8D];
	_ =	swait.ge [sflag:s4], $0x0  }
0x19: {  	s7 =	sld [smem:$0x3F8E]  }
0x1a: {  	s8 =	sadd.s32 $0xFFFFE003, lr  }
0x1b: {  	s9 =	sadd.s32 $0xFFFFFEF7, lr;
	s5 =	simm.s32 $0xFFFFFFFF;
	p2 =	slt.u32 s8, $0xFFFFF086  }
0x1c: {  	p1 =	slt.u32 s9, $0xF7A;
	s5 =	simm.s32 @!p2 $0x0  }
0x1d: {  	s5 =	simm.s32 @p1 $0x1;
	p0 =	seq.s32 s7, s2  }
0x1e: {  	s7 =	smul.u32 @!p0 $0xF7A, s2;
	p2 =	seq.s32 @!p0 s5, $0x0  }
0x1f: {  	s9 =	smul.u32 $0xF7A, s1;
	s8 =	simm.s32 @!p0 $0x1BF5;
	p2 =	por !p2, p0  }
0x20: {  	[sflag:s8] =	ssyncset.s32 @!p0 $0xFFFFF086;
	s6 =	sadd.s32 @!p0 s3, s7;
	s7 =	simm.s32 @!p0 $0x108  }
0x21: {  	s3 =	sadd.s32 s3, s9;
	s6 =	sadd.s32 @!p0 $0x88, s6;
	s7 =	simm.s32 @p2 $0x1082  }
0x22: {  	[simem:s7], [sflag:s8] =	dma.local @!p0 [hbm:s6], $0xF7A  }
0x23: {  	s9 =	sor.u32 $0xD0000000, s2;
	s6 =	simm.s32 $0x108;
	_ =	swait.ge @!p0 [sflag:s8], $0x0  }
0x24: {  	s3 =	sadd.s32 $0x88, s3;
	s6 =	simm.s32 @!p1 $0x1082;
	[sflag:s4] =	ssyncset.s32 $0xFFFFF086  }
0x25: {  	[simem:s6], [sflag:s4] =	dma.local [hbm:s3], $0xF7A  }
0x26: {  	[smem:$0x3F8E] =	sst s1;
	(tag) =	ssettag s2;
	_ =	strace s9  }
0x27: {  	s1 =	sld [smem:$0x3F9E]  }
0x28: {  	s2 =	sld [smem:$0x3F9F]  }
0x29: {  	s4 =	sld [smem:$0x3FA1]  }
0x2a: {  	p0 =	seq.s32 s5, $0x0;
	s5 =	sld [smem:$0x3FA2]  }
0x2b: {  	s6 =	sld [smem:$0x3FA3]  }
0x2c: {  	s7 =	sld [smem:$0x3FA4]  }
0x2d: {  	s3 =	simm.s32 $0x108;
	s8 =	sld [smem:$0x3FA5]  }
0x2e: {  	s3 =	simm.s32 @!p0 $0x1082;
	s9 =	sld [smem:$0x3FA6]  }
0x2f: {  	lr =	sadd.s32 s0, s3;
	s0 =	sld [smem:$0x3F9D]  }
0x30: {  	s3 =	sld [smem:$0x3FA0]  }
0x31: {  	[smem:$0x3FA9] =	sst s10  }
0x32: {  	s10 =	sld [smem:$0x3FA7];
	_ =	sdelay $0x3  }
0x33: {  	p0 =	seq.s32 s10, $0x1;
	s10 =	sld [smem:$0x3FA9];
	_ =	sdelay $0x3  }
0x34: {  	[smem:$0x3FA9] =	sst s10  }
0x35: {  	s10 =	sld [smem:$0x3FA8];
	_ =	sdelay $0x3  }
0x36: {  	p1 =	seq.s32 s10, $0x1;
	s10 =	sld [smem:$0x3FA9];
	_ =	sdelay $0x3  }
0x37: {  	[smem:$0x3FA9] =	sst s10  }
0x38: {  	s10 =	sld [smem:$0x3FAA]  }
0x39: {  	_ = 	snop;
	(pc) =	sbr.ind lr, $3  }
0x3a: {  	_ = 	snop  }
0x3b: {  	_ = 	snop  }
0x3c: {  	p2 =	seq.s32 s10, $0x1;
	s10 =	sld [smem:$0x3FA9]  }
0x3d: {  	_ =	shalt  }
0x3e: {  	_ =	shalt  }
0x3f: {  	_ =	shalt  }
0x40: {  	_ =	shalt  }
0x41: {  	_ =	shalt  }
0x42: {  	_ =	shalt  }
0x43: {  	_ =	shalt  }
0x44: {  	_ =	shalt  }
0x45: {  	_ =	shalt  }
0x46: {  	_ =	shalt  }
0x47: {  	_ =	shalt  }
0x48: {  	_ =	shalt  }
0x49: {  	_ =	shalt  }
0x4a: {  	_ =	shalt  }
0x4b: {  	_ =	shalt  }
0x4c: {  	_ =	shalt  }
0x4d: {  	_ =	shalt  }
0x4e: {  	_ =	shalt  }
0x4f: {  	_ =	shalt  }
0x50: {  	_ =	shalt  }
0x51: {  	_ =	shalt  }
0x52: {  	_ =	shalt  }
0x53: {  	_ =	shalt  }
0x54: {  	_ =	shalt  }
0x55: {  	_ =	shalt  }
0x56: {  	_ =	shalt  }
0x57: {  	_ =	shalt  }
0x58: {  	_ =	shalt  }
0x59: {  	_ =	shalt  }
0x5a: {  	_ =	shalt  }
0x5b: {  	_ =	shalt  }
0x5c: {  	_ =	shalt  }
0x5d: {  	_ =	shalt  }
0x5e: {  	_ =	shalt  }
0x5f: {  	_ =	shalt  }
0x60: {  	_ =	shalt  }
0x61: {  	_ =	shalt  }
0x62: {  	_ =	shalt  }
0x63: {  	_ =	shalt  }
0x64: {  	_ =	shalt  }
0x65: {  	_ =	shalt  }
0x66: {  	_ =	shalt  }
0x67: {  	_ =	shalt  }
0x68: {  	_ =	shalt  }
0x69: {  	_ =	shalt  }
0x6a: {  	_ =	shalt  }
0x6b: {  	_ =	shalt  }
0x6c: {  	_ =	shalt  }
0x6d: {  	_ =	shalt  }
0x6e: {  	_ =	shalt  }
0x6f: {  	_ =	shalt  }
0x70: {  	_ =	shalt  }
0x71: {  	_ =	shalt  }
0x72: {  	_ =	shalt  }
0x73: {  	_ =	shalt  }
0x74: {  	_ =	shalt  }
0x75: {  	_ =	shalt  }
0x76: {  	_ =	shalt  }
0x77: {  	_ =	shalt  }
0x78: {  	_ =	shalt  }
0x79: {  	_ =	shalt  }
0x7a: {  	_ =	shalt  }
0x7b: {  	_ =	shalt  }
0x7c: {  	_ =	shalt  }
0x7d: {  	_ =	shalt  }
0x7e: {  	_ =	shalt  }
0x7f: {  	_ =	shalt  }
0x80: {  	_ =	shalt  }
0x81: {  	_ =	shalt  }
0x82: {  	_ =	shalt  }
0x83: {  	_ =	shalt  }
0x84: {  	_ =	shalt  }
0x85: {  	_ =	shalt  }
0x86: {  	_ =	shalt  }
0x87: {  	_ =	shalt  }
.Lfunc_end0:
.L_simem_size_0:
called_computation_lowered:
.L_overlay_start_0:
0x88: {  	s2 =	sld [smem:$0x3FD9]  }
0x89: {  	s3 =	sld [smem:$0x3FFE];
	_ =	sdelay $0x1  }
0x8a: {  	s1 =	srdreg.scid  }
0x8b: {  	s0 =	sand.u32 $0x1, s1  }
0x8c: {  	s16 =	sshll.u32 s0, $0xA;
	s2 =	sadd.s32 s3, s2  }
0x8d: {  	s2 =	sadd.s32 s2, s16  }
0x8e: {  	[smem:$0x3FB5] =	sst s2  }
0x8f: {  	_ = 	snop  }
0x90: {  	(tm) =	ssettm $0x1  }
0x91: {  	s17 =	sld [smem:$0x3FFB];
	_ =	sdelay $0x3  }
0x92: {  	_ =	strace s17  }
0x93: {  	s2 =	sld [smem:$0x3FFC];
	_ =	sdelay $0x3  }
0x94: {  	_ =	strace s2  }
0x95: {  	s2 =	sld [smem:$0x3FFD];
	_ =	sdelay $0x3  }
0x96: {  	_ =	strace s2  }
0x97: {  	_ =	strace $0x8FFFFFFF  }
0x98: {  	s18 =	sld [smem:$0x3FDB];
	_ =	sdelay $0x1  }
0x99: {  	s19 =	simm.s32 $_scs_section_size  }
0x9a: {  	s4 =	simm.s32 $_size__tile_overlayer_lowered;
	s5 =	simm.s32 $_tile_overlayer_lowered  }
0x9b: {  	s22 =	simm.s32 $0x1BFF;
	s21 =	sshll.u32 s5, $0x1;
	s2 =	sadd.s32 s19, s18  }
0x9c: {  	s6 =	simm.s32 $0x0;
	s20 =	sshll.u32 s4, $0x1;
	s4 =	sadd.s32 s21, s2  }
0x9d: {  	[timem:s6], [sflag:s22] =	dma.local [hbm:s4], s20  }
0x9e: {  	_ =	swait.ge [sflag:s22], s20  }
0x9f: {  	s3 =	ssub.s32 $0x0, s20;
	[sflag:s22] =	ssyncset.done $0x0  }
0xa0: {  	[sflag:s22] =	ssyncadd.s32 s3;
	_ =	sdelay $0x1  }
0xa1: {  	s23 =	simm.s32 $0x1B8B  }
0xa2: {  	_ =	swait.ge [sflag:s23], $0x1  }
0xa3: {  	[sflag:s23] =	ssyncset.done $0x0  }
0xa4: {  	s25 =	simm.s32 $0x1B8E;
	s24 =	sld [smem:$0x3FFE];
	[sflag:s23] =	ssyncadd.s32 $0xFFFFFFFF  }
0xa5: {  	s26 =	simm.s32 $execute0_lowered;
	[smem:$0x3FD2] =	sst s25  }
0xa6: {  	s4 =	sshll.u32 s26, $0x1;
	_ =	strace $0x80000046;
	[dreg:$0x1] =	wrdreg $0xFFFFFFFF  }
0xa7: {  	s28 =	simm.s32 $_size_execute0_lowered;
	s2 =	sadd.s32 s2, s4;
	[dreg:$0x0] =	wrdreg $0x0  }
0xa8: {  	s4 =	sshll.u32 s28, $0x1;
	[dreg:$0x2] =	wrdreg s2  }
0xa9: {  	[dreg:$0x3] =	wrdreg s4  }
0xaa: {  	[dreg:$0x4] =	wrdreg $0xC0  }
0xab: {  	_ =	task [dreg:s6], $0x5FFFF  }
0xac: {  	[dreg:$0x1] =	wrdreg $0xFFFFFFFF  }
0xad: {  	[dreg:$0x0] =	wrdreg $0x60  }
0xae: {  	[dreg:$0x2] =	wrdreg s24  }
0xaf: {  	[dreg:$0x3] =	wrdreg $0x0  }
0xb0: {  	[dreg:$0x4] =	wrdreg $0x9  }
0xb1: {  	_ =	task.clear_ibuf [dreg:s6], $0x5FFFF;
	_ =	strace $0x90000046  }
0xb2: {  	s29 =	simm.s32 $0x9;
	_ =	strace $0x80000048  }
0xb3: {  	_ =	swait.ge [sflag:s29], $0x1  }
0xb4: {  	[sflag:s29] =	ssyncadd.s32 $0xFFFFFFFF  }
0xb5: {  	_ =	strace $0x90000048  }
0xb6: {  	_ =	sfence  }
0xb7: {  	s30 =	sld [smem:$0x0];
	_ =	sdelay $0x2  }
0xb8: {  	s31 =	sshll.u32 s1, $0xD;
	s1 =	sshrl.u32 s1, $0x2  }
0xb9: {  	s3 =	sand.u32 $0x4000, s31;
	s1 =	sadd.s32 s1, s30  }
0xba: {  	s0 =	sor.u32 s3, s0;
	s1 =	sshll.u32 s1, $0x11  }
0xbb: {  	s0 =	sor.u32 s1, s0  }
0xbc: {  	s0 =	sadd.s32 $0x8F2B, s0  }
0xbd: {  	[sflag:s0] =	ssyncadd.remote.s32 $0x1  }
0xbe: {  	_ =	sfence.sel $0xFFFF  }
0xbf: {  	[dreg:$0x0] =	wrdreg $0xFFFFFFFF;
	(pc) =	sbr.abs _section_cstart, $3  }
0xc0: {  	[dreg:$0x1] =	wrdreg $0xFFFFFFFF  }
0xc1: {  	_ =	task.clear_ibuf [dreg:s6], $0x2FFFF;
	_ =	strace $0x9FFFFFFF  }
0xc2: {  	(tm) =	ssettm $0x7FFFFFFF  }
0xc3: {  	_ =	shalt  }
tec
execute0_lowered:
.L_overlay_start_1:
0x0: {  	(tag) =	ssettag $0x1  }
0x1: {  	s0 =	rddreg [dreg:$0x0]  }
0x2: {  	s1 =	rddreg [dreg:$0x1];
	s3 =	simm.s32 $0x0;
	s2 =	srdreg.scid  }
0x3: {  	s12 =	stileid.u32;
	s28 =	simm.s32 $0x13980;
	s29 =	simm.s32 $0x6  }
0x4: {  	s30 =	simm.s32 $0x13880;
	s31 =	simm.s32 $0x13900;
	[smem:$0x7FF] =	sst s3  }
0x5: {  	s4 =	sadd.s32 $0x18400, s0;
	s2 =	sand.u32 $0x1, s2;
	s5 =	smul.u32 $0x270, s12  }
0x6: {  	s6 =	sadd.s32 $0x4800, s0;
	s8 =	smul.u32 $0x2700, s12;
	s10 =	sshll.u32 s12, $0x1  }
0x7: {  	s11 =	smul.u32 $0x4E000, s12;
	s22 =	sadd.s32 $0x3F600, s0;
	s0 =	sadd.s32 $0x3F400, s0  }
0x8: {  	p0 =	sne.s32 s12, $0xF;
	p1 =	sgt.u32 s12, $0x1;
	s7 =	ssub.s32 $0x2, s2  }
0x9: {  	_ =	strace $0x80000047;
	[dreg:$0xd] =	wrdreg s0;
	s9 =	sshrl.u32 s7, $0x1  }
0xa: {  	s8 =	sadd.s32 s4, s8;
	s19 =	sshrl.u32 s11, $0x2;
	s20 =	sadd.s32 $0x80, s5  }
0xb: {  	s24 =	sadd.s32 $0x100, s5;
	s26 =	sadd.s32 $0x180, s5;
	s5 =	sadd.s32 $0x200, s5  }
0xc: {  	s7 =	ssub.s32 s7, s9;
	s9 =	sor.u32 s2, s10;
	[dreg:$0x3] =	wrdreg s8  }
0xd: {  	s8 =	sadd.s32 s19, s1;
	s21 =	sshll.u32 s20, $0x4;
	s10 =	sshll.u32 s20, $0x7  }
0xe: {  	s25 =	sshll.u32 s24, $0x4;
	s13 =	sshll.u32 s26, $0x4;
	s14 =	sshll.u32 s26, $0x7  }
0xf: {  	s15 =	sshll.u32 s5, $0x4;
	s5 =	sshll.u32 s5, $0x7;
	s26 =	sshll.u32 s2, $0xB  }
0x10: {  	s2 =	sshll.u32 s2, $0x4;
	[dreg:$0x4] =	wrdreg s8;
	s8 =	sadd.s32 s4, s21  }
0x11: {  	s23 =	sadd.s32 s10, s1;
	s10 =	sadd.s32 s4, s25;
	[dreg:$0x5] =	wrdreg s8  }
0x12: {  	s16 =	sadd.s32 s5, s1;
	s17 =	sshll.u32 s9, $0x7;
	[dreg:$0x6] =	wrdreg s23  }
0x13: {  	s18 =	sshll.u32 s9, $0x4;
	s21 =	sshll.u32 s12, $0x5;
	[dreg:$0x7] =	wrdreg s10  }
0x14: {  	s5 =	simm.s32 $0x2;
	s8 =	sshll.u32 s24, $0x7;
	[dreg:$0xc] =	wrdreg s16  }
0x15: {  	s16 =	sadd.s32 s6, s18;
	s23 =	sshll.u32 s9, $0xB;
	s0 =	sadd.s32 s21, s6  }
0x16: {  	s24 =	sshll.u32 s12, $0xC;
	s9 =	simm.s32 $0x0;
	s8 =	sadd.s32 s8, s1  }
0x17: {  	s21 =	sadd.s32 s22, s23;
	s25 =	sadd.s32 s24, s22;
	s23 =	sadd.s32 s2, s0  }
0x18: {  	s0 =	simm.s32 $0x1;
	s2 =	simm.s32 $0x80;
	[dreg:$0x8] =	wrdreg s8  }
0x19: {  	s8 =	sadd.s32 s4, s13;
	s4 =	sadd.s32 s4, s15;
	s15 =	sadd.s32 $0x138000, s1  }
0x1a: {  	s24 =	sadd.s32 $0x10000, s21;
	[dreg:$0x9] =	wrdreg s8;
	s8 =	sadd.s32 s14, s1  }
0x1b: {  	[dreg:$0xb] =	wrdreg s4;
	s4 =	sor.u32 $0x4E000, s17;
	s17 =	sadd.s32 $0x200, s16  }
.Ltmp0:
0x1c: {  	[dreg:$0xa] =	wrdreg s8;
	s19 =	sshrl.u32 s4, $0x3;
	(pc) =	sbr.rel .LBB2_1-.Ltmp0, $4  }
0x1d: {  	s20 =	sshll.u32 s4, $0x4;
	s4 =	sadd.s32 s26, s25;
	s26 =	sadd.s32 $0x600, s16  }
0x1e: {  	s8 =	simm.s32 $0x5;
	s18 =	sadd.s32 s6, s19;
	s19 =	sadd.s32 s22, s20  }
0x1f: {  	s20 =	smax.u32 s7, $0x1;
	s22 =	sadd.s32 $0x400, s16;
	s10 =	sadd.s32 $0x30000, s4  }
0x20: {  	s4 =	simm.s32 $0x3;
	s6 =	simm.s32 $0x17980;
	s7 =	simm.s32 $0x4  }
.LBB2_4:
0x21: {  	_ =	swait.ge [sflag:s7], $0x4000  }
0x22: {  	[sflag:s7] =	ssyncset.done $0x0  }
0x23: {  	[sflag:s7] =	ssyncadd.s32 $0xFFFFC000  }
0x24: {  	_ =	swait.ge [sflag:s8], $0x4000  }
0x25: {  	s11 =	simm.s32 @!p1 $0x0;
	[sflag:s8] =	ssyncset.done $0x0  }
0x26: {  	s12 =	simm.s32 @!p1 $0x13880;
	s13 =	simm.s32 @!p1 $0x6;
	[sflag:s8] =	ssyncadd.s32 $0xFFFFC000  }
0x27: {  	[tilespmem:s12], [sflag:$0x6] =	stream.linear.gather @!p1 [hbm4b:s18+s11], $0x80, $0x38;
	[tilespmem:$0x1B980] =	vst v63  }
0x28: {  	_ =	swait.ge @!p1 [sflag:s13], $0x80  }
0x29: {  	[sflag:s13] =	ssyncset.done @!p1 $0x0  }
0x2a: {  	s14 =	simm.s32 @!p1 $0x80;
	s25 =	simm.s32 @!p1 $0x13980;
	[sflag:s13] =	ssyncadd.s32 @!p1 $0xFFFFFF80  }
0x2b: {  	[tilespmem:s25], [sflag:$0x3] =	stream.indirect.gather @!p1 [spmem:s1], $0x80, s12, s14, $0xb8;
	[tilespmem:$0x1B980] =	vst v63  }
0x2c: {  	s12 =	simm.s32 @!p1 $0x3  }
0x2d: {  	s9 =	sadd.s32 $0x1, s9;
	_ =	swait.ge @!p1 [sflag:s12], $0x4000  }
0x2e: {  	p2 =	sne.s32 s9, s20;
	[sflag:s12] =	ssyncset.done @!p1 $0x0  }
.Ltmp1:
0x2f: {  	[sflag:s12] =	ssyncadd.s32 @!p1 $0xFFFFC000;
	(pc) =	sbr.rel @!p2 .LBB2_5-.Ltmp1, $4  }
0x30: {  	[hbm4b:s19+s11] =	stream.linear.scatter @!p1 [tilespmem:s25], [sflag:$0x6], $0x4000, $0x38;
	[tilespmem:$0x1B980] =	vst v63  }
0x31: {  	_ =	swait.ge @!p1 [sflag:s13], $0x4000  }
0x32: {  	[sflag:s13] =	ssyncset.done @!p1 $0x0  }
0x33: {  	[sflag:s13] =	ssyncadd.s32 @!p1 $0xFFFFC000  }
.LBB2_1:
0x34: {  	s11 =	rddreg [dreg:$0x3]  }
0x35: {  	[tilespmem:s28], [sflag:$0x6] =	stream.linear.gather [hbm4b:s11+s3], $0x4000, $0x38;
	[tilespmem:$0x1B980] =	vst v63  }
0x36: {  	_ =	swait.ge [sflag:s29], $0x4000  }
0x37: {  	[sflag:s29] =	ssyncset.done $0x0  }
0x38: {  	s25 =	rddreg [dreg:$0x4];
	[sflag:s29] =	ssyncadd.s32 $0xFFFFC000  }
0x39: {  	[spmem:s25] =	stream.linear.scatter [tilespmem:s28], [sflag:$0x6], $0x4000, $0x38;
	[tilespmem:$0x1B980] =	vst v63  }
0x3a: {  	_ =	swait.ge [sflag:s29], $0x4000  }
0x3b: {  	[sflag:s29] =	ssyncset.done $0x0  }
0x3c: {  	s12 =	rddreg [dreg:$0x5];
	[sflag:s29] =	ssyncadd.s32 $0xFFFFC000  }
0x3d: {  	[tilespmem:s28], [sflag:$0x6] =	stream.linear.gather [hbm4b:s12+s3], $0x4000, $0x38;
	[tilespmem:$0x1B980] =	vst v63  }
0x3e: {  	_ =	swait.ge [sflag:s29], $0x4000  }
0x3f: {  	[sflag:s29] =	ssyncset.done $0x0  }
0x40: {  	s13 =	rddreg [dreg:$0x6];
	[sflag:s29] =	ssyncadd.s32 $0xFFFFC000  }
0x41: {  	[spmem:s13] =	stream.linear.scatter [tilespmem:s28], [sflag:$0x6], $0x4000, $0x38;
	[tilespmem:$0x1B980] =	vst v63  }
0x42: {  	_ =	swait.ge [sflag:s29], $0x4000  }
0x43: {  	[sflag:s29] =	ssyncset.done $0x0  }
0x44: {  	s14 =	rddreg [dreg:$0x7];
	[sflag:s29] =	ssyncadd.s32 $0xFFFFC000  }
0x45: {  	[tilespmem:s28], [sflag:$0x6] =	stream.linear.gather [hbm4b:s14+s3], $0x4000, $0x38;
	[tilespmem:$0x1B980] =	vst v63  }
0x46: {  	_ =	swait.ge [sflag:s29], $0x4000  }
0x47: {  	[sflag:s29] =	ssyncset.done $0x0  }
0x48: {  	s25 =	rddreg [dreg:$0x8];
	[sflag:s29] =	ssyncadd.s32 $0xFFFFC000  }
0x49: {  	[spmem:s25] =	stream.linear.scatter [tilespmem:s28], [sflag:$0x6], $0x4000, $0x38;
	[tilespmem:$0x1B980] =	vst v63  }
0x4a: {  	_ =	swait.ge [sflag:s29], $0x4000  }
0x4b: {  	[sflag:s29] =	ssyncset.done $0x0  }
0x4c: {  	s12 =	rddreg [dreg:$0x9];
	[sflag:s29] =	ssyncadd.s32 $0xFFFFC000  }
0x4d: {  	[tilespmem:s28], [sflag:$0x6] =	stream.linear.gather [hbm4b:s12+s3], $0x4000, $0x38;
	[tilespmem:$0x1B980] =	vst v63  }
0x4e: {  	_ =	swait.ge [sflag:s29], $0x4000  }
0x4f: {  	[sflag:s29] =	ssyncset.done $0x0  }
0x50: {  	s13 =	rddreg [dreg:$0xa];
	[sflag:s29] =	ssyncadd.s32 $0xFFFFC000  }
0x51: {  	[spmem:s13] =	stream.linear.scatter [tilespmem:s28], [sflag:$0x6], $0x4000, $0x38;
	[tilespmem:$0x1B980] =	vst v63  }
0x52: {  	_ =	swait.ge [sflag:s29], $0x4000  }
0x53: {  	[sflag:s29] =	ssyncset.done $0x0  }
0x54: {  	s14 =	rddreg [dreg:$0xb];
	[sflag:s29] =	ssyncadd.s32 $0xFFFFC000  }
0x55: {  	[tilespmem:s28], [sflag:$0x6] =	stream.linear.gather [hbm4b:s14+s3], $0x3800, $0x38;
	[tilespmem:$0x1B980] =	vst v63  }
0x56: {  	_ =	swait.ge [sflag:s29], $0x3800  }
0x57: {  	[sflag:s29] =	ssyncset.done $0x0  }
0x58: {  	s25 =	rddreg [dreg:$0xc];
	[sflag:s29] =	ssyncadd.s32 $0xFFFFC800  }
0x59: {  	[spmem:s25] =	stream.linear.scatter [tilespmem:s28], [sflag:$0x6], $0x3800, $0x38;
	[tilespmem:$0x1B980] =	vst v63  }
0x5a: {  	_ =	swait.ge [sflag:s29], $0x3800  }
0x5b: {  	s11 =	simm.s32 @!p0 $0x0;
	[sflag:s29] =	ssyncset.done $0x0  }
0x5c: {  	s25 =	simm.s32 @!p0 $0x13980;
	s12 =	rddreg [dreg:$0xd];
	[sflag:s29] =	ssyncadd.s32 $0xFFFFC800  }
0x5d: {  	[tilespmem:s25], [sflag:$0x6] =	stream.linear.gather @!p0 [hbm4b:s12+s11], $0x800, $0x38;
	[tilespmem:$0x1B980] =	vst v63  }
0x5e: {  	s11 =	simm.s32 @!p0 $0x6  }
0x5f: {  	_ =	swait.ge @!p0 [sflag:s11], $0x800  }
0x60: {  	[sflag:s11] =	ssyncset.done @!p0 $0x0  }
0x61: {  	[sflag:s11] =	ssyncadd.s32 @!p0 $0xFFFFF800  }
0x62: {  	[spmem:s15] =	stream.linear.scatter @!p0 [tilespmem:s25], [sflag:$0x6], $0x800, $0x38;
	[tilespmem:$0x1B980] =	vst v63  }
0x63: {  	_ =	swait.ge @!p0 [sflag:s11], $0x800  }
0x64: {  	[sflag:s11] =	ssyncset.done @!p0 $0x0  }
0x65: {  	[sflag:s11] =	ssyncadd.s32 @!p0 $0xFFFFF800  }
0x66: {  	[tilespmem:s30], [sflag:$0x1] =	stream.linear.gather [hbm4b:s16+s3], $0x80, $0x38;
	[tilespmem:$0x1B980] =	vst v63  }
0x67: {  	_ = 	snop  }
0x68: {  	[tilespmem:s31], [sflag:$0x2] =	stream.linear.gather [hbm4b:s17+s3], $0x80, $0x38;
	[tilespmem:$0x1B980] =	vst v63  }
0x69: {  	[bflag:$0x0] =	sbarrier.arrive $0xFFFF  }
0x6a: {  	_ =	swait.ge [sflag:s0], $0x80  }
0x6b: {  	[sflag:s0] =	ssyncset.done $0x0  }
0x6c: {  	[sflag:s0] =	ssyncadd.s32 $0xFFFFFF80  }
0x6d: {  	[tilespmem:s28], [sflag:$0x3] =	stream.indirect.gather [spmem:s1], $0x80, s30, s2, $0xb8;
	[tilespmem:$0x1B980] =	vst v63  }
0x6e: {  	_ =	swait.ge [sflag:s4], $0x4000  }
0x6f: {  	[sflag:s4] =	ssyncset.done $0x0  }
0x70: {  	[sflag:s4] =	ssyncadd.s32 $0xFFFFC000  }
0x71: {  	[hbm4b:s21+s3] =	stream.linear.scatter [tilespmem:s28], [sflag:$0x4], $0x4000, $0x38;
	[tilespmem:$0x1B980] =	vst v63  }
0x72: {  	_ = 	snop  }
0x73: {  	[tilespmem:s30], [sflag:$0x1] =	stream.linear.gather [hbm4b:s22+s3], $0x80, $0x38;
	[tilespmem:$0x1B980] =	vst v63  }
0x74: {  	_ =	swait.ge [sflag:s5], $0x80  }
0x75: {  	[sflag:s5] =	ssyncset.done $0x0  }
0x76: {  	[sflag:s5] =	ssyncadd.s32 $0xFFFFFF80  }
0x77: {  	[tilespmem:s6], [sflag:$0x3] =	stream.indirect.gather [spmem:s1], $0x80, s31, s2, $0xb8;
	[tilespmem:$0x1B980] =	vst v63  }
0x78: {  	_ =	swait.ge [sflag:s4], $0x4000  }
0x79: {  	[sflag:s4] =	ssyncset.done $0x0  }
0x7a: {  	[sflag:s4] =	ssyncadd.s32 $0xFFFFC000  }
0x7b: {  	[hbm4b:s24+s3] =	stream.linear.scatter [tilespmem:s6], [sflag:$0x5], $0x4000, $0x38;
	[tilespmem:$0x1B980] =	vst v63  }
0x7c: {  	s25 =	smov.u32 s10;
	s11 =	simm.s32 $0x0  }
0x7d: {  	[tilespmem:s31], [sflag:$0x2] =	stream.linear.gather [hbm4b:s26+s3], $0x80, $0x38;
	[tilespmem:$0x1B980] =	vst v63  }
.LBB2_2:
0x7e: {  	_ =	swait.ge [sflag:s0], $0x80  }
0x7f: {  	[sflag:s0] =	ssyncset.done $0x0  }
0x80: {  	[sflag:s0] =	ssyncadd.s32 $0xFFFFFF80  }
0x81: {  	_ =	swait.ge [sflag:s7], $0x4000  }
0x82: {  	[sflag:s7] =	ssyncset.done $0x0  }
0x83: {  	[sflag:s7] =	ssyncadd.s32 $0xFFFFC000  }
0x84: {  	[tilespmem:s28], [sflag:$0x3] =	stream.indirect.gather [spmem:s1], $0x80, s30, s2, $0xb8;
	[tilespmem:$0x1B980] =	vst v63  }
0x85: {  	_ =	swait.ge [sflag:s4], $0x4000  }
0x86: {  	[sflag:s4] =	ssyncset.done $0x0  }
0x87: {  	s12 =	sadd.s32 $0xFFFF0000, s25;
	p2 =	seq.s32 s11, $0x9400;
	[sflag:s4] =	ssyncadd.s32 $0xFFFFC000  }
0x88: {  	[hbm4b:s12+s3] =	stream.linear.scatter [tilespmem:s28], [sflag:$0x4], $0x4000, $0x38;
	[tilespmem:$0x1B980] =	vst v63  }
0x89: {  	s12 =	sadd.s32 @!p2 s11, s23  }
0x8a: {  	s13 =	simm.s32 @!p2 $0x0;
	s14 =	simm.s32 @!p2 $0x13880;
	s12 =	sadd.s32 @!p2 $0x800, s12  }
0x8b: {  	[tilespmem:s14], [sflag:$0x1] =	stream.linear.gather @!p2 [hbm4b:s12+s13], $0x80, $0x38;
	[tilespmem:$0x1B980] =	vst v63  }
0x8c: {  	_ =	swait.ge [sflag:s5], $0x80  }
0x8d: {  	[sflag:s5] =	ssyncset.done $0x0  }
0x8e: {  	[sflag:s5] =	ssyncadd.s32 $0xFFFFFF80  }
0x8f: {  	_ =	swait.ge [sflag:s8], $0x4000  }
0x90: {  	[sflag:s8] =	ssyncset.done $0x0  }
0x91: {  	[sflag:s8] =	ssyncadd.s32 $0xFFFFC000  }
0x92: {  	[tilespmem:s6], [sflag:$0x3] =	stream.indirect.gather [spmem:s1], $0x80, s31, s2, $0xb8;
	[tilespmem:$0x1B980] =	vst v63  }
.Ltmp2:
0x93: {  	_ = 	snop;
	(pc) =	sbr.rel @p2 .LBB2_4-.Ltmp2, $4  }
0x94: {  	_ =	swait.ge [sflag:s4], $0x4000  }
0x95: {  	[sflag:s4] =	ssyncset.done $0x0  }
0x96: {  	[sflag:s4] =	ssyncadd.s32 $0xFFFFC000  }
0x97: {  	[hbm4b:s25+s3] =	stream.linear.scatter [tilespmem:s6], [sflag:$0x5], $0x4000, $0x38;
	[tilespmem:$0x1B980] =	vst v63  }
.Ltmp3:
0x98: {  	(pc) =	sbr.rel .LBB2_2-.Ltmp3, $4  }
0x99: {  	_ = 	snop  }
0x9a: {  	s12 =	sadd.s32 s11, s23  }
0x9b: {  	s11 =	sadd.s32 $0x400, s11;
	s25 =	sadd.s32 $0x20000, s25;
	s12 =	sadd.s32 $0xA00, s12  }
0x9c: {  	[tilespmem:s31], [sflag:$0x2] =	stream.linear.gather [hbm4b:s12+s3], $0x80, $0x38;
	[tilespmem:$0x1B980] =	vst v63  }
.LBB2_5:
0x9d: {  	_ =	sfence.sel $0x180000  }
0x9e: {  	[bflag:$0x0] =	sbarrier.arrive $0xFFFF  }
0x9f: {  	_ =	strace $0x90000047  }
0xa0: {  	s0 =	stileid.u32;
	[bflag:$0x2] =	sbarrier.arrive $0xFFFF  }
0xa1: {  	p0 =	sne.s32 s0, $0x0;
	s0 =	rddreg [dreg:$0x2]  }
0xa2: {  	s0 =	sadd.s32 @!p0 $0x100000, s0  }
0xa3: {  	[sflag:s0] =	ssyncadd.tile.s32 @!p0 $0x1;
	_ =	shalt  }
.Lfunc_end2:
_tile_overlayer_lowered:
.L_overlay_start_2:
0xa4: {  	(tag) =	ssettag $0x2  }
0xa5: {  	s0 =	rddreg [dreg:$0x0];
	s2 =	stileid.u32  }
0xa6: {  	s1 =	rddreg [dreg:$0x1];
	p0 =	sne.s32 s2, $0x0  }
0xa7: {  	s3 =	rddreg [dreg:$0x2];
	[bflag:$0x3] =	sbarrier.arrive $0xFFFF;
	s2 =	simm.s32 @!p0 $0x1C06  }
0xa8: {  	[timem:s3], [sflag:s2] =	dma.local @!p0 [hbm:s0], s1  }
0xa9: {  	s0 =	simm.s32 @!p0 $0x6  }
0xaa: {  	_ =	swait.ge @!p0 [sflag:s0], s1  }
0xab: {  	s1 =	ssub.s32 @!p0 $0x0, s1;
	[sflag:s0] =	ssyncset.done @!p0 $0x0  }
0xac: {  	[sflag:s0] =	ssyncadd.s32 @!p0 s1  }
0xad: {  	[bflag:$0x3] =	sbarrier.arrive $0xFFFF  }
0xae: {  	_ =	shalt  }

// kernel: kernel.16.cloned.1.call-start
scs
__scs_entry_jumppad:
0x0: {  	(pc) =	sbr.rel $0x88, $3  }
0x1: {  	(tag) =	ssettag $0x0;
	lr =	simm.s32 $0x1  }
0x2: {  	[smem:$0x3F8E] =	sst lr;
	_ =	strace $0xD0000000  }
0x3: {  	_ = 	snop  }
0x4: {  	_ = 	snop  }
0x5: {  	_ = 	snop  }
0x6: {  	_ = 	snop  }
0x7: {  	_ = 	snop  }
__scs_overlays_trampoline_lowered:
0x8: {  	[smem:$0x3F9D] =	sst s0  }
0x9: {  	[smem:$0x3F9E] =	sst s1  }
0xa: {  	[smem:$0x3F9F] =	sst s2  }
0xb: {  	[smem:$0x3FA0] =	sst s3  }
0xc: {  	[smem:$0x3FA1] =	sst s4  }
0xd: {  	[smem:$0x3FA2] =	sst s5  }
0xe: {  	[smem:$0x3FA3] =	sst s6  }
0xf: {  	[smem:$0x3FA4] =	sst s7  }
0x10: {  	[smem:$0x3FA5] =	sst s8  }
0x11: {  	[smem:$0x3FA6] =	sst s9;
	s0 =	simm.s32 @!p0 $0x0  }
0x12: {  	s1 =	sld [smem:$0x3F8C];
	s0 =	simm.s32 @p0 $0x1  }
0x13: {  	[smem:$0x3FA7] =	sst s0;
	s0 =	simm.s32 @!p1 $0x0  }
0x14: {  	s2 =	sld [smem:$0x3F8B];
	s0 =	simm.s32 @p1 $0x1  }
0x15: {  	[smem:$0x3FA8] =	sst s0;
	s0 =	simm.s32 @!p2 $0x0  }
0x16: {  	s3 =	sld [smem:$0x3FDB];
	s0 =	simm.s32 @p2 $0x1  }
0x17: {  	s4 =	simm.s32 $0x1BF5;
	[smem:$0x3FAA] =	sst s0  }
0x18: {  	s0 =	sld [smem:$0x3F8D];
	_ =	swait.ge [sflag:s4], $0x0  }
0x19: {  	s7 =	sld [smem:$0x3F8E]  }
0x1a: {  	s8 =	sadd.s32 $0xFFFFE003, lr  }
0x1b: {  	s9 =	sadd.s32 $0xFFFFFEF7, lr;
	s5 =	simm.s32 $0xFFFFFFFF;
	p2 =	slt.u32 s8, $0xFFFFF086  }
0x1c: {  	p1 =	slt.u32 s9, $0xF7A;
	s5 =	simm.s32 @!p2 $0x0  }
0x1d: {  	s5 =	simm.s32 @p1 $0x1;
	p0 =	seq.s32 s7, s2  }
0x1e: {  	s7 =	smul.u32 @!p0 $0xF7A, s2;
	p2 =	seq.s32 @!p0 s5, $0x0  }
0x1f: {  	s9 =	smul.u32 $0xF7A, s1;
	s8 =	simm.s32 @!p0 $0x1BF5;
	p2 =	por !p2, p0  }
0x20: {  	[sflag:s8] =	ssyncset.s32 @!p0 $0xFFFFF086;
	s6 =	sadd.s32 @!p0 s3, s7;
	s7 =	simm.s32 @!p0 $0x108  }
0x21: {  	s3 =	sadd.s32 s3, s9;
	s6 =	sadd.s32 @!p0 $0x88, s6;
	s7 =	simm.s32 @p2 $0x1082  }
0x22: {  	[simem:s7], [sflag:s8] =	dma.local @!p0 [hbm:s6], $0xF7A  }
0x23: {  	s9 =	sor.u32 $0xD0000000, s2;
	s6 =	simm.s32 $0x108;
	_ =	swait.ge @!p0 [sflag:s8], $0x0  }
0x24: {  	s3 =	sadd.s32 $0x88, s3;
	s6 =	simm.s32 @!p1 $0x1082;
	[sflag:s4] =	ssyncset.s32 $0xFFFFF086  }
0x25: {  	[simem:s6], [sflag:s4] =	dma.local [hbm:s3], $0xF7A  }
0x26: {  	[smem:$0x3F8E] =	sst s1;
	(tag) =	ssettag s2;
	_ =	strace s9  }
0x27: {  	s1 =	sld [smem:$0x3F9E]  }
0x28: {  	s2 =	sld [smem:$0x3F9F]  }
0x29: {  	s4 =	sld [smem:$0x3FA1]  }
0x2a: {  	p0 =	seq.s32 s5, $0x0;
	s5 =	sld [smem:$0x3FA2]  }
0x2b: {  	s6 =	sld [smem:$0x3FA3]  }
0x2c: {  	s7 =	sld [smem:$0x3FA4]  }
0x2d: {  	s3 =	simm.s32 $0x108;
	s8 =	sld [smem:$0x3FA5]  }
0x2e: {  	s3 =	simm.s32 @!p0 $0x1082;
	s9 =	sld [smem:$0x3FA6]  }
0x2f: {  	lr =	sadd.s32 s0, s3;
	s0 =	sld [smem:$0x3F9D]  }
0x30: {  	s3 =	sld [smem:$0x3FA0]  }
0x31: {  	[smem:$0x3FA9] =	sst s10  }
0x32: {  	s10 =	sld [smem:$0x3FA7];
	_ =	sdelay $0x3  }
0x33: {  	p0 =	seq.s32 s10, $0x1;
	s10 =	sld [smem:$0x3FA9];
	_ =	sdelay $0x3  }
0x34: {  	[smem:$0x3FA9] =	sst s10  }
0x35: {  	s10 =	sld [smem:$0x3FA8];
	_ =	sdelay $0x3  }
0x36: {  	p1 =	seq.s32 s10, $0x1;
	s10 =	sld [smem:$0x3FA9];
	_ =	sdelay $0x3  }
0x37: {  	[smem:$0x3FA9] =	sst s10  }
0x38: {  	s10 =	sld [smem:$0x3FAA]  }
0x39: {  	_ = 	snop;
	(pc) =	sbr.ind lr, $3  }
0x3a: {  	_ = 	snop  }
0x3b: {  	_ = 	snop  }
0x3c: {  	p2 =	seq.s32 s10, $0x1;
	s10 =	sld [smem:$0x3FA9]  }
0x3d: {  	_ =	shalt  }
0x3e: {  	_ =	shalt  }
0x3f: {  	_ =	shalt  }
0x40: {  	_ =	shalt  }
0x41: {  	_ =	shalt  }
0x42: {  	_ =	shalt  }
0x43: {  	_ =	shalt  }
0x44: {  	_ =	shalt  }
0x45: {  	_ =	shalt  }
0x46: {  	_ =	shalt  }
0x47: {  	_ =	shalt  }
0x48: {  	_ =	shalt  }
0x49: {  	_ =	shalt  }
0x4a: {  	_ =	shalt  }
0x4b: {  	_ =	shalt  }
0x4c: {  	_ =	shalt  }
0x4d: {  	_ =	shalt  }
0x4e: {  	_ =	shalt  }
0x4f: {  	_ =	shalt  }
0x50: {  	_ =	shalt  }
0x51: {  	_ =	shalt  }
0x52: {  	_ =	shalt  }
0x53: {  	_ =	shalt  }
0x54: {  	_ =	shalt  }
0x55: {  	_ =	shalt  }
0x56: {  	_ =	shalt  }
0x57: {  	_ =	shalt  }
0x58: {  	_ =	shalt  }
0x59: {  	_ =	shalt  }
0x5a: {  	_ =	shalt  }
0x5b: {  	_ =	shalt  }
0x5c: {  	_ =	shalt  }
0x5d: {  	_ =	shalt  }
0x5e: {  	_ =	shalt  }
0x5f: {  	_ =	shalt  }
0x60: {  	_ =	shalt  }
0x61: {  	_ =	shalt  }
0x62: {  	_ =	shalt  }
0x63: {  	_ =	shalt  }
0x64: {  	_ =	shalt  }
0x65: {  	_ =	shalt  }
0x66: {  	_ =	shalt  }
0x67: {  	_ =	shalt  }
0x68: {  	_ =	shalt  }
0x69: {  	_ =	shalt  }
0x6a: {  	_ =	shalt  }
0x6b: {  	_ =	shalt  }
0x6c: {  	_ =	shalt  }
0x6d: {  	_ =	shalt  }
0x6e: {  	_ =	shalt  }
0x6f: {  	_ =	shalt  }
0x70: {  	_ =	shalt  }
0x71: {  	_ =	shalt  }
0x72: {  	_ =	shalt  }
0x73: {  	_ =	shalt  }
0x74: {  	_ =	shalt  }
0x75: {  	_ =	shalt  }
0x76: {  	_ =	shalt  }
0x77: {  	_ =	shalt  }
0x78: {  	_ =	shalt  }
0x79: {  	_ =	shalt  }
0x7a: {  	_ =	shalt  }
0x7b: {  	_ =	shalt  }
0x7c: {  	_ =	shalt  }
0x7d: {  	_ =	shalt  }
0x7e: {  	_ =	shalt  }
0x7f: {  	_ =	shalt  }
0x80: {  	_ =	shalt  }
0x81: {  	_ =	shalt  }
0x82: {  	_ =	shalt  }
0x83: {  	_ =	shalt  }
0x84: {  	_ =	shalt  }
0x85: {  	_ =	shalt  }
0x86: {  	_ =	shalt  }
0x87: {  	_ =	shalt  }
.Lfunc_end0:
.L_simem_size_0:
called_computation.1_lowered:
.L_overlay_start_0:
0x88: {  	s2 =	sld [smem:$0x3FD9]  }
0x89: {  	s3 =	sld [smem:$0x3FFE];
	_ =	sdelay $0x1  }
0x8a: {  	s1 =	srdreg.scid  }
0x8b: {  	s0 =	sand.u32 $0x1, s1  }
0x8c: {  	s16 =	sshll.u32 s0, $0xA;
	s2 =	sadd.s32 s3, s2  }
0x8d: {  	s2 =	sadd.s32 s2, s16  }
0x8e: {  	[smem:$0x3FB5] =	sst s2  }
0x8f: {  	_ = 	snop  }
0x90: {  	(tm) =	ssettm $0x1  }
0x91: {  	s17 =	sld [smem:$0x3FFB];
	_ =	sdelay $0x3  }
0x92: {  	_ =	strace s17  }
0x93: {  	s2 =	sld [smem:$0x3FFC];
	_ =	sdelay $0x3  }
0x94: {  	_ =	strace s2  }
0x95: {  	s2 =	sld [smem:$0x3FFD];
	_ =	sdelay $0x3  }
0x96: {  	_ =	strace s2  }
0x97: {  	_ =	strace $0x8FFFFFFF  }
0x98: {  	s18 =	sld [smem:$0x3FDB];
	_ =	sdelay $0x1  }
0x99: {  	s19 =	simm.s32 $_scs_section_size  }
0x9a: {  	s4 =	simm.s32 $_size__tile_overlayer_lowered;
	s5 =	simm.s32 $_tile_overlayer_lowered  }
0x9b: {  	s22 =	simm.s32 $0x1BFF;
	s21 =	sshll.u32 s5, $0x1;
	s2 =	sadd.s32 s19, s18  }
0x9c: {  	s6 =	simm.s32 $0x0;
	s20 =	sshll.u32 s4, $0x1;
	s4 =	sadd.s32 s21, s2  }
0x9d: {  	[timem:s6], [sflag:s22] =	dma.local [hbm:s4], s20  }
0x9e: {  	_ =	swait.ge [sflag:s22], s20  }
0x9f: {  	s3 =	ssub.s32 $0x0, s20;
	[sflag:s22] =	ssyncset.done $0x0  }
0xa0: {  	[sflag:s22] =	ssyncadd.s32 s3;
	_ =	sdelay $0x1  }
0xa1: {  	s23 =	simm.s32 $0x1B8B  }
0xa2: {  	_ =	swait.ge [sflag:s23], $0x1  }
0xa3: {  	[sflag:s23] =	ssyncset.done $0x0  }
0xa4: {  	s25 =	simm.s32 $0x1B8E;
	s24 =	sld [smem:$0x3FFE];
	[sflag:s23] =	ssyncadd.s32 $0xFFFFFFFF  }
0xa5: {  	s26 =	simm.s32 $execute0_lowered;
	[smem:$0x3FD2] =	sst s25  }
0xa6: {  	s4 =	sshll.u32 s26, $0x1;
	_ =	strace $0x80000049;
	[dreg:$0x1] =	wrdreg $0xFFFFFFFF  }
0xa7: {  	s28 =	simm.s32 $_size_execute0_lowered;
	s2 =	sadd.s32 s2, s4;
	[dreg:$0x0] =	wrdreg $0x0  }
0xa8: {  	s4 =	sshll.u32 s28, $0x1;
	[dreg:$0x2] =	wrdreg s2  }
0xa9: {  	[dreg:$0x3] =	wrdreg s4  }
0xaa: {  	[dreg:$0x4] =	wrdreg $0xC0  }
0xab: {  	_ =	task [dreg:s6], $0x5FFFF  }
0xac: {  	[dreg:$0x1] =	wrdreg $0xFFFFFFFF  }
0xad: {  	[dreg:$0x0] =	wrdreg $0x60  }
0xae: {  	[dreg:$0x2] =	wrdreg s24  }
0xaf: {  	[dreg:$0x3] =	wrdreg $0x0  }
0xb0: {  	[dreg:$0x4] =	wrdreg $0x9  }
0xb1: {  	_ =	task.clear_ibuf [dreg:s6], $0x5FFFF;
	_ =	strace $0x90000049  }
0xb2: {  	s29 =	simm.s32 $0x9;
	_ =	strace $0x8000004B  }
0xb3: {  	_ =	swait.ge [sflag:s29], $0x1  }
0xb4: {  	[sflag:s29] =	ssyncadd.s32 $0xFFFFFFFF  }
0xb5: {  	_ =	strace $0x9000004B  }
0xb6: {  	_ =	sfence  }
0xb7: {  	s30 =	sld [smem:$0x0];
	_ =	sdelay $0x2  }
0xb8: {  	s31 =	sshll.u32 s1, $0xD;
	s1 =	sshrl.u32 s1, $0x2  }
0xb9: {  	s3 =	sand.u32 $0x4000, s31;
	s1 =	sadd.s32 s1, s30  }
0xba: {  	s0 =	sor.u32 s3, s0;
	s1 =	sshll.u32 s1, $0x11  }
0xbb: {  	s0 =	sor.u32 s1, s0  }
0xbc: {  	s0 =	sadd.s32 $0x8F2B, s0  }
0xbd: {  	[sflag:s0] =	ssyncadd.remote.s32 $0x1  }
0xbe: {  	_ =	sfence.sel $0xFFFF  }
0xbf: {  	[dreg:$0x0] =	wrdreg $0xFFFFFFFF;
	(pc) =	sbr.abs _section_cstart, $3  }
0xc0: {  	[dreg:$0x1] =	wrdreg $0xFFFFFFFF  }
0xc1: {  	_ =	task.clear_ibuf [dreg:s6], $0x2FFFF;
	_ =	strace $0x9FFFFFFF  }
0xc2: {  	(tm) =	ssettm $0x7FFFFFFF  }
0xc3: {  	_ =	shalt  }
tec
execute0_lowered:
.L_overlay_start_1:
0x0: {  	(tag) =	ssettag $0x1  }
0x1: {  	s3 =	rddreg [dreg:$0x0]  }
0x2: {  	s1 =	rddreg [dreg:$0x1];
	s2 =	simm.s32 $0x0  }
0x3: {  	s0 =	srdreg.scid;
	s28 =	stileid.u32;
	s29 =	simm.s32 $0x13980  }
0x4: {  	s30 =	simm.s32 $0x3;
	s31 =	simm.s32 $0x13880;
	[smem:$0x7FF] =	sst s2  }
0x5: {  	s4 =	sand.u32 $0x1, s0;
	s5 =	sadd.s32 $0xA03600, s3;
	s7 =	sshll.u32 s28, $0x1  }
0x6: {  	s8 =	smul.u32 $0x270, s28;
	s9 =	sadd.s32 $0x18400, s3;
	p0 =	sne.s32 s28, $0xF  }
0x7: {  	p1 =	sgt.u32 s28, $0x1;
	s0 =	ssub.s32 $0x2, s4;
	s14 =	smul.u32 $0x2710, s4  }
0x8: {  	s6 =	sshrl.u32 s0, $0x1;
	s10 =	sadd.s32 $0x80, s8;
	s16 =	sadd.s32 $0x100, s8  }
0x9: {  	s17 =	sadd.s32 $0x180, s8;
	s18 =	sadd.s32 $0x200, s8;
	s0 =	ssub.s32 s0, s6  }
0xa: {  	s6 =	sor.u32 s4, s7;
	s7 =	smul.u32 $0x4E000, s28;
	s8 =	sadd.s32 s8, s14  }
0xb: {  	s25 =	sadd.s32 s14, s10;
	s15 =	sadd.s32 s14, s16;
	s19 =	sadd.s32 s14, s17  }
0xc: {  	s22 =	sadd.s32 s14, s18;
	s16 =	sshll.u32 s16, $0x7;
	s11 =	sshll.u32 s6, $0x7  }
0xd: {  	s12 =	sshll.u32 s6, $0xB;
	s8 =	sshll.u32 s8, $0x4;
	s21 =	sshll.u32 s19, $0x4  }
0xe: {  	s23 =	sshll.u32 s22, $0x4;
	s16 =	sadd.s32 s16, s1;
	s19 =	sshll.u32 s17, $0x7  }
0xf: {  	s22 =	sshll.u32 s6, $0x4;
	s6 =	simm.s32 $0x2;
	s20 =	sor.u32 $0x1000, s11  }
0x10: {  	s12 =	sadd.s32 s5, s12;
	s11 =	sor.u32 $0x4E000, s11;
	s8 =	sadd.s32 s9, s8  }
0x11: {  	s14 =	sshrl.u32 s7, $0x2;
	s17 =	sadd.s32 s19, s1;
	s7 =	simm.s32 $0x0  }
0x12: {  	s13 =	sshll.u32 s20, $0x4;
	[dreg:$0x3] =	wrdreg s12;
	s26 =	sshll.u32 s11, $0x4  }
0x13: {  	s12 =	sshll.u32 s25, $0x4;
	[dreg:$0x5] =	wrdreg s8;
	s8 =	sshll.u32 s15, $0x4  }
0x14: {  	s15 =	smul.u32 $0x138800, s4;
	s25 =	sshll.u32 s28, $0xC;
	s14 =	sadd.s32 s14, s1  }
0x15: {  	s24 =	sadd.s32 s5, s13;
	s12 =	sadd.s32 s9, s12;
	s8 =	sadd.s32 s9, s8  }
0x16: {  	s26 =	sadd.s32 s5, s26;
	s5 =	sadd.s32 s25, s5;
	[dreg:$0x4] =	wrdreg s24  }
0x17: {  	s13 =	sshll.u32 s28, $0x8;
	s28 =	sadd.s32 $0x138000, s1;
	[dreg:$0x6] =	wrdreg s12  }
0x18: {  	[dreg:$0x7] =	wrdreg s8;
	s8 =	sadd.s32 s9, s21;
	s24 =	sshrl.u32 s15, $0x3  }
0x19: {  	[dreg:$0xa] =	wrdreg s26;
	s12 =	sshll.u32 s4, $0xB;
	s4 =	sshll.u32 s4, $0x7  }
0x1a: {  	s15 =	sshll.u32 s10, $0x7;
	s21 =	sshll.u32 s18, $0x7;
	[dreg:$0x8] =	wrdreg s8  }
0x1b: {  	s8 =	sadd.s32 s9, s23;
	s5 =	sadd.s32 s12, s5;
	s4 =	sor.u32 s4, s13  }
0x1c: {  	s12 =	sadd.s32 $0xE600, s3;
	s3 =	sadd.s32 $0x4800, s3;
	s15 =	sadd.s32 s15, s1  }
0x1d: {  	s18 =	sadd.s32 s21, s1;
	s23 =	sshrl.u32 s20, $0x3;
	[dreg:$0x9] =	wrdreg s8  }
0x1e: {  	s8 =	sadd.s32 s9, s24;
	s19 =	sadd.s32 s12, s22;
	s24 =	sshrl.u32 s11, $0x3  }
0x1f: {  	s20 =	sadd.s32 s12, s23;
	s25 =	sor.u32 $0x3000, s4;
	s23 =	smax.u32 s0, $0x1  }
0x20: {  	s0 =	simm.s32 $0x13900;
	_ =	strace $0x8000004A;
	[dreg:$0xb] =	wrdreg s3  }
0x21: {  	s21 =	sadd.s32 s12, s24;
	s22 =	sadd.s32 $0x27000, s8;
	s26 =	sshrl.u32 s25, $0x3  }
0x22: {  	s24 =	sadd.s32 $0x20000, s5;
	s25 =	sor.u32 $0x2000, s4;
	s3 =	simm.s32 $0x17980  }
0x23: {  	s4 =	simm.s32 $0x1;
	s5 =	simm.s32 $0x80;
	s26 =	sadd.s32 s26, s12  }
.LBB2_1:
0x24: {  	s8 =	rddreg [dreg:$0xb]  }
0x25: {  	[tilespmem:s29], [sflag:$0x3] =	stream.linear.gather [hbm4b:s8+s2], $0x4000, $0x38;
	[tilespmem:$0x1B980] =	vst v63  }
0x26: {  	_ =	swait.ge [sflag:s30], $0x4000  }
0x27: {  	[sflag:s30] =	ssyncset.done $0x0  }
0x28: {  	[sflag:s30] =	ssyncadd.s32 $0xFFFFC000  }
0x29: {  	[spmem:s14] =	stream.linear.scatter [tilespmem:s29], [sflag:$0x3], $0x4000, $0x38;
	[tilespmem:$0x1B980] =	vst v63  }
0x2a: {  	_ =	swait.ge [sflag:s30], $0x4000  }
0x2b: {  	[sflag:s30] =	ssyncset.done $0x0  }
0x2c: {  	[sflag:s30] =	ssyncadd.s32 $0xFFFFC000  }
0x2d: {  	[spmem:s15] =	stream.linear.scatter [tilespmem:s29], [sflag:$0x3], $0x4000, $0x38;
	[tilespmem:$0x1B980] =	vst v63  }
0x2e: {  	_ =	swait.ge [sflag:s30], $0x4000  }
0x2f: {  	[sflag:s30] =	ssyncset.done $0x0  }
0x30: {  	[sflag:s30] =	ssyncadd.s32 $0xFFFFC000  }
0x31: {  	[spmem:s16] =	stream.linear.scatter [tilespmem:s29], [sflag:$0x3], $0x4000, $0x38;
	[tilespmem:$0x1B980] =	vst v63  }
0x32: {  	_ =	swait.ge [sflag:s30], $0x4000  }
0x33: {  	[sflag:s30] =	ssyncset.done $0x0  }
0x34: {  	[sflag:s30] =	ssyncadd.s32 $0xFFFFC000  }
0x35: {  	[spmem:s17] =	stream.linear.scatter [tilespmem:s29], [sflag:$0x3], $0x4000, $0x38;
	[tilespmem:$0x1B980] =	vst v63  }
0x36: {  	_ =	swait.ge [sflag:s30], $0x4000  }
0x37: {  	[sflag:s30] =	ssyncset.done $0x0  }
0x38: {  	[sflag:s30] =	ssyncadd.s32 $0xFFFFC000  }
0x39: {  	[spmem:s18] =	stream.linear.scatter [tilespmem:s29], [sflag:$0x3], $0x3800, $0x38;
	[tilespmem:$0x1B980] =	vst v63  }
0x3a: {  	_ =	swait.ge [sflag:s30], $0x3800  }
0x3b: {  	[sflag:s30] =	ssyncset.done $0x0  }
0x3c: {  	s8 =	simm.s32 @!p0 $0x13980;
	[sflag:s30] =	ssyncadd.s32 $0xFFFFC800  }
0x3d: {  	[spmem:s28] =	stream.linear.scatter @!p0 [tilespmem:s8], [sflag:$0x3], $0x800, $0x38;
	[tilespmem:$0x1B980] =	vst v63  }
0x3e: {  	s8 =	simm.s32 @!p0 $0x3  }
0x3f: {  	_ =	swait.ge @!p0 [sflag:s8], $0x800  }
0x40: {  	[sflag:s8] =	ssyncset.done @!p0 $0x0  }
0x41: {  	[sflag:s8] =	ssyncadd.s32 @!p0 $0xFFFFF800  }
0x42: {  	[tilespmem:s31], [sflag:$0x1] =	stream.linear.gather [hbm4b:s19+s2], $0x80, $0x38;
	[tilespmem:$0x1B980] =	vst v63  }
0x43: {  	s9 =	rddreg [dreg:$0x3]  }
0x44: {  	[tilespmem:s29], [sflag:$0x1] =	stream.linear.gather [hbm4b:s9+s2], $0x4000, $0x38;
	[tilespmem:$0x1B980] =	vst v63  }
0x45: {  	_ = 	snop  }
0x46: {  	[tilespmem:s0], [sflag:$0x2] =	stream.linear.gather [hbm4b:s20+s2], $0x80, $0x38;
	[tilespmem:$0x1B980] =	vst v63  }
0x47: {  	s10 =	rddreg [dreg:$0x4]  }
0x48: {  	[tilespmem:s3], [sflag:$0x2] =	stream.linear.gather [hbm4b:s10+s2], $0x4000, $0x38;
	[tilespmem:$0x1B980] =	vst v63  }
0x49: {  	[bflag:$0x0] =	sbarrier.arrive $0xFFFF  }
0x4a: {  	_ =	swait.ge [sflag:s4], $0x80  }
0x4b: {  	[sflag:s4] =	ssyncset.done $0x0  }
0x4c: {  	[sflag:s4] =	ssyncadd.s32 $0xFFFFFF80  }
0x4d: {  	_ =	swait.ge [sflag:s4], $0x4000  }
0x4e: {  	[sflag:s4] =	ssyncset.done $0x0  }
0x4f: {  	[sflag:s4] =	ssyncadd.s32 $0xFFFFC000  }
0x50: {  	[spmem:s1] =	stream.indirect.scatter.add.f32 [tilespmem:s29], [sflag:$0x3], $0x80, s31, s5, $0xb8;
	[tilespmem:$0x1B980] =	vst v63  }
0x51: {  	_ =	swait.ge [sflag:s30], $0x4000  }
0x52: {  	s11 =	sshrl.u32 s25, $0x3;
	[sflag:s30] =	ssyncset.done $0x0  }
0x53: {  	s8 =	sadd.s32 s12, s11;
	[sflag:s30] =	ssyncadd.s32 $0xFFFFC000  }
0x54: {  	[tilespmem:s31], [sflag:$0x1] =	stream.linear.gather [hbm4b:s8+s2], $0x80, $0x38;
	[tilespmem:$0x1B980] =	vst v63  }
0x55: {  	_ = 	snop  }
0x56: {  	[tilespmem:s29], [sflag:$0x1] =	stream.linear.gather [hbm4b:s24+s2], $0x4000, $0x38;
	[tilespmem:$0x1B980] =	vst v63  }
0x57: {  	_ =	swait.ge [sflag:s6], $0x80  }
0x58: {  	[sflag:s6] =	ssyncset.done $0x0  }
0x59: {  	[sflag:s6] =	ssyncadd.s32 $0xFFFFFF80  }
0x5a: {  	_ =	swait.ge [sflag:s6], $0x4000  }
0x5b: {  	[sflag:s6] =	ssyncset.done $0x0  }
0x5c: {  	[sflag:s6] =	ssyncadd.s32 $0xFFFFC000  }
0x5d: {  	[spmem:s1] =	stream.indirect.scatter.add.f32 [tilespmem:s3], [sflag:$0x3], $0x80, s0, s5, $0xb8;
	[tilespmem:$0x1B980] =	vst v63  }
0x5e: {  	s13 =	sadd.s32 $0x0, s26;
	_ =	swait.ge [sflag:s30], $0x4000  }
0x5f: {  	s11 =	sadd.s32 $0x10000, s24;
	s9 =	sadd.s32 $0x20000, s24;
	[sflag:s30] =	ssyncset.done $0x0  }
0x60: {  	s10 =	sadd.s32 $0x2000, s25;
	s8 =	simm.s32 $0x400;
	[sflag:s30] =	ssyncadd.s32 $0xFFFFC000  }
0x61: {  	[tilespmem:s0], [sflag:$0x2] =	stream.linear.gather [hbm4b:s13+s2], $0x80, $0x38;
	[tilespmem:$0x1B980] =	vst v63  }
.LBB2_2:
0x62: {  	[tilespmem:s3], [sflag:$0x2] =	stream.linear.gather [hbm4b:s11+s2], $0x4000, $0x38;
	[tilespmem:$0x1B980] =	vst v63  }
0x63: {  	s11 =	smov.u32 s8  }
0x64: {  	p2 =	sne.s32 s8, $0x9400;
	s8 =	sadd.s32 $0x400, s8;
	_ =	swait.ge [sflag:s4], $0x80  }
0x65: {  	[sflag:s4] =	ssyncset.done $0x0  }
0x66: {  	[sflag:s4] =	ssyncadd.s32 $0xFFFFFF80  }
0x67: {  	_ =	swait.ge [sflag:s4], $0x4000  }
0x68: {  	[sflag:s4] =	ssyncset.done $0x0  }
0x69: {  	[sflag:s4] =	ssyncadd.s32 $0xFFFFC000  }
0x6a: {  	[spmem:s1] =	stream.indirect.scatter.add.f32 [tilespmem:s29], [sflag:$0x3], $0x80, s31, s5, $0xb8;
	[tilespmem:$0x1B980] =	vst v63  }
0x6b: {  	_ =	swait.ge [sflag:s30], $0x4000  }
0x6c: {  	s13 =	sshrl.u32 s10, $0x3;
	[sflag:s30] =	ssyncset.done $0x0  }
0x6d: {  	s13 =	sadd.s32 s12, s13;
	[sflag:s30] =	ssyncadd.s32 $0xFFFFC000  }
0x6e: {  	[tilespmem:s31], [sflag:$0x1] =	stream.linear.gather [hbm4b:s13+s2], $0x80, $0x38;
	[tilespmem:$0x1B980] =	vst v63  }
0x6f: {  	_ = 	snop  }
0x70: {  	[tilespmem:s29], [sflag:$0x1] =	stream.linear.gather [hbm4b:s9+s2], $0x4000, $0x38;
	[tilespmem:$0x1B980] =	vst v63  }
0x71: {  	_ =	swait.ge [sflag:s6], $0x80  }
0x72: {  	[sflag:s6] =	ssyncset.done $0x0  }
0x73: {  	[sflag:s6] =	ssyncadd.s32 $0xFFFFFF80  }
0x74: {  	_ =	swait.ge [sflag:s6], $0x4000  }
0x75: {  	[sflag:s6] =	ssyncset.done $0x0  }
0x76: {  	[sflag:s6] =	ssyncadd.s32 $0xFFFFC000  }
0x77: {  	[spmem:s1] =	stream.indirect.scatter.add.f32 [tilespmem:s3], [sflag:$0x3], $0x80, s0, s5, $0xb8;
	[tilespmem:$0x1B980] =	vst v63  }
.Ltmp0:
0x78: {  	_ =	swait.ge [sflag:s30], $0x4000;
	(pc) =	sbr.rel @p2 .LBB2_2-.Ltmp0, $4  }
0x79: {  	[sflag:s30] =	ssyncset.done $0x0  }
0x7a: {  	s11 =	sadd.s32 s11, s26;
	[sflag:s30] =	ssyncadd.s32 $0xFFFFC000  }
0x7b: {  	[tilespmem:s0], [sflag:$0x2] =	stream.linear.gather [hbm4b:s11+s2], $0x80, $0x38;
	[tilespmem:$0x1B980] =	vst v63  }
0x7c: {  	s10 =	sadd.s32 $0x2000, s10;
	s11 =	sadd.s32 $0x10000, s9;
	s9 =	sadd.s32 $0x20000, s9  }
0x7d: {  	[tilespmem:s3], [sflag:$0x2] =	stream.linear.gather [hbm4b:s11+s2], $0x4000, $0x38;
	[tilespmem:$0x1B980] =	vst v63  }
0x7e: {  	_ =	swait.ge [sflag:s4], $0x80  }
0x7f: {  	[sflag:s4] =	ssyncset.done $0x0  }
0x80: {  	[sflag:s4] =	ssyncadd.s32 $0xFFFFFF80  }
0x81: {  	_ =	swait.ge [sflag:s4], $0x4000  }
0x82: {  	[sflag:s4] =	ssyncset.done $0x0  }
0x83: {  	[sflag:s4] =	ssyncadd.s32 $0xFFFFC000  }
0x84: {  	[spmem:s1] =	stream.indirect.scatter.add.f32 [tilespmem:s29], [sflag:$0x3], $0x80, s31, s5, $0xb8;
	[tilespmem:$0x1B980] =	vst v63  }
0x85: {  	_ =	swait.ge [sflag:s30], $0x4000  }
0x86: {  	[sflag:s30] =	ssyncset.done $0x0  }
0x87: {  	[sflag:s30] =	ssyncadd.s32 $0xFFFFC000  }
0x88: {  	_ =	swait.ge [sflag:s6], $0x80  }
0x89: {  	[sflag:s6] =	ssyncset.done $0x0  }
0x8a: {  	[sflag:s6] =	ssyncadd.s32 $0xFFFFFF80  }
0x8b: {  	_ =	swait.ge [sflag:s6], $0x4000  }
0x8c: {  	[sflag:s6] =	ssyncset.done $0x0  }
0x8d: {  	[sflag:s6] =	ssyncadd.s32 $0xFFFFC000  }
0x8e: {  	[spmem:s1] =	stream.indirect.scatter.add.f32 [tilespmem:s3], [sflag:$0x3], $0x80, s0, s5, $0xb8;
	[tilespmem:$0x1B980] =	vst v63  }
0x8f: {  	_ =	swait.ge [sflag:s30], $0x4000  }
0x90: {  	s8 =	simm.s32 @!p1 $0x0;
	[sflag:s30] =	ssyncset.done $0x0  }
0x91: {  	s9 =	simm.s32 @!p1 $0x13880;
	s10 =	simm.s32 @!p1 $0x3;
	[sflag:s30] =	ssyncadd.s32 $0xFFFFC000  }
0x92: {  	[tilespmem:s9], [sflag:$0x3] =	stream.linear.gather @!p1 [hbm4b:s21+s8], $0x80, $0x38;
	[tilespmem:$0x1B980] =	vst v63  }
0x93: {  	_ =	swait.ge @!p1 [sflag:s10], $0x80  }
0x94: {  	[sflag:s10] =	ssyncset.done @!p1 $0x0  }
0x95: {  	s11 =	simm.s32 @!p1 $0x13980;
	s13 =	rddreg [dreg:$0xa];
	[sflag:s10] =	ssyncadd.s32 @!p1 $0xFFFFFF80  }
0x96: {  	[tilespmem:s11], [sflag:$0x3] =	stream.linear.gather @!p1 [hbm4b:s13+s8], $0x4000, $0x38;
	[tilespmem:$0x1B980] =	vst v63  }
0x97: {  	_ =	swait.ge @!p1 [sflag:s10], $0x4000  }
0x98: {  	[sflag:s10] =	ssyncset.done @!p1 $0x0  }
0x99: {  	s8 =	simm.s32 @!p1 $0x80;
	[sflag:s10] =	ssyncadd.s32 @!p1 $0xFFFFC000  }
0x9a: {  	[spmem:s1] =	stream.indirect.scatter.add.f32 @!p1 [tilespmem:s11], [sflag:$0x3], $0x80, s9, s8, $0xb8;
	[tilespmem:$0x1B980] =	vst v63  }
0x9b: {  	_ =	swait.ge @!p1 [sflag:s10], $0x4000  }
0x9c: {  	[sflag:s10] =	ssyncset.done @!p1 $0x0  }
0x9d: {  	[sflag:s10] =	ssyncadd.s32 @!p1 $0xFFFFC000  }
0x9e: {  	[bflag:$0x0] =	sbarrier.arrive $0xFFFF  }
0x9f: {  	[tilespmem:s29], [sflag:$0x3] =	stream.linear.gather [spmem:s14], $0x4000, $0x38;
	[tilespmem:$0x1B980] =	vst v63  }
0xa0: {  	_ =	swait.ge [sflag:s30], $0x4000  }
0xa1: {  	[sflag:s30] =	ssyncset.done $0x0  }
0xa2: {  	s13 =	rddreg [dreg:$0x5];
	[sflag:s30] =	ssyncadd.s32 $0xFFFFC000  }
0xa3: {  	[hbm4b:s13+s2] =	stream.linear.scatter [tilespmem:s29], [sflag:$0x3], $0x4000, $0x38;
	[tilespmem:$0x1B980] =	vst v63  }
0xa4: {  	_ =	swait.ge [sflag:s30], $0x4000  }
0xa5: {  	[sflag:s30] =	ssyncset.done $0x0  }
0xa6: {  	[sflag:s30] =	ssyncadd.s32 $0xFFFFC000  }
0xa7: {  	[tilespmem:s29], [sflag:$0x3] =	stream.linear.gather [spmem:s15], $0x4000, $0x38;
	[tilespmem:$0x1B980] =	vst v63  }
0xa8: {  	_ =	swait.ge [sflag:s30], $0x4000  }
0xa9: {  	[sflag:s30] =	ssyncset.done $0x0  }
0xaa: {  	s9 =	rddreg [dreg:$0x6];
	[sflag:s30] =	ssyncadd.s32 $0xFFFFC000  }
0xab: {  	[hbm4b:s9+s2] =	stream.linear.scatter [tilespmem:s29], [sflag:$0x3], $0x4000, $0x38;
	[tilespmem:$0x1B980] =	vst v63  }
0xac: {  	_ =	swait.ge [sflag:s30], $0x4000  }
0xad: {  	[sflag:s30] =	ssyncset.done $0x0  }
0xae: {  	[sflag:s30] =	ssyncadd.s32 $0xFFFFC000  }
0xaf: {  	[tilespmem:s29], [sflag:$0x3] =	stream.linear.gather [spmem:s16], $0x4000, $0x38;
	[tilespmem:$0x1B980] =	vst v63  }
0xb0: {  	_ =	swait.ge [sflag:s30], $0x4000  }
0xb1: {  	[sflag:s30] =	ssyncset.done $0x0  }
0xb2: {  	s10 =	rddreg [dreg:$0x7];
	[sflag:s30] =	ssyncadd.s32 $0xFFFFC000  }
0xb3: {  	[hbm4b:s10+s2] =	stream.linear.scatter [tilespmem:s29], [sflag:$0x3], $0x4000, $0x38;
	[tilespmem:$0x1B980] =	vst v63  }
0xb4: {  	_ =	swait.ge [sflag:s30], $0x4000  }
0xb5: {  	[sflag:s30] =	ssyncset.done $0x0  }
0xb6: {  	[sflag:s30] =	ssyncadd.s32 $0xFFFFC000  }
0xb7: {  	[tilespmem:s29], [sflag:$0x3] =	stream.linear.gather [spmem:s17], $0x4000, $0x38;
	[tilespmem:$0x1B980] =	vst v63  }
0xb8: {  	_ =	swait.ge [sflag:s30], $0x4000  }
0xb9: {  	[sflag:s30] =	ssyncset.done $0x0  }
0xba: {  	s11 =	rddreg [dreg:$0x8];
	[sflag:s30] =	ssyncadd.s32 $0xFFFFC000  }
0xbb: {  	[hbm4b:s11+s2] =	stream.linear.scatter [tilespmem:s29], [sflag:$0x3], $0x4000, $0x38;
	[tilespmem:$0x1B980] =	vst v63  }
0xbc: {  	_ =	swait.ge [sflag:s30], $0x4000  }
0xbd: {  	[sflag:s30] =	ssyncset.done $0x0  }
0xbe: {  	[sflag:s30] =	ssyncadd.s32 $0xFFFFC000  }
0xbf: {  	[tilespmem:s29], [sflag:$0x3] =	stream.linear.gather [spmem:s18], $0x3800, $0x38;
	[tilespmem:$0x1B980] =	vst v63  }
0xc0: {  	_ =	swait.ge [sflag:s30], $0x3800  }
0xc1: {  	[sflag:s30] =	ssyncset.done $0x0  }
0xc2: {  	s13 =	rddreg [dreg:$0x9];
	[sflag:s30] =	ssyncadd.s32 $0xFFFFC800  }
0xc3: {  	[hbm4b:s13+s2] =	stream.linear.scatter [tilespmem:s29], [sflag:$0x3], $0x3800, $0x38;
	[tilespmem:$0x1B980] =	vst v63  }
0xc4: {  	_ =	swait.ge [sflag:s30], $0x3800  }
0xc5: {  	[sflag:s30] =	ssyncset.done $0x0  }
0xc6: {  	s8 =	simm.s32 @!p0 $0x13980;
	s9 =	simm.s32 @!p0 $0x3;
	[sflag:s30] =	ssyncadd.s32 $0xFFFFC800  }
0xc7: {  	[tilespmem:s8], [sflag:$0x3] =	stream.linear.gather @!p0 [spmem:s28], $0x800, $0x38;
	[tilespmem:$0x1B980] =	vst v63  }
0xc8: {  	s7 =	sadd.s32 $0x1, s7;
	_ =	swait.ge @!p0 [sflag:s9], $0x800  }
0xc9: {  	p2 =	sne.s32 s7, s23;
	[sflag:s9] =	ssyncset.done @!p0 $0x0  }
.Ltmp1:
0xca: {  	s10 =	simm.s32 @!p0 $0x0;
	[sflag:s9] =	ssyncadd.s32 @!p0 $0xFFFFF800;
	(pc) =	sbr.rel @p2 .LBB2_1-.Ltmp1, $4  }
0xcb: {  	[hbm4b:s22+s10] =	stream.linear.scatter @!p0 [tilespmem:s8], [sflag:$0x3], $0x800, $0x38;
	[tilespmem:$0x1B980] =	vst v63  }
0xcc: {  	_ =	swait.ge @!p0 [sflag:s9], $0x800  }
0xcd: {  	[sflag:s9] =	ssyncset.done @!p0 $0x0  }
0xce: {  	[sflag:s9] =	ssyncadd.s32 @!p0 $0xFFFFF800  }
0xcf: {  	_ =	sfence.sel $0x180000  }
0xd0: {  	[bflag:$0x0] =	sbarrier.arrive $0xFFFF  }
0xd1: {  	_ =	strace $0x9000004A  }
0xd2: {  	s0 =	stileid.u32;
	[bflag:$0x2] =	sbarrier.arrive $0xFFFF  }
0xd3: {  	p0 =	sne.s32 s0, $0x0;
	s0 =	rddreg [dreg:$0x2]  }
0xd4: {  	s0 =	sadd.s32 @!p0 $0x100000, s0  }
0xd5: {  	[sflag:s0] =	ssyncadd.tile.s32 @!p0 $0x1;
	_ =	shalt  }
.Lfunc_end2:
_tile_overlayer_lowered:
.L_overlay_start_2:
0xd6: {  	(tag) =	ssettag $0x2  }
0xd7: {  	s0 =	rddreg [dreg:$0x0];
	s2 =	stileid.u32  }
0xd8: {  	s1 =	rddreg [dreg:$0x1];
	p0 =	sne.s32 s2, $0x0  }
0xd9: {  	s3 =	rddreg [dreg:$0x2];
	[bflag:$0x3] =	sbarrier.arrive $0xFFFF;
	s2 =	simm.s32 @!p0 $0x1C03  }
0xda: {  	[timem:s3], [sflag:s2] =	dma.local @!p0 [hbm:s0], s1  }
0xdb: {  	s0 =	simm.s32 @!p0 $0x3  }
0xdc: {  	_ =	swait.ge @!p0 [sflag:s0], s1  }
0xdd: {  	s1 =	ssub.s32 @!p0 $0x0, s1;
	[sflag:s0] =	ssyncset.done @!p0 $0x0  }
0xde: {  	[sflag:s0] =	ssyncadd.s32 @!p0 s1  }
0xdf: {  	[bflag:$0x3] =	sbarrier.arrive $0xFFFF  }
0xe0: {  	_ =	shalt  }

// kernel: kernel.19.cloned.1.call-start
scs
__scs_entry_jumppad:
0x0: {  	(pc) =	sbr.rel $0x88, $3  }
0x1: {  	(tag) =	ssettag $0x0;
	lr =	simm.s32 $0x1  }
0x2: {  	[smem:$0x3F8E] =	sst lr;
	_ =	strace $0xD0000000  }
0x3: {  	_ = 	snop  }
0x4: {  	_ = 	snop  }
0x5: {  	_ = 	snop  }
0x6: {  	_ = 	snop  }
0x7: {  	_ = 	snop  }
__scs_overlays_trampoline_lowered:
0x8: {  	[smem:$0x3F9D] =	sst s0  }
0x9: {  	[smem:$0x3F9E] =	sst s1  }
0xa: {  	[smem:$0x3F9F] =	sst s2  }
0xb: {  	[smem:$0x3FA0] =	sst s3  }
0xc: {  	[smem:$0x3FA1] =	sst s4  }
0xd: {  	[smem:$0x3FA2] =	sst s5  }
0xe: {  	[smem:$0x3FA3] =	sst s6  }
0xf: {  	[smem:$0x3FA4] =	sst s7  }
0x10: {  	[smem:$0x3FA5] =	sst s8  }
0x11: {  	[smem:$0x3FA6] =	sst s9;
	s0 =	simm.s32 @!p0 $0x0  }
0x12: {  	s1 =	sld [smem:$0x3F8C];
	s0 =	simm.s32 @p0 $0x1  }
0x13: {  	[smem:$0x3FA7] =	sst s0;
	s0 =	simm.s32 @!p1 $0x0  }
0x14: {  	s2 =	sld [smem:$0x3F8B];
	s0 =	simm.s32 @p1 $0x1  }
0x15: {  	[smem:$0x3FA8] =	sst s0;
	s0 =	simm.s32 @!p2 $0x0  }
0x16: {  	s3 =	sld [smem:$0x3FDB];
	s0 =	simm.s32 @p2 $0x1  }
0x17: {  	s4 =	simm.s32 $0x1BF5;
	[smem:$0x3FAA] =	sst s0  }
0x18: {  	s0 =	sld [smem:$0x3F8D];
	_ =	swait.ge [sflag:s4], $0x0  }
0x19: {  	s7 =	sld [smem:$0x3F8E]  }
0x1a: {  	s8 =	sadd.s32 $0xFFFFE003, lr  }
0x1b: {  	s9 =	sadd.s32 $0xFFFFFEF7, lr;
	s5 =	simm.s32 $0xFFFFFFFF;
	p2 =	slt.u32 s8, $0xFFFFF086  }
0x1c: {  	p1 =	slt.u32 s9, $0xF7A;
	s5 =	simm.s32 @!p2 $0x0  }
0x1d: {  	s5 =	simm.s32 @p1 $0x1;
	p0 =	seq.s32 s7, s2  }
0x1e: {  	s7 =	smul.u32 @!p0 $0xF7A, s2;
	p2 =	seq.s32 @!p0 s5, $0x0  }
0x1f: {  	s9 =	smul.u32 $0xF7A, s1;
	s8 =	simm.s32 @!p0 $0x1BF5;
	p2 =	por !p2, p0  }
0x20: {  	[sflag:s8] =	ssyncset.s32 @!p0 $0xFFFFF086;
	s6 =	sadd.s32 @!p0 s3, s7;
	s7 =	simm.s32 @!p0 $0x108  }
0x21: {  	s3 =	sadd.s32 s3, s9;
	s6 =	sadd.s32 @!p0 $0x88, s6;
	s7 =	simm.s32 @p2 $0x1082  }
0x22: {  	[simem:s7], [sflag:s8] =	dma.local @!p0 [hbm:s6], $0xF7A  }
0x23: {  	s9 =	sor.u32 $0xD0000000, s2;
	s6 =	simm.s32 $0x108;
	_ =	swait.ge @!p0 [sflag:s8], $0x0  }
0x24: {  	s3 =	sadd.s32 $0x88, s3;
	s6 =	simm.s32 @!p1 $0x1082;
	[sflag:s4] =	ssyncset.s32 $0xFFFFF086  }
0x25: {  	[simem:s6], [sflag:s4] =	dma.local [hbm:s3], $0xF7A  }
0x26: {  	[smem:$0x3F8E] =	sst s1;
	(tag) =	ssettag s2;
	_ =	strace s9  }
0x27: {  	s1 =	sld [smem:$0x3F9E]  }
0x28: {  	s2 =	sld [smem:$0x3F9F]  }
0x29: {  	s4 =	sld [smem:$0x3FA1]  }
0x2a: {  	p0 =	seq.s32 s5, $0x0;
	s5 =	sld [smem:$0x3FA2]  }
0x2b: {  	s6 =	sld [smem:$0x3FA3]  }
0x2c: {  	s7 =	sld [smem:$0x3FA4]  }
0x2d: {  	s3 =	simm.s32 $0x108;
	s8 =	sld [smem:$0x3FA5]  }
0x2e: {  	s3 =	simm.s32 @!p0 $0x1082;
	s9 =	sld [smem:$0x3FA6]  }
0x2f: {  	lr =	sadd.s32 s0, s3;
	s0 =	sld [smem:$0x3F9D]  }
0x30: {  	s3 =	sld [smem:$0x3FA0]  }
0x31: {  	[smem:$0x3FA9] =	sst s10  }
0x32: {  	s10 =	sld [smem:$0x3FA7];
	_ =	sdelay $0x3  }
0x33: {  	p0 =	seq.s32 s10, $0x1;
	s10 =	sld [smem:$0x3FA9];
	_ =	sdelay $0x3  }
0x34: {  	[smem:$0x3FA9] =	sst s10  }
0x35: {  	s10 =	sld [smem:$0x3FA8];
	_ =	sdelay $0x3  }
0x36: {  	p1 =	seq.s32 s10, $0x1;
	s10 =	sld [smem:$0x3FA9];
	_ =	sdelay $0x3  }
0x37: {  	[smem:$0x3FA9] =	sst s10  }
0x38: {  	s10 =	sld [smem:$0x3FAA]  }
0x39: {  	_ = 	snop;
	(pc) =	sbr.ind lr, $3  }
0x3a: {  	_ = 	snop  }
0x3b: {  	_ = 	snop  }
0x3c: {  	p2 =	seq.s32 s10, $0x1;
	s10 =	sld [smem:$0x3FA9]  }
0x3d: {  	_ =	shalt  }
0x3e: {  	_ =	shalt  }
0x3f: {  	_ =	shalt  }
0x40: {  	_ =	shalt  }
0x41: {  	_ =	shalt  }
0x42: {  	_ =	shalt  }
0x43: {  	_ =	shalt  }
0x44: {  	_ =	shalt  }
0x45: {  	_ =	shalt  }
0x46: {  	_ =	shalt  }
0x47: {  	_ =	shalt  }
0x48: {  	_ =	shalt  }
0x49: {  	_ =	shalt  }
0x4a: {  	_ =	shalt  }
0x4b: {  	_ =	shalt  }
0x4c: {  	_ =	shalt  }
0x4d: {  	_ =	shalt  }
0x4e: {  	_ =	shalt  }
0x4f: {  	_ =	shalt  }
0x50: {  	_ =	shalt  }
0x51: {  	_ =	shalt  }
0x52: {  	_ =	shalt  }
0x53: {  	_ =	shalt  }
0x54: {  	_ =	shalt  }
0x55: {  	_ =	shalt  }
0x56: {  	_ =	shalt  }
0x57: {  	_ =	shalt  }
0x58: {  	_ =	shalt  }
0x59: {  	_ =	shalt  }
0x5a: {  	_ =	shalt  }
0x5b: {  	_ =	shalt  }
0x5c: {  	_ =	shalt  }
0x5d: {  	_ =	shalt  }
0x5e: {  	_ =	shalt  }
0x5f: {  	_ =	shalt  }
0x60: {  	_ =	shalt  }
0x61: {  	_ =	shalt  }
0x62: {  	_ =	shalt  }
0x63: {  	_ =	shalt  }
0x64: {  	_ =	shalt  }
0x65: {  	_ =	shalt  }
0x66: {  	_ =	shalt  }
0x67: {  	_ =	shalt  }
0x68: {  	_ =	shalt  }
0x69: {  	_ =	shalt  }
0x6a: {  	_ =	shalt  }
0x6b: {  	_ =	shalt  }
0x6c: {  	_ =	shalt  }
0x6d: {  	_ =	shalt  }
0x6e: {  	_ =	shalt  }
0x6f: {  	_ =	shalt  }
0x70: {  	_ =	shalt  }
0x71: {  	_ =	shalt  }
0x72: {  	_ =	shalt  }
0x73: {  	_ =	shalt  }
0x74: {  	_ =	shalt  }
0x75: {  	_ =	shalt  }
0x76: {  	_ =	shalt  }
0x77: {  	_ =	shalt  }
0x78: {  	_ =	shalt  }
0x79: {  	_ =	shalt  }
0x7a: {  	_ =	shalt  }
0x7b: {  	_ =	shalt  }
0x7c: {  	_ =	shalt  }
0x7d: {  	_ =	shalt  }
0x7e: {  	_ =	shalt  }
0x7f: {  	_ =	shalt  }
0x80: {  	_ =	shalt  }
0x81: {  	_ =	shalt  }
0x82: {  	_ =	shalt  }
0x83: {  	_ =	shalt  }
0x84: {  	_ =	shalt  }
0x85: {  	_ =	shalt  }
0x86: {  	_ =	shalt  }
0x87: {  	_ =	shalt  }
.Lfunc_end0:
.L_simem_size_0:
called_computation.2_lowered:
.L_overlay_start_0:
0x88: {  	s2 =	sld [smem:$0x3FD9]  }
0x89: {  	s3 =	sld [smem:$0x3FFE];
	_ =	sdelay $0x1  }
0x8a: {  	s1 =	srdreg.scid  }
0x8b: {  	s0 =	sand.u32 $0x1, s1  }
0x8c: {  	s16 =	sshll.u32 s0, $0xA;
	s2 =	sadd.s32 s3, s2  }
0x8d: {  	s2 =	sadd.s32 s2, s16  }
0x8e: {  	[smem:$0x3FB5] =	sst s2  }
0x8f: {  	_ = 	snop  }
0x90: {  	(tm) =	ssettm $0x1  }
0x91: {  	s17 =	sld [smem:$0x3FFB];
	_ =	sdelay $0x3  }
0x92: {  	_ =	strace s17  }
0x93: {  	s2 =	sld [smem:$0x3FFC];
	_ =	sdelay $0x3  }
0x94: {  	_ =	strace s2  }
0x95: {  	s2 =	sld [smem:$0x3FFD];
	_ =	sdelay $0x3  }
0x96: {  	_ =	strace s2  }
0x97: {  	_ =	strace $0x8FFFFFFF  }
0x98: {  	s18 =	sld [smem:$0x3FDB];
	_ =	sdelay $0x1  }
0x99: {  	s19 =	simm.s32 $_scs_section_size  }
0x9a: {  	s4 =	simm.s32 $_size__tile_overlayer_lowered;
	s5 =	simm.s32 $_tile_overlayer_lowered  }
0x9b: {  	s22 =	simm.s32 $0x1BFF;
	s21 =	sshll.u32 s5, $0x1;
	s2 =	sadd.s32 s19, s18  }
0x9c: {  	s6 =	simm.s32 $0x0;
	s20 =	sshll.u32 s4, $0x1;
	s4 =	sadd.s32 s21, s2  }
0x9d: {  	[timem:s6], [sflag:s22] =	dma.local [hbm:s4], s20  }
0x9e: {  	_ =	swait.ge [sflag:s22], s20  }
0x9f: {  	s3 =	ssub.s32 $0x0, s20;
	[sflag:s22] =	ssyncset.done $0x0  }
0xa0: {  	[sflag:s22] =	ssyncadd.s32 s3;
	_ =	sdelay $0x1  }
0xa1: {  	s23 =	simm.s32 $0x1B8B  }
0xa2: {  	_ =	swait.ge [sflag:s23], $0x1  }
0xa3: {  	[sflag:s23] =	ssyncset.done $0x0  }
0xa4: {  	s25 =	simm.s32 $0x1B8E;
	s24 =	sld [smem:$0x3FFE];
	[sflag:s23] =	ssyncadd.s32 $0xFFFFFFFF  }
0xa5: {  	s26 =	simm.s32 $execute0_lowered;
	[smem:$0x3FD2] =	sst s25  }
0xa6: {  	s4 =	sshll.u32 s26, $0x1;
	_ =	strace $0x8000004C;
	[dreg:$0x1] =	wrdreg $0xFFFFFFFF  }
0xa7: {  	s28 =	simm.s32 $_size_execute0_lowered;
	s2 =	sadd.s32 s2, s4;
	[dreg:$0x0] =	wrdreg $0x0  }
0xa8: {  	s4 =	sshll.u32 s28, $0x1;
	[dreg:$0x2] =	wrdreg s2  }
0xa9: {  	[dreg:$0x3] =	wrdreg s4  }
0xaa: {  	[dreg:$0x4] =	wrdreg $0xC0  }
0xab: {  	_ =	task [dreg:s6], $0x5FFFF  }
0xac: {  	[dreg:$0x1] =	wrdreg $0xFFFFFFFF  }
0xad: {  	[dreg:$0x0] =	wrdreg $0x60  }
0xae: {  	[dreg:$0x2] =	wrdreg s24  }
0xaf: {  	[dreg:$0x3] =	wrdreg $0x0  }
0xb0: {  	[dreg:$0x4] =	wrdreg $0x9  }
0xb1: {  	_ =	task.clear_ibuf [dreg:s6], $0x5FFFF;
	_ =	strace $0x9000004C  }
0xb2: {  	s29 =	simm.s32 $0x9;
	_ =	strace $0x8000004E  }
0xb3: {  	_ =	swait.ge [sflag:s29], $0x1  }
0xb4: {  	[sflag:s29] =	ssyncadd.s32 $0xFFFFFFFF  }
0xb5: {  	_ =	strace $0x9000004E  }
0xb6: {  	_ =	sfence  }
0xb7: {  	s30 =	sld [smem:$0x0];
	_ =	sdelay $0x2  }
0xb8: {  	s31 =	sshll.u32 s1, $0xD;
	s1 =	sshrl.u32 s1, $0x2  }
0xb9: {  	s3 =	sand.u32 $0x4000, s31;
	s1 =	sadd.s32 s1, s30  }
0xba: {  	s0 =	sor.u32 s3, s0;
	s1 =	sshll.u32 s1, $0x11  }
0xbb: {  	s0 =	sor.u32 s1, s0  }
0xbc: {  	s0 =	sadd.s32 $0x8F2B, s0  }
0xbd: {  	[sflag:s0] =	ssyncadd.remote.s32 $0x1  }
0xbe: {  	_ =	sfence.sel $0xFFFF  }
0xbf: {  	[dreg:$0x0] =	wrdreg $0xFFFFFFFF;
	(pc) =	sbr.abs _section_cstart, $3  }
0xc0: {  	[dreg:$0x1] =	wrdreg $0xFFFFFFFF  }
0xc1: {  	_ =	task.clear_ibuf [dreg:s6], $0x2FFFF;
	_ =	strace $0x9FFFFFFF  }
0xc2: {  	(tm) =	ssettm $0x7FFFFFFF  }
0xc3: {  	_ =	shalt  }
tec
execute0_lowered:
.L_overlay_start_1:
0x0: {  	(tag) =	ssettag $0x1  }
0x1: {  	s3 =	rddreg [dreg:$0x0]  }
0x2: {  	s1 =	rddreg [dreg:$0x1];
	s2 =	simm.s32 $0x0  }
0x3: {  	s0 =	srdreg.scid;
	s28 =	stileid.u32;
	s29 =	simm.s32 $0x13980  }
0x4: {  	s30 =	simm.s32 $0x3;
	s31 =	simm.s32 $0x13880;
	[smem:$0x7FF] =	sst s2  }
0x5: {  	s4 =	sand.u32 $0x1, s0;
	s5 =	sadd.s32 $0x18400, s3;
	s7 =	sshll.u32 s28, $0x1  }
0x6: {  	s8 =	smul.u32 $0x270, s28;
	s9 =	sadd.s32 $0x4FA400, s3;
	p0 =	sne.s32 s28, $0xF  }
0x7: {  	p1 =	sgt.u32 s28, $0x1;
	s0 =	ssub.s32 $0x2, s4;
	s14 =	smul.u32 $0x2710, s4  }
0x8: {  	s6 =	sshrl.u32 s0, $0x1;
	s10 =	sadd.s32 $0x80, s8;
	s16 =	sadd.s32 $0x100, s8  }
0x9: {  	s17 =	sadd.s32 $0x180, s8;
	s18 =	sadd.s32 $0x200, s8;
	s0 =	ssub.s32 s0, s6  }
0xa: {  	s6 =	sor.u32 s4, s7;
	s7 =	smul.u32 $0x4E000, s28;
	s8 =	sadd.s32 s8, s14  }
0xb: {  	s25 =	sadd.s32 s14, s10;
	s15 =	sadd.s32 s14, s16;
	s19 =	sadd.s32 s14, s17  }
0xc: {  	s22 =	sadd.s32 s14, s18;
	s16 =	sshll.u32 s16, $0x7;
	s11 =	sshll.u32 s6, $0x7  }
0xd: {  	s12 =	sshll.u32 s6, $0xB;
	s8 =	sshll.u32 s8, $0x4;
	s21 =	sshll.u32 s19, $0x4  }
0xe: {  	s23 =	sshll.u32 s22, $0x4;
	s16 =	sadd.s32 s16, s1;
	s19 =	sshll.u32 s17, $0x7  }
0xf: {  	s22 =	sshll.u32 s6, $0x4;
	s6 =	simm.s32 $0x2;
	s20 =	sor.u32 $0x1000, s11  }
0x10: {  	s12 =	sadd.s32 s5, s12;
	s11 =	sor.u32 $0x4E000, s11;
	s8 =	sadd.s32 s9, s8  }
0x11: {  	s14 =	sshrl.u32 s7, $0x2;
	s17 =	sadd.s32 s19, s1;
	s7 =	simm.s32 $0x0  }
0x12: {  	s13 =	sshll.u32 s20, $0x4;
	[dreg:$0x3] =	wrdreg s12;
	s26 =	sshll.u32 s11, $0x4  }
0x13: {  	s12 =	sshll.u32 s25, $0x4;
	[dreg:$0x5] =	wrdreg s8;
	s8 =	sshll.u32 s15, $0x4  }
0x14: {  	s15 =	smul.u32 $0x138800, s4;
	s25 =	sshll.u32 s28, $0xC;
	s14 =	sadd.s32 s14, s1  }
0x15: {  	s24 =	sadd.s32 s5, s13;
	s12 =	sadd.s32 s9, s12;
	s8 =	sadd.s32 s9, s8  }
0x16: {  	s26 =	sadd.s32 s5, s26;
	s5 =	sadd.s32 s25, s5;
	[dreg:$0x4] =	wrdreg s24  }
0x17: {  	s13 =	sshll.u32 s28, $0x8;
	s28 =	sadd.s32 $0x138000, s1;
	[dreg:$0x6] =	wrdreg s12  }
0x18: {  	[dreg:$0x7] =	wrdreg s8;
	s8 =	sadd.s32 s9, s21;
	s24 =	sshrl.u32 s15, $0x3  }
0x19: {  	[dreg:$0xa] =	wrdreg s26;
	s12 =	sshll.u32 s4, $0xB;
	s4 =	sshll.u32 s4, $0x7  }
0x1a: {  	s15 =	sshll.u32 s10, $0x7;
	s21 =	sshll.u32 s18, $0x7;
	[dreg:$0x8] =	wrdreg s8  }
0x1b: {  	s8 =	sadd.s32 s9, s23;
	s5 =	sadd.s32 s12, s5;
	s4 =	sor.u32 s4, s13  }
0x1c: {  	s12 =	sadd.s32 $0xE600, s3;
	s3 =	sadd.s32 $0x4800, s3;
	s15 =	sadd.s32 s15, s1  }
0x1d: {  	s18 =	sadd.s32 s21, s1;
	s23 =	sshrl.u32 s20, $0x3;
	[dreg:$0x9] =	wrdreg s8  }
0x1e: {  	s8 =	sadd.s32 s9, s24;
	s19 =	sadd.s32 s12, s22;
	s24 =	sshrl.u32 s11, $0x3  }
0x1f: {  	s20 =	sadd.s32 s12, s23;
	s25 =	sor.u32 $0x3000, s4;
	s23 =	smax.u32 s0, $0x1  }
0x20: {  	s0 =	simm.s32 $0x13900;
	_ =	strace $0x8000004D;
	[dreg:$0xb] =	wrdreg s3  }
0x21: {  	s21 =	sadd.s32 s12, s24;
	s22 =	sadd.s32 $0x27000, s8;
	s26 =	sshrl.u32 s25, $0x3  }
0x22: {  	s24 =	sadd.s32 $0x20000, s5;
	s25 =	sor.u32 $0x2000, s4;
	s3 =	simm.s32 $0x17980  }
0x23: {  	s4 =	simm.s32 $0x1;
	s5 =	simm.s32 $0x80;
	s26 =	sadd.s32 s26, s12  }
.LBB2_1:
0x24: {  	s8 =	rddreg [dreg:$0xb]  }
0x25: {  	[tilespmem:s29], [sflag:$0x3] =	stream.linear.gather [hbm4b:s8+s2], $0x4000, $0x38;
	[tilespmem:$0x1B980] =	vst v63  }
0x26: {  	_ =	swait.ge [sflag:s30], $0x4000  }
0x27: {  	[sflag:s30] =	ssyncset.done $0x0  }
0x28: {  	[sflag:s30] =	ssyncadd.s32 $0xFFFFC000  }
0x29: {  	[spmem:s14] =	stream.linear.scatter [tilespmem:s29], [sflag:$0x3], $0x4000, $0x38;
	[tilespmem:$0x1B980] =	vst v63  }
0x2a: {  	_ =	swait.ge [sflag:s30], $0x4000  }
0x2b: {  	[sflag:s30] =	ssyncset.done $0x0  }
0x2c: {  	[sflag:s30] =	ssyncadd.s32 $0xFFFFC000  }
0x2d: {  	[spmem:s15] =	stream.linear.scatter [tilespmem:s29], [sflag:$0x3], $0x4000, $0x38;
	[tilespmem:$0x1B980] =	vst v63  }
0x2e: {  	_ =	swait.ge [sflag:s30], $0x4000  }
0x2f: {  	[sflag:s30] =	ssyncset.done $0x0  }
0x30: {  	[sflag:s30] =	ssyncadd.s32 $0xFFFFC000  }
0x31: {  	[spmem:s16] =	stream.linear.scatter [tilespmem:s29], [sflag:$0x3], $0x4000, $0x38;
	[tilespmem:$0x1B980] =	vst v63  }
0x32: {  	_ =	swait.ge [sflag:s30], $0x4000  }
0x33: {  	[sflag:s30] =	ssyncset.done $0x0  }
0x34: {  	[sflag:s30] =	ssyncadd.s32 $0xFFFFC000  }
0x35: {  	[spmem:s17] =	stream.linear.scatter [tilespmem:s29], [sflag:$0x3], $0x4000, $0x38;
	[tilespmem:$0x1B980] =	vst v63  }
0x36: {  	_ =	swait.ge [sflag:s30], $0x4000  }
0x37: {  	[sflag:s30] =	ssyncset.done $0x0  }
0x38: {  	[sflag:s30] =	ssyncadd.s32 $0xFFFFC000  }
0x39: {  	[spmem:s18] =	stream.linear.scatter [tilespmem:s29], [sflag:$0x3], $0x3800, $0x38;
	[tilespmem:$0x1B980] =	vst v63  }
0x3a: {  	_ =	swait.ge [sflag:s30], $0x3800  }
0x3b: {  	[sflag:s30] =	ssyncset.done $0x0  }
0x3c: {  	s8 =	simm.s32 @!p0 $0x13980;
	[sflag:s30] =	ssyncadd.s32 $0xFFFFC800  }
0x3d: {  	[spmem:s28] =	stream.linear.scatter @!p0 [tilespmem:s8], [sflag:$0x3], $0x800, $0x38;
	[tilespmem:$0x1B980] =	vst v63  }
0x3e: {  	s8 =	simm.s32 @!p0 $0x3  }
0x3f: {  	_ =	swait.ge @!p0 [sflag:s8], $0x800  }
0x40: {  	[sflag:s8] =	ssyncset.done @!p0 $0x0  }
0x41: {  	[sflag:s8] =	ssyncadd.s32 @!p0 $0xFFFFF800  }
0x42: {  	[tilespmem:s31], [sflag:$0x1] =	stream.linear.gather [hbm4b:s19+s2], $0x80, $0x38;
	[tilespmem:$0x1B980] =	vst v63  }
0x43: {  	s9 =	rddreg [dreg:$0x3]  }
0x44: {  	[tilespmem:s29], [sflag:$0x1] =	stream.linear.gather [hbm4b:s9+s2], $0x4000, $0x38;
	[tilespmem:$0x1B980] =	vst v63  }
0x45: {  	_ = 	snop  }
0x46: {  	[tilespmem:s0], [sflag:$0x2] =	stream.linear.gather [hbm4b:s20+s2], $0x80, $0x38;
	[tilespmem:$0x1B980] =	vst v63  }
0x47: {  	s10 =	rddreg [dreg:$0x4]  }
0x48: {  	[tilespmem:s3], [sflag:$0x2] =	stream.linear.gather [hbm4b:s10+s2], $0x4000, $0x38;
	[tilespmem:$0x1B980] =	vst v63  }
0x49: {  	[bflag:$0x0] =	sbarrier.arrive $0xFFFF  }
0x4a: {  	_ =	swait.ge [sflag:s4], $0x80  }
0x4b: {  	[sflag:s4] =	ssyncset.done $0x0  }
0x4c: {  	[sflag:s4] =	ssyncadd.s32 $0xFFFFFF80  }
0x4d: {  	_ =	swait.ge [sflag:s4], $0x4000  }
0x4e: {  	[sflag:s4] =	ssyncset.done $0x0  }
0x4f: {  	[sflag:s4] =	ssyncadd.s32 $0xFFFFC000  }
0x50: {  	[spmem:s1] =	stream.indirect.scatter.add.f32 [tilespmem:s29], [sflag:$0x3], $0x80, s31, s5, $0xb8;
	[tilespmem:$0x1B980] =	vst v63  }
0x51: {  	_ =	swait.ge [sflag:s30], $0x4000  }
0x52: {  	s11 =	sshrl.u32 s25, $0x3;
	[sflag:s30] =	ssyncset.done $0x0  }
0x53: {  	s8 =	sadd.s32 s12, s11;
	[sflag:s30] =	ssyncadd.s32 $0xFFFFC000  }
0x54: {  	[tilespmem:s31], [sflag:$0x1] =	stream.linear.gather [hbm4b:s8+s2], $0x80, $0x38;
	[tilespmem:$0x1B980] =	vst v63  }
0x55: {  	_ = 	snop  }
0x56: {  	[tilespmem:s29], [sflag:$0x1] =	stream.linear.gather [hbm4b:s24+s2], $0x4000, $0x38;
	[tilespmem:$0x1B980] =	vst v63  }
0x57: {  	_ =	swait.ge [sflag:s6], $0x80  }
0x58: {  	[sflag:s6] =	ssyncset.done $0x0  }
0x59: {  	[sflag:s6] =	ssyncadd.s32 $0xFFFFFF80  }
0x5a: {  	_ =	swait.ge [sflag:s6], $0x4000  }
0x5b: {  	[sflag:s6] =	ssyncset.done $0x0  }
0x5c: {  	[sflag:s6] =	ssyncadd.s32 $0xFFFFC000  }
0x5d: {  	[spmem:s1] =	stream.indirect.scatter.add.f32 [tilespmem:s3], [sflag:$0x3], $0x80, s0, s5, $0xb8;
	[tilespmem:$0x1B980] =	vst v63  }
0x5e: {  	s13 =	sadd.s32 $0x0, s26;
	_ =	swait.ge [sflag:s30], $0x4000  }
0x5f: {  	s11 =	sadd.s32 $0x10000, s24;
	s9 =	sadd.s32 $0x20000, s24;
	[sflag:s30] =	ssyncset.done $0x0  }
0x60: {  	s10 =	sadd.s32 $0x2000, s25;
	s8 =	simm.s32 $0x400;
	[sflag:s30] =	ssyncadd.s32 $0xFFFFC000  }
0x61: {  	[tilespmem:s0], [sflag:$0x2] =	stream.linear.gather [hbm4b:s13+s2], $0x80, $0x38;
	[tilespmem:$0x1B980] =	vst v63  }
.LBB2_2:
0x62: {  	[tilespmem:s3], [sflag:$0x2] =	stream.linear.gather [hbm4b:s11+s2], $0x4000, $0x38;
	[tilespmem:$0x1B980] =	vst v63  }
0x63: {  	s11 =	smov.u32 s8  }
0x64: {  	p2 =	sne.s32 s8, $0x9400;
	s8 =	sadd.s32 $0x400, s8;
	_ =	swait.ge [sflag:s4], $0x80  }
0x65: {  	[sflag:s4] =	ssyncset.done $0x0  }
0x66: {  	[sflag:s4] =	ssyncadd.s32 $0xFFFFFF80  }
0x67: {  	_ =	swait.ge [sflag:s4], $0x4000  }
0x68: {  	[sflag:s4] =	ssyncset.done $0x0  }
0x69: {  	[sflag:s4] =	ssyncadd.s32 $0xFFFFC000  }
0x6a: {  	[spmem:s1] =	stream.indirect.scatter.add.f32 [tilespmem:s29], [sflag:$0x3], $0x80, s31, s5, $0xb8;
	[tilespmem:$0x1B980] =	vst v63  }
0x6b: {  	_ =	swait.ge [sflag:s30], $0x4000  }
0x6c: {  	s13 =	sshrl.u32 s10, $0x3;
	[sflag:s30] =	ssyncset.done $0x0  }
0x6d: {  	s13 =	sadd.s32 s12, s13;
	[sflag:s30] =	ssyncadd.s32 $0xFFFFC000  }
0x6e: {  	[tilespmem:s31], [sflag:$0x1] =	stream.linear.gather [hbm4b:s13+s2], $0x80, $0x38;
	[tilespmem:$0x1B980] =	vst v63  }
0x6f: {  	_ = 	snop  }
0x70: {  	[tilespmem:s29], [sflag:$0x1] =	stream.linear.gather [hbm4b:s9+s2], $0x4000, $0x38;
	[tilespmem:$0x1B980] =	vst v63  }
0x71: {  	_ =	swait.ge [sflag:s6], $0x80  }
0x72: {  	[sflag:s6] =	ssyncset.done $0x0  }
0x73: {  	[sflag:s6] =	ssyncadd.s32 $0xFFFFFF80  }
0x74: {  	_ =	swait.ge [sflag:s6], $0x4000  }
0x75: {  	[sflag:s6] =	ssyncset.done $0x0  }
0x76: {  	[sflag:s6] =	ssyncadd.s32 $0xFFFFC000  }
0x77: {  	[spmem:s1] =	stream.indirect.scatter.add.f32 [tilespmem:s3], [sflag:$0x3], $0x80, s0, s5, $0xb8;
	[tilespmem:$0x1B980] =	vst v63  }
.Ltmp0:
0x78: {  	_ =	swait.ge [sflag:s30], $0x4000;
	(pc) =	sbr.rel @p2 .LBB2_2-.Ltmp0, $4  }
0x79: {  	[sflag:s30] =	ssyncset.done $0x0  }
0x7a: {  	s11 =	sadd.s32 s11, s26;
	[sflag:s30] =	ssyncadd.s32 $0xFFFFC000  }
0x7b: {  	[tilespmem:s0], [sflag:$0x2] =	stream.linear.gather [hbm4b:s11+s2], $0x80, $0x38;
	[tilespmem:$0x1B980] =	vst v63  }
0x7c: {  	s10 =	sadd.s32 $0x2000, s10;
	s11 =	sadd.s32 $0x10000, s9;
	s9 =	sadd.s32 $0x20000, s9  }
0x7d: {  	[tilespmem:s3], [sflag:$0x2] =	stream.linear.gather [hbm4b:s11+s2], $0x4000, $0x38;
	[tilespmem:$0x1B980] =	vst v63  }
0x7e: {  	_ =	swait.ge [sflag:s4], $0x80  }
0x7f: {  	[sflag:s4] =	ssyncset.done $0x0  }
0x80: {  	[sflag:s4] =	ssyncadd.s32 $0xFFFFFF80  }
0x81: {  	_ =	swait.ge [sflag:s4], $0x4000  }
0x82: {  	[sflag:s4] =	ssyncset.done $0x0  }
0x83: {  	[sflag:s4] =	ssyncadd.s32 $0xFFFFC000  }
0x84: {  	[spmem:s1] =	stream.indirect.scatter.add.f32 [tilespmem:s29], [sflag:$0x3], $0x80, s31, s5, $0xb8;
	[tilespmem:$0x1B980] =	vst v63  }
0x85: {  	_ =	swait.ge [sflag:s30], $0x4000  }
0x86: {  	[sflag:s30] =	ssyncset.done $0x0  }
0x87: {  	[sflag:s30] =	ssyncadd.s32 $0xFFFFC000  }
0x88: {  	_ =	swait.ge [sflag:s6], $0x80  }
0x89: {  	[sflag:s6] =	ssyncset.done $0x0  }
0x8a: {  	[sflag:s6] =	ssyncadd.s32 $0xFFFFFF80  }
0x8b: {  	_ =	swait.ge [sflag:s6], $0x4000  }
0x8c: {  	[sflag:s6] =	ssyncset.done $0x0  }
0x8d: {  	[sflag:s6] =	ssyncadd.s32 $0xFFFFC000  }
0x8e: {  	[spmem:s1] =	stream.indirect.scatter.add.f32 [tilespmem:s3], [sflag:$0x3], $0x80, s0, s5, $0xb8;
	[tilespmem:$0x1B980] =	vst v63  }
0x8f: {  	_ =	swait.ge [sflag:s30], $0x4000  }
0x90: {  	s8 =	simm.s32 @!p1 $0x0;
	[sflag:s30] =	ssyncset.done $0x0  }
0x91: {  	s9 =	simm.s32 @!p1 $0x13880;
	s10 =	simm.s32 @!p1 $0x3;
	[sflag:s30] =	ssyncadd.s32 $0xFFFFC000  }
0x92: {  	[tilespmem:s9], [sflag:$0x3] =	stream.linear.gather @!p1 [hbm4b:s21+s8], $0x80, $0x38;
	[tilespmem:$0x1B980] =	vst v63  }
0x93: {  	_ =	swait.ge @!p1 [sflag:s10], $0x80  }
0x94: {  	[sflag:s10] =	ssyncset.done @!p1 $0x0  }
0x95: {  	s11 =	simm.s32 @!p1 $0x13980;
	s13 =	rddreg [dreg:$0xa];
	[sflag:s10] =	ssyncadd.s32 @!p1 $0xFFFFFF80  }
0x96: {  	[tilespmem:s11], [sflag:$0x3] =	stream.linear.gather @!p1 [hbm4b:s13+s8], $0x4000, $0x38;
	[tilespmem:$0x1B980] =	vst v63  }
0x97: {  	_ =	swait.ge @!p1 [sflag:s10], $0x4000  }
0x98: {  	[sflag:s10] =	ssyncset.done @!p1 $0x0  }
0x99: {  	s8 =	simm.s32 @!p1 $0x80;
	[sflag:s10] =	ssyncadd.s32 @!p1 $0xFFFFC000  }
0x9a: {  	[spmem:s1] =	stream.indirect.scatter.add.f32 @!p1 [tilespmem:s11], [sflag:$0x3], $0x80, s9, s8, $0xb8;
	[tilespmem:$0x1B980] =	vst v63  }
0x9b: {  	_ =	swait.ge @!p1 [sflag:s10], $0x4000  }
0x9c: {  	[sflag:s10] =	ssyncset.done @!p1 $0x0  }
0x9d: {  	[sflag:s10] =	ssyncadd.s32 @!p1 $0xFFFFC000  }
0x9e: {  	[bflag:$0x0] =	sbarrier.arrive $0xFFFF  }
0x9f: {  	[tilespmem:s29], [sflag:$0x3] =	stream.linear.gather [spmem:s14], $0x4000, $0x38;
	[tilespmem:$0x1B980] =	vst v63  }
0xa0: {  	_ =	swait.ge [sflag:s30], $0x4000  }
0xa1: {  	[sflag:s30] =	ssyncset.done $0x0  }
0xa2: {  	s13 =	rddreg [dreg:$0x5];
	[sflag:s30] =	ssyncadd.s32 $0xFFFFC000  }
0xa3: {  	[hbm4b:s13+s2] =	stream.linear.scatter [tilespmem:s29], [sflag:$0x3], $0x4000, $0x38;
	[tilespmem:$0x1B980] =	vst v63  }
0xa4: {  	_ =	swait.ge [sflag:s30], $0x4000  }
0xa5: {  	[sflag:s30] =	ssyncset.done $0x0  }
0xa6: {  	[sflag:s30] =	ssyncadd.s32 $0xFFFFC000  }
0xa7: {  	[tilespmem:s29], [sflag:$0x3] =	stream.linear.gather [spmem:s15], $0x4000, $0x38;
	[tilespmem:$0x1B980] =	vst v63  }
0xa8: {  	_ =	swait.ge [sflag:s30], $0x4000  }
0xa9: {  	[sflag:s30] =	ssyncset.done $0x0  }
0xaa: {  	s9 =	rddreg [dreg:$0x6];
	[sflag:s30] =	ssyncadd.s32 $0xFFFFC000  }
0xab: {  	[hbm4b:s9+s2] =	stream.linear.scatter [tilespmem:s29], [sflag:$0x3], $0x4000, $0x38;
	[tilespmem:$0x1B980] =	vst v63  }
0xac: {  	_ =	swait.ge [sflag:s30], $0x4000  }
0xad: {  	[sflag:s30] =	ssyncset.done $0x0  }
0xae: {  	[sflag:s30] =	ssyncadd.s32 $0xFFFFC000  }
0xaf: {  	[tilespmem:s29], [sflag:$0x3] =	stream.linear.gather [spmem:s16], $0x4000, $0x38;
	[tilespmem:$0x1B980] =	vst v63  }
0xb0: {  	_ =	swait.ge [sflag:s30], $0x4000  }
0xb1: {  	[sflag:s30] =	ssyncset.done $0x0  }
0xb2: {  	s10 =	rddreg [dreg:$0x7];
	[sflag:s30] =	ssyncadd.s32 $0xFFFFC000  }
0xb3: {  	[hbm4b:s10+s2] =	stream.linear.scatter [tilespmem:s29], [sflag:$0x3], $0x4000, $0x38;
	[tilespmem:$0x1B980] =	vst v63  }
0xb4: {  	_ =	swait.ge [sflag:s30], $0x4000  }
0xb5: {  	[sflag:s30] =	ssyncset.done $0x0  }
0xb6: {  	[sflag:s30] =	ssyncadd.s32 $0xFFFFC000  }
0xb7: {  	[tilespmem:s29], [sflag:$0x3] =	stream.linear.gather [spmem:s17], $0x4000, $0x38;
	[tilespmem:$0x1B980] =	vst v63  }
0xb8: {  	_ =	swait.ge [sflag:s30], $0x4000  }
0xb9: {  	[sflag:s30] =	ssyncset.done $0x0  }
0xba: {  	s11 =	rddreg [dreg:$0x8];
	[sflag:s30] =	ssyncadd.s32 $0xFFFFC000  }
0xbb: {  	[hbm4b:s11+s2] =	stream.linear.scatter [tilespmem:s29], [sflag:$0x3], $0x4000, $0x38;
	[tilespmem:$0x1B980] =	vst v63  }
0xbc: {  	_ =	swait.ge [sflag:s30], $0x4000  }
0xbd: {  	[sflag:s30] =	ssyncset.done $0x0  }
0xbe: {  	[sflag:s30] =	ssyncadd.s32 $0xFFFFC000  }
0xbf: {  	[tilespmem:s29], [sflag:$0x3] =	stream.linear.gather [spmem:s18], $0x3800, $0x38;
	[tilespmem:$0x1B980] =	vst v63  }
0xc0: {  	_ =	swait.ge [sflag:s30], $0x3800  }
0xc1: {  	[sflag:s30] =	ssyncset.done $0x0  }
0xc2: {  	s13 =	rddreg [dreg:$0x9];
	[sflag:s30] =	ssyncadd.s32 $0xFFFFC800  }
0xc3: {  	[hbm4b:s13+s2] =	stream.linear.scatter [tilespmem:s29], [sflag:$0x3], $0x3800, $0x38;
	[tilespmem:$0x1B980] =	vst v63  }
0xc4: {  	_ =	swait.ge [sflag:s30], $0x3800  }
0xc5: {  	[sflag:s30] =	ssyncset.done $0x0  }
0xc6: {  	s8 =	simm.s32 @!p0 $0x13980;
	s9 =	simm.s32 @!p0 $0x3;
	[sflag:s30] =	ssyncadd.s32 $0xFFFFC800  }
0xc7: {  	[tilespmem:s8], [sflag:$0x3] =	stream.linear.gather @!p0 [spmem:s28], $0x800, $0x38;
	[tilespmem:$0x1B980] =	vst v63  }
0xc8: {  	s7 =	sadd.s32 $0x1, s7;
	_ =	swait.ge @!p0 [sflag:s9], $0x800  }
0xc9: {  	p2 =	sne.s32 s7, s23;
	[sflag:s9] =	ssyncset.done @!p0 $0x0  }
.Ltmp1:
0xca: {  	s10 =	simm.s32 @!p0 $0x0;
	[sflag:s9] =	ssyncadd.s32 @!p0 $0xFFFFF800;
	(pc) =	sbr.rel @p2 .LBB2_1-.Ltmp1, $4  }
0xcb: {  	[hbm4b:s22+s10] =	stream.linear.scatter @!p0 [tilespmem:s8], [sflag:$0x3], $0x800, $0x38;
	[tilespmem:$0x1B980] =	vst v63  }
0xcc: {  	_ =	swait.ge @!p0 [sflag:s9], $0x800  }
0xcd: {  	[sflag:s9] =	ssyncset.done @!p0 $0x0  }
0xce: {  	[sflag:s9] =	ssyncadd.s32 @!p0 $0xFFFFF800  }
0xcf: {  	_ =	sfence.sel $0x180000  }
0xd0: {  	[bflag:$0x0] =	sbarrier.arrive $0xFFFF  }
0xd1: {  	_ =	strace $0x9000004D  }
0xd2: {  	s0 =	stileid.u32;
	[bflag:$0x2] =	sbarrier.arrive $0xFFFF  }
0xd3: {  	p0 =	sne.s32 s0, $0x0;
	s0 =	rddreg [dreg:$0x2]  }
0xd4: {  	s0 =	sadd.s32 @!p0 $0x100000, s0  }
0xd5: {  	[sflag:s0] =	ssyncadd.tile.s32 @!p0 $0x1;
	_ =	shalt  }
.Lfunc_end2:
_tile_overlayer_lowered:
.L_overlay_start_2:
0xd6: {  	(tag) =	ssettag $0x2  }
0xd7: {  	s0 =	rddreg [dreg:$0x0];
	s2 =	stileid.u32  }
0xd8: {  	s1 =	rddreg [dreg:$0x1];
	p0 =	sne.s32 s2, $0x0  }
0xd9: {  	s3 =	rddreg [dreg:$0x2];
	[bflag:$0x3] =	sbarrier.arrive $0xFFFF;
	s2 =	simm.s32 @!p0 $0x1C03  }
0xda: {  	[timem:s3], [sflag:s2] =	dma.local @!p0 [hbm:s0], s1  }
0xdb: {  	s0 =	simm.s32 @!p0 $0x3  }
0xdc: {  	_ =	swait.ge @!p0 [sflag:s0], s1  }
0xdd: {  	s1 =	ssub.s32 @!p0 $0x0, s1;
	[sflag:s0] =	ssyncset.done @!p0 $0x0  }
0xde: {  	[sflag:s0] =	ssyncadd.s32 @!p0 s1  }
0xdf: {  	[bflag:$0x3] =	sbarrier.arrive $0xFFFF  }
0xe0: {  	_ =	shalt  }

// kernel: kernel.22.cloned.1.call-start
scs
__scs_entry_jumppad:
0x0: {  	(pc) =	sbr.rel $0x88, $3  }
0x1: {  	(tag) =	ssettag $0x0;
	lr =	simm.s32 $0x1  }
0x2: {  	[smem:$0x3F8E] =	sst lr;
	_ =	strace $0xD0000000  }
0x3: {  	_ = 	snop  }
0x4: {  	_ = 	snop  }
0x5: {  	_ = 	snop  }
0x6: {  	_ = 	snop  }
0x7: {  	_ = 	snop  }
__scs_overlays_trampoline_lowered:
0x8: {  	[smem:$0x3F9D] =	sst s0  }
0x9: {  	[smem:$0x3F9E] =	sst s1  }
0xa: {  	[smem:$0x3F9F] =	sst s2  }
0xb: {  	[smem:$0x3FA0] =	sst s3  }
0xc: {  	[smem:$0x3FA1] =	sst s4  }
0xd: {  	[smem:$0x3FA2] =	sst s5  }
0xe: {  	[smem:$0x3FA3] =	sst s6  }
0xf: {  	[smem:$0x3FA4] =	sst s7  }
0x10: {  	[smem:$0x3FA5] =	sst s8  }
0x11: {  	[smem:$0x3FA6] =	sst s9;
	s0 =	simm.s32 @!p0 $0x0  }
0x12: {  	s1 =	sld [smem:$0x3F8C];
	s0 =	simm.s32 @p0 $0x1  }
0x13: {  	[smem:$0x3FA7] =	sst s0;
	s0 =	simm.s32 @!p1 $0x0  }
0x14: {  	s2 =	sld [smem:$0x3F8B];
	s0 =	simm.s32 @p1 $0x1  }
0x15: {  	[smem:$0x3FA8] =	sst s0;
	s0 =	simm.s32 @!p2 $0x0  }
0x16: {  	s3 =	sld [smem:$0x3FDB];
	s0 =	simm.s32 @p2 $0x1  }
0x17: {  	s4 =	simm.s32 $0x1BF5;
	[smem:$0x3FAA] =	sst s0  }
0x18: {  	s0 =	sld [smem:$0x3F8D];
	_ =	swait.ge [sflag:s4], $0x0  }
0x19: {  	s7 =	sld [smem:$0x3F8E]  }
0x1a: {  	s8 =	sadd.s32 $0xFFFFE003, lr  }
0x1b: {  	s9 =	sadd.s32 $0xFFFFFEF7, lr;
	s5 =	simm.s32 $0xFFFFFFFF;
	p2 =	slt.u32 s8, $0xFFFFF086  }
0x1c: {  	p1 =	slt.u32 s9, $0xF7A;
	s5 =	simm.s32 @!p2 $0x0  }
0x1d: {  	s5 =	simm.s32 @p1 $0x1;
	p0 =	seq.s32 s7, s2  }
0x1e: {  	s7 =	smul.u32 @!p0 $0xF7A, s2;
	p2 =	seq.s32 @!p0 s5, $0x0  }
0x1f: {  	s9 =	smul.u32 $0xF7A, s1;
	s8 =	simm.s32 @!p0 $0x1BF5;
	p2 =	por !p2, p0  }
0x20: {  	[sflag:s8] =	ssyncset.s32 @!p0 $0xFFFFF086;
	s6 =	sadd.s32 @!p0 s3, s7;
	s7 =	simm.s32 @!p0 $0x108  }
0x21: {  	s3 =	sadd.s32 s3, s9;
	s6 =	sadd.s32 @!p0 $0x88, s6;
	s7 =	simm.s32 @p2 $0x1082  }
0x22: {  	[simem:s7], [sflag:s8] =	dma.local @!p0 [hbm:s6], $0xF7A  }
0x23: {  	s9 =	sor.u32 $0xD0000000, s2;
	s6 =	simm.s32 $0x108;
	_ =	swait.ge @!p0 [sflag:s8], $0x0  }
0x24: {  	s3 =	sadd.s32 $0x88, s3;
	s6 =	simm.s32 @!p1 $0x1082;
	[sflag:s4] =	ssyncset.s32 $0xFFFFF086  }
0x25: {  	[simem:s6], [sflag:s4] =	dma.local [hbm:s3], $0xF7A  }
0x26: {  	[smem:$0x3F8E] =	sst s1;
	(tag) =	ssettag s2;
	_ =	strace s9  }
0x27: {  	s1 =	sld [smem:$0x3F9E]  }
0x28: {  	s2 =	sld [smem:$0x3F9F]  }
0x29: {  	s4 =	sld [smem:$0x3FA1]  }
0x2a: {  	p0 =	seq.s32 s5, $0x0;
	s5 =	sld [smem:$0x3FA2]  }
0x2b: {  	s6 =	sld [smem:$0x3FA3]  }
0x2c: {  	s7 =	sld [smem:$0x3FA4]  }
0x2d: {  	s3 =	simm.s32 $0x108;
	s8 =	sld [smem:$0x3FA5]  }
0x2e: {  	s3 =	simm.s32 @!p0 $0x1082;
	s9 =	sld [smem:$0x3FA6]  }
0x2f: {  	lr =	sadd.s32 s0, s3;
	s0 =	sld [smem:$0x3F9D]  }
0x30: {  	s3 =	sld [smem:$0x3FA0]  }
0x31: {  	[smem:$0x3FA9] =	sst s10  }
0x32: {  	s10 =	sld [smem:$0x3FA7];
	_ =	sdelay $0x3  }
0x33: {  	p0 =	seq.s32 s10, $0x1;
	s10 =	sld [smem:$0x3FA9];
	_ =	sdelay $0x3  }
0x34: {  	[smem:$0x3FA9] =	sst s10  }
0x35: {  	s10 =	sld [smem:$0x3FA8];
	_ =	sdelay $0x3  }
0x36: {  	p1 =	seq.s32 s10, $0x1;
	s10 =	sld [smem:$0x3FA9];
	_ =	sdelay $0x3  }
0x37: {  	[smem:$0x3FA9] =	sst s10  }
0x38: {  	s10 =	sld [smem:$0x3FAA]  }
0x39: {  	_ = 	snop;
	(pc) =	sbr.ind lr, $3  }
0x3a: {  	_ = 	snop  }
0x3b: {  	_ = 	snop  }
0x3c: {  	p2 =	seq.s32 s10, $0x1;
	s10 =	sld [smem:$0x3FA9]  }
0x3d: {  	_ =	shalt  }
0x3e: {  	_ =	shalt  }
0x3f: {  	_ =	shalt  }
0x40: {  	_ =	shalt  }
0x41: {  	_ =	shalt  }
0x42: {  	_ =	shalt  }
0x43: {  	_ =	shalt  }
0x44: {  	_ =	shalt  }
0x45: {  	_ =	shalt  }
0x46: {  	_ =	shalt  }
0x47: {  	_ =	shalt  }
0x48: {  	_ =	shalt  }
0x49: {  	_ =	shalt  }
0x4a: {  	_ =	shalt  }
0x4b: {  	_ =	shalt  }
0x4c: {  	_ =	shalt  }
0x4d: {  	_ =	shalt  }
0x4e: {  	_ =	shalt  }
0x4f: {  	_ =	shalt  }
0x50: {  	_ =	shalt  }
0x51: {  	_ =	shalt  }
0x52: {  	_ =	shalt  }
0x53: {  	_ =	shalt  }
0x54: {  	_ =	shalt  }
0x55: {  	_ =	shalt  }
0x56: {  	_ =	shalt  }
0x57: {  	_ =	shalt  }
0x58: {  	_ =	shalt  }
0x59: {  	_ =	shalt  }
0x5a: {  	_ =	shalt  }
0x5b: {  	_ =	shalt  }
0x5c: {  	_ =	shalt  }
0x5d: {  	_ =	shalt  }
0x5e: {  	_ =	shalt  }
0x5f: {  	_ =	shalt  }
0x60: {  	_ =	shalt  }
0x61: {  	_ =	shalt  }
0x62: {  	_ =	shalt  }
0x63: {  	_ =	shalt  }
0x64: {  	_ =	shalt  }
0x65: {  	_ =	shalt  }
0x66: {  	_ =	shalt  }
0x67: {  	_ =	shalt  }
0x68: {  	_ =	shalt  }
0x69: {  	_ =	shalt  }
0x6a: {  	_ =	shalt  }
0x6b: {  	_ =	shalt  }
0x6c: {  	_ =	shalt  }
0x6d: {  	_ =	shalt  }
0x6e: {  	_ =	shalt  }
0x6f: {  	_ =	shalt  }
0x70: {  	_ =	shalt  }
0x71: {  	_ =	shalt  }
0x72: {  	_ =	shalt  }
0x73: {  	_ =	shalt  }
0x74: {  	_ =	shalt  }
0x75: {  	_ =	shalt  }
0x76: {  	_ =	shalt  }
0x77: {  	_ =	shalt  }
0x78: {  	_ =	shalt  }
0x79: {  	_ =	shalt  }
0x7a: {  	_ =	shalt  }
0x7b: {  	_ =	shalt  }
0x7c: {  	_ =	shalt  }
0x7d: {  	_ =	shalt  }
0x7e: {  	_ =	shalt  }
0x7f: {  	_ =	shalt  }
0x80: {  	_ =	shalt  }
0x81: {  	_ =	shalt  }
0x82: {  	_ =	shalt  }
0x83: {  	_ =	shalt  }
0x84: {  	_ =	shalt  }
0x85: {  	_ =	shalt  }
0x86: {  	_ =	shalt  }
0x87: {  	_ =	shalt  }
.Lfunc_end0:
.L_simem_size_0:
called_computation.3_lowered:
.L_overlay_start_0:
0x88: {  	s2 =	sld [smem:$0x3FD9]  }
0x89: {  	s3 =	sld [smem:$0x3FFE];
	_ =	sdelay $0x1  }
0x8a: {  	s1 =	srdreg.scid  }
0x8b: {  	s0 =	sand.u32 $0x1, s1  }
0x8c: {  	s16 =	sshll.u32 s0, $0xA;
	s2 =	sadd.s32 s3, s2  }
0x8d: {  	s2 =	sadd.s32 s2, s16  }
0x8e: {  	[smem:$0x3FB5] =	sst s2  }
0x8f: {  	_ = 	snop  }
0x90: {  	(tm) =	ssettm $0x1  }
0x91: {  	s17 =	sld [smem:$0x3FFB];
	_ =	sdelay $0x3  }
0x92: {  	_ =	strace s17  }
0x93: {  	s2 =	sld [smem:$0x3FFC];
	_ =	sdelay $0x3  }
0x94: {  	_ =	strace s2  }
0x95: {  	s2 =	sld [smem:$0x3FFD];
	_ =	sdelay $0x3  }
0x96: {  	_ =	strace s2  }
0x97: {  	_ =	strace $0x8FFFFFFF  }
0x98: {  	s18 =	sld [smem:$0x3FDB];
	_ =	sdelay $0x1  }
0x99: {  	s19 =	simm.s32 $_scs_section_size  }
0x9a: {  	s4 =	simm.s32 $_size__tile_overlayer_lowered;
	s5 =	simm.s32 $_tile_overlayer_lowered  }
0x9b: {  	s22 =	simm.s32 $0x1BFF;
	s21 =	sshll.u32 s5, $0x1;
	s2 =	sadd.s32 s19, s18  }
0x9c: {  	s6 =	simm.s32 $0x0;
	s20 =	sshll.u32 s4, $0x1;
	s4 =	sadd.s32 s21, s2  }
0x9d: {  	[timem:s6], [sflag:s22] =	dma.local [hbm:s4], s20  }
0x9e: {  	_ =	swait.ge [sflag:s22], s20  }
0x9f: {  	s3 =	ssub.s32 $0x0, s20;
	[sflag:s22] =	ssyncset.done $0x0  }
0xa0: {  	[sflag:s22] =	ssyncadd.s32 s3;
	_ =	sdelay $0x1  }
0xa1: {  	s23 =	simm.s32 $0x1B8B  }
0xa2: {  	_ =	swait.ge [sflag:s23], $0x1  }
0xa3: {  	[sflag:s23] =	ssyncset.done $0x0  }
0xa4: {  	s25 =	simm.s32 $0x1B8E;
	s24 =	sld [smem:$0x3FFE];
	[sflag:s23] =	ssyncadd.s32 $0xFFFFFFFF  }
0xa5: {  	s26 =	simm.s32 $execute0_lowered;
	[smem:$0x3FD2] =	sst s25  }
0xa6: {  	s4 =	sshll.u32 s26, $0x1;
	_ =	strace $0x8000004F;
	[dreg:$0x1] =	wrdreg $0xFFFFFFFF  }
0xa7: {  	s28 =	simm.s32 $_size_execute0_lowered;
	s2 =	sadd.s32 s2, s4;
	[dreg:$0x0] =	wrdreg $0x0  }
0xa8: {  	s4 =	sshll.u32 s28, $0x1;
	[dreg:$0x2] =	wrdreg s2  }
0xa9: {  	[dreg:$0x3] =	wrdreg s4  }
0xaa: {  	[dreg:$0x4] =	wrdreg $0xC0  }
0xab: {  	_ =	task [dreg:s6], $0x5FFFF  }
0xac: {  	[dreg:$0x1] =	wrdreg $0xFFFFFFFF  }
0xad: {  	[dreg:$0x0] =	wrdreg $0x60  }
0xae: {  	[dreg:$0x2] =	wrdreg s24  }
0xaf: {  	[dreg:$0x3] =	wrdreg $0x0  }
0xb0: {  	[dreg:$0x4] =	wrdreg $0x9  }
0xb1: {  	_ =	task.clear_ibuf [dreg:s6], $0x5FFFF;
	_ =	strace $0x9000004F  }
0xb2: {  	s29 =	simm.s32 $0x9;
	_ =	strace $0x80000051  }
0xb3: {  	_ =	swait.ge [sflag:s29], $0x1  }
0xb4: {  	[sflag:s29] =	ssyncadd.s32 $0xFFFFFFFF  }
0xb5: {  	_ =	strace $0x90000051  }
0xb6: {  	_ =	sfence  }
0xb7: {  	s30 =	sld [smem:$0x0];
	_ =	sdelay $0x2  }
0xb8: {  	s31 =	sshll.u32 s1, $0xD;
	s1 =	sshrl.u32 s1, $0x2  }
0xb9: {  	s3 =	sand.u32 $0x4000, s31;
	s1 =	sadd.s32 s1, s30  }
0xba: {  	s0 =	sor.u32 s3, s0;
	s1 =	sshll.u32 s1, $0x11  }
0xbb: {  	s0 =	sor.u32 s1, s0  }
0xbc: {  	s0 =	sadd.s32 $0x8F2B, s0  }
0xbd: {  	[sflag:s0] =	ssyncadd.remote.s32 $0x1  }
0xbe: {  	_ =	sfence.sel $0xFFFF  }
0xbf: {  	[dreg:$0x0] =	wrdreg $0xFFFFFFFF;
	(pc) =	sbr.abs _section_cstart, $3  }
0xc0: {  	[dreg:$0x1] =	wrdreg $0xFFFFFFFF  }
0xc1: {  	_ =	task.clear_ibuf [dreg:s6], $0x2FFFF;
	_ =	strace $0x9FFFFFFF  }
0xc2: {  	(tm) =	ssettm $0x7FFFFFFF  }
0xc3: {  	_ =	shalt  }
tec
execute0_lowered:
.L_overlay_start_1:
0x0: {  	(tag) =	ssettag $0x1  }
0x1: {  	s3 =	rddreg [dreg:$0x0]  }
0x2: {  	s1 =	rddreg [dreg:$0x1];
	s2 =	simm.s32 $0x0  }
0x3: {  	s0 =	srdreg.scid;
	s28 =	stileid.u32;
	s29 =	simm.s32 $0x13980  }
0x4: {  	s30 =	simm.s32 $0x3;
	s31 =	simm.s32 $0x13880;
	[smem:$0x7FF] =	sst s2  }
0x5: {  	s4 =	sand.u32 $0x1, s0;
	s5 =	sadd.s32 $0x4FA400, s3;
	s7 =	sshll.u32 s28, $0x1  }
0x6: {  	s8 =	smul.u32 $0x270, s28;
	s9 =	sadd.s32 $0x18400, s3;
	p0 =	sne.s32 s28, $0xF  }
0x7: {  	p1 =	sgt.u32 s28, $0x1;
	s0 =	ssub.s32 $0x2, s4;
	s14 =	smul.u32 $0x2710, s4  }
0x8: {  	s6 =	sshrl.u32 s0, $0x1;
	s10 =	sadd.s32 $0x80, s8;
	s16 =	sadd.s32 $0x100, s8  }
0x9: {  	s17 =	sadd.s32 $0x180, s8;
	s18 =	sadd.s32 $0x200, s8;
	s0 =	ssub.s32 s0, s6  }
0xa: {  	s6 =	sor.u32 s4, s7;
	s7 =	smul.u32 $0x4E000, s28;
	s8 =	sadd.s32 s8, s14  }
0xb: {  	s25 =	sadd.s32 s14, s10;
	s15 =	sadd.s32 s14, s16;
	s19 =	sadd.s32 s14, s17  }
0xc: {  	s22 =	sadd.s32 s14, s18;
	s16 =	sshll.u32 s16, $0x7;
	s11 =	sshll.u32 s6, $0x7  }
0xd: {  	s12 =	sshll.u32 s6, $0xB;
	s8 =	sshll.u32 s8, $0x4;
	s21 =	sshll.u32 s19, $0x4  }
0xe: {  	s23 =	sshll.u32 s22, $0x4;
	s16 =	sadd.s32 s16, s1;
	s19 =	sshll.u32 s17, $0x7  }
0xf: {  	s22 =	sshll.u32 s6, $0x4;
	s6 =	simm.s32 $0x2;
	s20 =	sor.u32 $0x1000, s11  }
0x10: {  	s12 =	sadd.s32 s5, s12;
	s11 =	sor.u32 $0x4E000, s11;
	s8 =	sadd.s32 s9, s8  }
0x11: {  	s14 =	sshrl.u32 s7, $0x2;
	s17 =	sadd.s32 s19, s1;
	s7 =	simm.s32 $0x0  }
0x12: {  	s13 =	sshll.u32 s20, $0x4;
	[dreg:$0x3] =	wrdreg s12;
	s26 =	sshll.u32 s11, $0x4  }
0x13: {  	s12 =	sshll.u32 s25, $0x4;
	[dreg:$0x5] =	wrdreg s8;
	s8 =	sshll.u32 s15, $0x4  }
0x14: {  	s15 =	smul.u32 $0x138800, s4;
	s25 =	sshll.u32 s28, $0xC;
	s14 =	sadd.s32 s14, s1  }
0x15: {  	s24 =	sadd.s32 s5, s13;
	s12 =	sadd.s32 s9, s12;
	s8 =	sadd.s32 s9, s8  }
0x16: {  	s26 =	sadd.s32 s5, s26;
	s5 =	sadd.s32 s25, s5;
	[dreg:$0x4] =	wrdreg s24  }
0x17: {  	s13 =	sshll.u32 s28, $0x8;
	s28 =	sadd.s32 $0x138000, s1;
	[dreg:$0x6] =	wrdreg s12  }
0x18: {  	[dreg:$0x7] =	wrdreg s8;
	s8 =	sadd.s32 s9, s21;
	s24 =	sshrl.u32 s15, $0x3  }
0x19: {  	[dreg:$0xa] =	wrdreg s26;
	s12 =	sshll.u32 s4, $0xB;
	s4 =	sshll.u32 s4, $0x7  }
0x1a: {  	s15 =	sshll.u32 s10, $0x7;
	s21 =	sshll.u32 s18, $0x7;
	[dreg:$0x8] =	wrdreg s8  }
0x1b: {  	s8 =	sadd.s32 s9, s23;
	s5 =	sadd.s32 s12, s5;
	s4 =	sor.u32 s4, s13  }
0x1c: {  	s12 =	sadd.s32 $0xE600, s3;
	s3 =	sadd.s32 $0x4800, s3;
	s15 =	sadd.s32 s15, s1  }
0x1d: {  	s18 =	sadd.s32 s21, s1;
	s23 =	sshrl.u32 s20, $0x3;
	[dreg:$0x9] =	wrdreg s8  }
0x1e: {  	s8 =	sadd.s32 s9, s24;
	s19 =	sadd.s32 s12, s22;
	s24 =	sshrl.u32 s11, $0x3  }
0x1f: {  	s20 =	sadd.s32 s12, s23;
	s25 =	sor.u32 $0x3000, s4;
	s23 =	smax.u32 s0, $0x1  }
0x20: {  	s0 =	simm.s32 $0x13900;
	_ =	strace $0x80000050;
	[dreg:$0xb] =	wrdreg s3  }
0x21: {  	s21 =	sadd.s32 s12, s24;
	s22 =	sadd.s32 $0x27000, s8;
	s26 =	sshrl.u32 s25, $0x3  }
0x22: {  	s24 =	sadd.s32 $0x20000, s5;
	s25 =	sor.u32 $0x2000, s4;
	s3 =	simm.s32 $0x17980  }
0x23: {  	s4 =	simm.s32 $0x1;
	s5 =	simm.s32 $0x80;
	s26 =	sadd.s32 s26, s12  }
.LBB2_1:
0x24: {  	s8 =	rddreg [dreg:$0xb]  }
0x25: {  	[tilespmem:s29], [sflag:$0x3] =	stream.linear.gather [hbm4b:s8+s2], $0x4000, $0x38;
	[tilespmem:$0x1B980] =	vst v63  }
0x26: {  	_ =	swait.ge [sflag:s30], $0x4000  }
0x27: {  	[sflag:s30] =	ssyncset.done $0x0  }
0x28: {  	[sflag:s30] =	ssyncadd.s32 $0xFFFFC000  }
0x29: {  	[spmem:s14] =	stream.linear.scatter [tilespmem:s29], [sflag:$0x3], $0x4000, $0x38;
	[tilespmem:$0x1B980] =	vst v63  }
0x2a: {  	_ =	swait.ge [sflag:s30], $0x4000  }
0x2b: {  	[sflag:s30] =	ssyncset.done $0x0  }
0x2c: {  	[sflag:s30] =	ssyncadd.s32 $0xFFFFC000  }
0x2d: {  	[spmem:s15] =	stream.linear.scatter [tilespmem:s29], [sflag:$0x3], $0x4000, $0x38;
	[tilespmem:$0x1B980] =	vst v63  }
0x2e: {  	_ =	swait.ge [sflag:s30], $0x4000  }
0x2f: {  	[sflag:s30] =	ssyncset.done $0x0  }
0x30: {  	[sflag:s30] =	ssyncadd.s32 $0xFFFFC000  }
0x31: {  	[spmem:s16] =	stream.linear.scatter [tilespmem:s29], [sflag:$0x3], $0x4000, $0x38;
	[tilespmem:$0x1B980] =	vst v63  }
0x32: {  	_ =	swait.ge [sflag:s30], $0x4000  }
0x33: {  	[sflag:s30] =	ssyncset.done $0x0  }
0x34: {  	[sflag:s30] =	ssyncadd.s32 $0xFFFFC000  }
0x35: {  	[spmem:s17] =	stream.linear.scatter [tilespmem:s29], [sflag:$0x3], $0x4000, $0x38;
	[tilespmem:$0x1B980] =	vst v63  }
0x36: {  	_ =	swait.ge [sflag:s30], $0x4000  }
0x37: {  	[sflag:s30] =	ssyncset.done $0x0  }
0x38: {  	[sflag:s30] =	ssyncadd.s32 $0xFFFFC000  }
0x39: {  	[spmem:s18] =	stream.linear.scatter [tilespmem:s29], [sflag:$0x3], $0x3800, $0x38;
	[tilespmem:$0x1B980] =	vst v63  }
0x3a: {  	_ =	swait.ge [sflag:s30], $0x3800  }
0x3b: {  	[sflag:s30] =	ssyncset.done $0x0  }
0x3c: {  	s8 =	simm.s32 @!p0 $0x13980;
	[sflag:s30] =	ssyncadd.s32 $0xFFFFC800  }
0x3d: {  	[spmem:s28] =	stream.linear.scatter @!p0 [tilespmem:s8], [sflag:$0x3], $0x800, $0x38;
	[tilespmem:$0x1B980] =	vst v63  }
0x3e: {  	s8 =	simm.s32 @!p0 $0x3  }
0x3f: {  	_ =	swait.ge @!p0 [sflag:s8], $0x800  }
0x40: {  	[sflag:s8] =	ssyncset.done @!p0 $0x0  }
0x41: {  	[sflag:s8] =	ssyncadd.s32 @!p0 $0xFFFFF800  }
0x42: {  	[tilespmem:s31], [sflag:$0x1] =	stream.linear.gather [hbm4b:s19+s2], $0x80, $0x38;
	[tilespmem:$0x1B980] =	vst v63  }
0x43: {  	s9 =	rddreg [dreg:$0x3]  }
0x44: {  	[tilespmem:s29], [sflag:$0x1] =	stream.linear.gather [hbm4b:s9+s2], $0x4000, $0x38;
	[tilespmem:$0x1B980] =	vst v63  }
0x45: {  	_ = 	snop  }
0x46: {  	[tilespmem:s0], [sflag:$0x2] =	stream.linear.gather [hbm4b:s20+s2], $0x80, $0x38;
	[tilespmem:$0x1B980] =	vst v63  }
0x47: {  	s10 =	rddreg [dreg:$0x4]  }
0x48: {  	[tilespmem:s3], [sflag:$0x2] =	stream.linear.gather [hbm4b:s10+s2], $0x4000, $0x38;
	[tilespmem:$0x1B980] =	vst v63  }
0x49: {  	[bflag:$0x0] =	sbarrier.arrive $0xFFFF  }
0x4a: {  	_ =	swait.ge [sflag:s4], $0x80  }
0x4b: {  	[sflag:s4] =	ssyncset.done $0x0  }
0x4c: {  	[sflag:s4] =	ssyncadd.s32 $0xFFFFFF80  }
0x4d: {  	_ =	swait.ge [sflag:s4], $0x4000  }
0x4e: {  	[sflag:s4] =	ssyncset.done $0x0  }
0x4f: {  	[sflag:s4] =	ssyncadd.s32 $0xFFFFC000  }
0x50: {  	[spmem:s1] =	stream.indirect.scatter.add.f32 [tilespmem:s29], [sflag:$0x3], $0x80, s31, s5, $0xb8;
	[tilespmem:$0x1B980] =	vst v63  }
0x51: {  	_ =	swait.ge [sflag:s30], $0x4000  }
0x52: {  	s11 =	sshrl.u32 s25, $0x3;
	[sflag:s30] =	ssyncset.done $0x0  }
0x53: {  	s8 =	sadd.s32 s12, s11;
	[sflag:s30] =	ssyncadd.s32 $0xFFFFC000  }
0x54: {  	[tilespmem:s31], [sflag:$0x1] =	stream.linear.gather [hbm4b:s8+s2], $0x80, $0x38;
	[tilespmem:$0x1B980] =	vst v63  }
0x55: {  	_ = 	snop  }
0x56: {  	[tilespmem:s29], [sflag:$0x1] =	stream.linear.gather [hbm4b:s24+s2], $0x4000, $0x38;
	[tilespmem:$0x1B980] =	vst v63  }
0x57: {  	_ =	swait.ge [sflag:s6], $0x80  }
0x58: {  	[sflag:s6] =	ssyncset.done $0x0  }
0x59: {  	[sflag:s6] =	ssyncadd.s32 $0xFFFFFF80  }
0x5a: {  	_ =	swait.ge [sflag:s6], $0x4000  }
0x5b: {  	[sflag:s6] =	ssyncset.done $0x0  }
0x5c: {  	[sflag:s6] =	ssyncadd.s32 $0xFFFFC000  }
0x5d: {  	[spmem:s1] =	stream.indirect.scatter.add.f32 [tilespmem:s3], [sflag:$0x3], $0x80, s0, s5, $0xb8;
	[tilespmem:$0x1B980] =	vst v63  }
0x5e: {  	s13 =	sadd.s32 $0x0, s26;
	_ =	swait.ge [sflag:s30], $0x4000  }
0x5f: {  	s11 =	sadd.s32 $0x10000, s24;
	s9 =	sadd.s32 $0x20000, s24;
	[sflag:s30] =	ssyncset.done $0x0  }
0x60: {  	s10 =	sadd.s32 $0x2000, s25;
	s8 =	simm.s32 $0x400;
	[sflag:s30] =	ssyncadd.s32 $0xFFFFC000  }
0x61: {  	[tilespmem:s0], [sflag:$0x2] =	stream.linear.gather [hbm4b:s13+s2], $0x80, $0x38;
	[tilespmem:$0x1B980] =	vst v63  }
.LBB2_2:
0x62: {  	[tilespmem:s3], [sflag:$0x2] =	stream.linear.gather [hbm4b:s11+s2], $0x4000, $0x38;
	[tilespmem:$0x1B980] =	vst v63  }
0x63: {  	s11 =	smov.u32 s8  }
0x64: {  	p2 =	sne.s32 s8, $0x9400;
	s8 =	sadd.s32 $0x400, s8;
	_ =	swait.ge [sflag:s4], $0x80  }
0x65: {  	[sflag:s4] =	ssyncset.done $0x0  }
0x66: {  	[sflag:s4] =	ssyncadd.s32 $0xFFFFFF80  }
0x67: {  	_ =	swait.ge [sflag:s4], $0x4000  }
0x68: {  	[sflag:s4] =	ssyncset.done $0x0  }
0x69: {  	[sflag:s4] =	ssyncadd.s32 $0xFFFFC000  }
0x6a: {  	[spmem:s1] =	stream.indirect.scatter.add.f32 [tilespmem:s29], [sflag:$0x3], $0x80, s31, s5, $0xb8;
	[tilespmem:$0x1B980] =	vst v63  }
0x6b: {  	_ =	swait.ge [sflag:s30], $0x4000  }
0x6c: {  	s13 =	sshrl.u32 s10, $0x3;
	[sflag:s30] =	ssyncset.done $0x0  }
0x6d: {  	s13 =	sadd.s32 s12, s13;
	[sflag:s30] =	ssyncadd.s32 $0xFFFFC000  }
0x6e: {  	[tilespmem:s31], [sflag:$0x1] =	stream.linear.gather [hbm4b:s13+s2], $0x80, $0x38;
	[tilespmem:$0x1B980] =	vst v63  }
0x6f: {  	_ = 	snop  }
0x70: {  	[tilespmem:s29], [sflag:$0x1] =	stream.linear.gather [hbm4b:s9+s2], $0x4000, $0x38;
	[tilespmem:$0x1B980] =	vst v63  }
0x71: {  	_ =	swait.ge [sflag:s6], $0x80  }
0x72: {  	[sflag:s6] =	ssyncset.done $0x0  }
0x73: {  	[sflag:s6] =	ssyncadd.s32 $0xFFFFFF80  }
0x74: {  	_ =	swait.ge [sflag:s6], $0x4000  }
0x75: {  	[sflag:s6] =	ssyncset.done $0x0  }
0x76: {  	[sflag:s6] =	ssyncadd.s32 $0xFFFFC000  }
0x77: {  	[spmem:s1] =	stream.indirect.scatter.add.f32 [tilespmem:s3], [sflag:$0x3], $0x80, s0, s5, $0xb8;
	[tilespmem:$0x1B980] =	vst v63  }
.Ltmp0:
0x78: {  	_ =	swait.ge [sflag:s30], $0x4000;
	(pc) =	sbr.rel @p2 .LBB2_2-.Ltmp0, $4  }
0x79: {  	[sflag:s30] =	ssyncset.done $0x0  }
0x7a: {  	s11 =	sadd.s32 s11, s26;
	[sflag:s30] =	ssyncadd.s32 $0xFFFFC000  }
0x7b: {  	[tilespmem:s0], [sflag:$0x2] =	stream.linear.gather [hbm4b:s11+s2], $0x80, $0x38;
	[tilespmem:$0x1B980] =	vst v63  }
0x7c: {  	s10 =	sadd.s32 $0x2000, s10;
	s11 =	sadd.s32 $0x10000, s9;
	s9 =	sadd.s32 $0x20000, s9  }
0x7d: {  	[tilespmem:s3], [sflag:$0x2] =	stream.linear.gather [hbm4b:s11+s2], $0x4000, $0x38;
	[tilespmem:$0x1B980] =	vst v63  }
0x7e: {  	_ =	swait.ge [sflag:s4], $0x80  }
0x7f: {  	[sflag:s4] =	ssyncset.done $0x0  }
0x80: {  	[sflag:s4] =	ssyncadd.s32 $0xFFFFFF80  }
0x81: {  	_ =	swait.ge [sflag:s4], $0x4000  }
0x82: {  	[sflag:s4] =	ssyncset.done $0x0  }
0x83: {  	[sflag:s4] =	ssyncadd.s32 $0xFFFFC000  }
0x84: {  	[spmem:s1] =	stream.indirect.scatter.add.f32 [tilespmem:s29], [sflag:$0x3], $0x80, s31, s5, $0xb8;
	[tilespmem:$0x1B980] =	vst v63  }
0x85: {  	_ =	swait.ge [sflag:s30], $0x4000  }
0x86: {  	[sflag:s30] =	ssyncset.done $0x0  }
0x87: {  	[sflag:s30] =	ssyncadd.s32 $0xFFFFC000  }
0x88: {  	_ =	swait.ge [sflag:s6], $0x80  }
0x89: {  	[sflag:s6] =	ssyncset.done $0x0  }
0x8a: {  	[sflag:s6] =	ssyncadd.s32 $0xFFFFFF80  }
0x8b: {  	_ =	swait.ge [sflag:s6], $0x4000  }
0x8c: {  	[sflag:s6] =	ssyncset.done $0x0  }
0x8d: {  	[sflag:s6] =	ssyncadd.s32 $0xFFFFC000  }
0x8e: {  	[spmem:s1] =	stream.indirect.scatter.add.f32 [tilespmem:s3], [sflag:$0x3], $0x80, s0, s5, $0xb8;
	[tilespmem:$0x1B980] =	vst v63  }
0x8f: {  	_ =	swait.ge [sflag:s30], $0x4000  }
0x90: {  	s8 =	simm.s32 @!p1 $0x0;
	[sflag:s30] =	ssyncset.done $0x0  }
0x91: {  	s9 =	simm.s32 @!p1 $0x13880;
	s10 =	simm.s32 @!p1 $0x3;
	[sflag:s30] =	ssyncadd.s32 $0xFFFFC000  }
0x92: {  	[tilespmem:s9], [sflag:$0x3] =	stream.linear.gather @!p1 [hbm4b:s21+s8], $0x80, $0x38;
	[tilespmem:$0x1B980] =	vst v63  }
0x93: {  	_ =	swait.ge @!p1 [sflag:s10], $0x80  }
0x94: {  	[sflag:s10] =	ssyncset.done @!p1 $0x0  }
0x95: {  	s11 =	simm.s32 @!p1 $0x13980;
	s13 =	rddreg [dreg:$0xa];
	[sflag:s10] =	ssyncadd.s32 @!p1 $0xFFFFFF80  }
0x96: {  	[tilespmem:s11], [sflag:$0x3] =	stream.linear.gather @!p1 [hbm4b:s13+s8], $0x4000, $0x38;
	[tilespmem:$0x1B980] =	vst v63  }
0x97: {  	_ =	swait.ge @!p1 [sflag:s10], $0x4000  }
0x98: {  	[sflag:s10] =	ssyncset.done @!p1 $0x0  }
0x99: {  	s8 =	simm.s32 @!p1 $0x80;
	[sflag:s10] =	ssyncadd.s32 @!p1 $0xFFFFC000  }
0x9a: {  	[spmem:s1] =	stream.indirect.scatter.add.f32 @!p1 [tilespmem:s11], [sflag:$0x3], $0x80, s9, s8, $0xb8;
	[tilespmem:$0x1B980] =	vst v63  }
0x9b: {  	_ =	swait.ge @!p1 [sflag:s10], $0x4000  }
0x9c: {  	[sflag:s10] =	ssyncset.done @!p1 $0x0  }
0x9d: {  	[sflag:s10] =	ssyncadd.s32 @!p1 $0xFFFFC000  }
0x9e: {  	[bflag:$0x0] =	sbarrier.arrive $0xFFFF  }
0x9f: {  	[tilespmem:s29], [sflag:$0x3] =	stream.linear.gather [spmem:s14], $0x4000, $0x38;
	[tilespmem:$0x1B980] =	vst v63  }
0xa0: {  	_ =	swait.ge [sflag:s30], $0x4000  }
0xa1: {  	[sflag:s30] =	ssyncset.done $0x0  }
0xa2: {  	s13 =	rddreg [dreg:$0x5];
	[sflag:s30] =	ssyncadd.s32 $0xFFFFC000  }
0xa3: {  	[hbm4b:s13+s2] =	stream.linear.scatter [tilespmem:s29], [sflag:$0x3], $0x4000, $0x38;
	[tilespmem:$0x1B980] =	vst v63  }
0xa4: {  	_ =	swait.ge [sflag:s30], $0x4000  }
0xa5: {  	[sflag:s30] =	ssyncset.done $0x0  }
0xa6: {  	[sflag:s30] =	ssyncadd.s32 $0xFFFFC000  }
0xa7: {  	[tilespmem:s29], [sflag:$0x3] =	stream.linear.gather [spmem:s15], $0x4000, $0x38;
	[tilespmem:$0x1B980] =	vst v63  }
0xa8: {  	_ =	swait.ge [sflag:s30], $0x4000  }
0xa9: {  	[sflag:s30] =	ssyncset.done $0x0  }
0xaa: {  	s9 =	rddreg [dreg:$0x6];
	[sflag:s30] =	ssyncadd.s32 $0xFFFFC000  }
0xab: {  	[hbm4b:s9+s2] =	stream.linear.scatter [tilespmem:s29], [sflag:$0x3], $0x4000, $0x38;
	[tilespmem:$0x1B980] =	vst v63  }
0xac: {  	_ =	swait.ge [sflag:s30], $0x4000  }
0xad: {  	[sflag:s30] =	ssyncset.done $0x0  }
0xae: {  	[sflag:s30] =	ssyncadd.s32 $0xFFFFC000  }
0xaf: {  	[tilespmem:s29], [sflag:$0x3] =	stream.linear.gather [spmem:s16], $0x4000, $0x38;
	[tilespmem:$0x1B980] =	vst v63  }
0xb0: {  	_ =	swait.ge [sflag:s30], $0x4000  }
0xb1: {  	[sflag:s30] =	ssyncset.done $0x0  }
0xb2: {  	s10 =	rddreg [dreg:$0x7];
	[sflag:s30] =	ssyncadd.s32 $0xFFFFC000  }
0xb3: {  	[hbm4b:s10+s2] =	stream.linear.scatter [tilespmem:s29], [sflag:$0x3], $0x4000, $0x38;
	[tilespmem:$0x1B980] =	vst v63  }
0xb4: {  	_ =	swait.ge [sflag:s30], $0x4000  }
0xb5: {  	[sflag:s30] =	ssyncset.done $0x0  }
0xb6: {  	[sflag:s30] =	ssyncadd.s32 $0xFFFFC000  }
0xb7: {  	[tilespmem:s29], [sflag:$0x3] =	stream.linear.gather [spmem:s17], $0x4000, $0x38;
	[tilespmem:$0x1B980] =	vst v63  }
0xb8: {  	_ =	swait.ge [sflag:s30], $0x4000  }
0xb9: {  	[sflag:s30] =	ssyncset.done $0x0  }
0xba: {  	s11 =	rddreg [dreg:$0x8];
	[sflag:s30] =	ssyncadd.s32 $0xFFFFC000  }
0xbb: {  	[hbm4b:s11+s2] =	stream.linear.scatter [tilespmem:s29], [sflag:$0x3], $0x4000, $0x38;
	[tilespmem:$0x1B980] =	vst v63  }
0xbc: {  	_ =	swait.ge [sflag:s30], $0x4000  }
0xbd: {  	[sflag:s30] =	ssyncset.done $0x0  }
0xbe: {  	[sflag:s30] =	ssyncadd.s32 $0xFFFFC000  }
0xbf: {  	[tilespmem:s29], [sflag:$0x3] =	stream.linear.gather [spmem:s18], $0x3800, $0x38;
	[tilespmem:$0x1B980] =	vst v63  }
0xc0: {  	_ =	swait.ge [sflag:s30], $0x3800  }
0xc1: {  	[sflag:s30] =	ssyncset.done $0x0  }
0xc2: {  	s13 =	rddreg [dreg:$0x9];
	[sflag:s30] =	ssyncadd.s32 $0xFFFFC800  }
0xc3: {  	[hbm4b:s13+s2] =	stream.linear.scatter [tilespmem:s29], [sflag:$0x3], $0x3800, $0x38;
	[tilespmem:$0x1B980] =	vst v63  }
0xc4: {  	_ =	swait.ge [sflag:s30], $0x3800  }
0xc5: {  	[sflag:s30] =	ssyncset.done $0x0  }
0xc6: {  	s8 =	simm.s32 @!p0 $0x13980;
	s9 =	simm.s32 @!p0 $0x3;
	[sflag:s30] =	ssyncadd.s32 $0xFFFFC800  }
0xc7: {  	[tilespmem:s8], [sflag:$0x3] =	stream.linear.gather @!p0 [spmem:s28], $0x800, $0x38;
	[tilespmem:$0x1B980] =	vst v63  }
0xc8: {  	s7 =	sadd.s32 $0x1, s7;
	_ =	swait.ge @!p0 [sflag:s9], $0x800  }
0xc9: {  	p2 =	sne.s32 s7, s23;
	[sflag:s9] =	ssyncset.done @!p0 $0x0  }
.Ltmp1:
0xca: {  	s10 =	simm.s32 @!p0 $0x0;
	[sflag:s9] =	ssyncadd.s32 @!p0 $0xFFFFF800;
	(pc) =	sbr.rel @p2 .LBB2_1-.Ltmp1, $4  }
0xcb: {  	[hbm4b:s22+s10] =	stream.linear.scatter @!p0 [tilespmem:s8], [sflag:$0x3], $0x800, $0x38;
	[tilespmem:$0x1B980] =	vst v63  }
0xcc: {  	_ =	swait.ge @!p0 [sflag:s9], $0x800  }
0xcd: {  	[sflag:s9] =	ssyncset.done @!p0 $0x0  }
0xce: {  	[sflag:s9] =	ssyncadd.s32 @!p0 $0xFFFFF800  }
0xcf: {  	_ =	sfence.sel $0x180000  }
0xd0: {  	[bflag:$0x0] =	sbarrier.arrive $0xFFFF  }
0xd1: {  	_ =	strace $0x90000050  }
0xd2: {  	s0 =	stileid.u32;
	[bflag:$0x2] =	sbarrier.arrive $0xFFFF  }
0xd3: {  	p0 =	sne.s32 s0, $0x0;
	s0 =	rddreg [dreg:$0x2]  }
0xd4: {  	s0 =	sadd.s32 @!p0 $0x100000, s0  }
0xd5: {  	[sflag:s0] =	ssyncadd.tile.s32 @!p0 $0x1;
	_ =	shalt  }
.Lfunc_end2:
_tile_overlayer_lowered:
.L_overlay_start_2:
0xd6: {  	(tag) =	ssettag $0x2  }
0xd7: {  	s0 =	rddreg [dreg:$0x0];
	s2 =	stileid.u32  }
0xd8: {  	s1 =	rddreg [dreg:$0x1];
	p0 =	sne.s32 s2, $0x0  }
0xd9: {  	s3 =	rddreg [dreg:$0x2];
	[bflag:$0x3] =	sbarrier.arrive $0xFFFF;
	s2 =	simm.s32 @!p0 $0x1C03  }
0xda: {  	[timem:s3], [sflag:s2] =	dma.local @!p0 [hbm:s0], s1  }
0xdb: {  	s0 =	simm.s32 @!p0 $0x3  }
0xdc: {  	_ =	swait.ge @!p0 [sflag:s0], s1  }
0xdd: {  	s1 =	ssub.s32 @!p0 $0x0, s1;
	[sflag:s0] =	ssyncset.done @!p0 $0x0  }
0xde: {  	[sflag:s0] =	ssyncadd.s32 @!p0 s1  }
0xdf: {  	[bflag:$0x3] =	sbarrier.arrive $0xFFFF  }
0xe0: {  	_ =	shalt  }

// kernel: kernel.25.cloned.1.call-start
scs
__scs_entry_jumppad:
0x0: {  	(pc) =	sbr.rel $0x88, $3  }
0x1: {  	(tag) =	ssettag $0x0;
	lr =	simm.s32 $0x1  }
0x2: {  	[smem:$0x3F8E] =	sst lr;
	_ =	strace $0xD0000000  }
0x3: {  	_ = 	snop  }
0x4: {  	_ = 	snop  }
0x5: {  	_ = 	snop  }
0x6: {  	_ = 	snop  }
0x7: {  	_ = 	snop  }
__scs_overlays_trampoline_lowered:
0x8: {  	[smem:$0x3F9D] =	sst s0  }
0x9: {  	[smem:$0x3F9E] =	sst s1  }
0xa: {  	[smem:$0x3F9F] =	sst s2  }
0xb: {  	[smem:$0x3FA0] =	sst s3  }
0xc: {  	[smem:$0x3FA1] =	sst s4  }
0xd: {  	[smem:$0x3FA2] =	sst s5  }
0xe: {  	[smem:$0x3FA3] =	sst s6  }
0xf: {  	[smem:$0x3FA4] =	sst s7  }
0x10: {  	[smem:$0x3FA5] =	sst s8  }
0x11: {  	[smem:$0x3FA6] =	sst s9;
	s0 =	simm.s32 @!p0 $0x0  }
0x12: {  	s1 =	sld [smem:$0x3F8C];
	s0 =	simm.s32 @p0 $0x1  }
0x13: {  	[smem:$0x3FA7] =	sst s0;
	s0 =	simm.s32 @!p1 $0x0  }
0x14: {  	s2 =	sld [smem:$0x3F8B];
	s0 =	simm.s32 @p1 $0x1  }
0x15: {  	[smem:$0x3FA8] =	sst s0;
	s0 =	simm.s32 @!p2 $0x0  }
0x16: {  	s3 =	sld [smem:$0x3FDB];
	s0 =	simm.s32 @p2 $0x1  }
0x17: {  	s4 =	simm.s32 $0x1BF5;
	[smem:$0x3FAA] =	sst s0  }
0x18: {  	s0 =	sld [smem:$0x3F8D];
	_ =	swait.ge [sflag:s4], $0x0  }
0x19: {  	s7 =	sld [smem:$0x3F8E]  }
0x1a: {  	s8 =	sadd.s32 $0xFFFFE003, lr  }
0x1b: {  	s9 =	sadd.s32 $0xFFFFFEF7, lr;
	s5 =	simm.s32 $0xFFFFFFFF;
	p2 =	slt.u32 s8, $0xFFFFF086  }
0x1c: {  	p1 =	slt.u32 s9, $0xF7A;
	s5 =	simm.s32 @!p2 $0x0  }
0x1d: {  	s5 =	simm.s32 @p1 $0x1;
	p0 =	seq.s32 s7, s2  }
0x1e: {  	s7 =	smul.u32 @!p0 $0xF7A, s2;
	p2 =	seq.s32 @!p0 s5, $0x0  }
0x1f: {  	s9 =	smul.u32 $0xF7A, s1;
	s8 =	simm.s32 @!p0 $0x1BF5;
	p2 =	por !p2, p0  }
0x20: {  	[sflag:s8] =	ssyncset.s32 @!p0 $0xFFFFF086;
	s6 =	sadd.s32 @!p0 s3, s7;
	s7 =	simm.s32 @!p0 $0x108  }
0x21: {  	s3 =	sadd.s32 s3, s9;
	s6 =	sadd.s32 @!p0 $0x88, s6;
	s7 =	simm.s32 @p2 $0x1082  }
0x22: {  	[simem:s7], [sflag:s8] =	dma.local @!p0 [hbm:s6], $0xF7A  }
0x23: {  	s9 =	sor.u32 $0xD0000000, s2;
	s6 =	simm.s32 $0x108;
	_ =	swait.ge @!p0 [sflag:s8], $0x0  }
0x24: {  	s3 =	sadd.s32 $0x88, s3;
	s6 =	simm.s32 @!p1 $0x1082;
	[sflag:s4] =	ssyncset.s32 $0xFFFFF086  }
0x25: {  	[simem:s6], [sflag:s4] =	dma.local [hbm:s3], $0xF7A  }
0x26: {  	[smem:$0x3F8E] =	sst s1;
	(tag) =	ssettag s2;
	_ =	strace s9  }
0x27: {  	s1 =	sld [smem:$0x3F9E]  }
0x28: {  	s2 =	sld [smem:$0x3F9F]  }
0x29: {  	s4 =	sld [smem:$0x3FA1]  }
0x2a: {  	p0 =	seq.s32 s5, $0x0;
	s5 =	sld [smem:$0x3FA2]  }
0x2b: {  	s6 =	sld [smem:$0x3FA3]  }
0x2c: {  	s7 =	sld [smem:$0x3FA4]  }
0x2d: {  	s3 =	simm.s32 $0x108;
	s8 =	sld [smem:$0x3FA5]  }
0x2e: {  	s3 =	simm.s32 @!p0 $0x1082;
	s9 =	sld [smem:$0x3FA6]  }
0x2f: {  	lr =	sadd.s32 s0, s3;
	s0 =	sld [smem:$0x3F9D]  }
0x30: {  	s3 =	sld [smem:$0x3FA0]  }
0x31: {  	[smem:$0x3FA9] =	sst s10  }
0x32: {  	s10 =	sld [smem:$0x3FA7];
	_ =	sdelay $0x3  }
0x33: {  	p0 =	seq.s32 s10, $0x1;
	s10 =	sld [smem:$0x3FA9];
	_ =	sdelay $0x3  }
0x34: {  	[smem:$0x3FA9] =	sst s10  }
0x35: {  	s10 =	sld [smem:$0x3FA8];
	_ =	sdelay $0x3  }
0x36: {  	p1 =	seq.s32 s10, $0x1;
	s10 =	sld [smem:$0x3FA9];
	_ =	sdelay $0x3  }
0x37: {  	[smem:$0x3FA9] =	sst s10  }
0x38: {  	s10 =	sld [smem:$0x3FAA]  }
0x39: {  	_ = 	snop;
	(pc) =	sbr.ind lr, $3  }
0x3a: {  	_ = 	snop  }
0x3b: {  	_ = 	snop  }
0x3c: {  	p2 =	seq.s32 s10, $0x1;
	s10 =	sld [smem:$0x3FA9]  }
0x3d: {  	_ =	shalt  }
0x3e: {  	_ =	shalt  }
0x3f: {  	_ =	shalt  }
0x40: {  	_ =	shalt  }
0x41: {  	_ =	shalt  }
0x42: {  	_ =	shalt  }
0x43: {  	_ =	shalt  }
0x44: {  	_ =	shalt  }
0x45: {  	_ =	shalt  }
0x46: {  	_ =	shalt  }
0x47: {  	_ =	shalt  }
0x48: {  	_ =	shalt  }
0x49: {  	_ =	shalt  }
0x4a: {  	_ =	shalt  }
0x4b: {  	_ =	shalt  }
0x4c: {  	_ =	shalt  }
0x4d: {  	_ =	shalt  }
0x4e: {  	_ =	shalt  }
0x4f: {  	_ =	shalt  }
0x50: {  	_ =	shalt  }
0x51: {  	_ =	shalt  }
0x52: {  	_ =	shalt  }
0x53: {  	_ =	shalt  }
0x54: {  	_ =	shalt  }
0x55: {  	_ =	shalt  }
0x56: {  	_ =	shalt  }
0x57: {  	_ =	shalt  }
0x58: {  	_ =	shalt  }
0x59: {  	_ =	shalt  }
0x5a: {  	_ =	shalt  }
0x5b: {  	_ =	shalt  }
0x5c: {  	_ =	shalt  }
0x5d: {  	_ =	shalt  }
0x5e: {  	_ =	shalt  }
0x5f: {  	_ =	shalt  }
0x60: {  	_ =	shalt  }
0x61: {  	_ =	shalt  }
0x62: {  	_ =	shalt  }
0x63: {  	_ =	shalt  }
0x64: {  	_ =	shalt  }
0x65: {  	_ =	shalt  }
0x66: {  	_ =	shalt  }
0x67: {  	_ =	shalt  }
0x68: {  	_ =	shalt  }
0x69: {  	_ =	shalt  }
0x6a: {  	_ =	shalt  }
0x6b: {  	_ =	shalt  }
0x6c: {  	_ =	shalt  }
0x6d: {  	_ =	shalt  }
0x6e: {  	_ =	shalt  }
0x6f: {  	_ =	shalt  }
0x70: {  	_ =	shalt  }
0x71: {  	_ =	shalt  }
0x72: {  	_ =	shalt  }
0x73: {  	_ =	shalt  }
0x74: {  	_ =	shalt  }
0x75: {  	_ =	shalt  }
0x76: {  	_ =	shalt  }
0x77: {  	_ =	shalt  }
0x78: {  	_ =	shalt  }
0x79: {  	_ =	shalt  }
0x7a: {  	_ =	shalt  }
0x7b: {  	_ =	shalt  }
0x7c: {  	_ =	shalt  }
0x7d: {  	_ =	shalt  }
0x7e: {  	_ =	shalt  }
0x7f: {  	_ =	shalt  }
0x80: {  	_ =	shalt  }
0x81: {  	_ =	shalt  }
0x82: {  	_ =	shalt  }
0x83: {  	_ =	shalt  }
0x84: {  	_ =	shalt  }
0x85: {  	_ =	shalt  }
0x86: {  	_ =	shalt  }
0x87: {  	_ =	shalt  }
.Lfunc_end0:
.L_simem_size_0:
called_computation.4_lowered:
.L_overlay_start_0:
0x88: {  	s2 =	sld [smem:$0x3FD9]  }
0x89: {  	s3 =	sld [smem:$0x3FFE];
	_ =	sdelay $0x1  }
0x8a: {  	s1 =	srdreg.scid  }
0x8b: {  	s0 =	sand.u32 $0x1, s1  }
0x8c: {  	s16 =	sshll.u32 s0, $0xA;
	s2 =	sadd.s32 s3, s2  }
0x8d: {  	s2 =	sadd.s32 s2, s16  }
0x8e: {  	[smem:$0x3FB5] =	sst s2  }
0x8f: {  	_ = 	snop  }
0x90: {  	(tm) =	ssettm $0x1  }
0x91: {  	s17 =	sld [smem:$0x3FFB];
	_ =	sdelay $0x3  }
0x92: {  	_ =	strace s17  }
0x93: {  	s2 =	sld [smem:$0x3FFC];
	_ =	sdelay $0x3  }
0x94: {  	_ =	strace s2  }
0x95: {  	s2 =	sld [smem:$0x3FFD];
	_ =	sdelay $0x3  }
0x96: {  	_ =	strace s2  }
0x97: {  	_ =	strace $0x8FFFFFFF  }
0x98: {  	s18 =	sld [smem:$0x3FDB];
	_ =	sdelay $0x1  }
0x99: {  	s19 =	simm.s32 $_scs_section_size  }
0x9a: {  	s4 =	simm.s32 $_size__tile_overlayer_lowered;
	s5 =	simm.s32 $_tile_overlayer_lowered  }
0x9b: {  	s22 =	simm.s32 $0x1BFF;
	s21 =	sshll.u32 s5, $0x1;
	s2 =	sadd.s32 s19, s18  }
0x9c: {  	s6 =	simm.s32 $0x0;
	s20 =	sshll.u32 s4, $0x1;
	s4 =	sadd.s32 s21, s2  }
0x9d: {  	[timem:s6], [sflag:s22] =	dma.local [hbm:s4], s20  }
0x9e: {  	_ =	swait.ge [sflag:s22], s20  }
0x9f: {  	s3 =	ssub.s32 $0x0, s20;
	[sflag:s22] =	ssyncset.done $0x0  }
0xa0: {  	[sflag:s22] =	ssyncadd.s32 s3;
	_ =	sdelay $0x1  }
0xa1: {  	s23 =	simm.s32 $0x1B8B  }
0xa2: {  	_ =	swait.ge [sflag:s23], $0x1  }
0xa3: {  	[sflag:s23] =	ssyncset.done $0x0  }
0xa4: {  	s25 =	simm.s32 $0x1B8E;
	s24 =	sld [smem:$0x3FFE];
	[sflag:s23] =	ssyncadd.s32 $0xFFFFFFFF  }
0xa5: {  	s26 =	simm.s32 $execute0_lowered;
	[smem:$0x3FD2] =	sst s25  }
0xa6: {  	s4 =	sshll.u32 s26, $0x1;
	_ =	strace $0x80000052;
	[dreg:$0x1] =	wrdreg $0xFFFFFFFF  }
0xa7: {  	s28 =	simm.s32 $_size_execute0_lowered;
	s2 =	sadd.s32 s2, s4;
	[dreg:$0x0] =	wrdreg $0x0  }
0xa8: {  	s4 =	sshll.u32 s28, $0x1;
	[dreg:$0x2] =	wrdreg s2  }
0xa9: {  	[dreg:$0x3] =	wrdreg s4  }
0xaa: {  	[dreg:$0x4] =	wrdreg $0xC0  }
0xab: {  	_ =	task [dreg:s6], $0x5FFFF  }
0xac: {  	[dreg:$0x1] =	wrdreg $0xFFFFFFFF  }
0xad: {  	[dreg:$0x0] =	wrdreg $0x60  }
0xae: {  	[dreg:$0x2] =	wrdreg s24  }
0xaf: {  	[dreg:$0x3] =	wrdreg $0x0  }
0xb0: {  	[dreg:$0x4] =	wrdreg $0x9  }
0xb1: {  	_ =	task.clear_ibuf [dreg:s6], $0x5FFFF;
	_ =	strace $0x90000052  }
0xb2: {  	s29 =	simm.s32 $0x9;
	_ =	strace $0x80000054  }
0xb3: {  	_ =	swait.ge [sflag:s29], $0x1  }
0xb4: {  	[sflag:s29] =	ssyncadd.s32 $0xFFFFFFFF  }
0xb5: {  	_ =	strace $0x90000054  }
0xb6: {  	_ =	sfence  }
0xb7: {  	s30 =	sld [smem:$0x0];
	_ =	sdelay $0x2  }
0xb8: {  	s31 =	sshll.u32 s1, $0xD;
	s1 =	sshrl.u32 s1, $0x2  }
0xb9: {  	s3 =	sand.u32 $0x4000, s31;
	s1 =	sadd.s32 s1, s30  }
0xba: {  	s0 =	sor.u32 s3, s0;
	s1 =	sshll.u32 s1, $0x11  }
0xbb: {  	s0 =	sor.u32 s1, s0  }
0xbc: {  	s0 =	sadd.s32 $0x8F2B, s0  }
0xbd: {  	[sflag:s0] =	ssyncadd.remote.s32 $0x1  }
0xbe: {  	_ =	sfence.sel $0xFFFF  }
0xbf: {  	[dreg:$0x0] =	wrdreg $0xFFFFFFFF;
	(pc) =	sbr.abs _section_cstart, $3  }
0xc0: {  	[dreg:$0x1] =	wrdreg $0xFFFFFFFF  }
0xc1: {  	_ =	task.clear_ibuf [dreg:s6], $0x2FFFF;
	_ =	strace $0x9FFFFFFF  }
0xc2: {  	(tm) =	ssettm $0x7FFFFFFF  }
0xc3: {  	_ =	shalt  }
tec
execute0_lowered:
.L_overlay_start_1:
0x0: {  	(tag) =	ssettag $0x1  }
0x1: {  	s3 =	rddreg [dreg:$0x0]  }
0x2: {  	s1 =	rddreg [dreg:$0x1];
	s2 =	simm.s32 $0x0  }
0x3: {  	s0 =	srdreg.scid;
	s28 =	stileid.u32;
	s29 =	simm.s32 $0x13980  }
0x4: {  	s30 =	simm.s32 $0x3;
	s31 =	simm.s32 $0x13880;
	[smem:$0x7FF] =	sst s2  }
0x5: {  	s4 =	sand.u32 $0x1, s0;
	s5 =	sadd.s32 $0x18400, s3;
	s7 =	sshll.u32 s28, $0x1  }
0x6: {  	s8 =	smul.u32 $0x270, s28;
	s9 =	sadd.s32 $0x4FA400, s3;
	p0 =	sne.s32 s28, $0xF  }
0x7: {  	p1 =	sgt.u32 s28, $0x1;
	s0 =	ssub.s32 $0x2, s4;
	s14 =	smul.u32 $0x2710, s4  }
0x8: {  	s6 =	sshrl.u32 s0, $0x1;
	s10 =	sadd.s32 $0x80, s8;
	s16 =	sadd.s32 $0x100, s8  }
0x9: {  	s17 =	sadd.s32 $0x180, s8;
	s18 =	sadd.s32 $0x200, s8;
	s0 =	ssub.s32 s0, s6  }
0xa: {  	s6 =	sor.u32 s4, s7;
	s7 =	smul.u32 $0x4E000, s28;
	s8 =	sadd.s32 s8, s14  }
0xb: {  	s25 =	sadd.s32 s14, s10;
	s15 =	sadd.s32 s14, s16;
	s19 =	sadd.s32 s14, s17  }
0xc: {  	s22 =	sadd.s32 s14, s18;
	s16 =	sshll.u32 s16, $0x7;
	s11 =	sshll.u32 s6, $0x7  }
0xd: {  	s12 =	sshll.u32 s6, $0xB;
	s8 =	sshll.u32 s8, $0x4;
	s21 =	sshll.u32 s19, $0x4  }
0xe: {  	s23 =	sshll.u32 s22, $0x4;
	s16 =	sadd.s32 s16, s1;
	s19 =	sshll.u32 s17, $0x7  }
0xf: {  	s22 =	sshll.u32 s6, $0x4;
	s6 =	simm.s32 $0x2;
	s20 =	sor.u32 $0x1000, s11  }
0x10: {  	s12 =	sadd.s32 s5, s12;
	s11 =	sor.u32 $0x4E000, s11;
	s8 =	sadd.s32 s9, s8  }
0x11: {  	s14 =	sshrl.u32 s7, $0x2;
	s17 =	sadd.s32 s19, s1;
	s7 =	simm.s32 $0x0  }
0x12: {  	s13 =	sshll.u32 s20, $0x4;
	[dreg:$0x3] =	wrdreg s12;
	s26 =	sshll.u32 s11, $0x4  }
0x13: {  	s12 =	sshll.u32 s25, $0x4;
	[dreg:$0x5] =	wrdreg s8;
	s8 =	sshll.u32 s15, $0x4  }
0x14: {  	s15 =	smul.u32 $0x138800, s4;
	s25 =	sshll.u32 s28, $0xC;
	s14 =	sadd.s32 s14, s1  }
0x15: {  	s24 =	sadd.s32 s5, s13;
	s12 =	sadd.s32 s9, s12;
	s8 =	sadd.s32 s9, s8  }
0x16: {  	s26 =	sadd.s32 s5, s26;
	s5 =	sadd.s32 s25, s5;
	[dreg:$0x4] =	wrdreg s24  }
0x17: {  	s13 =	sshll.u32 s28, $0x8;
	s28 =	sadd.s32 $0x138000, s1;
	[dreg:$0x6] =	wrdreg s12  }
0x18: {  	[dreg:$0x7] =	wrdreg s8;
	s8 =	sadd.s32 s9, s21;
	s24 =	sshrl.u32 s15, $0x3  }
0x19: {  	[dreg:$0xa] =	wrdreg s26;
	s12 =	sshll.u32 s4, $0xB;
	s4 =	sshll.u32 s4, $0x7  }
0x1a: {  	s15 =	sshll.u32 s10, $0x7;
	s21 =	sshll.u32 s18, $0x7;
	[dreg:$0x8] =	wrdreg s8  }
0x1b: {  	s8 =	sadd.s32 s9, s23;
	s5 =	sadd.s32 s12, s5;
	s4 =	sor.u32 s4, s13  }
0x1c: {  	s12 =	sadd.s32 $0xE600, s3;
	s3 =	sadd.s32 $0x4800, s3;
	s15 =	sadd.s32 s15, s1  }
0x1d: {  	s18 =	sadd.s32 s21, s1;
	s23 =	sshrl.u32 s20, $0x3;
	[dreg:$0x9] =	wrdreg s8  }
0x1e: {  	s8 =	sadd.s32 s9, s24;
	s19 =	sadd.s32 s12, s22;
	s24 =	sshrl.u32 s11, $0x3  }
0x1f: {  	s20 =	sadd.s32 s12, s23;
	s25 =	sor.u32 $0x3000, s4;
	s23 =	smax.u32 s0, $0x1  }
0x20: {  	s0 =	simm.s32 $0x13900;
	_ =	strace $0x80000053;
	[dreg:$0xb] =	wrdreg s3  }
0x21: {  	s21 =	sadd.s32 s12, s24;
	s22 =	sadd.s32 $0x27000, s8;
	s26 =	sshrl.u32 s25, $0x3  }
0x22: {  	s24 =	sadd.s32 $0x20000, s5;
	s25 =	sor.u32 $0x2000, s4;
	s3 =	simm.s32 $0x17980  }
0x23: {  	s4 =	simm.s32 $0x1;
	s5 =	simm.s32 $0x80;
	s26 =	sadd.s32 s26, s12  }
.LBB2_1:
0x24: {  	s8 =	rddreg [dreg:$0xb]  }
0x25: {  	[tilespmem:s29], [sflag:$0x3] =	stream.linear.gather [hbm4b:s8+s2], $0x4000, $0x38;
	[tilespmem:$0x1B980] =	vst v63  }
0x26: {  	_ =	swait.ge [sflag:s30], $0x4000  }
0x27: {  	[sflag:s30] =	ssyncset.done $0x0  }
0x28: {  	[sflag:s30] =	ssyncadd.s32 $0xFFFFC000  }
0x29: {  	[spmem:s14] =	stream.linear.scatter [tilespmem:s29], [sflag:$0x3], $0x4000, $0x38;
	[tilespmem:$0x1B980] =	vst v63  }
0x2a: {  	_ =	swait.ge [sflag:s30], $0x4000  }
0x2b: {  	[sflag:s30] =	ssyncset.done $0x0  }
0x2c: {  	[sflag:s30] =	ssyncadd.s32 $0xFFFFC000  }
0x2d: {  	[spmem:s15] =	stream.linear.scatter [tilespmem:s29], [sflag:$0x3], $0x4000, $0x38;
	[tilespmem:$0x1B980] =	vst v63  }
0x2e: {  	_ =	swait.ge [sflag:s30], $0x4000  }
0x2f: {  	[sflag:s30] =	ssyncset.done $0x0  }
0x30: {  	[sflag:s30] =	ssyncadd.s32 $0xFFFFC000  }
0x31: {  	[spmem:s16] =	stream.linear.scatter [tilespmem:s29], [sflag:$0x3], $0x4000, $0x38;
	[tilespmem:$0x1B980] =	vst v63  }
0x32: {  	_ =	swait.ge [sflag:s30], $0x4000  }
0x33: {  	[sflag:s30] =	ssyncset.done $0x0  }
0x34: {  	[sflag:s30] =	ssyncadd.s32 $0xFFFFC000  }
0x35: {  	[spmem:s17] =	stream.linear.scatter [tilespmem:s29], [sflag:$0x3], $0x4000, $0x38;
	[tilespmem:$0x1B980] =	vst v63  }
0x36: {  	_ =	swait.ge [sflag:s30], $0x4000  }
0x37: {  	[sflag:s30] =	ssyncset.done $0x0  }
0x38: {  	[sflag:s30] =	ssyncadd.s32 $0xFFFFC000  }
0x39: {  	[spmem:s18] =	stream.linear.scatter [tilespmem:s29], [sflag:$0x3], $0x3800, $0x38;
	[tilespmem:$0x1B980] =	vst v63  }
0x3a: {  	_ =	swait.ge [sflag:s30], $0x3800  }
0x3b: {  	[sflag:s30] =	ssyncset.done $0x0  }
0x3c: {  	s8 =	simm.s32 @!p0 $0x13980;
	[sflag:s30] =	ssyncadd.s32 $0xFFFFC800  }
0x3d: {  	[spmem:s28] =	stream.linear.scatter @!p0 [tilespmem:s8], [sflag:$0x3], $0x800, $0x38;
	[tilespmem:$0x1B980] =	vst v63  }
0x3e: {  	s8 =	simm.s32 @!p0 $0x3  }
0x3f: {  	_ =	swait.ge @!p0 [sflag:s8], $0x800  }
0x40: {  	[sflag:s8] =	ssyncset.done @!p0 $0x0  }
0x41: {  	[sflag:s8] =	ssyncadd.s32 @!p0 $0xFFFFF800  }
0x42: {  	[tilespmem:s31], [sflag:$0x1] =	stream.linear.gather [hbm4b:s19+s2], $0x80, $0x38;
	[tilespmem:$0x1B980] =	vst v63  }
0x43: {  	s9 =	rddreg [dreg:$0x3]  }
0x44: {  	[tilespmem:s29], [sflag:$0x1] =	stream.linear.gather [hbm4b:s9+s2], $0x4000, $0x38;
	[tilespmem:$0x1B980] =	vst v63  }
0x45: {  	_ = 	snop  }
0x46: {  	[tilespmem:s0], [sflag:$0x2] =	stream.linear.gather [hbm4b:s20+s2], $0x80, $0x38;
	[tilespmem:$0x1B980] =	vst v63  }
0x47: {  	s10 =	rddreg [dreg:$0x4]  }
0x48: {  	[tilespmem:s3], [sflag:$0x2] =	stream.linear.gather [hbm4b:s10+s2], $0x4000, $0x38;
	[tilespmem:$0x1B980] =	vst v63  }
0x49: {  	[bflag:$0x0] =	sbarrier.arrive $0xFFFF  }
0x4a: {  	_ =	swait.ge [sflag:s4], $0x80  }
0x4b: {  	[sflag:s4] =	ssyncset.done $0x0  }
0x4c: {  	[sflag:s4] =	ssyncadd.s32 $0xFFFFFF80  }
0x4d: {  	_ =	swait.ge [sflag:s4], $0x4000  }
0x4e: {  	[sflag:s4] =	ssyncset.done $0x0  }
0x4f: {  	[sflag:s4] =	ssyncadd.s32 $0xFFFFC000  }
0x50: {  	[spmem:s1] =	stream.indirect.scatter.add.f32 [tilespmem:s29], [sflag:$0x3], $0x80, s31, s5, $0xb8;
	[tilespmem:$0x1B980] =	vst v63  }
0x51: {  	_ =	swait.ge [sflag:s30], $0x4000  }
0x52: {  	s11 =	sshrl.u32 s25, $0x3;
	[sflag:s30] =	ssyncset.done $0x0  }
0x53: {  	s8 =	sadd.s32 s12, s11;
	[sflag:s30] =	ssyncadd.s32 $0xFFFFC000  }
0x54: {  	[tilespmem:s31], [sflag:$0x1] =	stream.linear.gather [hbm4b:s8+s2], $0x80, $0x38;
	[tilespmem:$0x1B980] =	vst v63  }
0x55: {  	_ = 	snop  }
0x56: {  	[tilespmem:s29], [sflag:$0x1] =	stream.linear.gather [hbm4b:s24+s2], $0x4000, $0x38;
	[tilespmem:$0x1B980] =	vst v63  }
0x57: {  	_ =	swait.ge [sflag:s6], $0x80  }
0x58: {  	[sflag:s6] =	ssyncset.done $0x0  }
0x59: {  	[sflag:s6] =	ssyncadd.s32 $0xFFFFFF80  }
0x5a: {  	_ =	swait.ge [sflag:s6], $0x4000  }
0x5b: {  	[sflag:s6] =	ssyncset.done $0x0  }
0x5c: {  	[sflag:s6] =	ssyncadd.s32 $0xFFFFC000  }
0x5d: {  	[spmem:s1] =	stream.indirect.scatter.add.f32 [tilespmem:s3], [sflag:$0x3], $0x80, s0, s5, $0xb8;
	[tilespmem:$0x1B980] =	vst v63  }
0x5e: {  	s13 =	sadd.s32 $0x0, s26;
	_ =	swait.ge [sflag:s30], $0x4000  }
0x5f: {  	s11 =	sadd.s32 $0x10000, s24;
	s9 =	sadd.s32 $0x20000, s24;
	[sflag:s30] =	ssyncset.done $0x0  }
0x60: {  	s10 =	sadd.s32 $0x2000, s25;
	s8 =	simm.s32 $0x400;
	[sflag:s30] =	ssyncadd.s32 $0xFFFFC000  }
0x61: {  	[tilespmem:s0], [sflag:$0x2] =	stream.linear.gather [hbm4b:s13+s2], $0x80, $0x38;
	[tilespmem:$0x1B980] =	vst v63  }
.LBB2_2:
0x62: {  	[tilespmem:s3], [sflag:$0x2] =	stream.linear.gather [hbm4b:s11+s2], $0x4000, $0x38;
	[tilespmem:$0x1B980] =	vst v63  }
0x63: {  	s11 =	smov.u32 s8  }
0x64: {  	p2 =	sne.s32 s8, $0x9400;
	s8 =	sadd.s32 $0x400, s8;
	_ =	swait.ge [sflag:s4], $0x80  }
0x65: {  	[sflag:s4] =	ssyncset.done $0x0  }
0x66: {  	[sflag:s4] =	ssyncadd.s32 $0xFFFFFF80  }
0x67: {  	_ =	swait.ge [sflag:s4], $0x4000  }
0x68: {  	[sflag:s4] =	ssyncset.done $0x0  }
0x69: {  	[sflag:s4] =	ssyncadd.s32 $0xFFFFC000  }
0x6a: {  	[spmem:s1] =	stream.indirect.scatter.add.f32 [tilespmem:s29], [sflag:$0x3], $0x80, s31, s5, $0xb8;
	[tilespmem:$0x1B980] =	vst v63  }
0x6b: {  	_ =	swait.ge [sflag:s30], $0x4000  }
0x6c: {  	s13 =	sshrl.u32 s10, $0x3;
	[sflag:s30] =	ssyncset.done $0x0  }
0x6d: {  	s13 =	sadd.s32 s12, s13;
	[sflag:s30] =	ssyncadd.s32 $0xFFFFC000  }
0x6e: {  	[tilespmem:s31], [sflag:$0x1] =	stream.linear.gather [hbm4b:s13+s2], $0x80, $0x38;
	[tilespmem:$0x1B980] =	vst v63  }
0x6f: {  	_ = 	snop  }
0x70: {  	[tilespmem:s29], [sflag:$0x1] =	stream.linear.gather [hbm4b:s9+s2], $0x4000, $0x38;
	[tilespmem:$0x1B980] =	vst v63  }
0x71: {  	_ =	swait.ge [sflag:s6], $0x80  }
0x72: {  	[sflag:s6] =	ssyncset.done $0x0  }
0x73: {  	[sflag:s6] =	ssyncadd.s32 $0xFFFFFF80  }
0x74: {  	_ =	swait.ge [sflag:s6], $0x4000  }
0x75: {  	[sflag:s6] =	ssyncset.done $0x0  }
0x76: {  	[sflag:s6] =	ssyncadd.s32 $0xFFFFC000  }
0x77: {  	[spmem:s1] =	stream.indirect.scatter.add.f32 [tilespmem:s3], [sflag:$0x3], $0x80, s0, s5, $0xb8;
	[tilespmem:$0x1B980] =	vst v63  }
.Ltmp0:
0x78: {  	_ =	swait.ge [sflag:s30], $0x4000;
	(pc) =	sbr.rel @p2 .LBB2_2-.Ltmp0, $4  }
0x79: {  	[sflag:s30] =	ssyncset.done $0x0  }
0x7a: {  	s11 =	sadd.s32 s11, s26;
	[sflag:s30] =	ssyncadd.s32 $0xFFFFC000  }
0x7b: {  	[tilespmem:s0], [sflag:$0x2] =	stream.linear.gather [hbm4b:s11+s2], $0x80, $0x38;
	[tilespmem:$0x1B980] =	vst v63  }
0x7c: {  	s10 =	sadd.s32 $0x2000, s10;
	s11 =	sadd.s32 $0x10000, s9;
	s9 =	sadd.s32 $0x20000, s9  }
0x7d: {  	[tilespmem:s3], [sflag:$0x2] =	stream.linear.gather [hbm4b:s11+s2], $0x4000, $0x38;
	[tilespmem:$0x1B980] =	vst v63  }
0x7e: {  	_ =	swait.ge [sflag:s4], $0x80  }
0x7f: {  	[sflag:s4] =	ssyncset.done $0x0  }
0x80: {  	[sflag:s4] =	ssyncadd.s32 $0xFFFFFF80  }
0x81: {  	_ =	swait.ge [sflag:s4], $0x4000  }
0x82: {  	[sflag:s4] =	ssyncset.done $0x0  }
0x83: {  	[sflag:s4] =	ssyncadd.s32 $0xFFFFC000  }
0x84: {  	[spmem:s1] =	stream.indirect.scatter.add.f32 [tilespmem:s29], [sflag:$0x3], $0x80, s31, s5, $0xb8;
	[tilespmem:$0x1B980] =	vst v63  }
0x85: {  	_ =	swait.ge [sflag:s30], $0x4000  }
0x86: {  	[sflag:s30] =	ssyncset.done $0x0  }
0x87: {  	[sflag:s30] =	ssyncadd.s32 $0xFFFFC000  }
0x88: {  	_ =	swait.ge [sflag:s6], $0x80  }
0x89: {  	[sflag:s6] =	ssyncset.done $0x0  }
0x8a: {  	[sflag:s6] =	ssyncadd.s32 $0xFFFFFF80  }
0x8b: {  	_ =	swait.ge [sflag:s6], $0x4000  }
0x8c: {  	[sflag:s6] =	ssyncset.done $0x0  }
0x8d: {  	[sflag:s6] =	ssyncadd.s32 $0xFFFFC000  }
0x8e: {  	[spmem:s1] =	stream.indirect.scatter.add.f32 [tilespmem:s3], [sflag:$0x3], $0x80, s0, s5, $0xb8;
	[tilespmem:$0x1B980] =	vst v63  }
0x8f: {  	_ =	swait.ge [sflag:s30], $0x4000  }
0x90: {  	s8 =	simm.s32 @!p1 $0x0;
	[sflag:s30] =	ssyncset.done $0x0  }
0x91: {  	s9 =	simm.s32 @!p1 $0x13880;
	s10 =	simm.s32 @!p1 $0x3;
	[sflag:s30] =	ssyncadd.s32 $0xFFFFC000  }
0x92: {  	[tilespmem:s9], [sflag:$0x3] =	stream.linear.gather @!p1 [hbm4b:s21+s8], $0x80, $0x38;
	[tilespmem:$0x1B980] =	vst v63  }
0x93: {  	_ =	swait.ge @!p1 [sflag:s10], $0x80  }
0x94: {  	[sflag:s10] =	ssyncset.done @!p1 $0x0  }
0x95: {  	s11 =	simm.s32 @!p1 $0x13980;
	s13 =	rddreg [dreg:$0xa];
	[sflag:s10] =	ssyncadd.s32 @!p1 $0xFFFFFF80  }
0x96: {  	[tilespmem:s11], [sflag:$0x3] =	stream.linear.gather @!p1 [hbm4b:s13+s8], $0x4000, $0x38;
	[tilespmem:$0x1B980] =	vst v63  }
0x97: {  	_ =	swait.ge @!p1 [sflag:s10], $0x4000  }
0x98: {  	[sflag:s10] =	ssyncset.done @!p1 $0x0  }
0x99: {  	s8 =	simm.s32 @!p1 $0x80;
	[sflag:s10] =	ssyncadd.s32 @!p1 $0xFFFFC000  }
0x9a: {  	[spmem:s1] =	stream.indirect.scatter.add.f32 @!p1 [tilespmem:s11], [sflag:$0x3], $0x80, s9, s8, $0xb8;
	[tilespmem:$0x1B980] =	vst v63  }
0x9b: {  	_ =	swait.ge @!p1 [sflag:s10], $0x4000  }
0x9c: {  	[sflag:s10] =	ssyncset.done @!p1 $0x0  }
0x9d: {  	[sflag:s10] =	ssyncadd.s32 @!p1 $0xFFFFC000  }
0x9e: {  	[bflag:$0x0] =	sbarrier.arrive $0xFFFF  }
0x9f: {  	[tilespmem:s29], [sflag:$0x3] =	stream.linear.gather [spmem:s14], $0x4000, $0x38;
	[tilespmem:$0x1B980] =	vst v63  }
0xa0: {  	_ =	swait.ge [sflag:s30], $0x4000  }
0xa1: {  	[sflag:s30] =	ssyncset.done $0x0  }
0xa2: {  	s13 =	rddreg [dreg:$0x5];
	[sflag:s30] =	ssyncadd.s32 $0xFFFFC000  }
0xa3: {  	[hbm4b:s13+s2] =	stream.linear.scatter [tilespmem:s29], [sflag:$0x3], $0x4000, $0x38;
	[tilespmem:$0x1B980] =	vst v63  }
0xa4: {  	_ =	swait.ge [sflag:s30], $0x4000  }
0xa5: {  	[sflag:s30] =	ssyncset.done $0x0  }
0xa6: {  	[sflag:s30] =	ssyncadd.s32 $0xFFFFC000  }
0xa7: {  	[tilespmem:s29], [sflag:$0x3] =	stream.linear.gather [spmem:s15], $0x4000, $0x38;
	[tilespmem:$0x1B980] =	vst v63  }
0xa8: {  	_ =	swait.ge [sflag:s30], $0x4000  }
0xa9: {  	[sflag:s30] =	ssyncset.done $0x0  }
0xaa: {  	s9 =	rddreg [dreg:$0x6];
	[sflag:s30] =	ssyncadd.s32 $0xFFFFC000  }
0xab: {  	[hbm4b:s9+s2] =	stream.linear.scatter [tilespmem:s29], [sflag:$0x3], $0x4000, $0x38;
	[tilespmem:$0x1B980] =	vst v63  }
0xac: {  	_ =	swait.ge [sflag:s30], $0x4000  }
0xad: {  	[sflag:s30] =	ssyncset.done $0x0  }
0xae: {  	[sflag:s30] =	ssyncadd.s32 $0xFFFFC000  }
0xaf: {  	[tilespmem:s29], [sflag:$0x3] =	stream.linear.gather [spmem:s16], $0x4000, $0x38;
	[tilespmem:$0x1B980] =	vst v63  }
0xb0: {  	_ =	swait.ge [sflag:s30], $0x4000  }
0xb1: {  	[sflag:s30] =	ssyncset.done $0x0  }
0xb2: {  	s10 =	rddreg [dreg:$0x7];
	[sflag:s30] =	ssyncadd.s32 $0xFFFFC000  }
0xb3: {  	[hbm4b:s10+s2] =	stream.linear.scatter [tilespmem:s29], [sflag:$0x3], $0x4000, $0x38;
	[tilespmem:$0x1B980] =	vst v63  }
0xb4: {  	_ =	swait.ge [sflag:s30], $0x4000  }
0xb5: {  	[sflag:s30] =	ssyncset.done $0x0  }
0xb6: {  	[sflag:s30] =	ssyncadd.s32 $0xFFFFC000  }
0xb7: {  	[tilespmem:s29], [sflag:$0x3] =	stream.linear.gather [spmem:s17], $0x4000, $0x38;
	[tilespmem:$0x1B980] =	vst v63  }
0xb8: {  	_ =	swait.ge [sflag:s30], $0x4000  }
0xb9: {  	[sflag:s30] =	ssyncset.done $0x0  }
0xba: {  	s11 =	rddreg [dreg:$0x8];
	[sflag:s30] =	ssyncadd.s32 $0xFFFFC000  }
0xbb: {  	[hbm4b:s11+s2] =	stream.linear.scatter [tilespmem:s29], [sflag:$0x3], $0x4000, $0x38;
	[tilespmem:$0x1B980] =	vst v63  }
0xbc: {  	_ =	swait.ge [sflag:s30], $0x4000  }
0xbd: {  	[sflag:s30] =	ssyncset.done $0x0  }
0xbe: {  	[sflag:s30] =	ssyncadd.s32 $0xFFFFC000  }
0xbf: {  	[tilespmem:s29], [sflag:$0x3] =	stream.linear.gather [spmem:s18], $0x3800, $0x38;
	[tilespmem:$0x1B980] =	vst v63  }
0xc0: {  	_ =	swait.ge [sflag:s30], $0x3800  }
0xc1: {  	[sflag:s30] =	ssyncset.done $0x0  }
0xc2: {  	s13 =	rddreg [dreg:$0x9];
	[sflag:s30] =	ssyncadd.s32 $0xFFFFC800  }
0xc3: {  	[hbm4b:s13+s2] =	stream.linear.scatter [tilespmem:s29], [sflag:$0x3], $0x3800, $0x38;
	[tilespmem:$0x1B980] =	vst v63  }
0xc4: {  	_ =	swait.ge [sflag:s30], $0x3800  }
0xc5: {  	[sflag:s30] =	ssyncset.done $0x0  }
0xc6: {  	s8 =	simm.s32 @!p0 $0x13980;
	s9 =	simm.s32 @!p0 $0x3;
	[sflag:s30] =	ssyncadd.s32 $0xFFFFC800  }
0xc7: {  	[tilespmem:s8], [sflag:$0x3] =	stream.linear.gather @!p0 [spmem:s28], $0x800, $0x38;
	[tilespmem:$0x1B980] =	vst v63  }
0xc8: {  	s7 =	sadd.s32 $0x1, s7;
	_ =	swait.ge @!p0 [sflag:s9], $0x800  }
0xc9: {  	p2 =	sne.s32 s7, s23;
	[sflag:s9] =	ssyncset.done @!p0 $0x0  }
.Ltmp1:
0xca: {  	s10 =	simm.s32 @!p0 $0x0;
	[sflag:s9] =	ssyncadd.s32 @!p0 $0xFFFFF800;
	(pc) =	sbr.rel @p2 .LBB2_1-.Ltmp1, $4  }
0xcb: {  	[hbm4b:s22+s10] =	stream.linear.scatter @!p0 [tilespmem:s8], [sflag:$0x3], $0x800, $0x38;
	[tilespmem:$0x1B980] =	vst v63  }
0xcc: {  	_ =	swait.ge @!p0 [sflag:s9], $0x800  }
0xcd: {  	[sflag:s9] =	ssyncset.done @!p0 $0x0  }
0xce: {  	[sflag:s9] =	ssyncadd.s32 @!p0 $0xFFFFF800  }
0xcf: {  	_ =	sfence.sel $0x180000  }
0xd0: {  	[bflag:$0x0] =	sbarrier.arrive $0xFFFF  }
0xd1: {  	_ =	strace $0x90000053  }
0xd2: {  	s0 =	stileid.u32;
	[bflag:$0x2] =	sbarrier.arrive $0xFFFF  }
0xd3: {  	p0 =	sne.s32 s0, $0x0;
	s0 =	rddreg [dreg:$0x2]  }
0xd4: {  	s0 =	sadd.s32 @!p0 $0x100000, s0  }
0xd5: {  	[sflag:s0] =	ssyncadd.tile.s32 @!p0 $0x1;
	_ =	shalt  }
.Lfunc_end2:
_tile_overlayer_lowered:
.L_overlay_start_2:
0xd6: {  	(tag) =	ssettag $0x2  }
0xd7: {  	s0 =	rddreg [dreg:$0x0];
	s2 =	stileid.u32  }
0xd8: {  	s1 =	rddreg [dreg:$0x1];
	p0 =	sne.s32 s2, $0x0  }
0xd9: {  	s3 =	rddreg [dreg:$0x2];
	[bflag:$0x3] =	sbarrier.arrive $0xFFFF;
	s2 =	simm.s32 @!p0 $0x1C03  }
0xda: {  	[timem:s3], [sflag:s2] =	dma.local @!p0 [hbm:s0], s1  }
0xdb: {  	s0 =	simm.s32 @!p0 $0x3  }
0xdc: {  	_ =	swait.ge @!p0 [sflag:s0], s1  }
0xdd: {  	s1 =	ssub.s32 @!p0 $0x0, s1;
	[sflag:s0] =	ssyncset.done @!p0 $0x0  }
0xde: {  	[sflag:s0] =	ssyncadd.s32 @!p0 s1  }
0xdf: {  	[bflag:$0x3] =	sbarrier.arrive $0xFFFF  }
0xe0: {  	_ =	shalt  }

</sc_bundles>
